<compile_context>
chip_gen: v7x
topology: tpu7x:2x2x1
jax: 0.10.2.dev20260603
libtpu: 0.0.44.dev20260713+nightly
codegen_flags: <defaults>
</compile_context>

<pallas_src>
import math
from functools import partial

import jax
import jax.numpy as jnp
import numpy as np
from jax.experimental import pallas as pl
from jax.experimental.pallas import tpu as pltpu

B = 8
N0 = 2048
INIT_DIM = 64
K = 24
ALPHA = 1000.0
BETA = 100.0
STAGE_DIMS = [128, 256, 512, 1024]


def _spe_maps(out_dim):
    in_dim = 3
    feat_dim = math.ceil(out_dim / (in_dim * 2))
    feat_num = feat_dim * 2 * in_dim
    out_idx = np.linspace(0, feat_num - 1, out_dim).astype(np.int32)
    dim_embed = np.power(np.float32(ALPHA),
                         np.arange(feat_dim, dtype=np.float32) / feat_dim)
    coord = out_idx // (2 * feat_dim)
    rem = out_idx % (2 * feat_dim)
    freq = rem // 2
    issin = (rem % 2 == 0)
    m0 = (coord == 0).astype(np.float32)
    m1 = (coord == 1).astype(np.float32)
    m2 = (coord == 2).astype(np.float32)
    de = dim_embed[freq].astype(np.float32)
    return (m0.reshape(1, out_dim), m1.reshape(1, out_dim),
            m2.reshape(1, out_dim), de.reshape(1, out_dim),
            issin.astype(np.float32).reshape(1, out_dim))


def _fps_body(xt_ref, cent_ref, *, npoint, n):
    X = xt_ref[0]
    Y = xt_ref[1]
    Z = xt_ref[2]
    lane = jax.lax.broadcasted_iota(jnp.int32, (B, n), 1)
    col = jax.lax.broadcasted_iota(jnp.int32, (B, npoint), 1)

    def body(i, carry):
        dist, far, cent = carry
        cent = cent + (col == i).astype(jnp.int32) * far
        mask = lane == far
        cx = jnp.sum(jnp.where(mask, X, 0.0), axis=1, keepdims=True)
        cy = jnp.sum(jnp.where(mask, Y, 0.0), axis=1, keepdims=True)
        cz = jnp.sum(jnp.where(mask, Z, 0.0), axis=1, keepdims=True)
        dx = X - cx
        dy = Y - cy
        dz = Z - cz
        d = dx * dx + dy * dy + dz * dz
        dist = jnp.minimum(dist, d)
        m = jnp.max(dist, axis=1, keepdims=True)
        far2 = jnp.min(jnp.where(dist == m, lane, n), axis=1, keepdims=True)
        return dist, far2.astype(jnp.int32), cent

    cent_ref[:, :] = jnp.zeros((B, npoint), jnp.int32)
    cent0 = cent_ref[:, :]
    dist0 = jnp.minimum(X * X * 0.0 + 1e10, 1e10)
    far0 = jnp.zeros((B, 1), jnp.int32)
    _, _, cent = jax.lax.fori_loop(0, npoint, body, (dist0, far0, cent0))
    cent_ref[:, :] = cent


def _fps(xyz, npoint):
    n = xyz.shape[1]
    xt = jnp.transpose(xyz, (2, 0, 1))
    return pl.pallas_call(
        partial(_fps_body, npoint=npoint, n=n),
        out_shape=jax.ShapeDtypeStruct((B, npoint), jnp.int32),
    )(xt)


_TSK = 128


def _knn_body(xt_ref, q_ref, out_ref, d_scr, *, n):
    xt = xt_ref[0]
    xr = xt[0:1, :]
    yr = xt[1:2, :]
    zr = xt[2:3, :]
    q = q_ref[0]
    qx = q[:, 0:1]
    qy = q[:, 1:2]
    qz = q[:, 2:3]
    xsq = xr * xr + yr * yr + zr * zr
    qsq = qx * qx + qy * qy + qz * qz
    dot = jax.lax.dot_general(q, xt, (((1,), (0,)), ((), ())),
                              preferred_element_type=jnp.float32)
    d_scr[:, :] = (qsq - 2.0 * dot) + xsq
    lane = jax.lax.broadcasted_iota(jnp.int32, (8, n), 1)
    kcol = jax.lax.broadcasted_iota(jnp.int32, (8, K), 1)
    inf = jnp.float32(np.inf)

    def inner(k, carry):
        d, acc = carry
        m = jnp.min(d, axis=1, keepdims=True)
        idx = jnp.min(jnp.where(d == m, lane, n), axis=1, keepdims=True)
        acc = acc + (kcol == k).astype(jnp.int32) * idx.astype(jnp.int32)
        return jnp.where(lane == idx, inf, d), acc

    def outer(r, _):
        d = d_scr[pl.ds(r * 8, 8), :]
        acc0 = kcol * 0
        _, acc = jax.lax.fori_loop(0, K, inner, (d, acc0))
        out_ref[0, pl.ds(r * 8, 8), :] = acc
        return 0

    jax.lax.fori_loop(0, _TSK // 8, outer, 0)


def _knn(xyz, new_xyz):
    n = xyz.shape[1]
    s = new_xyz.shape[1]
    ts = min(_TSK, s)
    xt = jnp.transpose(xyz, (0, 2, 1))
    return pl.pallas_call(
        partial(_knn_body, n=n),
        grid=(B, s // ts),
        in_specs=[
            pl.BlockSpec((1, 3, n), lambda b, i: (b, 0, 0)),
            pl.BlockSpec((1, ts, 3), lambda b, i: (b, i, 0)),
        ],
        out_specs=pl.BlockSpec((1, ts, K), lambda b, i: (b, i, 0)),
        out_shape=jax.ShapeDtypeStruct((B, s, K), jnp.int32),
        scratch_shapes=[pltpu.VMEM((ts, n), jnp.float32)],
    )(xt, new_xyz)


_TSG = 32


def _gather_body(idx_ref, aug_ref, fk_ref, xk_ref, *, c):
    def srow(s, _):
        for k in range(K):
            i = idx_ref[0, s, k]
            row = aug_ref[0, pl.ds(i, 1), :]
            fk_ref[0, s, k:k + 1, :] = row[:, :c]
            xk_ref[0, s, k:k + 1, :] = row[:, c:c + 3]
        return 0

    jax.lax.fori_loop(0, _TSG, srow, 0)


def _gather_knn(feat, xyz, idx):
    c = feat.shape[-1]
    n = feat.shape[1]
    s = idx.shape[1]
    aug = jnp.concatenate([feat, xyz], axis=-1)
    return pl.pallas_call(
        partial(_gather_body, c=c),
        grid=(B, s // _TSG),
        in_specs=[
            pl.BlockSpec((1, _TSG, K), lambda b, i: (b, i, 0),
                         memory_space=pltpu.SMEM),
            pl.BlockSpec((1, n, c + 3), lambda b, i: (b, 0, 0)),
        ],
        out_specs=[
            pl.BlockSpec((1, _TSG, K, c), lambda b, i: (b, i, 0, 0)),
            pl.BlockSpec((1, _TSG, K, 3), lambda b, i: (b, i, 0, 0)),
        ],
        out_shape=[
            jax.ShapeDtypeStruct((B, s, K, c), jnp.float32),
            jax.ShapeDtypeStruct((B, s, K, 3), jnp.float32),
        ],
    )(idx, aug)


_TSF = 32


def _fuse_body(fk_ref, xk_ref, fs_ref, xs_ref, den_ref, m0_ref, m1_ref,
               m2_ref, de_ref, issin_ref, out_ref, *, c):
    c2 = 2 * c
    fk = fk_ref[0]
    xk = xk_ref[0]
    fs = fs_ref[0]
    xs = xs_ref[0]
    xden = den_ref[0:1, 0:1]
    fden = den_ref[0:1, 1:2]
    xkn = (xk - xs[:, None, :]) / xden[None]
    fkn = (fk - fs[:, None, :]) / fden[None]
    m0 = m0_ref[:, :].reshape(1, 1, c2)
    m1 = m1_ref[:, :].reshape(1, 1, c2)
    m2 = m2_ref[:, :].reshape(1, 1, c2)
    de = de_ref[:, :].reshape(1, 1, c2)
    issin = issin_ref[:, :].reshape(1, 1, c2) != 0.0
    xsel = xkn[:, :, 0:1] * m0 + xkn[:, :, 1:2] * m1 + xkn[:, :, 2:3] * m2
    div = (BETA * xsel) / de
    pe = jnp.where(issin, jnp.sin(div), jnp.cos(div))
    pe1 = pe[:, :, :c]
    pe2 = pe[:, :, c:]
    w1 = (fkn + pe1) * pe1
    w2 = (fs[:, None, :] + pe2) * pe2
    agg1 = jnp.max(w1, axis=1) + jnp.mean(w1, axis=1)
    agg2 = jnp.max(w2, axis=1) + jnp.mean(w2, axis=1)
    out_ref[0] = jnp.concatenate([agg1, agg2], axis=-1)


def _fuse(fk, xk, fs, xs, dens, maps, c):
    s = fs.shape[1]
    c2 = 2 * c
    m0, m1, m2, de, issin = (jnp.asarray(a) for a in maps)
    return pl.pallas_call(
        partial(_fuse_body, c=c),
        grid=(B, s // _TSF),
        in_specs=[
            pl.BlockSpec((1, _TSF, K, c), lambda b, i: (b, i, 0, 0)),
            pl.BlockSpec((1, _TSF, K, 3), lambda b, i: (b, i, 0, 0)),
            pl.BlockSpec((1, _TSF, c), lambda b, i: (b, i, 0)),
            pl.BlockSpec((1, _TSF, 3), lambda b, i: (b, i, 0)),
            pl.BlockSpec((1, 2), lambda b, i: (0, 0)),
            pl.BlockSpec((1, c2), lambda b, i: (0, 0)),
            pl.BlockSpec((1, c2), lambda b, i: (0, 0)),
            pl.BlockSpec((1, c2), lambda b, i: (0, 0)),
            pl.BlockSpec((1, c2), lambda b, i: (0, 0)),
            pl.BlockSpec((1, c2), lambda b, i: (0, 0)),
        ],
        out_specs=pl.BlockSpec((1, _TSF, c2), lambda b, i: (b, i, 0)),
        out_shape=jax.ShapeDtypeStruct((B, s, c2), jnp.float32),
    )(fk, xk, fs, xs, dens, m0, m1, m2, de, issin)


def _index_points(points, idx):
    bidx = jnp.arange(B).reshape((B,) + (1,) * (idx.ndim - 1))
    return points[bidx, idx]


def _spe_embed_jnp(xyz, out_dim):
    in_dim = 3
    feat_dim = math.ceil(out_dim / (in_dim * 2))
    feat_num = feat_dim * 2 * in_dim
    out_idx = jnp.asarray(np.linspace(0, feat_num - 1, out_dim).astype(np.int32))
    feat_val = jnp.arange(feat_dim, dtype=jnp.float32)
    dim_embed = jnp.power(jnp.float32(ALPHA), feat_val / feat_dim)
    embeds = []
    for i in range(in_dim):
        tmp = BETA * xyz[..., i:i + 1]
        div = tmp / dim_embed
        e = jnp.stack([jnp.sin(div), jnp.cos(div)], axis=-1)
        e = e.reshape(e.shape[:-2] + (feat_dim * 2,))
        embeds.append(e)
    pe = jnp.concatenate(embeds, axis=-1)
    return jnp.take(pe, out_idx, axis=-1)


def _bn_gelu(x, gamma, beta_p):
    m = jnp.mean(x, axis=(0, 1), keepdims=True)
    v = jnp.var(x, axis=(0, 1), keepdims=True)
    y = gamma * (x - m) / jnp.sqrt(v + 1e-5) + beta_p
    return jax.nn.gelu(y, approximate=False)


def _forward(xyz, bn_params):
    feat = _spe_embed_jnp(xyz, INIT_DIM)
    out_dim = INIT_DIM
    stage_points = N0
    for i in range(4):
        out_dim = out_dim * 2
        stage_points = stage_points // 2
        c = out_dim // 2
        fps_idx = _fps(xyz, stage_points)
        xyz_s = _index_points(xyz, fps_idx)
        feat_s = _index_points(feat, fps_idx)
        idx_knn = _knn(xyz, xyz_s)
        feat_knn, xyz_knn = _gather_knn(feat, xyz, idx_knn)
        xyz_std = jnp.std(xyz_knn - xyz_s[:, :, None, :], ddof=1)
        feat_std = jnp.std(feat_knn - feat_s[:, :, None, :], ddof=1)
        dens = jnp.stack([xyz_std + 1e-5, feat_std + 1e-5]).reshape(1, 2)
        maps = _spe_maps(out_dim)
        agg = _fuse(feat_knn, xyz_knn, feat_s, xyz_s, dens, maps, c)
        feat = _bn_gelu(agg, bn_params[i][0], bn_params[i][1])
        xyz = xyz_s
    return jnp.max(feat, axis=-2) + jnp.mean(feat, axis=-2)


@jax.jit
def kernel(xyz, bn_w0, bn_b0, bn_w1, bn_b1, bn_w2, bn_b2, bn_w3, bn_b3):
    bn_params = [(bn_w0, bn_b0), (bn_w1, bn_b1), (bn_w2, bn_b2),
                 (bn_w3, bn_b3)]
    return _forward(xyz, bn_params)

# --- scband reference (transcript-rebuilt; emitter-appended) ---
"""Pipeline reference for scband-encoder-specls-21397527069092 (READ-ONLY COPY).

The authoritative reference and input builder live on the scoring server;
editing this copy changes nothing except your own understanding.
"""

import jax, jax.numpy as jnp
import numpy as np
import math

BATCH = 8
NUM_POINTS = 2048
INIT_DIM = 64
STAGES = 4
K = 24
ALPHA = 1000.0
BETA = 100.0
STAGE_DIMS = [128, 256, 512, 1024]


def spe_embed(xyz, out_dim, alpha, beta):
    if out_dim == 0:
        return xyz
    in_dim = 3
    feat_dim = math.ceil(out_dim / (in_dim * 2))
    feat_num = feat_dim * 2 * in_dim
    out_idx = jnp.asarray(np.linspace(0, feat_num - 1, out_dim).astype(np.int32))
    feat_val = jnp.arange(feat_dim, dtype=jnp.float32)
    dim_embed = jnp.power(jnp.float32(alpha), feat_val / feat_dim)
    embeds = []
    for i in range(in_dim):
        tmp = beta * xyz[..., i:i + 1]
        div = tmp / dim_embed
        e = jnp.stack([jnp.sin(div), jnp.cos(div)], axis=-1)
        e = e.reshape(e.shape[:-2] + (feat_dim * 2,))
        embeds.append(e)
    pe = jnp.concatenate(embeds, axis=-1)
    return jnp.take(pe, out_idx, axis=-1)


def farthest_point_sample(xyz, npoint):
    B, N, _ = xyz.shape
    def body(i, state):
        centroids, distance, farthest = state
        centroids = centroids.at[:, i].set(farthest)
        centroid = xyz[jnp.arange(B), farthest][:, None, :]
        dist = jnp.sum((xyz - centroid) ** 2, axis=-1)
        distance = jnp.minimum(distance, dist)
        farthest = jnp.argmax(distance, axis=-1).astype(jnp.int32)
        return (centroids, distance, farthest)
    centroids = jnp.zeros((B, npoint), dtype=jnp.int32)
    distance = jnp.full((B, N), 1e10, dtype=jnp.float32)
    farthest = jnp.zeros((B,), dtype=jnp.int32)
    centroids, _, _ = jax.lax.fori_loop(0, npoint, body, (centroids, distance, farthest))
    return centroids


def index_points(points, idx):
    B = points.shape[0]
    batch_idx = jnp.arange(B).reshape((B,) + (1,) * (idx.ndim - 1))
    return points[batch_idx, idx]


def knn_point(k, xyz, new_xyz):
    sq = jnp.sum(new_xyz ** 2, axis=-1, keepdims=True) - 2.0 * jnp.einsum('bsd,bnd->bsn', new_xyz, xyz) + jnp.sum(xyz ** 2, axis=-1)[:, None, :]
    _, idx = jax.lax.top_k(-sq, k)
    return idx


def local_group(xyz, feat, stage_points, k):
    fps_idx = farthest_point_sample(jax.lax.stop_gradient(xyz), stage_points)
    xyz_s = index_points(xyz, fps_idx)
    feat_s = index_points(feat, fps_idx)
    idx_knn = knn_point(k, jax.lax.stop_gradient(xyz), jax.lax.stop_gradient(xyz_s))
    xyz_knn = index_points(xyz, idx_knn)
    feat_knn = index_points(feat, idx_knn)
    xyz_c = xyz_s[:, :, None, :]
    xyz_std = jnp.std(xyz_knn - xyz_c, ddof=1)
    xyz_knn = (xyz_knn - xyz_c) / (xyz_std + 1e-5)
    feat_c = feat_s[:, :, None, :]
    feat_std = jnp.std(feat_knn - feat_c, ddof=1)
    feat_knn = (feat_knn - feat_c) / (feat_std + 1e-5)
    b, s, kk, c = feat_knn.shape
    feat_knn = jnp.concatenate([feat_knn, jnp.broadcast_to(feat_s[:, :, None, :], (b, s, kk, c))], axis=-1)
    return xyz_s, feat_s, xyz_knn, feat_knn


def batchnorm_gelu(x, gamma, beta_p):
    m = jnp.mean(x, axis=(0, 1), keepdims=True)
    v = jnp.var(x, axis=(0, 1), keepdims=True)
    y = gamma * (x - m) / jnp.sqrt(v + 1e-5) + beta_p
    return jax.nn.gelu(y, approximate=False)


def forward(xyz, bn_params):
    feat = spe_embed(xyz, INIT_DIM, ALPHA, BETA)
    out_dim = INIT_DIM
    stage_points = NUM_POINTS
    for i in range(STAGES):
        out_dim = out_dim * 2
        stage_points = stage_points // 2
        xyz, feat_s, xyz_knn, feat_knn = local_group(xyz, feat, stage_points, K)
        pe = spe_embed(xyz_knn, out_dim, ALPHA, BETA)
        w = (feat_knn + pe) * pe
        agg = jnp.max(w, axis=-2) + jnp.mean(w, axis=-2)
        feat = batchnorm_gelu(agg, bn_params[i][0], bn_params[i][1])
    return jnp.max(feat, axis=-2) + jnp.mean(feat, axis=-2)


def setup_inputs(seed: int = 0):
    key = jax.random.key(seed)
    xyz = jax.random.normal(key, (BATCH, NUM_POINTS, 3), dtype=jnp.float32)
    d = {'xyz': xyz}
    for i, c in enumerate(STAGE_DIMS):
        d['bn_w%d' % i] = jnp.ones((c,), jnp.float32)
        d['bn_b%d' % i] = jnp.zeros((c,), jnp.float32)
    return d


def reference(xyz, bn_w0, bn_b0, bn_w1, bn_b1, bn_w2, bn_b2, bn_w3, bn_b3):
    bn_params = [(bn_w0, bn_b0), (bn_w1, bn_b1), (bn_w2, bn_b2), (bn_w3, bn_b3)]
    return forward(xyz, bn_params)

if __name__ == "__main__":
    import jax
    _d = setup_inputs()
    print(jax.jit(kernel)(*tuple(_d.values())))

</pallas_src>

<mosaic_0001>
module attributes {stable_mosaic.version = 14 : i64} {
  func.func @_fps_body(%arg0: memref<3x8x2048xf32, #tpu.memory_space<vmem>>, %arg1: memref<8x1024xi32, #tpu.memory_space<vmem>>) attributes {dimension_semantics = [], scalar_prefetch = 0 : i64, scratch_operands = 0 : i64, tpu.core_type = #tpu.core_type<tc>} {
    %get3A = arith.constant 0 : index
    %get3A_0 = arith.constant 0 : index
    %get3A_1 = arith.constant 0 : index
    %get3A_2 = vector.load %arg0[%get3A, %get3A_0, %get3A_1] : memref<3x8x2048xf32, #tpu.memory_space<vmem>>, vector<1x8x2048xf32>
    %get3A_3 = vector.shape_cast %get3A_2 : vector<1x8x2048xf32> to vector<8x2048xf32>
    %get3A_4 = arith.constant 1 : index
    %get3A_5 = arith.constant 0 : index
    %get3A_6 = arith.constant 0 : index
    %get3A_7 = vector.load %arg0[%get3A_4, %get3A_5, %get3A_6] : memref<3x8x2048xf32, #tpu.memory_space<vmem>>, vector<1x8x2048xf32>
    %get3A_8 = vector.shape_cast %get3A_7 : vector<1x8x2048xf32> to vector<8x2048xf32>
    %get3A_9 = arith.constant 2 : index
    %get3A_10 = arith.constant 0 : index
    %get3A_11 = arith.constant 0 : index
    %get3A_12 = vector.load %arg0[%get3A_9, %get3A_10, %get3A_11] : memref<3x8x2048xf32, #tpu.memory_space<vmem>>, vector<1x8x2048xf32>
    %get3A_13 = vector.shape_cast %get3A_12 : vector<1x8x2048xf32> to vector<8x2048xf32>
    %iota3A = tpu.iota {dimensions = array<i32: 1>} : vector<8x2048xi32>
    %iota3A_14 = tpu.iota {dimensions = array<i32: 1>} : vector<8x1024xi32>
    %broadcast_in_dim3A = arith.constant 0 : i32
    %broadcast_in_dim3A_15 = vector.broadcast %broadcast_in_dim3A : i32 to vector<8x1024xi32>
    %swap3A = arith.constant 0 : index
    %swap3A_16 = arith.constant 0 : index
    %swap3A_17 = vector.load %arg1[%swap3A, %swap3A_16] : memref<8x1024xi32, #tpu.memory_space<vmem>>, vector<8x1024xi32>
    tpu.vector_store %arg1[%swap3A, %swap3A_16], %broadcast_in_dim3A_15 {strides = array<i32>} : memref<8x1024xi32, #tpu.memory_space<vmem>>, vector<8x1024xi32>,
    %get3A_18 = arith.constant 0 : index
    %get3A_19 = arith.constant 0 : index
    %get3A_20 = vector.load %arg1[%get3A_18, %get3A_19] : memref<8x1024xi32, #tpu.memory_space<vmem>>, vector<8x1024xi32>
    %mul3A = arith.mulf %get3A_3, %get3A_3 : vector<8x2048xf32>
    %mul3A_21 = arith.constant 0.000000e+00 : f32
    %mul3A_22 = vector.broadcast %mul3A_21 : f32 to vector<8x2048xf32>
    %mul3A_23 = arith.mulf %mul3A, %mul3A_22 : vector<8x2048xf32>
    %add3A = arith.constant 1.000000e+10 : f32
    %add3A_24 = vector.broadcast %add3A : f32 to vector<8x2048xf32>
    %add3A_25 = arith.addf %mul3A_23, %add3A_24 : vector<8x2048xf32>
    %min3A = arith.constant 1.000000e+10 : f32
    %min3A_26 = vector.broadcast %min3A : f32 to vector<8x2048xf32>
    %min3A_27 = arith.minimumf %add3A_25, %min3A_26 : vector<8x2048xf32>
    %broadcast_in_dim3A_28 = arith.constant 0 : i32
    %broadcast_in_dim3A_29 = vector.broadcast %broadcast_in_dim3A_28 : i32 to vector<8x1xi32>
    %scan3A = arith.constant 0 : i32
    %scan3A_30 = arith.constant 1024 : i32
    %scan3A_31 = arith.addi %scan3A, %scan3A_30 : i32
    %scan3A_32 = arith.constant 1 : i32
    %scan3A_33:3 = scf.for %scan3A_38 = %scan3A to %scan3A_31 step %scan3A_32 iter_args(%scan3A_39 = %min3A_27, %scan3A_40 = %broadcast_in_dim3A_29, %scan3A_41 = %get3A_20) -> (vector<8x2048xf32>, vector<8x1xi32>, vector<8x1024xi32>)  : i32 {
      %eq3A = vector.broadcast %scan3A_38 : i32 to vector<8x1024xi32>
      %eq3A_42 = arith.cmpi eq, %iota3A_14, %eq3A : vector<8x1024xi32>
      %convert_element_type3A = arith.extui %eq3A_42 : vector<8x1024xi1> to vector<8x1024xi32>
      %mul3A_43 = vector.broadcast %scan3A_40 : vector<8x1xi32> to vector<8x1024xi32>
      %mul3A_44 = arith.muli %convert_element_type3A, %mul3A_43 : vector<8x1024xi32>
      %add3A_45 = arith.addi %scan3A_41, %mul3A_44 : vector<8x1024xi32>
      %eq3A_46 = vector.broadcast %scan3A_40 : vector<8x1xi32> to vector<8x2048xi32>
      %eq3A_47 = arith.cmpi eq, %iota3A, %eq3A_46 : vector<8x2048xi32>
      %jit3A = arith.constant 0.000000e+00 : f32
      %broadcast_in_dim3A_48 = vector.broadcast %jit3A : f32 to vector<8x2048xf32>
      %select_n3A = arith.select %eq3A_47, %get3A_3, %broadcast_in_dim3A_48 : vector<8x2048xi1>, vector<8x2048xf32>
      %reduce_sum3A = arith.constant dense<0.000000e+00> : vector<8xf32>
      %reduce_sum3A_49 = vector.multi_reduction <add>, %select_n3A, %reduce_sum3A [1] : vector<8x2048xf32> to vector<8xf32>
      %broadcast_in_dim3A_50 = vector.shape_cast %reduce_sum3A_49 : vector<8xf32> to vector<8x1xf32>
      %jit3A_51 = arith.constant 0.000000e+00 : f32
      %broadcast_in_dim3A_52 = vector.broadcast %jit3A_51 : f32 to vector<8x2048xf32>
      %select_n3A_53 = arith.select %eq3A_47, %get3A_8, %broadcast_in_dim3A_52 : vector<8x2048xi1>, vector<8x2048xf32>
      %reduce_sum3A_54 = arith.constant dense<0.000000e+00> : vector<8xf32>
      %reduce_sum3A_55 = vector.multi_reduction <add>, %select_n3A_53, %reduce_sum3A_54 [1] : vector<8x2048xf32> to vector<8xf32>
      %broadcast_in_dim3A_56 = vector.shape_cast %reduce_sum3A_55 : vector<8xf32> to vector<8x1xf32>
      %jit3A_57 = arith.constant 0.000000e+00 : f32
      %broadcast_in_dim3A_58 = vector.broadcast %jit3A_57 : f32 to vector<8x2048xf32>
      %select_n3A_59 = arith.select %eq3A_47, %get3A_13, %broadcast_in_dim3A_58 : vector<8x2048xi1>, vector<8x2048xf32>
      %reduce_sum3A_60 = arith.constant dense<0.000000e+00> : vector<8xf32>
      %reduce_sum3A_61 = vector.multi_reduction <add>, %select_n3A_59, %reduce_sum3A_60 [1] : vector<8x2048xf32> to vector<8xf32>
      %broadcast_in_dim3A_62 = vector.shape_cast %reduce_sum3A_61 : vector<8xf32> to vector<8x1xf32>
      %sub3A = vector.broadcast %broadcast_in_dim3A_50 : vector<8x1xf32> to vector<8x2048xf32>
      %sub3A_63 = arith.subf %get3A_3, %sub3A : vector<8x2048xf32>
      %sub3A_64 = vector.broadcast %broadcast_in_dim3A_56 : vector<8x1xf32> to vector<8x2048xf32>
      %sub3A_65 = arith.subf %get3A_8, %sub3A_64 : vector<8x2048xf32>
      %sub3A_66 = vector.broadcast %broadcast_in_dim3A_62 : vector<8x1xf32> to vector<8x2048xf32>
      %sub3A_67 = arith.subf %get3A_13, %sub3A_66 : vector<8x2048xf32>
      %mul3A_68 = arith.mulf %sub3A_63, %sub3A_63 : vector<8x2048xf32>
      %mul3A_69 = arith.mulf %sub3A_65, %sub3A_65 : vector<8x2048xf32>
      %add3A_70 = arith.addf %mul3A_68, %mul3A_69 : vector<8x2048xf32>
      %mul3A_71 = arith.mulf %sub3A_67, %sub3A_67 : vector<8x2048xf32>
      %add3A_72 = arith.addf %add3A_70, %mul3A_71 : vector<8x2048xf32>
      %min3A_73 = arith.minimumf %scan3A_39, %add3A_72 : vector<8x2048xf32>
      %reduce_max3A = arith.constant dense<0xFF800000> : vector<8xf32>
      %reduce_max3A_74 = vector.multi_reduction <maximumf>, %min3A_73, %reduce_max3A [1] : vector<8x2048xf32> to vector<8xf32>
      %broadcast_in_dim3A_75 = vector.shape_cast %reduce_max3A_74 : vector<8xf32> to vector<8x1xf32>
      %eq3A_76 = vector.broadcast %broadcast_in_dim3A_75 : vector<8x1xf32> to vector<8x2048xf32>
      %eq3A_77 = arith.cmpf oeq, %min3A_73, %eq3A_76 : vector<8x2048xf32>
      %jit3A_78 = arith.constant 2048 : i32
      %broadcast_in_dim3A_79 = vector.broadcast %jit3A_78 : i32 to vector<8x2048xi32>
      %select_n3A_80 = arith.select %eq3A_77, %iota3A, %broadcast_in_dim3A_79 : vector<8x2048xi1>, vector<8x2048xi32>
      %reduce_min3A = arith.constant dense<2147483647> : vector<8xi32>
      %reduce_min3A_81 = vector.multi_reduction <minsi>, %select_n3A_80, %reduce_min3A [1] : vector<8x2048xi32> to vector<8xi32>
      %broadcast_in_dim3A_82 = vector.shape_cast %reduce_min3A_81 : vector<8xi32> to vector<8x1xi32>
      scf.yield %min3A_73, %broadcast_in_dim3A_82, %add3A_45 : vector<8x2048xf32>, vector<8x1xi32>, vector<8x1024xi32>
    }
    %scan3A_34 = arith.constant 1024 : i32
    %swap3A_35 = arith.constant 0 : index
    %swap3A_36 = arith.constant 0 : index
    %swap3A_37 = vector.load %arg1[%swap3A_35, %swap3A_36] : memref<8x1024xi32, #tpu.memory_space<vmem>>, vector<8x1024xi32>
    tpu.vector_store %arg1[%swap3A_35, %swap3A_36], %scan3A_33#2 {strides = array<i32>} : memref<8x1024xi32, #tpu.memory_space<vmem>>, vector<8x1024xi32>,
    return
  }
}

module attributes {stable_mosaic.version = 14 : i64} {
  func.func @_fps_body(%arg0: memref<3x8x1024xf32, #tpu.memory_space<vmem>>, %arg1: memref<8x512xi32, #tpu.memory_space<vmem>>) attributes {dimension_semantics = [], scalar_prefetch = 0 : i64, scratch_operands = 0 : i64, tpu.core_type = #tpu.core_type<tc>} {
    %get3A = arith.constant 0 : index
    %get3A_0 = arith.constant 0 : index
    %get3A_1 = arith.constant 0 : index
    %get3A_2 = vector.load %arg0[%get3A, %get3A_0, %get3A_1] : memref<3x8x1024xf32, #tpu.memory_space<vmem>>, vector<1x8x1024xf32>
    %get3A_3 = vector.shape_cast %get3A_2 : vector<1x8x1024xf32> to vector<8x1024xf32>
    %get3A_4 = arith.constant 1 : index
    %get3A_5 = arith.constant 0 : index
    %get3A_6 = arith.constant 0 : index
    %get3A_7 = vector.load %arg0[%get3A_4, %get3A_5, %get3A_6] : memref<3x8x1024xf32, #tpu.memory_space<vmem>>, vector<1x8x1024xf32>
    %get3A_8 = vector.shape_cast %get3A_7 : vector<1x8x1024xf32> to vector<8x1024xf32>
    %get3A_9 = arith.constant 2 : index
    %get3A_10 = arith.constant 0 : index
    %get3A_11 = arith.constant 0 : index
    %get3A_12 = vector.load %arg0[%get3A_9, %get3A_10, %get3A_11] : memref<3x8x1024xf32, #tpu.memory_space<vmem>>, vector<1x8x1024xf32>
    %get3A_13 = vector.shape_cast %get3A_12 : vector<1x8x1024xf32> to vector<8x1024xf32>
    %iota3A = tpu.iota {dimensions = array<i32: 1>} : vector<8x1024xi32>
    %iota3A_14 = tpu.iota {dimensions = array<i32: 1>} : vector<8x512xi32>
    %broadcast_in_dim3A = arith.constant 0 : i32
    %broadcast_in_dim3A_15 = vector.broadcast %broadcast_in_dim3A : i32 to vector<8x512xi32>
    %swap3A = arith.constant 0 : index
    %swap3A_16 = arith.constant 0 : index
    %swap3A_17 = vector.load %arg1[%swap3A, %swap3A_16] : memref<8x512xi32, #tpu.memory_space<vmem>>, vector<8x512xi32>
    tpu.vector_store %arg1[%swap3A, %swap3A_16], %broadcast_in_dim3A_15 {strides = array<i32>} : memref<8x512xi32, #tpu.memory_space<vmem>>, vector<8x512xi32>,
    %get3A_18 = arith.constant 0 : index
    %get3A_19 = arith.constant 0 : index
    %get3A_20 = vector.load %arg1[%get3A_18, %get3A_19] : memref<8x512xi32, #tpu.memory_space<vmem>>, vector<8x512xi32>
    %mul3A = arith.mulf %get3A_3, %get3A_3 : vector<8x1024xf32>
    %mul3A_21 = arith.constant 0.000000e+00 : f32
    %mul3A_22 = vector.broadcast %mul3A_21 : f32 to vector<8x1024xf32>
    %mul3A_23 = arith.mulf %mul3A, %mul3A_22 : vector<8x1024xf32>
    %add3A = arith.constant 1.000000e+10 : f32
    %add3A_24 = vector.broadcast %add3A : f32 to vector<8x1024xf32>
    %add3A_25 = arith.addf %mul3A_23, %add3A_24 : vector<8x1024xf32>
    %min3A = arith.constant 1.000000e+10 : f32
    %min3A_26 = vector.broadcast %min3A : f32 to vector<8x1024xf32>
    %min3A_27 = arith.minimumf %add3A_25, %min3A_26 : vector<8x1024xf32>
    %broadcast_in_dim3A_28 = arith.constant 0 : i32
    %broadcast_in_dim3A_29 = vector.broadcast %broadcast_in_dim3A_28 : i32 to vector<8x1xi32>
    %scan3A = arith.constant 0 : i32
    %scan3A_30 = arith.constant 512 : i32
    %scan3A_31 = arith.addi %scan3A, %scan3A_30 : i32
    %scan3A_32 = arith.constant 1 : i32
    %scan3A_33:3 = scf.for %scan3A_38 = %scan3A to %scan3A_31 step %scan3A_32 iter_args(%scan3A_39 = %min3A_27, %scan3A_40 = %broadcast_in_dim3A_29, %scan3A_41 = %get3A_20) -> (vector<8x1024xf32>, vector<8x1xi32>, vector<8x512xi32>)  : i32 {
      %eq3A = vector.broadcast %scan3A_38 : i32 to vector<8x512xi32>
      %eq3A_42 = arith.cmpi eq, %iota3A_14, %eq3A : vector<8x512xi32>
      %convert_element_type3A = arith.extui %eq3A_42 : vector<8x512xi1> to vector<8x512xi32>
      %mul3A_43 = vector.broadcast %scan3A_40 : vector<8x1xi32> to vector<8x512xi32>
      %mul3A_44 = arith.muli %convert_element_type3A, %mul3A_43 : vector<8x512xi32>
      %add3A_45 = arith.addi %scan3A_41, %mul3A_44 : vector<8x512xi32>
      %eq3A_46 = vector.broadcast %scan3A_40 : vector<8x1xi32> to vector<8x1024xi32>
      %eq3A_47 = arith.cmpi eq, %iota3A, %eq3A_46 : vector<8x1024xi32>
      %jit3A = arith.constant 0.000000e+00 : f32
      %broadcast_in_dim3A_48 = vector.broadcast %jit3A : f32 to vector<8x1024xf32>
      %select_n3A = arith.select %eq3A_47, %get3A_3, %broadcast_in_dim3A_48 : vector<8x1024xi1>, vector<8x1024xf32>
      %reduce_sum3A = arith.constant dense<0.000000e+00> : vector<8xf32>
      %reduce_sum3A_49 = vector.multi_reduction <add>, %select_n3A, %reduce_sum3A [1] : vector<8x1024xf32> to vector<8xf32>
      %broadcast_in_dim3A_50 = vector.shape_cast %reduce_sum3A_49 : vector<8xf32> to vector<8x1xf32>
      %jit3A_51 = arith.constant 0.000000e+00 : f32
      %broadcast_in_dim3A_52 = vector.broadcast %jit3A_51 : f32 to vector<8x1024xf32>
      %select_n3A_53 = arith.select %eq3A_47, %get3A_8, %broadcast_in_dim3A_52 : vector<8x1024xi1>, vector<8x1024xf32>
      %reduce_sum3A_54 = arith.constant dense<0.000000e+00> : vector<8xf32>
      %reduce_sum3A_55 = vector.multi_reduction <add>, %select_n3A_53, %reduce_sum3A_54 [1] : vector<8x1024xf32> to vector<8xf32>
      %broadcast_in_dim3A_56 = vector.shape_cast %reduce_sum3A_55 : vector<8xf32> to vector<8x1xf32>
      %jit3A_57 = arith.constant 0.000000e+00 : f32
      %broadcast_in_dim3A_58 = vector.broadcast %jit3A_57 : f32 to vector<8x1024xf32>
      %select_n3A_59 = arith.select %eq3A_47, %get3A_13, %broadcast_in_dim3A_58 : vector<8x1024xi1>, vector<8x1024xf32>
      %reduce_sum3A_60 = arith.constant dense<0.000000e+00> : vector<8xf32>
      %reduce_sum3A_61 = vector.multi_reduction <add>, %select_n3A_59, %reduce_sum3A_60 [1] : vector<8x1024xf32> to vector<8xf32>
      %broadcast_in_dim3A_62 = vector.shape_cast %reduce_sum3A_61 : vector<8xf32> to vector<8x1xf32>
      %sub3A = vector.broadcast %broadcast_in_dim3A_50 : vector<8x1xf32> to vector<8x1024xf32>
      %sub3A_63 = arith.subf %get3A_3, %sub3A : vector<8x1024xf32>
      %sub3A_64 = vector.broadcast %broadcast_in_dim3A_56 : vector<8x1xf32> to vector<8x1024xf32>
      %sub3A_65 = arith.subf %get3A_8, %sub3A_64 : vector<8x1024xf32>
      %sub3A_66 = vector.broadcast %broadcast_in_dim3A_62 : vector<8x1xf32> to vector<8x1024xf32>
      %sub3A_67 = arith.subf %get3A_13, %sub3A_66 : vector<8x1024xf32>
      %mul3A_68 = arith.mulf %sub3A_63, %sub3A_63 : vector<8x1024xf32>
      %mul3A_69 = arith.mulf %sub3A_65, %sub3A_65 : vector<8x1024xf32>
      %add3A_70 = arith.addf %mul3A_68, %mul3A_69 : vector<8x1024xf32>
      %mul3A_71 = arith.mulf %sub3A_67, %sub3A_67 : vector<8x1024xf32>
      %add3A_72 = arith.addf %add3A_70, %mul3A_71 : vector<8x1024xf32>
      %min3A_73 = arith.minimumf %scan3A_39, %add3A_72 : vector<8x1024xf32>
      %reduce_max3A = arith.constant dense<0xFF800000> : vector<8xf32>
      %reduce_max3A_74 = vector.multi_reduction <maximumf>, %min3A_73, %reduce_max3A [1] : vector<8x1024xf32> to vector<8xf32>
      %broadcast_in_dim3A_75 = vector.shape_cast %reduce_max3A_74 : vector<8xf32> to vector<8x1xf32>
      %eq3A_76 = vector.broadcast %broadcast_in_dim3A_75 : vector<8x1xf32> to vector<8x1024xf32>
      %eq3A_77 = arith.cmpf oeq, %min3A_73, %eq3A_76 : vector<8x1024xf32>
      %jit3A_78 = arith.constant 1024 : i32
      %broadcast_in_dim3A_79 = vector.broadcast %jit3A_78 : i32 to vector<8x1024xi32>
      %select_n3A_80 = arith.select %eq3A_77, %iota3A, %broadcast_in_dim3A_79 : vector<8x1024xi1>, vector<8x1024xi32>
      %reduce_min3A = arith.constant dense<2147483647> : vector<8xi32>
      %reduce_min3A_81 = vector.multi_reduction <minsi>, %select_n3A_80, %reduce_min3A [1] : vector<8x1024xi32> to vector<8xi32>
      %broadcast_in_dim3A_82 = vector.shape_cast %reduce_min3A_81 : vector<8xi32> to vector<8x1xi32>
      scf.yield %min3A_73, %broadcast_in_dim3A_82, %add3A_45 : vector<8x1024xf32>, vector<8x1xi32>, vector<8x512xi32>
    }
    %scan3A_34 = arith.constant 512 : i32
    %swap3A_35 = arith.constant 0 : index
    %swap3A_36 = arith.constant 0 : index
    %swap3A_37 = vector.load %arg1[%swap3A_35, %swap3A_36] : memref<8x512xi32, #tpu.memory_space<vmem>>, vector<8x512xi32>
    tpu.vector_store %arg1[%swap3A_35, %swap3A_36], %scan3A_33#2 {strides = array<i32>} : memref<8x512xi32, #tpu.memory_space<vmem>>, vector<8x512xi32>,
    return
  }
}

module attributes {stable_mosaic.version = 14 : i64} {
  func.func @_knn_body(%arg0: i32, %arg1: i32, %arg2: memref<1x3x2048xf32, #tpu.memory_space<vmem>>, %arg3: memref<1x128x3xf32, #tpu.memory_space<vmem>>, %arg4: memref<1x128x24xi32, #tpu.memory_space<vmem>>, %arg5: memref<128x2048xf32, #tpu.memory_space<vmem>>) attributes {dimension_semantics = [#tpu.dimension_semantics<arbitrary>, #tpu.dimension_semantics<arbitrary>], iteration_bounds = array<i64: 8, 8>, scalar_prefetch = 0 : i64, scratch_operands = 1 : i64, tpu.core_type = #tpu.core_type<tc>, window_params = [{transform_indices = @transform_0, window_bounds = array<i64: 1, 3, 2048>}, {transform_indices = @transform_1, window_bounds = array<i64: 1, 128, 3>}, {transform_indices = @transform_2, window_bounds = array<i64: 1, 128, 24>}]} {
    %get3A = arith.constant 0 : index
    %get3A_0 = arith.constant 0 : index
    %get3A_1 = arith.constant 0 : index
    %get3A_2 = vector.load %arg2[%get3A, %get3A_0, %get3A_1] : memref<1x3x2048xf32, #tpu.memory_space<vmem>>, vector<1x3x2048xf32>
    %get3A_3 = vector.shape_cast %get3A_2 : vector<1x3x2048xf32> to vector<3x2048xf32>
    %slice3A = vector.extract_strided_slice %get3A_3 {offsets = [0, 0], sizes = [1, 2048], strides = [1, 1]} : vector<3x2048xf32> to vector<1x2048xf32>
    %slice3A_4 = vector.extract_strided_slice %get3A_3 {offsets = [1, 0], sizes = [1, 2048], strides = [1, 1]} : vector<3x2048xf32> to vector<1x2048xf32>
    %slice3A_5 = vector.extract_strided_slice %get3A_3 {offsets = [2, 0], sizes = [1, 2048], strides = [1, 1]} : vector<3x2048xf32> to vector<1x2048xf32>
    %get3A_6 = arith.constant 0 : index
    %get3A_7 = arith.constant 0 : index
    %get3A_8 = arith.constant 0 : index
    %get3A_9 = vector.load %arg3[%get3A_6, %get3A_7, %get3A_8] : memref<1x128x3xf32, #tpu.memory_space<vmem>>, vector<1x128x3xf32>
    %get3A_10 = vector.shape_cast %get3A_9 : vector<1x128x3xf32> to vector<128x3xf32>
    %slice3A_11 = vector.extract_strided_slice %get3A_10 {offsets = [0, 0], sizes = [128, 1], strides = [1, 1]} : vector<128x3xf32> to vector<128x1xf32>
    %slice3A_12 = vector.extract_strided_slice %get3A_10 {offsets = [0, 1], sizes = [128, 1], strides = [1, 1]} : vector<128x3xf32> to vector<128x1xf32>
    %slice3A_13 = vector.extract_strided_slice %get3A_10 {offsets = [0, 2], sizes = [128, 1], strides = [1, 1]} : vector<128x3xf32> to vector<128x1xf32>
    %mul3A = arith.mulf %slice3A, %slice3A : vector<1x2048xf32>
    %mul3A_14 = arith.mulf %slice3A_4, %slice3A_4 : vector<1x2048xf32>
    %add3A = arith.addf %mul3A, %mul3A_14 : vector<1x2048xf32>
    %mul3A_15 = arith.mulf %slice3A_5, %slice3A_5 : vector<1x2048xf32>
    %add3A_16 = arith.addf %add3A, %mul3A_15 : vector<1x2048xf32>
    %mul3A_17 = arith.mulf %slice3A_11, %slice3A_11 : vector<128x1xf32>
    %mul3A_18 = arith.mulf %slice3A_12, %slice3A_12 : vector<128x1xf32>
    %add3A_19 = arith.addf %mul3A_17, %mul3A_18 : vector<128x1xf32>
    %mul3A_20 = arith.mulf %slice3A_13, %slice3A_13 : vector<128x1xf32>
    %add3A_21 = arith.addf %add3A_19, %mul3A_20 : vector<128x1xf32>
    %dot_general3A = arith.constant dense<0.000000e+00> : vector<128x2048xf32>
    %dot_general3A_22 = tpu.matmul %get3A_10, %get3A_3, %dot_general3A {dimension_numbers = #tpu.dot_dimension_numbers<[1], [0], [0], [1], [0, 0, 1, 1], [], []>, transpose_lhs_hint = false} : vector<128x3xf32>, vector<3x2048xf32>, vector<128x2048xf32> -> vector<128x2048xf32>
    %mul3A_23 = arith.constant 2.000000e+00 : f32
    %mul3A_24 = vector.broadcast %mul3A_23 : f32 to vector<128x2048xf32>
    %mul3A_25 = arith.mulf %mul3A_24, %dot_general3A_22 : vector<128x2048xf32>
    %sub3A = vector.broadcast %add3A_21 : vector<128x1xf32> to vector<128x2048xf32>
    %sub3A_26 = arith.subf %sub3A, %mul3A_25 : vector<128x2048xf32>
    %add3A_27 = vector.broadcast %add3A_16 : vector<1x2048xf32> to vector<128x2048xf32>
    %add3A_28 = arith.addf %sub3A_26, %add3A_27 : vector<128x2048xf32>
    %swap3A = arith.constant 0 : index
    %swap3A_29 = arith.constant 0 : index
    %swap3A_30 = vector.load %arg5[%swap3A, %swap3A_29] : memref<128x2048xf32, #tpu.memory_space<vmem>>, vector<128x2048xf32>
    tpu.vector_store %arg5[%swap3A, %swap3A_29], %add3A_28 {strides = array<i32>} : memref<128x2048xf32, #tpu.memory_space<vmem>>, vector<128x2048xf32>,
    %iota3A = tpu.iota {dimensions = array<i32: 1>} : vector<8x2048xi32>
    %iota3A_31 = tpu.iota {dimensions = array<i32: 1>} : vector<8x24xi32>
    %scan3A = arith.constant 0x7F800000 : f32
    %scan3A_32 = arith.constant 0 : i32
    %scan3A_33 = arith.constant 16 : i32
    %scan3A_34 = arith.addi %scan3A_32, %scan3A_33 : i32
    %scan3A_35 = arith.constant 1 : i32
    scf.for %scan3A_37 = %scan3A_32 to %scan3A_34 step %scan3A_35  : i32 {
      %mul3A_38 = arith.constant 8 : i32
      %mul3A_39 = arith.muli %scan3A_37, %mul3A_38 : i32
      %get3A_40 = arith.index_cast %mul3A_39 : i32 to index
      %get3A_41 = arith.constant 0 : index
      %get3A_42 = vector.load %arg5[%get3A_40, %get3A_41] : memref<128x2048xf32, #tpu.memory_space<vmem>>, vector<8x2048xf32>
      %mul3A_43 = arith.constant 0 : i32
      %mul3A_44 = vector.broadcast %mul3A_43 : i32 to vector<8x24xi32>
      %mul3A_45 = arith.muli %iota3A_31, %mul3A_44 : vector<8x24xi32>
      %scan3A_46 = arith.constant 0 : i32
      %scan3A_47 = arith.constant 24 : i32
      %scan3A_48 = arith.addi %scan3A_46, %scan3A_47 : i32
      %scan3A_49 = arith.constant 1 : i32
      %scan3A_50:2 = scf.for %scan3A_60 = %scan3A_46 to %scan3A_48 step %scan3A_49 iter_args(%scan3A_61 = %get3A_42, %scan3A_62 = %mul3A_45) -> (vector<8x2048xf32>, vector<8x24xi32>)  : i32 {
        %reduce_min3A = arith.constant dense<0x7F800000> : vector<8xf32>
        %reduce_min3A_63 = vector.multi_reduction <minimumf>, %scan3A_61, %reduce_min3A [1] : vector<8x2048xf32> to vector<8xf32>
        %broadcast_in_dim3A = vector.shape_cast %reduce_min3A_63 : vector<8xf32> to vector<8x1xf32>
        %eq3A = vector.broadcast %broadcast_in_dim3A : vector<8x1xf32> to vector<8x2048xf32>
        %eq3A_64 = arith.cmpf oeq, %scan3A_61, %eq3A : vector<8x2048xf32>
        %jit3A = arith.constant 2048 : i32
        %broadcast_in_dim3A_65 = vector.broadcast %jit3A : i32 to vector<8x2048xi32>
        %select_n3A = arith.select %eq3A_64, %iota3A, %broadcast_in_dim3A_65 : vector<8x2048xi1>, vector<8x2048xi32>
        %reduce_min3A_66 = arith.constant dense<2147483647> : vector<8xi32>
        %reduce_min3A_67 = vector.multi_reduction <minsi>, %select_n3A, %reduce_min3A_66 [1] : vector<8x2048xi32> to vector<8xi32>
        %broadcast_in_dim3A_68 = vector.shape_cast %reduce_min3A_67 : vector<8xi32> to vector<8x1xi32>
        %eq3A_69 = vector.broadcast %scan3A_60 : i32 to vector<8x24xi32>
        %eq3A_70 = arith.cmpi eq, %iota3A_31, %eq3A_69 : vector<8x24xi32>
        %convert_element_type3A = arith.extui %eq3A_70 : vector<8x24xi1> to vector<8x24xi32>
        %mul3A_71 = vector.broadcast %broadcast_in_dim3A_68 : vector<8x1xi32> to vector<8x24xi32>
        %mul3A_72 = arith.muli %convert_element_type3A, %mul3A_71 : vector<8x24xi32>
        %add3A_73 = arith.addi %scan3A_62, %mul3A_72 : vector<8x24xi32>
        %eq3A_74 = vector.broadcast %broadcast_in_dim3A_68 : vector<8x1xi32> to vector<8x2048xi32>
        %eq3A_75 = arith.cmpi eq, %iota3A, %eq3A_74 : vector<8x2048xi32>
        %broadcast_in_dim3A_76 = vector.broadcast %scan3A : f32 to vector<8x2048xf32>
        %select_n3A_77 = arith.select %eq3A_75, %broadcast_in_dim3A_76, %scan3A_61 : vector<8x2048xi1>, vector<8x2048xf32>
        scf.yield %select_n3A_77, %add3A_73 : vector<8x2048xf32>, vector<8x24xi32>
      }
      %scan3A_51 = arith.constant 24 : i32
      %mul3A_52 = arith.constant 8 : i32
      %mul3A_53 = arith.muli %scan3A_37, %mul3A_52 : i32
      %swap3A_54 = arith.constant 0 : index
      %swap3A_55 = arith.index_cast %mul3A_53 : i32 to index
      %swap3A_56 = arith.constant 0 : index
      %swap3A_57 = vector.load %arg4[%swap3A_54, %swap3A_55, %swap3A_56] : memref<1x128x24xi32, #tpu.memory_space<vmem>>, vector<1x8x24xi32>
      %swap3A_58 = vector.shape_cast %swap3A_57 : vector<1x8x24xi32> to vector<8x24xi32>
      %swap3A_59 = vector.shape_cast %scan3A_50#1 : vector<8x24xi32> to vector<1x8x24xi32>
      tpu.vector_store %arg4[%swap3A_54, %swap3A_55, %swap3A_56], %swap3A_59 {strides = array<i32>} : memref<1x128x24xi32, #tpu.memory_space<vmem>>, vector<1x8x24xi32>,
    }
    %scan3A_36 = arith.constant 16 : i32
    return
  }
  func.func @transform_0(%arg0: i32, %arg1: i32) -> (i32, i32, i32) {
    %c0_i32 = arith.constant 0 : i32
    %c0_i32_0 = arith.constant 0 : i32
    %c0_i32_1 = arith.constant 0 : i32
    return %arg0, %c0_i32, %c0_i32_0 : i32, i32, i32
  }
  func.func @transform_1(%arg0: i32, %arg1: i32) -> (i32, i32, i32) {
    %c0_i32 = arith.constant 0 : i32
    %c0_i32_0 = arith.constant 0 : i32
    return %arg0, %arg1, %c0_i32 : i32, i32, i32
  }
  func.func @transform_2(%arg0: i32, %arg1: i32) -> (i32, i32, i32) {
    %c0_i32 = arith.constant 0 : i32
    %c0_i32_0 = arith.constant 0 : i32
    return %arg0, %arg1, %c0_i32 : i32, i32, i32
  }
}

module attributes {stable_mosaic.version = 14 : i64} {
  func.func @_gather_body(%arg0: i32, %arg1: i32, %arg2: memref<1x32x24xi32, #tpu.memory_space<smem>>, %arg3: memref<1x2048x67xf32, #tpu.memory_space<vmem>>, %arg4: memref<1x32x24x64xf32, #tpu.memory_space<vmem>>, %arg5: memref<1x32x24x3xf32, #tpu.memory_space<vmem>>) attributes {dimension_semantics = [#tpu.dimension_semantics<arbitrary>, #tpu.dimension_semantics<arbitrary>], iteration_bounds = array<i64: 8, 32>, scalar_prefetch = 0 : i64, scratch_operands = 0 : i64, tpu.core_type = #tpu.core_type<tc>, window_params = [{transform_indices = @transform_0, window_bounds = array<i64: 1, 32, 24>}, {transform_indices = @transform_1, window_bounds = array<i64: 1, 2048, 67>}, {transform_indices = @transform_2, window_bounds = array<i64: 1, 32, 24, 64>}, {transform_indices = @transform_3, window_bounds = array<i64: 1, 32, 24, 3>}]} {
    %scan3A = arith.constant 0 : i32
    %scan3A_0 = arith.constant 32 : i32
    %scan3A_1 = arith.addi %scan3A, %scan3A_0 : i32
    %scan3A_2 = arith.constant 1 : i32
    scf.for %scan3A_4 = %scan3A to %scan3A_1 step %scan3A_2  : i32 {
      %get3A = arith.constant 0 : index
      %get3A_5 = arith.index_cast %scan3A_4 : i32 to index
      %get3A_6 = arith.constant 0 : index
      %get3A_7 = memref.load %arg2[%get3A, %get3A_5, %get3A_6] : memref<1x32x24xi32, #tpu.memory_space<smem>>
      %get3A_8 = arith.constant 0 : index
      %get3A_9 = arith.index_cast %get3A_7 : i32 to index
      %get3A_10 = arith.constant 0 : index
      %get3A_11 = vector.load %arg3[%get3A_8, %get3A_9, %get3A_10] : memref<1x2048x67xf32, #tpu.memory_space<vmem>>, vector<1x1x67xf32>
      %get3A_12 = vector.shape_cast %get3A_11 : vector<1x1x67xf32> to vector<1x67xf32>
      %slice3A = vector.extract_strided_slice %get3A_12 {offsets = [0, 0], sizes = [1, 64], strides = [1, 1]} : vector<1x67xf32> to vector<1x64xf32>
      %swap3A = arith.constant 0 : index
      %swap3A_13 = arith.index_cast %scan3A_4 : i32 to index
      %swap3A_14 = arith.constant 0 : index
      %swap3A_15 = arith.constant 0 : index
      %swap3A_16 = vector.load %arg4[%swap3A, %swap3A_13, %swap3A_14, %swap3A_15] : memref<1x32x24x64xf32, #tpu.memory_space<vmem>>, vector<1x1x1x64xf32>
      %swap3A_17 = vector.shape_cast %swap3A_16 : vector<1x1x1x64xf32> to vector<1x64xf32>
      %swap3A_18 = vector.shape_cast %slice3A : vector<1x64xf32> to vector<1x1x1x64xf32>
      tpu.vector_store %arg4[%swap3A, %swap3A_13, %swap3A_14, %swap3A_15], %swap3A_18 {strides = array<i32>} : memref<1x32x24x64xf32, #tpu.memory_space<vmem>>, vector<1x1x1x64xf32>,
      %slice3A_19 = vector.extract_strided_slice %get3A_12 {offsets = [0, 64], sizes = [1, 3], strides = [1, 1]} : vector<1x67xf32> to vector<1x3xf32>
      %swap3A_20 = arith.constant 0 : index
      %swap3A_21 = arith.index_cast %scan3A_4 : i32 to index
      %swap3A_22 = arith.constant 0 : index
      %swap3A_23 = arith.constant 0 : index
      %swap3A_24 = vector.load %arg5[%swap3A_20, %swap3A_21, %swap3A_22, %swap3A_23] : memref<1x32x24x3xf32, #tpu.memory_space<vmem>>, vector<1x1x1x3xf32>
      %swap3A_25 = vector.shape_cast %swap3A_24 : vector<1x1x1x3xf32> to vector<1x3xf32>
      %swap3A_26 = vector.shape_cast %slice3A_19 : vector<1x3xf32> to vector<1x1x1x3xf32>
      tpu.vector_store %arg5[%swap3A_20, %swap3A_21, %swap3A_22, %swap3A_23], %swap3A_26 {strides = array<i32>} : memref<1x32x24x3xf32, #tpu.memory_space<vmem>>, vector<1x1x1x3xf32>,
      %get3A_27 = arith.constant 0 : index
      %get3A_28 = arith.index_cast %scan3A_4 : i32 to index
      %get3A_29 = arith.constant 1 : index
      %get3A_30 = memref.load %arg2[%get3A_27, %get3A_28, %get3A_29] : memref<1x32x24xi32, #tpu.memory_space<smem>>
      %get3A_31 = arith.constant 0 : index
      %get3A_32 = arith.index_cast %get3A_30 : i32 to index
      %get3A_33 = arith.constant 0 : index
      %get3A_34 = vector.load %arg3[%get3A_31, %get3A_32, %get3A_33] : memref<1x2048x67xf32, #tpu.memory_space<vmem>>, vector<1x1x67xf32>
      %get3A_35 = vector.shape_cast %get3A_34 : vector<1x1x67xf32> to vector<1x67xf32>
      %slice3A_36 = vector.extract_strided_slice %get3A_35 {offsets = [0, 0], sizes = [1, 64], strides = [1, 1]} : vector<1x67xf32> to vector<1x64xf32>
      %swap3A_37 = arith.constant 0 : index
      %swap3A_38 = arith.index_cast %scan3A_4 : i32 to index
      %swap3A_39 = arith.constant 1 : index
      %swap3A_40 = arith.constant 0 : index
      %swap3A_41 = vector.load %arg4[%swap3A_37, %swap3A_38, %swap3A_39, %swap3A_40] : memref<1x32x24x64xf32, #tpu.memory_space<vmem>>, vector<1x1x1x64xf32>
      %swap3A_42 = vector.shape_cast %swap3A_41 : vector<1x1x1x64xf32> to vector<1x64xf32>
      %swap3A_43 = vector.shape_cast %slice3A_36 : vector<1x64xf32> to vector<1x1x1x64xf32>
      tpu.vector_store %arg4[%swap3A_37, %swap3A_38, %swap3A_39, %swap3A_40], %swap3A_43 {strides = array<i32>} : memref<1x32x24x64xf32, #tpu.memory_space<vmem>>, vector<1x1x1x64xf32>,
      %slice3A_44 = vector.extract_strided_slice %get3A_35 {offsets = [0, 64], sizes = [1, 3], strides = [1, 1]} : vector<1x67xf32> to vector<1x3xf32>
      %swap3A_45 = arith.constant 0 : index
      %swap3A_46 = arith.index_cast %scan3A_4 : i32 to index
      %swap3A_47 = arith.constant 1 : index
      %swap3A_48 = arith.constant 0 : index
      %swap3A_49 = vector.load %arg5[%swap3A_45, %swap3A_46, %swap3A_47, %swap3A_48] : memref<1x32x24x3xf32, #tpu.memory_space<vmem>>, vector<1x1x1x3xf32>
      %swap3A_50 = vector.shape_cast %swap3A_49 : vector<1x1x1x3xf32> to vector<1x3xf32>
      %swap3A_51 = vector.shape_cast %slice3A_44 : vector<1x3xf32> to vector<1x1x1x3xf32>
      tpu.vector_store %arg5[%swap3A_45, %swap3A_46, %swap3A_47, %swap3A_48], %swap3A_51 {strides = array<i32>} : memref<1x32x24x3xf32, #tpu.memory_space<vmem>>, vector<1x1x1x3xf32>,
      %get3A_52 = arith.constant 0 : index
      %get3A_53 = arith.index_cast %scan3A_4 : i32 to index
      %get3A_54 = arith.constant 2 : index
      %get3A_55 = memref.load %arg2[%get3A_52, %get3A_53, %get3A_54] : memref<1x32x24xi32, #tpu.memory_space<smem>>
      %get3A_56 = arith.constant 0 : index
      %get3A_57 = arith.index_cast %get3A_55 : i32 to index
      %get3A_58 = arith.constant 0 : index
      %get3A_59 = vector.load %arg3[%get3A_56, %get3A_57, %get3A_58] : memref<1x2048x67xf32, #tpu.memory_space<vmem>>, vector<1x1x67xf32>
      %get3A_60 = vector.shape_cast %get3A_59 : vector<1x1x67xf32> to vector<1x67xf32>
      %slice3A_61 = vector.extract_strided_slice %get3A_60 {offsets = [0, 0], sizes = [1, 64], strides = [1, 1]} : vector<1x67xf32> to vector<1x64xf32>
      %swap3A_62 = arith.constant 0 : index
      %swap3A_63 = arith.index_cast %scan3A_4 : i32 to index
      %swap3A_64 = arith.constant 2 : index
      %swap3A_65 = arith.constant 0 : index
      %swap3A_66 = vector.load %arg4[%swap3A_62, %swap3A_63, %swap3A_64, %swap3A_65] : memref<1x32x24x64xf32, #tpu.memory_space<vmem>>, vector<1x1x1x64xf32>
      %swap3A_67 = vector.shape_cast %swap3A_66 : vector<1x1x1x64xf32> to vector<1x64xf32>
      %swap3A_68 = vector.shape_cast %slice3A_61 : vector<1x64xf32> to vector<1x1x1x64xf32>
      tpu.vector_store %arg4[%swap3A_62, %swap3A_63, %swap3A_64, %swap3A_65], %swap3A_68 {strides = array<i32>} : memref<1x32x24x64xf32, #tpu.memory_space<vmem>>, vector<1x1x1x64xf32>,
      %slice3A_69 = vector.extract_strided_slice %get3A_60 {offsets = [0, 64], sizes = [1, 3], strides = [1, 1]} : vector<1x67xf32> to vector<1x3xf32>
      %swap3A_70 = arith.constant 0 : index
      %swap3A_71 = arith.index_cast %scan3A_4 : i32 to index
      %swap3A_72 = arith.constant 2 : index
      %swap3A_73 = arith.constant 0 : index
      %swap3A_74 = vector.load %arg5[%swap3A_70, %swap3A_71, %swap3A_72, %swap3A_73] : memref<1x32x24x3xf32, #tpu.memory_space<vmem>>, vector<1x1x1x3xf32>
      %swap3A_75 = vector.shape_cast %swap3A_74 : vector<1x1x1x3xf32> to vector<1x3xf32>
      %swap3A_76 = vector.shape_cast %slice3A_69 : vector<1x3xf32> to vector<1x1x1x3xf32>
      tpu.vector_store %arg5[%swap3A_70, %swap3A_71, %swap3A_72, %swap3A_73], %swap3A_76 {strides = array<i32>} : memref<1x32x24x3xf32, #tpu.memory_space<vmem>>, vector<1x1x1x3xf32>,
      %get3A_77 = arith.constant 0 : index
      %get3A_78 = arith.index_cast %scan3A_4 : i32 to index
      %get3A_79 = arith.constant 3 : index
      %get3A_80 = memref.load %arg2[%get3A_77, %get3A_78, %get3A_79] : memref<1x32x24xi32, #tpu.memory_space<smem>>
      %get3A_81 = arith.constant 0 : index
      %get3A_82 = arith.index_cast %get3A_80 : i32 to index
      %get3A_83 = arith.constant 0 : index
      %get3A_84 = vector.load %arg3[%get3A_81, %get3A_82, %get3A_83] : memref<1x2048x67xf32, #tpu.memory_space<vmem>>, vector<1x1x67xf32>
      %get3A_85 = vector.shape_cast %get3A_84 : vector<1x1x67xf32> to vector<1x67xf32>
      %slice3A_86 = vector.extract_strided_slice %get3A_85 {offsets = [0, 0], sizes = [1, 64], strides = [1, 1]} : vector<1x67xf32> to vector<1x64xf32>
      %swap3A_87 = arith.constant 0 : index
      %swap3A_88 = arith.index_cast %scan3A_4 : i32 to index
      %swap3A_89 = arith.constant 3 : index
      %swap3A_90 = arith.constant 0 : index
      %swap3A_91 = vector.load %arg4[%swap3A_87, %swap3A_88, %swap3A_89, %swap3A_90] : memref<1x32x24x64xf32, #tpu.memory_space<vmem>>, vector<1x1x1x64xf32>
      %swap3A_92 = vector.shape_cast %swap3A_91 : vector<1x1x1x64xf32> to vector<1x64xf32>
      %swap3A_93 = vector.shape_cast %slice3A_86 : vector<1x64xf32> to vector<1x1x1x64xf32>
      tpu.vector_store %arg4[%swap3A_87, %swap3A_88, %swap3A_89, %swap3A_90], %swap3A_93 {strides = array<i32>} : memref<1x32x24x64xf32, #tpu.memory_space<vmem>>, vector<1x1x1x64xf32>,
      %slice3A_94 = vector.extract_strided_slice %get3A_85 {offsets = [0, 64], sizes = [1, 3], strides = [1, 1]} : vector<1x67xf32> to vector<1x3xf32>
      %swap3A_95 = arith.constant 0 : index
      %swap3A_96 = arith.index_cast %scan3A_4 : i32 to index
      %swap3A_97 = arith.constant 3 : index
      %swap3A_98 = arith.constant 0 : index
      %swap3A_99 = vector.load %arg5[%swap3A_95, %swap3A_96, %swap3A_97, %swap3A_98] : memref<1x32x24x3xf32, #tpu.memory_space<vmem>>, vector<1x1x1x3xf32>
      %swap3A_100 = vector.shape_cast %swap3A_99 : vector<1x1x1x3xf32> to vector<1x3xf32>
      %swap3A_101 = vector.shape_cast %slice3A_94 : vector<1x3xf32> to vector<1x1x1x3xf32>
      tpu.vector_store %arg5[%swap3A_95, %swap3A_96, %swap3A_97, %swap3A_98], %swap3A_101 {strides = array<i32>} : memref<1x32x24x3xf32, #tpu.memory_space<vmem>>, vector<1x1x1x3xf32>,
      %get3A_102 = arith.constant 0 : index
      %get3A_103 = arith.index_cast %scan3A_4 : i32 to index
      %get3A_104 = arith.constant 4 : index
      %get3A_105 = memref.load %arg2[%get3A_102, %get3A_103, %get3A_104] : memref<1x32x24xi32, #tpu.memory_space<smem>>
      %get3A_106 = arith.constant 0 : index
      %get3A_107 = arith.index_cast %get3A_105 : i32 to index
      %get3A_108 = arith.constant 0 : index
      %get3A_109 = vector.load %arg3[%get3A_106, %get3A_107, %get3A_108] : memref<1x2048x67xf32, #tpu.memory_space<vmem>>, vector<1x1x67xf32>
      %get3A_110 = vector.shape_cast %get3A_109 : vector<1x1x67xf32> to vector<1x67xf32>
      %slice3A_111 = vector.extract_strided_slice %get3A_110 {offsets = [0, 0], sizes = [1, 64], strides = [1, 1]} : vector<1x67xf32> to vector<1x64xf32>
      %swap3A_112 = arith.constant 0 : index
      %swap3A_113 = arith.index_cast %scan3A_4 : i32 to index
      %swap3A_114 = arith.constant 4 : index
      %swap3A_115 = arith.constant 0 : index
      %swap3A_116 = vector.load %arg4[%swap3A_112, %swap3A_113, %swap3A_114, %swap3A_115] : memref<1x32x24x64xf32, #tpu.memory_space<vmem>>, vector<1x1x1x64xf32>
      %swap3A_117 = vector.shape_cast %swap3A_116 : vector<1x1x1x64xf32> to vector<1x64xf32>
      %swap3A_118 = vector.shape_cast %slice3A_111 : vector<1x64xf32> to vector<1x1x1x64xf32>
      tpu.vector_store %arg4[%swap3A_112, %swap3A_113, %swap3A_114, %swap3A_115], %swap3A_118 {strides = array<i32>} : memref<1x32x24x64xf32, #tpu.memory_space<vmem>>, vector<1x1x1x64xf32>,
      %slice3A_119 = vector.extract_strided_slice %get3A_110 {offsets = [0, 64], sizes = [1, 3], strides = [1, 1]} : vector<1x67xf32> to vector<1x3xf32>
      %swap3A_120 = arith.constant 0 : index
      %swap3A_121 = arith.index_cast %scan3A_4 : i32 to index
      %swap3A_122 = arith.constant 4 : index
      %swap3A_123 = arith.constant 0 : index
      %swap3A_124 = vector.load %arg5[%swap3A_120, %swap3A_121, %swap3A_122, %swap3A_123] : memref<1x32x24x3xf32, #tpu.memory_space<vmem>>, vector<1x1x1x3xf32>
      %swap3A_125 = vector.shape_cast %swap3A_124 : vector<1x1x1x3xf32> to vector<1x3xf32>
      %swap3A_126 = vector.shape_cast %slice3A_119 : vector<1x3xf32> to vector<1x1x1x3xf32>
      tpu.vector_store %arg5[%swap3A_120, %swap3A_121, %swap3A_122, %swap3A_123], %swap3A_126 {strides = array<i32>} : memref<1x32x24x3xf32, #tpu.memory_space<vmem>>, vector<1x1x1x3xf32>,
      %get3A_127 = arith.constant 0 : index
      %get3A_128 = arith.index_cast %scan3A_4 : i32 to index
      %get3A_129 = arith.constant 5 : index
      %get3A_130 = memref.load %arg2[%get3A_127, %get3A_128, %get3A_129] : memref<1x32x24xi32, #tpu.memory_space<smem>>
      %get3A_131 = arith.constant 0 : index
      %get3A_132 = arith.index_cast %get3A_130 : i32 to index
      %get3A_133 = arith.constant 0 : index
      %get3A_134 = vector.load %arg3[%get3A_131, %get3A_132, %get3A_133] : memref<1x2048x67xf32, #tpu.memory_space<vmem>>, vector<1x1x67xf32>
      %get3A_135 = vector.shape_cast %get3A_134 : vector<1x1x67xf32> to vector<1x67xf32>
      %slice3A_136 = vector.extract_strided_slice %get3A_135 {offsets = [0, 0], sizes = [1, 64], strides = [1, 1]} : vector<1x67xf32> to vector<1x64xf32>
      %swap3A_137 = arith.constant 0 : index
      %swap3A_138 = arith.index_cast %scan3A_4 : i32 to index
      %swap3A_139 = arith.constant 5 : index
      %swap3A_140 = arith.constant 0 : index
      %swap3A_141 = vector.load %arg4[%swap3A_137, %swap3A_138, %swap3A_139, %swap3A_140] : memref<1x32x24x64xf32, #tpu.memory_space<vmem>>, vector<1x1x1x64xf32>
      %swap3A_142 = vector.shape_cast %swap3A_141 : vector<1x1x1x64xf32> to vector<1x64xf32>
      %swap3A_143 = vector.shape_cast %slice3A_136 : vector<1x64xf32> to vector<1x1x1x64xf32>
      tpu.vector_store %arg4[%swap3A_137, %swap3A_138, %swap3A_139, %swap3A_140], %swap3A_143 {strides = array<i32>} : memref<1x32x24x64xf32, #tpu.memory_space<vmem>>, vector<1x1x1x64xf32>,
      %slice3A_144 = vector.extract_strided_slice %get3A_135 {offsets = [0, 64], sizes = [1, 3], strides = [1, 1]} : vector<1x67xf32> to vector<1x3xf32>
      %swap3A_145 = arith.constant 0 : index
      %swap3A_146 = arith.index_cast %scan3A_4 : i32 to index
      %swap3A_147 = arith.constant 5 : index
      %swap3A_148 = arith.constant 0 : index
      %swap3A_149 = vector.load %arg5[%swap3A_145, %swap3A_146, %swap3A_147, %swap3A_148] : memref<1x32x24x3xf32, #tpu.memory_space<vmem>>, vector<1x1x1x3xf32>
      %swap3A_150 = vector.shape_cast %swap3A_149 : vector<1x1x1x3xf32> to vector<1x3xf32>
      %swap3A_151 = vector.shape_cast %slice3A_144 : vector<1x3xf32> to vector<1x1x1x3xf32>
      tpu.vector_store %arg5[%swap3A_145, %swap3A_146, %swap3A_147, %swap3A_148], %swap3A_151 {strides = array<i32>} : memref<1x32x24x3xf32, #tpu.memory_space<vmem>>, vector<1x1x1x3xf32>,
      %get3A_152 = arith.constant 0 : index
      %get3A_153 = arith.index_cast %scan3A_4 : i32 to index
      %get3A_154 = arith.constant 6 : index
      %get3A_155 = memref.load %arg2[%get3A_152, %get3A_153, %get3A_154] : memref<1x32x24xi32, #tpu.memory_space<smem>>
      %get3A_156 = arith.constant 0 : index
      %get3A_157 = arith.index_cast %get3A_155 : i32 to index
      %get3A_158 = arith.constant 0 : index
      %get3A_159 = vector.load %arg3[%get3A_156, %get3A_157, %get3A_158] : memref<1x2048x67xf32, #tpu.memory_space<vmem>>, vector<1x1x67xf32>
      %get3A_160 = vector.shape_cast %get3A_159 : vector<1x1x67xf32> to vector<1x67xf32>
      %slice3A_161 = vector.extract_strided_slice %get3A_160 {offsets = [0, 0], sizes = [1, 64], strides = [1, 1]} : vector<1x67xf32> to vector<1x64xf32>
      %swap3A_162 = arith.constant 0 : index
      %swap3A_163 = arith.index_cast %scan3A_4 : i32 to index
      %swap3A_164 = arith.constant 6 : index
      %swap3A_165 = arith.constant 0 : index
      %swap3A_166 = vector.load %arg4[%swap3A_162, %swap3A_163, %swap3A_164, %swap3A_165] : memref<1x32x24x64xf32, #tpu.memory_space<vmem>>, vector<1x1x1x64xf32>
      %swap3A_167 = vector.shape_cast %swap3A_166 : vector<1x1x1x64xf32> to vector<1x64xf32>
      %swap3A_168 = vector.shape_cast %slice3A_161 : vector<1x64xf32> to vector<1x1x1x64xf32>
      tpu.vector_store %arg4[%swap3A_162, %swap3A_163, %swap3A_164, %swap3A_165], %swap3A_168 {strides = array<i32>} : memref<1x32x24x64xf32, #tpu.memory_space<vmem>>, vector<1x1x1x64xf32>,
      %slice3A_169 = vector.extract_strided_slice %get3A_160 {offsets = [0, 64], sizes = [1, 3], strides = [1, 1]} : vector<1x67xf32> to vector<1x3xf32>
      %swap3A_170 = arith.constant 0 : index
      %swap3A_171 = arith.index_cast %scan3A_4 : i32 to index
      %swap3A_172 = arith.constant 6 : index
      %swap3A_173 = arith.constant 0 : index
      %swap3A_174 = vector.load %arg5[%swap3A_170, %swap3A_171, %swap3A_172, %swap3A_173] : memref<1x32x24x3xf32, #tpu.memory_space<vmem>>, vector<1x1x1x3xf32>
      %swap3A_175 = vector.shape_cast %swap3A_174 : vector<1x1x1x3xf32> to vector<1x3xf32>
      %swap3A_176 = vector.shape_cast %slice3A_169 : vector<1x3xf32> to vector<1x1x1x3xf32>
      tpu.vector_store %arg5[%swap3A_170, %swap3A_171, %swap3A_172, %swap3A_173], %swap3A_176 {strides = array<i32>} : memref<1x32x24x3xf32, #tpu.memory_space<vmem>>, vector<1x1x1x3xf32>,
      %get3A_177 = arith.constant 0 : index
      %get3A_178 = arith.index_cast %scan3A_4 : i32 to index
      %get3A_179 = arith.constant 7 : index
      %get3A_180 = memref.load %arg2[%get3A_177, %get3A_178, %get3A_179] : memref<1x32x24xi32, #tpu.memory_space<smem>>
      %get3A_181 = arith.constant 0 : index
      %get3A_182 = arith.index_cast %get3A_180 : i32 to index
      %get3A_183 = arith.constant 0 : index
      %get3A_184 = vector.load %arg3[%get3A_181, %get3A_182, %get3A_183] : memref<1x2048x67xf32, #tpu.memory_space<vmem>>, vector<1x1x67xf32>
      %get3A_185 = vector.shape_cast %get3A_184 : vector<1x1x67xf32> to vector<1x67xf32>
      %slice3A_186 = vector.extract_strided_slice %get3A_185 {offsets = [0, 0], sizes = [1, 64], strides = [1, 1]} : vector<1x67xf32> to vector<1x64xf32>
      %swap3A_187 = arith.constant 0 : index
      %swap3A_188 = arith.index_cast %scan3A_4 : i32 to index
      %swap3A_189 = arith.constant 7 : index
      %swap3A_190 = arith.constant 0 : index
      %swap3A_191 = vector.load %arg4[%swap3A_187, %swap3A_188, %swap3A_189, %swap3A_190] : memref<1x32x24x64xf32, #tpu.memory_space<vmem>>, vector<1x1x1x64xf32>
      %swap3A_192 = vector.shape_cast %swap3A_191 : vector<1x1x1x64xf32> to vector<1x64xf32>
      %swap3A_193 = vector.shape_cast %slice3A_186 : vector<1x64xf32> to vector<1x1x1x64xf32>
      tpu.vector_store %arg4[%swap3A_187, %swap3A_188, %swap3A_189, %swap3A_190], %swap3A_193 {strides = array<i32>} : memref<1x32x24x64xf32, #tpu.memory_space<vmem>>, vector<1x1x1x64xf32>,
      %slice3A_194 = vector.extract_strided_slice %get3A_185 {offsets = [0, 64], sizes = [1, 3], strides = [1, 1]} : vector<1x67xf32> to vector<1x3xf32>
      %swap3A_195 = arith.constant 0 : index
      %swap3A_196 = arith.index_cast %scan3A_4 : i32 to index
      %swap3A_197 = arith.constant 7 : index
      %swap3A_198 = arith.constant 0 : index
      %swap3A_199 = vector.load %arg5[%swap3A_195, %swap3A_196, %swap3A_197, %swap3A_198] : memref<1x32x24x3xf32, #tpu.memory_space<vmem>>, vector<1x1x1x3xf32>
      %swap3A_200 = vector.shape_cast %swap3A_199 : vector<1x1x1x3xf32> to vector<1x3xf32>
      %swap3A_201 = vector.shape_cast %slice3A_194 : vector<1x3xf32> to vector<1x1x1x3xf32>
      tpu.vector_store %arg5[%swap3A_195, %swap3A_196, %swap3A_197, %swap3A_198], %swap3A_201 {strides = array<i32>} : memref<1x32x24x3xf32, #tpu.memory_space<vmem>>, vector<1x1x1x3xf32>,
      %get3A_202 = arith.constant 0 : index
      %get3A_203 = arith.index_cast %scan3A_4 : i32 to index
      %get3A_204 = arith.constant 8 : index
      %get3A_205 = memref.load %arg2[%get3A_202, %get3A_203, %get3A_204] : memref<1x32x24xi32, #tpu.memory_space<smem>>
      %get3A_206 = arith.constant 0 : index
      %get3A_207 = arith.index_cast %get3A_205 : i32 to index
      %get3A_208 = arith.constant 0 : index
      %get3A_209 = vector.load %arg3[%get3A_206, %get3A_207, %get3A_208] : memref<1x2048x67xf32, #tpu.memory_space<vmem>>, vector<1x1x67xf32>
      %get3A_210 = vector.shape_cast %get3A_209 : vector<1x1x67xf32> to vector<1x67xf32>
      %slice3A_211 = vector.extract_strided_slice %get3A_210 {offsets = [0, 0], sizes = [1, 64], strides = [1, 1]} : vector<1x67xf32> to vector<1x64xf32>
      %swap3A_212 = arith.constant 0 : index
      %swap3A_213 = arith.index_cast %scan3A_4 : i32 to index
      %swap3A_214 = arith.constant 8 : index
      %swap3A_215 = arith.constant 0 : index
      %swap3A_216 = vector.load %arg4[%swap3A_212, %swap3A_213, %swap3A_214, %swap3A_215] : memref<1x32x24x64xf32, #tpu.memory_space<vmem>>, vector<1x1x1x64xf32>
      %swap3A_217 = vector.shape_cast %swap3A_216 : vector<1x1x1x64xf32> to vector<1x64xf32>
      %swap3A_218 = vector.shape_cast %slice3A_211 : vector<1x64xf32> to vector<1x1x1x64xf32>
      tpu.vector_store %arg4[%swap3A_212, %swap3A_213, %swap3A_214, %swap3A_215], %swap3A_218 {strides = array<i32>} : memref<1x32x24x64xf32, #tpu.memory_space<vmem>>, vector<1x1x1x64xf32>,
      %slice3A_219 = vector.extract_strided_slice %get3A_210 {offsets = [0, 64], sizes = [1, 3], strides = [1, 1]} : vector<1x67xf32> to vector<1x3xf32>
      %swap3A_220 = arith.constant 0 : index
      %swap3A_221 = arith.index_cast %scan3A_4 : i32 to index
      %swap3A_222 = arith.constant 8 : index
      %swap3A_223 = arith.constant 0 : index
      %swap3A_224 = vector.load %arg5[%swap3A_220, %swap3A_221, %swap3A_222, %swap3A_223] : memref<1x32x24x3xf32, #tpu.memory_space<vmem>>, vector<1x1x1x3xf32>
      %swap3A_225 = vector.shape_cast %swap3A_224 : vector<1x1x1x3xf32> to vector<1x3xf32>
      %swap3A_226 = vector.shape_cast %slice3A_219 : vector<1x3xf32> to vector<1x1x1x3xf32>
      tpu.vector_store %arg5[%swap3A_220, %swap3A_221, %swap3A_222, %swap3A_223], %swap3A_226 {strides = array<i32>} : memref<1x32x24x3xf32, #tpu.memory_space<vmem>>, vector<1x1x1x3xf32>,
      %get3A_227 = arith.constant 0 : index
      %get3A_228 = arith.index_cast %scan3A_4 : i32 to index
      %get3A_229 = arith.constant 9 : index
      %get3A_230 = memref.load %arg2[%get3A_227, %get3A_228, %get3A_229] : memref<1x32x24xi32, #tpu.memory_space<smem>>
      %get3A_231 = arith.constant 0 : index
      %get3A_232 = arith.index_cast %get3A_230 : i32 to index
      %get3A_233 = arith.constant 0 : index
      %get3A_234 = vector.load %arg3[%get3A_231, %get3A_232, %get3A_233] : memref<1x2048x67xf32, #tpu.memory_space<vmem>>, vector<1x1x67xf32>
      %get3A_235 = vector.shape_cast %get3A_234 : vector<1x1x67xf32> to vector<1x67xf32>
      %slice3A_236 = vector.extract_strided_slice %get3A_235 {offsets = [0, 0], sizes = [1, 64], strides = [1, 1]} : vector<1x67xf32> to vector<1x64xf32>
      %swap3A_237 = arith.constant 0 : index
      %swap3A_238 = arith.index_cast %scan3A_4 : i32 to index
      %swap3A_239 = arith.constant 9 : index
      %swap3A_240 = arith.constant 0 : index
      %swap3A_241 = vector.load %arg4[%swap3A_237, %swap3A_238, %swap3A_239, %swap3A_240] : memref<1x32x24x64xf32, #tpu.memory_space<vmem>>, vector<1x1x1x64xf32>
      %swap3A_242 = vector.shape_cast %swap3A_241 : vector<1x1x1x64xf32> to vector<1x64xf32>
      %swap3A_243 = vector.shape_cast %slice3A_236 : vector<1x64xf32> to vector<1x1x1x64xf32>
      tpu.vector_store %arg4[%swap3A_237, %swap3A_238, %swap3A_239, %swap3A_240], %swap3A_243 {strides = array<i32>} : memref<1x32x24x64xf32, #tpu.memory_space<vmem>>, vector<1x1x1x64xf32>,
      %slice3A_244 = vector.extract_strided_slice %get3A_235 {offsets = [0, 64], sizes = [1, 3], strides = [1, 1]} : vector<1x67xf32> to vector<1x3xf32>
      %swap3A_245 = arith.constant 0 : index
      %swap3A_246 = arith.index_cast %scan3A_4 : i32 to index
      %swap3A_247 = arith.constant 9 : index
      %swap3A_248 = arith.constant 0 : index
      %swap3A_249 = vector.load %arg5[%swap3A_245, %swap3A_246, %swap3A_247, %swap3A_248] : memref<1x32x24x3xf32, #tpu.memory_space<vmem>>, vector<1x1x1x3xf32>
      %swap3A_250 = vector.shape_cast %swap3A_249 : vector<1x1x1x3xf32> to vector<1x3xf32>
      %swap3A_251 = vector.shape_cast %slice3A_244 : vector<1x3xf32> to vector<1x1x1x3xf32>
      tpu.vector_store %arg5[%swap3A_245, %swap3A_246, %swap3A_247, %swap3A_248], %swap3A_251 {strides = array<i32>} : memref<1x32x24x3xf32, #tpu.memory_space<vmem>>, vector<1x1x1x3xf32>,
      %get3A_252 = arith.constant 0 : index
      %get3A_253 = arith.index_cast %scan3A_4 : i32 to index
      %get3A_254 = arith.constant 10 : index
      %get3A_255 = memref.load %arg2[%get3A_252, %get3A_253, %get3A_254] : memref<1x32x24xi32, #tpu.memory_space<smem>>
      %get3A_256 = arith.constant 0 : index
      %get3A_257 = arith.index_cast %get3A_255 : i32 to index
      %get3A_258 = arith.constant 0 : index
      %get3A_259 = vector.load %arg3[%get3A_256, %get3A_257, %get3A_258] : memref<1x2048x67xf32, #tpu.memory_space<vmem>>, vector<1x1x67xf32>
      %get3A_260 = vector.shape_cast %get3A_259 : vector<1x1x67xf32> to vector<1x67xf32>
      %slice3A_261 = vector.extract_strided_slice %get3A_260 {offsets = [0, 0], sizes = [1, 64], strides = [1, 1]} : vector<1x67xf32> to vector<1x64xf32>
      %swap3A_262 = arith.constant 0 : index
      %swap3A_263 = arith.index_cast %scan3A_4 : i32 to index
      %swap3A_264 = arith.constant 10 : index
      %swap3A_265 = arith.constant 0 : index
      %swap3A_266 = vector.load %arg4[%swap3A_262, %swap3A_263, %swap3A_264, %swap3A_265] : memref<1x32x24x64xf32, #tpu.memory_space<vmem>>, vector<1x1x1x64xf32>
      %swap3A_267 = vector.shape_cast %swap3A_266 : vector<1x1x1x64xf32> to vector<1x64xf32>
      %swap3A_268 = vector.shape_cast %slice3A_261 : vector<1x64xf32> to vector<1x1x1x64xf32>
      tpu.vector_store %arg4[%swap3A_262, %swap3A_263, %swap3A_264, %swap3A_265], %swap3A_268 {strides = array<i32>} : memref<1x32x24x64xf32, #tpu.memory_space<vmem>>, vector<1x1x1x64xf32>,
      %slice3A_269 = vector.extract_strided_slice %get3A_260 {offsets = [0, 64], sizes = [1, 3], strides = [1, 1]} : vector<1x67xf32> to vector<1x3xf32>
      %swap3A_270 = arith.constant 0 : index
      %swap3A_271 = arith.index_cast %scan3A_4 : i32 to index
      %swap3A_272 = arith.constant 10 : index
      %swap3A_273 = arith.constant 0 : index
      %swap3A_274 = vector.load %arg5[%swap3A_270, %swap3A_271, %swap3A_272, %swap3A_273] : memref<1x32x24x3xf32, #tpu.memory_space<vmem>>, vector<1x1x1x3xf32>
      %swap3A_275 = vector.shape_cast %swap3A_274 : vector<1x1x1x3xf32> to vector<1x3xf32>
      %swap3A_276 = vector.shape_cast %slice3A_269 : vector<1x3xf32> to vector<1x1x1x3xf32>
      tpu.vector_store %arg5[%swap3A_270, %swap3A_271, %swap3A_272, %swap3A_273], %swap3A_276 {strides = array<i32>} : memref<1x32x24x3xf32, #tpu.memory_space<vmem>>, vector<1x1x1x3xf32>,
      %get3A_277 = arith.constant 0 : index
      %get3A_278 = arith.index_cast %scan3A_4 : i32 to index
      %get3A_279 = arith.constant 11 : index
      %get3A_280 = memref.load %arg2[%get3A_277, %get3A_278, %get3A_279] : memref<1x32x24xi32, #tpu.memory_space<smem>>
      %get3A_281 = arith.constant 0 : index
      %get3A_282 = arith.index_cast %get3A_280 : i32 to index
      %get3A_283 = arith.constant 0 : index
      %get3A_284 = vector.load %arg3[%get3A_281, %get3A_282, %get3A_283] : memref<1x2048x67xf32, #tpu.memory_space<vmem>>, vector<1x1x67xf32>
      %get3A_285 = vector.shape_cast %get3A_284 : vector<1x1x67xf32> to vector<1x67xf32>
      %slice3A_286 = vector.extract_strided_slice %get3A_285 {offsets = [0, 0], sizes = [1, 64], strides = [1, 1]} : vector<1x67xf32> to vector<1x64xf32>
      %swap3A_287 = arith.constant 0 : index
      %swap3A_288 = arith.index_cast %scan3A_4 : i32 to index
      %swap3A_289 = arith.constant 11 : index
      %swap3A_290 = arith.constant 0 : index
      %swap3A_291 = vector.load %arg4[%swap3A_287, %swap3A_288, %swap3A_289, %swap3A_290] : memref<1x32x24x64xf32, #tpu.memory_space<vmem>>, vector<1x1x1x64xf32>
      %swap3A_292 = vector.shape_cast %swap3A_291 : vector<1x1x1x64xf32> to vector<1x64xf32>
      %swap3A_293 = vector.shape_cast %slice3A_286 : vector<1x64xf32> to vector<1x1x1x64xf32>
      tpu.vector_store %arg4[%swap3A_287, %swap3A_288, %swap3A_289, %swap3A_290], %swap3A_293 {strides = array<i32>} : memref<1x32x24x64xf32, #tpu.memory_space<vmem>>, vector<1x1x1x64xf32>,
      %slice3A_294 = vector.extract_strided_slice %get3A_285 {offsets = [0, 64], sizes = [1, 3], strides = [1, 1]} : vector<1x67xf32> to vector<1x3xf32>
      %swap3A_295 = arith.constant 0 : index
      %swap3A_296 = arith.index_cast %scan3A_4 : i32 to index
      %swap3A_297 = arith.constant 11 : index
      %swap3A_298 = arith.constant 0 : index
      %swap3A_299 = vector.load %arg5[%swap3A_295, %swap3A_296, %swap3A_297, %swap3A_298] : memref<1x32x24x3xf32, #tpu.memory_space<vmem>>, vector<1x1x1x3xf32>
      %swap3A_300 = vector.shape_cast %swap3A_299 : vector<1x1x1x3xf32> to vector<1x3xf32>
      %swap3A_301 = vector.shape_cast %slice3A_294 : vector<1x3xf32> to vector<1x1x1x3xf32>
      tpu.vector_store %arg5[%swap3A_295, %swap3A_296, %swap3A_297, %swap3A_298], %swap3A_301 {strides = array<i32>} : memref<1x32x24x3xf32, #tpu.memory_space<vmem>>, vector<1x1x1x3xf32>,
      %get3A_302 = arith.constant 0 : index
      %get3A_303 = arith.index_cast %scan3A_4 : i32 to index
      %get3A_304 = arith.constant 12 : index
      %get3A_305 = memref.load %arg2[%get3A_302, %get3A_303, %get3A_304] : memref<1x32x24xi32, #tpu.memory_space<smem>>
      %get3A_306 = arith.constant 0 : index
      %get3A_307 = arith.index_cast %get3A_305 : i32 to index
      %get3A_308 = arith.constant 0 : index
      %get3A_309 = vector.load %arg3[%get3A_306, %get3A_307, %get3A_308] : memref<1x2048x67xf32, #tpu.memory_space<vmem>>, vector<1x1x67xf32>
      %get3A_310 = vector.shape_cast %get3A_309 : vector<1x1x67xf32> to vector<1x67xf32>
      %slice3A_311 = vector.extract_strided_slice %get3A_310 {offsets = [0, 0], sizes = [1, 64], strides = [1, 1]} : vector<1x67xf32> to vector<1x64xf32>
      %swap3A_312 = arith.constant 0 : index
      %swap3A_313 = arith.index_cast %scan3A_4 : i32 to index
      %swap3A_314 = arith.constant 12 : index
      %swap3A_315 = arith.constant 0 : index
      %swap3A_316 = vector.load %arg4[%swap3A_312, %swap3A_313, %swap3A_314, %swap3A_315] : memref<1x32x24x64xf32, #tpu.memory_space<vmem>>, vector<1x1x1x64xf32>
      %swap3A_317 = vector.shape_cast %swap3A_316 : vector<1x1x1x64xf32> to vector<1x64xf32>
      %swap3A_318 = vector.shape_cast %slice3A_311 : vector<1x64xf32> to vector<1x1x1x64xf32>
      tpu.vector_store %arg4[%swap3A_312, %swap3A_313, %swap3A_314, %swap3A_315], %swap3A_318 {strides = array<i32>} : memref<1x32x24x64xf32, #tpu.memory_space<vmem>>, vector<1x1x1x64xf32>,
      %slice3A_319 = vector.extract_strided_slice %get3A_310 {offsets = [0, 64], sizes = [1, 3], strides = [1, 1]} : vector<1x67xf32> to vector<1x3xf32>
      %swap3A_320 = arith.constant 0 : index
      %swap3A_321 = arith.index_cast %scan3A_4 : i32 to index
      %swap3A_322 = arith.constant 12 : index
      %swap3A_323 = arith.constant 0 : index
      %swap3A_324 = vector.load %arg5[%swap3A_320, %swap3A_321, %swap3A_322, %swap3A_323] : memref<1x32x24x3xf32, #tpu.memory_space<vmem>>, vector<1x1x1x3xf32>
      %swap3A_325 = vector.shape_cast %swap3A_324 : vector<1x1x1x3xf32> to vector<1x3xf32>
      %swap3A_326 = vector.shape_cast %slice3A_319 : vector<1x3xf32> to vector<1x1x1x3xf32>
      tpu.vector_store %arg5[%swap3A_320, %swap3A_321, %swap3A_322, %swap3A_323], %swap3A_326 {strides = array<i32>} : memref<1x32x24x3xf32, #tpu.memory_space<vmem>>, vector<1x1x1x3xf32>,
      %get3A_327 = arith.constant 0 : index
      %get3A_328 = arith.index_cast %scan3A_4 : i32 to index
      %get3A_329 = arith.constant 13 : index
      %get3A_330 = memref.load %arg2[%get3A_327, %get3A_328, %get3A_329] : memref<1x32x24xi32, #tpu.memory_space<smem>>
      %get3A_331 = arith.constant 0 : index
      %get3A_332 = arith.index_cast %get3A_330 : i32 to index
      %get3A_333 = arith.constant 0 : index
      %get3A_334 = vector.load %arg3[%get3A_331, %get3A_332, %get3A_333] : memref<1x2048x67xf32, #tpu.memory_space<vmem>>, vector<1x1x67xf32>
      %get3A_335 = vector.shape_cast %get3A_334 : vector<1x1x67xf32> to vector<1x67xf32>
      %slice3A_336 = vector.extract_strided_slice %get3A_335 {offsets = [0, 0], sizes = [1, 64], strides = [1, 1]} : vector<1x67xf32> to vector<1x64xf32>
      %swap3A_337 = arith.constant 0 : index
      %swap3A_338 = arith.index_cast %scan3A_4 : i32 to index
      %swap3A_339 = arith.constant 13 : index
      %swap3A_340 = arith.constant 0 : index
      %swap3A_341 = vector.load %arg4[%swap3A_337, %swap3A_338, %swap3A_339, %swap3A_340] : memref<1x32x24x64xf32, #tpu.memory_space<vmem>>, vector<1x1x1x64xf32>
      %swap3A_342 = vector.shape_cast %swap3A_341 : vector<1x1x1x64xf32> to vector<1x64xf32>
      %swap3A_343 = vector.shape_cast %slice3A_336 : vector<1x64xf32> to vector<1x1x1x64xf32>
      tpu.vector_store %arg4[%swap3A_337, %swap3A_338, %swap3A_339, %swap3A_340], %swap3A_343 {strides = array<i32>} : memref<1x32x24x64xf32, #tpu.memory_space<vmem>>, vector<1x1x1x64xf32>,
      %slice3A_344 = vector.extract_strided_slice %get3A_335 {offsets = [0, 64], sizes = [1, 3], strides = [1, 1]} : vector<1x67xf32> to vector<1x3xf32>
      %swap3A_345 = arith.constant 0 : index
      %swap3A_346 = arith.index_cast %scan3A_4 : i32 to index
      %swap3A_347 = arith.constant 13 : index
      %swap3A_348 = arith.constant 0 : index
      %swap3A_349 = vector.load %arg5[%swap3A_345, %swap3A_346, %swap3A_347, %swap3A_348] : memref<1x32x24x3xf32, #tpu.memory_space<vmem>>, vector<1x1x1x3xf32>
      %swap3A_350 = vector.shape_cast %swap3A_349 : vector<1x1x1x3xf32> to vector<1x3xf32>
      %swap3A_351 = vector.shape_cast %slice3A_344 : vector<1x3xf32> to vector<1x1x1x3xf32>
      tpu.vector_store %arg5[%swap3A_345, %swap3A_346, %swap3A_347, %swap3A_348], %swap3A_351 {strides = array<i32>} : memref<1x32x24x3xf32, #tpu.memory_space<vmem>>, vector<1x1x1x3xf32>,
      %get3A_352 = arith.constant 0 : index
      %get3A_353 = arith.index_cast %scan3A_4 : i32 to index
      %get3A_354 = arith.constant 14 : index
      %get3A_355 = memref.load %arg2[%get3A_352, %get3A_353, %get3A_354] : memref<1x32x24xi32, #tpu.memory_space<smem>>
      %get3A_356 = arith.constant 0 : index
      %get3A_357 = arith.index_cast %get3A_355 : i32 to index
      %get3A_358 = arith.constant 0 : index
      %get3A_359 = vector.load %arg3[%get3A_356, %get3A_357, %get3A_358] : memref<1x2048x67xf32, #tpu.memory_space<vmem>>, vector<1x1x67xf32>
      %get3A_360 = vector.shape_cast %get3A_359 : vector<1x1x67xf32> to vector<1x67xf32>
      %slice3A_361 = vector.extract_strided_slice %get3A_360 {offsets = [0, 0], sizes = [1, 64], strides = [1, 1]} : vector<1x67xf32> to vector<1x64xf32>
      %swap3A_362 = arith.constant 0 : index
      %swap3A_363 = arith.index_cast %scan3A_4 : i32 to index
      %swap3A_364 = arith.constant 14 : index
      %swap3A_365 = arith.constant 0 : index
      %swap3A_366 = vector.load %arg4[%swap3A_362, %swap3A_363, %swap3A_364, %swap3A_365] : memref<1x32x24x64xf32, #tpu.memory_space<vmem>>, vector<1x1x1x64xf32>
      %swap3A_367 = vector.shape_cast %swap3A_366 : vector<1x1x1x64xf32> to vector<1x64xf32>
      %swap3A_368 = vector.shape_cast %slice3A_361 : vector<1x64xf32> to vector<1x1x1x64xf32>
      tpu.vector_store %arg4[%swap3A_362, %swap3A_363, %swap3A_364, %swap3A_365], %swap3A_368 {strides = array<i32>} : memref<1x32x24x64xf32, #tpu.memory_space<vmem>>, vector<1x1x1x64xf32>,
      %slice3A_369 = vector.extract_strided_slice %get3A_360 {offsets = [0, 64], sizes = [1, 3], strides = [1, 1]} : vector<1x67xf32> to vector<1x3xf32>
      %swap3A_370 = arith.constant 0 : index
      %swap3A_371 = arith.index_cast %scan3A_4 : i32 to index
      %swap3A_372 = arith.constant 14 : index
      %swap3A_373 = arith.constant 0 : index
      %swap3A_374 = vector.load %arg5[%swap3A_370, %swap3A_371, %swap3A_372, %swap3A_373] : memref<1x32x24x3xf32, #tpu.memory_space<vmem>>, vector<1x1x1x3xf32>
      %swap3A_375 = vector.shape_cast %swap3A_374 : vector<1x1x1x3xf32> to vector<1x3xf32>
      %swap3A_376 = vector.shape_cast %slice3A_369 : vector<1x3xf32> to vector<1x1x1x3xf32>
      tpu.vector_store %arg5[%swap3A_370, %swap3A_371, %swap3A_372, %swap3A_373], %swap3A_376 {strides = array<i32>} : memref<1x32x24x3xf32, #tpu.memory_space<vmem>>, vector<1x1x1x3xf32>,
      %get3A_377 = arith.constant 0 : index
      %get3A_378 = arith.index_cast %scan3A_4 : i32 to index
      %get3A_379 = arith.constant 15 : index
      %get3A_380 = memref.load %arg2[%get3A_377, %get3A_378, %get3A_379] : memref<1x32x24xi32, #tpu.memory_space<smem>>
      %get3A_381 = arith.constant 0 : index
      %get3A_382 = arith.index_cast %get3A_380 : i32 to index
      %get3A_383 = arith.constant 0 : index
      %get3A_384 = vector.load %arg3[%get3A_381, %get3A_382, %get3A_383] : memref<1x2048x67xf32, #tpu.memory_space<vmem>>, vector<1x1x67xf32>
      %get3A_385 = vector.shape_cast %get3A_384 : vector<1x1x67xf32> to vector<1x67xf32>
      %slice3A_386 = vector.extract_strided_slice %get3A_385 {offsets = [0, 0], sizes = [1, 64], strides = [1, 1]} : vector<1x67xf32> to vector<1x64xf32>
      %swap3A_387 = arith.constant 0 : index
      %swap3A_388 = arith.index_cast %scan3A_4 : i32 to index
      %swap3A_389 = arith.constant 15 : index
      %swap3A_390 = arith.constant 0 : index
      %swap3A_391 = vector.load %arg4[%swap3A_387, %swap3A_388, %swap3A_389, %swap3A_390] : memref<1x32x24x64xf32, #tpu.memory_space<vmem>>, vector<1x1x1x64xf32>
      %swap3A_392 = vector.shape_cast %swap3A_391 : vector<1x1x1x64xf32> to vector<1x64xf32>
      %swap3A_393 = vector.shape_cast %slice3A_386 : vector<1x64xf32> to vector<1x1x1x64xf32>
      tpu.vector_store %arg4[%swap3A_387, %swap3A_388, %swap3A_389, %swap3A_390], %swap3A_393 {strides = array<i32>} : memref<1x32x24x64xf32, #tpu.memory_space<vmem>>, vector<1x1x1x64xf32>,
      %slice3A_394 = vector.extract_strided_slice %get3A_385 {offsets = [0, 64], sizes = [1, 3], strides = [1, 1]} : vector<1x67xf32> to vector<1x3xf32>
      %swap3A_395 = arith.constant 0 : index
      %swap3A_396 = arith.index_cast %scan3A_4 : i32 to index
      %swap3A_397 = arith.constant 15 : index
      %swap3A_398 = arith.constant 0 : index
      %swap3A_399 = vector.load %arg5[%swap3A_395, %swap3A_396, %swap3A_397, %swap3A_398] : memref<1x32x24x3xf32, #tpu.memory_space<vmem>>, vector<1x1x1x3xf32>
      %swap3A_400 = vector.shape_cast %swap3A_399 : vector<1x1x1x3xf32> to vector<1x3xf32>
      %swap3A_401 = vector.shape_cast %slice3A_394 : vector<1x3xf32> to vector<1x1x1x3xf32>
      tpu.vector_store %arg5[%swap3A_395, %swap3A_396, %swap3A_397, %swap3A_398], %swap3A_401 {strides = array<i32>} : memref<1x32x24x3xf32, #tpu.memory_space<vmem>>, vector<1x1x1x3xf32>,
      %get3A_402 = arith.constant 0 : index
      %get3A_403 = arith.index_cast %scan3A_4 : i32 to index
      %get3A_404 = arith.constant 16 : index
      %get3A_405 = memref.load %arg2[%get3A_402, %get3A_403, %get3A_404] : memref<1x32x24xi32, #tpu.memory_space<smem>>
      %get3A_406 = arith.constant 0 : index
      %get3A_407 = arith.index_cast %get3A_405 : i32 to index
      %get3A_408 = arith.constant 0 : index
      %get3A_409 = vector.load %arg3[%get3A_406, %get3A_407, %get3A_408] : memref<1x2048x67xf32, #tpu.memory_space<vmem>>, vector<1x1x67xf32>
      %get3A_410 = vector.shape_cast %get3A_409 : vector<1x1x67xf32> to vector<1x67xf32>
      %slice3A_411 = vector.extract_strided_slice %get3A_410 {offsets = [0, 0], sizes = [1, 64], strides = [1, 1]} : vector<1x67xf32> to vector<1x64xf32>
      %swap3A_412 = arith.constant 0 : index
      %swap3A_413 = arith.index_cast %scan3A_4 : i32 to index
      %swap3A_414 = arith.constant 16 : index
      %swap3A_415 = arith.constant 0 : index
      %swap3A_416 = vector.load %arg4[%swap3A_412, %swap3A_413, %swap3A_414, %swap3A_415] : memref<1x32x24x64xf32, #tpu.memory_space<vmem>>, vector<1x1x1x64xf32>
      %swap3A_417 = vector.shape_cast %swap3A_416 : vector<1x1x1x64xf32> to vector<1x64xf32>
      %swap3A_418 = vector.shape_cast %slice3A_411 : vector<1x64xf32> to vector<1x1x1x64xf32>
      tpu.vector_store %arg4[%swap3A_412, %swap3A_413, %swap3A_414, %swap3A_415], %swap3A_418 {strides = array<i32>} : memref<1x32x24x64xf32, #tpu.memory_space<vmem>>, vector<1x1x1x64xf32>,
      %slice3A_419 = vector.extract_strided_slice %get3A_410 {offsets = [0, 64], sizes = [1, 3], strides = [1, 1]} : vector<1x67xf32> to vector<1x3xf32>
      %swap3A_420 = arith.constant 0 : index
      %swap3A_421 = arith.index_cast %scan3A_4 : i32 to index
      %swap3A_422 = arith.constant 16 : index
      %swap3A_423 = arith.constant 0 : index
      %swap3A_424 = vector.load %arg5[%swap3A_420, %swap3A_421, %swap3A_422, %swap3A_423] : memref<1x32x24x3xf32, #tpu.memory_space<vmem>>, vector<1x1x1x3xf32>
      %swap3A_425 = vector.shape_cast %swap3A_424 : vector<1x1x1x3xf32> to vector<1x3xf32>
      %swap3A_426 = vector.shape_cast %slice3A_419 : vector<1x3xf32> to vector<1x1x1x3xf32>
      tpu.vector_store %arg5[%swap3A_420, %swap3A_421, %swap3A_422, %swap3A_423], %swap3A_426 {strides = array<i32>} : memref<1x32x24x3xf32, #tpu.memory_space<vmem>>, vector<1x1x1x3xf32>,
      %get3A_427 = arith.constant 0 : index
      %get3A_428 = arith.index_cast %scan3A_4 : i32 to index
      %get3A_429 = arith.constant 17 : index
      %get3A_430 = memref.load %arg2[%get3A_427, %get3A_428, %get3A_429] : memref<1x32x24xi32, #tpu.memory_space<smem>>
      %get3A_431 = arith.constant 0 : index
      %get3A_432 = arith.index_cast %get3A_430 : i32 to index
      %get3A_433 = arith.constant 0 : index
      %get3A_434 = vector.load %arg3[%get3A_431, %get3A_432, %get3A_433] : memref<1x2048x67xf32, #tpu.memory_space<vmem>>, vector<1x1x67xf32>
      %get3A_435 = vector.shape_cast %get3A_434 : vector<1x1x67xf32> to vector<1x67xf32>
      %slice3A_436 = vector.extract_strided_slice %get3A_435 {offsets = [0, 0], sizes = [1, 64], strides = [1, 1]} : vector<1x67xf32> to vector<1x64xf32>
      %swap3A_437 = arith.constant 0 : index
      %swap3A_438 = arith.index_cast %scan3A_4 : i32 to index
      %swap3A_439 = arith.constant 17 : index
      %swap3A_440 = arith.constant 0 : index
      %swap3A_441 = vector.load %arg4[%swap3A_437, %swap3A_438, %swap3A_439, %swap3A_440] : memref<1x32x24x64xf32, #tpu.memory_space<vmem>>, vector<1x1x1x64xf32>
      %swap3A_442 = vector.shape_cast %swap3A_441 : vector<1x1x1x64xf32> to vector<1x64xf32>
      %swap3A_443 = vector.shape_cast %slice3A_436 : vector<1x64xf32> to vector<1x1x1x64xf32>
      tpu.vector_store %arg4[%swap3A_437, %swap3A_438, %swap3A_439, %swap3A_440], %swap3A_443 {strides = array<i32>} : memref<1x32x24x64xf32, #tpu.memory_space<vmem>>, vector<1x1x1x64xf32>,
      %slice3A_444 = vector.extract_strided_slice %get3A_435 {offsets = [0, 64], sizes = [1, 3], strides = [1, 1]} : vector<1x67xf32> to vector<1x3xf32>
      %swap3A_445 = arith.constant 0 : index
      %swap3A_446 = arith.index_cast %scan3A_4 : i32 to index
      %swap3A_447 = arith.constant 17 : index
      %swap3A_448 = arith.constant 0 : index
      %swap3A_449 = vector.load %arg5[%swap3A_445, %swap3A_446, %swap3A_447, %swap3A_448] : memref<1x32x24x3xf32, #tpu.memory_space<vmem>>, vector<1x1x1x3xf32>
      %swap3A_450 = vector.shape_cast %swap3A_449 : vector<1x1x1x3xf32> to vector<1x3xf32>
      %swap3A_451 = vector.shape_cast %slice3A_444 : vector<1x3xf32> to vector<1x1x1x3xf32>
      tpu.vector_store %arg5[%swap3A_445, %swap3A_446, %swap3A_447, %swap3A_448], %swap3A_451 {strides = array<i32>} : memref<1x32x24x3xf32, #tpu.memory_space<vmem>>, vector<1x1x1x3xf32>,
      %get3A_452 = arith.constant 0 : index
      %get3A_453 = arith.index_cast %scan3A_4 : i32 to index
      %get3A_454 = arith.constant 18 : index
      %get3A_455 = memref.load %arg2[%get3A_452, %get3A_453, %get3A_454] : memref<1x32x24xi32, #tpu.memory_space<smem>>
      %get3A_456 = arith.constant 0 : index
      %get3A_457 = arith.index_cast %get3A_455 : i32 to index
      %get3A_458 = arith.constant 0 : index
      %get3A_459 = vector.load %arg3[%get3A_456, %get3A_457, %get3A_458] : memref<1x2048x67xf32, #tpu.memory_space<vmem>>, vector<1x1x67xf32>
      %get3A_460 = vector.shape_cast %get3A_459 : vector<1x1x67xf32> to vector<1x67xf32>
      %slice3A_461 = vector.extract_strided_slice %get3A_460 {offsets = [0, 0], sizes = [1, 64], strides = [1, 1]} : vector<1x67xf32> to vector<1x64xf32>
      %swap3A_462 = arith.constant 0 : index
      %swap3A_463 = arith.index_cast %scan3A_4 : i32 to index
      %swap3A_464 = arith.constant 18 : index
      %swap3A_465 = arith.constant 0 : index
      %swap3A_466 = vector.load %arg4[%swap3A_462, %swap3A_463, %swap3A_464, %swap3A_465] : memref<1x32x24x64xf32, #tpu.memory_space<vmem>>, vector<1x1x1x64xf32>
      %swap3A_467 = vector.shape_cast %swap3A_466 : vector<1x1x1x64xf32> to vector<1x64xf32>
      %swap3A_468 = vector.shape_cast %slice3A_461 : vector<1x64xf32> to vector<1x1x1x64xf32>
      tpu.vector_store %arg4[%swap3A_462, %swap3A_463, %swap3A_464, %swap3A_465], %swap3A_468 {strides = array<i32>} : memref<1x32x24x64xf32, #tpu.memory_space<vmem>>, vector<1x1x1x64xf32>,
      %slice3A_469 = vector.extract_strided_slice %get3A_460 {offsets = [0, 64], sizes = [1, 3], strides = [1, 1]} : vector<1x67xf32> to vector<1x3xf32>
      %swap3A_470 = arith.constant 0 : index
      %swap3A_471 = arith.index_cast %scan3A_4 : i32 to index
      %swap3A_472 = arith.constant 18 : index
      %swap3A_473 = arith.constant 0 : index
      %swap3A_474 = vector.load %arg5[%swap3A_470, %swap3A_471, %swap3A_472, %swap3A_473] : memref<1x32x24x3xf32, #tpu.memory_space<vmem>>, vector<1x1x1x3xf32>
      %swap3A_475 = vector.shape_cast %swap3A_474 : vector<1x1x1x3xf32> to vector<1x3xf32>
      %swap3A_476 = vector.shape_cast %slice3A_469 : vector<1x3xf32> to vector<1x1x1x3xf32>
      tpu.vector_store %arg5[%swap3A_470, %swap3A_471, %swap3A_472, %swap3A_473], %swap3A_476 {strides = array<i32>} : memref<1x32x24x3xf32, #tpu.memory_space<vmem>>, vector<1x1x1x3xf32>,
      %get3A_477 = arith.constant 0 : index
      %get3A_478 = arith.index_cast %scan3A_4 : i32 to index
      %get3A_479 = arith.constant 19 : index
      %get3A_480 = memref.load %arg2[%get3A_477, %get3A_478, %get3A_479] : memref<1x32x24xi32, #tpu.memory_space<smem>>
      %get3A_481 = arith.constant 0 : index
      %get3A_482 = arith.index_cast %get3A_480 : i32 to index
      %get3A_483 = arith.constant 0 : index
      %get3A_484 = vector.load %arg3[%get3A_481, %get3A_482, %get3A_483] : memref<1x2048x67xf32, #tpu.memory_space<vmem>>, vector<1x1x67xf32>
      %get3A_485 = vector.shape_cast %get3A_484 : vector<1x1x67xf32> to vector<1x67xf32>
      %slice3A_486 = vector.extract_strided_slice %get3A_485 {offsets = [0, 0], sizes = [1, 64], strides = [1, 1]} : vector<1x67xf32> to vector<1x64xf32>
      %swap3A_487 = arith.constant 0 : index
      %swap3A_488 = arith.index_cast %scan3A_4 : i32 to index
      %swap3A_489 = arith.constant 19 : index
      %swap3A_490 = arith.constant 0 : index
      %swap3A_491 = vector.load %arg4[%swap3A_487, %swap3A_488, %swap3A_489, %swap3A_490] : memref<1x32x24x64xf32, #tpu.memory_space<vmem>>, vector<1x1x1x64xf32>
      %swap3A_492 = vector.shape_cast %swap3A_491 : vector<1x1x1x64xf32> to vector<1x64xf32>
      %swap3A_493 = vector.shape_cast %slice3A_486 : vector<1x64xf32> to vector<1x1x1x64xf32>
      tpu.vector_store %arg4[%swap3A_487, %swap3A_488, %swap3A_489, %swap3A_490], %swap3A_493 {strides = array<i32>} : memref<1x32x24x64xf32, #tpu.memory_space<vmem>>, vector<1x1x1x64xf32>,
      %slice3A_494 = vector.extract_strided_slice %get3A_485 {offsets = [0, 64], sizes = [1, 3], strides = [1, 1]} : vector<1x67xf32> to vector<1x3xf32>
      %swap3A_495 = arith.constant 0 : index
      %swap3A_496 = arith.index_cast %scan3A_4 : i32 to index
      %swap3A_497 = arith.constant 19 : index
      %swap3A_498 = arith.constant 0 : index
      %swap3A_499 = vector.load %arg5[%swap3A_495, %swap3A_496, %swap3A_497, %swap3A_498] : memref<1x32x24x3xf32, #tpu.memory_space<vmem>>, vector<1x1x1x3xf32>
      %swap3A_500 = vector.shape_cast %swap3A_499 : vector<1x1x1x3xf32> to vector<1x3xf32>
      %swap3A_501 = vector.shape_cast %slice3A_494 : vector<1x3xf32> to vector<1x1x1x3xf32>
      tpu.vector_store %arg5[%swap3A_495, %swap3A_496, %swap3A_497, %swap3A_498], %swap3A_501 {strides = array<i32>} : memref<1x32x24x3xf32, #tpu.memory_space<vmem>>, vector<1x1x1x3xf32>,
      %get3A_502 = arith.constant 0 : index
      %get3A_503 = arith.index_cast %scan3A_4 : i32 to index
      %get3A_504 = arith.constant 20 : index
      %get3A_505 = memref.load %arg2[%get3A_502, %get3A_503, %get3A_504] : memref<1x32x24xi32, #tpu.memory_space<smem>>
      %get3A_506 = arith.constant 0 : index
      %get3A_507 = arith.index_cast %get3A_505 : i32 to index
      %get3A_508 = arith.constant 0 : index
      %get3A_509 = vector.load %arg3[%get3A_506, %get3A_507, %get3A_508] : memref<1x2048x67xf32, #tpu.memory_space<vmem>>, vector<1x1x67xf32>
      %get3A_510 = vector.shape_cast %get3A_509 : vector<1x1x67xf32> to vector<1x67xf32>
      %slice3A_511 = vector.extract_strided_slice %get3A_510 {offsets = [0, 0], sizes = [1, 64], strides = [1, 1]} : vector<1x67xf32> to vector<1x64xf32>
      %swap3A_512 = arith.constant 0 : index
      %swap3A_513 = arith.index_cast %scan3A_4 : i32 to index
      %swap3A_514 = arith.constant 20 : index
      %swap3A_515 = arith.constant 0 : index
      %swap3A_516 = vector.load %arg4[%swap3A_512, %swap3A_513, %swap3A_514, %swap3A_515] : memref<1x32x24x64xf32, #tpu.memory_space<vmem>>, vector<1x1x1x64xf32>
      %swap3A_517 = vector.shape_cast %swap3A_516 : vector<1x1x1x64xf32> to vector<1x64xf32>
      %swap3A_518 = vector.shape_cast %slice3A_511 : vector<1x64xf32> to vector<1x1x1x64xf32>
      tpu.vector_store %arg4[%swap3A_512, %swap3A_513, %swap3A_514, %swap3A_515], %swap3A_518 {strides = array<i32>} : memref<1x32x24x64xf32, #tpu.memory_space<vmem>>, vector<1x1x1x64xf32>,
      %slice3A_519 = vector.extract_strided_slice %get3A_510 {offsets = [0, 64], sizes = [1, 3], strides = [1, 1]} : vector<1x67xf32> to vector<1x3xf32>
      %swap3A_520 = arith.constant 0 : index
      %swap3A_521 = arith.index_cast %scan3A_4 : i32 to index
      %swap3A_522 = arith.constant 20 : index
      %swap3A_523 = arith.constant 0 : index
      %swap3A_524 = vector.load %arg5[%swap3A_520, %swap3A_521, %swap3A_522, %swap3A_523] : memref<1x32x24x3xf32, #tpu.memory_space<vmem>>, vector<1x1x1x3xf32>
      %swap3A_525 = vector.shape_cast %swap3A_524 : vector<1x1x1x3xf32> to vector<1x3xf32>
      %swap3A_526 = vector.shape_cast %slice3A_519 : vector<1x3xf32> to vector<1x1x1x3xf32>
      tpu.vector_store %arg5[%swap3A_520, %swap3A_521, %swap3A_522, %swap3A_523], %swap3A_526 {strides = array<i32>} : memref<1x32x24x3xf32, #tpu.memory_space<vmem>>, vector<1x1x1x3xf32>,
      %get3A_527 = arith.constant 0 : index
      %get3A_528 = arith.index_cast %scan3A_4 : i32 to index
      %get3A_529 = arith.constant 21 : index
      %get3A_530 = memref.load %arg2[%get3A_527, %get3A_528, %get3A_529] : memref<1x32x24xi32, #tpu.memory_space<smem>>
      %get3A_531 = arith.constant 0 : index
      %get3A_532 = arith.index_cast %get3A_530 : i32 to index
      %get3A_533 = arith.constant 0 : index
      %get3A_534 = vector.load %arg3[%get3A_531, %get3A_532, %get3A_533] : memref<1x2048x67xf32, #tpu.memory_space<vmem>>, vector<1x1x67xf32>
      %get3A_535 = vector.shape_cast %get3A_534 : vector<1x1x67xf32> to vector<1x67xf32>
      %slice3A_536 = vector.extract_strided_slice %get3A_535 {offsets = [0, 0], sizes = [1, 64], strides = [1, 1]} : vector<1x67xf32> to vector<1x64xf32>
      %swap3A_537 = arith.constant 0 : index
      %swap3A_538 = arith.index_cast %scan3A_4 : i32 to index
      %swap3A_539 = arith.constant 21 : index
      %swap3A_540 = arith.constant 0 : index
      %swap3A_541 = vector.load %arg4[%swap3A_537, %swap3A_538, %swap3A_539, %swap3A_540] : memref<1x32x24x64xf32, #tpu.memory_space<vmem>>, vector<1x1x1x64xf32>
      %swap3A_542 = vector.shape_cast %swap3A_541 : vector<1x1x1x64xf32> to vector<1x64xf32>
      %swap3A_543 = vector.shape_cast %slice3A_536 : vector<1x64xf32> to vector<1x1x1x64xf32>
      tpu.vector_store %arg4[%swap3A_537, %swap3A_538, %swap3A_539, %swap3A_540], %swap3A_543 {strides = array<i32>} : memref<1x32x24x64xf32, #tpu.memory_space<vmem>>, vector<1x1x1x64xf32>,
      %slice3A_544 = vector.extract_strided_slice %get3A_535 {offsets = [0, 64], sizes = [1, 3], strides = [1, 1]} : vector<1x67xf32> to vector<1x3xf32>
      %swap3A_545 = arith.constant 0 : index
      %swap3A_546 = arith.index_cast %scan3A_4 : i32 to index
      %swap3A_547 = arith.constant 21 : index
      %swap3A_548 = arith.constant 0 : index
      %swap3A_549 = vector.load %arg5[%swap3A_545, %swap3A_546, %swap3A_547, %swap3A_548] : memref<1x32x24x3xf32, #tpu.memory_space<vmem>>, vector<1x1x1x3xf32>
      %swap3A_550 = vector.shape_cast %swap3A_549 : vector<1x1x1x3xf32> to vector<1x3xf32>
      %swap3A_551 = vector.shape_cast %slice3A_544 : vector<1x3xf32> to vector<1x1x1x3xf32>
      tpu.vector_store %arg5[%swap3A_545, %swap3A_546, %swap3A_547, %swap3A_548], %swap3A_551 {strides = array<i32>} : memref<1x32x24x3xf32, #tpu.memory_space<vmem>>, vector<1x1x1x3xf32>,
      %get3A_552 = arith.constant 0 : index
      %get3A_553 = arith.index_cast %scan3A_4 : i32 to index
      %get3A_554 = arith.constant 22 : index
      %get3A_555 = memref.load %arg2[%get3A_552, %get3A_553, %get3A_554] : memref<1x32x24xi32, #tpu.memory_space<smem>>
      %get3A_556 = arith.constant 0 : index
      %get3A_557 = arith.index_cast %get3A_555 : i32 to index
      %get3A_558 = arith.constant 0 : index
      %get3A_559 = vector.load %arg3[%get3A_556, %get3A_557, %get3A_558] : memref<1x2048x67xf32, #tpu.memory_space<vmem>>, vector<1x1x67xf32>
      %get3A_560 = vector.shape_cast %get3A_559 : vector<1x1x67xf32> to vector<1x67xf32>
      %slice3A_561 = vector.extract_strided_slice %get3A_560 {offsets = [0, 0], sizes = [1, 64], strides = [1, 1]} : vector<1x67xf32> to vector<1x64xf32>
      %swap3A_562 = arith.constant 0 : index
      %swap3A_563 = arith.index_cast %scan3A_4 : i32 to index
      %swap3A_564 = arith.constant 22 : index
      %swap3A_565 = arith.constant 0 : index
      %swap3A_566 = vector.load %arg4[%swap3A_562, %swap3A_563, %swap3A_564, %swap3A_565] : memref<1x32x24x64xf32, #tpu.memory_space<vmem>>, vector<1x1x1x64xf32>
      %swap3A_567 = vector.shape_cast %swap3A_566 : vector<1x1x1x64xf32> to vector<1x64xf32>
      %swap3A_568 = vector.shape_cast %slice3A_561 : vector<1x64xf32> to vector<1x1x1x64xf32>
      tpu.vector_store %arg4[%swap3A_562, %swap3A_563, %swap3A_564, %swap3A_565], %swap3A_568 {strides = array<i32>} : memref<1x32x24x64xf32, #tpu.memory_space<vmem>>, vector<1x1x1x64xf32>,
      %slice3A_569 = vector.extract_strided_slice %get3A_560 {offsets = [0, 64], sizes = [1, 3], strides = [1, 1]} : vector<1x67xf32> to vector<1x3xf32>
      %swap3A_570 = arith.constant 0 : index
      %swap3A_571 = arith.index_cast %scan3A_4 : i32 to index
      %swap3A_572 = arith.constant 22 : index
      %swap3A_573 = arith.constant 0 : index
      %swap3A_574 = vector.load %arg5[%swap3A_570, %swap3A_571, %swap3A_572, %swap3A_573] : memref<1x32x24x3xf32, #tpu.memory_space<vmem>>, vector<1x1x1x3xf32>
      %swap3A_575 = vector.shape_cast %swap3A_574 : vector<1x1x1x3xf32> to vector<1x3xf32>
      %swap3A_576 = vector.shape_cast %slice3A_569 : vector<1x3xf32> to vector<1x1x1x3xf32>
      tpu.vector_store %arg5[%swap3A_570, %swap3A_571, %swap3A_572, %swap3A_573], %swap3A_576 {strides = array<i32>} : memref<1x32x24x3xf32, #tpu.memory_space<vmem>>, vector<1x1x1x3xf32>,
      %get3A_577 = arith.constant 0 : index
      %get3A_578 = arith.index_cast %scan3A_4 : i32 to index
      %get3A_579 = arith.constant 23 : index
      %get3A_580 = memref.load %arg2[%get3A_577, %get3A_578, %get3A_579] : memref<1x32x24xi32, #tpu.memory_space<smem>>
      %get3A_581 = arith.constant 0 : index
      %get3A_582 = arith.index_cast %get3A_580 : i32 to index
      %get3A_583 = arith.constant 0 : index
      %get3A_584 = vector.load %arg3[%get3A_581, %get3A_582, %get3A_583] : memref<1x2048x67xf32, #tpu.memory_space<vmem>>, vector<1x1x67xf32>
      %get3A_585 = vector.shape_cast %get3A_584 : vector<1x1x67xf32> to vector<1x67xf32>
      %slice3A_586 = vector.extract_strided_slice %get3A_585 {offsets = [0, 0], sizes = [1, 64], strides = [1, 1]} : vector<1x67xf32> to vector<1x64xf32>
      %swap3A_587 = arith.constant 0 : index
      %swap3A_588 = arith.index_cast %scan3A_4 : i32 to index
      %swap3A_589 = arith.constant 23 : index
      %swap3A_590 = arith.constant 0 : index
      %swap3A_591 = vector.load %arg4[%swap3A_587, %swap3A_588, %swap3A_589, %swap3A_590] : memref<1x32x24x64xf32, #tpu.memory_space<vmem>>, vector<1x1x1x64xf32>
      %swap3A_592 = vector.shape_cast %swap3A_591 : vector<1x1x1x64xf32> to vector<1x64xf32>
      %swap3A_593 = vector.shape_cast %slice3A_586 : vector<1x64xf32> to vector<1x1x1x64xf32>
      tpu.vector_store %arg4[%swap3A_587, %swap3A_588, %swap3A_589, %swap3A_590], %swap3A_593 {strides = array<i32>} : memref<1x32x24x64xf32, #tpu.memory_space<vmem>>, vector<1x1x1x64xf32>,
      %slice3A_594 = vector.extract_strided_slice %get3A_585 {offsets = [0, 64], sizes = [1, 3], strides = [1, 1]} : vector<1x67xf32> to vector<1x3xf32>
      %swap3A_595 = arith.constant 0 : index
      %swap3A_596 = arith.index_cast %scan3A_4 : i32 to index
      %swap3A_597 = arith.constant 23 : index
      %swap3A_598 = arith.constant 0 : index
      %swap3A_599 = vector.load %arg5[%swap3A_595, %swap3A_596, %swap3A_597, %swap3A_598] : memref<1x32x24x3xf32, #tpu.memory_space<vmem>>, vector<1x1x1x3xf32>
      %swap3A_600 = vector.shape_cast %swap3A_599 : vector<1x1x1x3xf32> to vector<1x3xf32>
      %swap3A_601 = vector.shape_cast %slice3A_594 : vector<1x3xf32> to vector<1x1x1x3xf32>
      tpu.vector_store %arg5[%swap3A_595, %swap3A_596, %swap3A_597, %swap3A_598], %swap3A_601 {strides = array<i32>} : memref<1x32x24x3xf32, #tpu.memory_space<vmem>>, vector<1x1x1x3xf32>,
    }
    %scan3A_3 = arith.constant 32 : i32
    return
  }
  func.func @transform_0(%arg0: i32, %arg1: i32) -> (i32, i32, i32) {
    %c0_i32 = arith.constant 0 : i32
    %c0_i32_0 = arith.constant 0 : i32
    return %arg0, %arg1, %c0_i32 : i32, i32, i32
  }
  func.func @transform_1(%arg0: i32, %arg1: i32) -> (i32, i32, i32) {
    %c0_i32 = arith.constant 0 : i32
    %c0_i32_0 = arith.constant 0 : i32
    %c0_i32_1 = arith.constant 0 : i32
    return %arg0, %c0_i32, %c0_i32_0 : i32, i32, i32
  }
  func.func @transform_2(%arg0: i32, %arg1: i32) -> (i32, i32, i32, i32) {
    %c0_i32 = arith.constant 0 : i32
    %c0_i32_0 = arith.constant 0 : i32
    %c0_i32_1 = arith.constant 0 : i32
    return %arg0, %arg1, %c0_i32, %c0_i32_0 : i32, i32, i32, i32
  }
  func.func @transform_3(%arg0: i32, %arg1: i32) -> (i32, i32, i32, i32) {
    %c0_i32 = arith.constant 0 : i32
    %c0_i32_0 = arith.constant 0 : i32
    %c0_i32_1 = arith.constant 0 : i32
    return %arg0, %arg1, %c0_i32, %c0_i32_0 : i32, i32, i32, i32
  }
}

module attributes {stable_mosaic.version = 14 : i64} {
  func.func @_fps_body(%arg0: memref<3x8x512xf32, #tpu.memory_space<vmem>>, %arg1: memref<8x256xi32, #tpu.memory_space<vmem>>) attributes {dimension_semantics = [], scalar_prefetch = 0 : i64, scratch_operands = 0 : i64, tpu.core_type = #tpu.core_type<tc>} {
    %get3A = arith.constant 0 : index
    %get3A_0 = arith.constant 0 : index
    %get3A_1 = arith.constant 0 : index
    %get3A_2 = vector.load %arg0[%get3A, %get3A_0, %get3A_1] : memref<3x8x512xf32, #tpu.memory_space<vmem>>, vector<1x8x512xf32>
    %get3A_3 = vector.shape_cast %get3A_2 : vector<1x8x512xf32> to vector<8x512xf32>
    %get3A_4 = arith.constant 1 : index
    %get3A_5 = arith.constant 0 : index
    %get3A_6 = arith.constant 0 : index
    %get3A_7 = vector.load %arg0[%get3A_4, %get3A_5, %get3A_6] : memref<3x8x512xf32, #tpu.memory_space<vmem>>, vector<1x8x512xf32>
    %get3A_8 = vector.shape_cast %get3A_7 : vector<1x8x512xf32> to vector<8x512xf32>
    %get3A_9 = arith.constant 2 : index
    %get3A_10 = arith.constant 0 : index
    %get3A_11 = arith.constant 0 : index
    %get3A_12 = vector.load %arg0[%get3A_9, %get3A_10, %get3A_11] : memref<3x8x512xf32, #tpu.memory_space<vmem>>, vector<1x8x512xf32>
    %get3A_13 = vector.shape_cast %get3A_12 : vector<1x8x512xf32> to vector<8x512xf32>
    %iota3A = tpu.iota {dimensions = array<i32: 1>} : vector<8x512xi32>
    %iota3A_14 = tpu.iota {dimensions = array<i32: 1>} : vector<8x256xi32>
    %broadcast_in_dim3A = arith.constant 0 : i32
    %broadcast_in_dim3A_15 = vector.broadcast %broadcast_in_dim3A : i32 to vector<8x256xi32>
    %swap3A = arith.constant 0 : index
    %swap3A_16 = arith.constant 0 : index
    %swap3A_17 = vector.load %arg1[%swap3A, %swap3A_16] : memref<8x256xi32, #tpu.memory_space<vmem>>, vector<8x256xi32>
    tpu.vector_store %arg1[%swap3A, %swap3A_16], %broadcast_in_dim3A_15 {strides = array<i32>} : memref<8x256xi32, #tpu.memory_space<vmem>>, vector<8x256xi32>,
    %get3A_18 = arith.constant 0 : index
    %get3A_19 = arith.constant 0 : index
    %get3A_20 = vector.load %arg1[%get3A_18, %get3A_19] : memref<8x256xi32, #tpu.memory_space<vmem>>, vector<8x256xi32>
    %mul3A = arith.mulf %get3A_3, %get3A_3 : vector<8x512xf32>
    %mul3A_21 = arith.constant 0.000000e+00 : f32
    %mul3A_22 = vector.broadcast %mul3A_21 : f32 to vector<8x512xf32>
    %mul3A_23 = arith.mulf %mul3A, %mul3A_22 : vector<8x512xf32>
    %add3A = arith.constant 1.000000e+10 : f32
    %add3A_24 = vector.broadcast %add3A : f32 to vector<8x512xf32>
    %add3A_25 = arith.addf %mul3A_23, %add3A_24 : vector<8x512xf32>
    %min3A = arith.constant 1.000000e+10 : f32
    %min3A_26 = vector.broadcast %min3A : f32 to vector<8x512xf32>
    %min3A_27 = arith.minimumf %add3A_25, %min3A_26 : vector<8x512xf32>
    %broadcast_in_dim3A_28 = arith.constant 0 : i32
    %broadcast_in_dim3A_29 = vector.broadcast %broadcast_in_dim3A_28 : i32 to vector<8x1xi32>
    %scan3A = arith.constant 0 : i32
    %scan3A_30 = arith.constant 256 : i32
    %scan3A_31 = arith.addi %scan3A, %scan3A_30 : i32
    %scan3A_32 = arith.constant 1 : i32
    %scan3A_33:3 = scf.for %scan3A_38 = %scan3A to %scan3A_31 step %scan3A_32 iter_args(%scan3A_39 = %min3A_27, %scan3A_40 = %broadcast_in_dim3A_29, %scan3A_41 = %get3A_20) -> (vector<8x512xf32>, vector<8x1xi32>, vector<8x256xi32>)  : i32 {
      %eq3A = vector.broadcast %scan3A_38 : i32 to vector<8x256xi32>
      %eq3A_42 = arith.cmpi eq, %iota3A_14, %eq3A : vector<8x256xi32>
      %convert_element_type3A = arith.extui %eq3A_42 : vector<8x256xi1> to vector<8x256xi32>
      %mul3A_43 = vector.broadcast %scan3A_40 : vector<8x1xi32> to vector<8x256xi32>
      %mul3A_44 = arith.muli %convert_element_type3A, %mul3A_43 : vector<8x256xi32>
      %add3A_45 = arith.addi %scan3A_41, %mul3A_44 : vector<8x256xi32>
      %eq3A_46 = vector.broadcast %scan3A_40 : vector<8x1xi32> to vector<8x512xi32>
      %eq3A_47 = arith.cmpi eq, %iota3A, %eq3A_46 : vector<8x512xi32>
      %jit3A = arith.constant 0.000000e+00 : f32
      %broadcast_in_dim3A_48 = vector.broadcast %jit3A : f32 to vector<8x512xf32>
      %select_n3A = arith.select %eq3A_47, %get3A_3, %broadcast_in_dim3A_48 : vector<8x512xi1>, vector<8x512xf32>
      %reduce_sum3A = arith.constant dense<0.000000e+00> : vector<8xf32>
      %reduce_sum3A_49 = vector.multi_reduction <add>, %select_n3A, %reduce_sum3A [1] : vector<8x512xf32> to vector<8xf32>
      %broadcast_in_dim3A_50 = vector.shape_cast %reduce_sum3A_49 : vector<8xf32> to vector<8x1xf32>
      %jit3A_51 = arith.constant 0.000000e+00 : f32
      %broadcast_in_dim3A_52 = vector.broadcast %jit3A_51 : f32 to vector<8x512xf32>
      %select_n3A_53 = arith.select %eq3A_47, %get3A_8, %broadcast_in_dim3A_52 : vector<8x512xi1>, vector<8x512xf32>
      %reduce_sum3A_54 = arith.constant dense<0.000000e+00> : vector<8xf32>
      %reduce_sum3A_55 = vector.multi_reduction <add>, %select_n3A_53, %reduce_sum3A_54 [1] : vector<8x512xf32> to vector<8xf32>
      %broadcast_in_dim3A_56 = vector.shape_cast %reduce_sum3A_55 : vector<8xf32> to vector<8x1xf32>
      %jit3A_57 = arith.constant 0.000000e+00 : f32
      %broadcast_in_dim3A_58 = vector.broadcast %jit3A_57 : f32 to vector<8x512xf32>
      %select_n3A_59 = arith.select %eq3A_47, %get3A_13, %broadcast_in_dim3A_58 : vector<8x512xi1>, vector<8x512xf32>
      %reduce_sum3A_60 = arith.constant dense<0.000000e+00> : vector<8xf32>
      %reduce_sum3A_61 = vector.multi_reduction <add>, %select_n3A_59, %reduce_sum3A_60 [1] : vector<8x512xf32> to vector<8xf32>
      %broadcast_in_dim3A_62 = vector.shape_cast %reduce_sum3A_61 : vector<8xf32> to vector<8x1xf32>
      %sub3A = vector.broadcast %broadcast_in_dim3A_50 : vector<8x1xf32> to vector<8x512xf32>
      %sub3A_63 = arith.subf %get3A_3, %sub3A : vector<8x512xf32>
      %sub3A_64 = vector.broadcast %broadcast_in_dim3A_56 : vector<8x1xf32> to vector<8x512xf32>
      %sub3A_65 = arith.subf %get3A_8, %sub3A_64 : vector<8x512xf32>
      %sub3A_66 = vector.broadcast %broadcast_in_dim3A_62 : vector<8x1xf32> to vector<8x512xf32>
      %sub3A_67 = arith.subf %get3A_13, %sub3A_66 : vector<8x512xf32>
      %mul3A_68 = arith.mulf %sub3A_63, %sub3A_63 : vector<8x512xf32>
      %mul3A_69 = arith.mulf %sub3A_65, %sub3A_65 : vector<8x512xf32>
      %add3A_70 = arith.addf %mul3A_68, %mul3A_69 : vector<8x512xf32>
      %mul3A_71 = arith.mulf %sub3A_67, %sub3A_67 : vector<8x512xf32>
      %add3A_72 = arith.addf %add3A_70, %mul3A_71 : vector<8x512xf32>
      %min3A_73 = arith.minimumf %scan3A_39, %add3A_72 : vector<8x512xf32>
      %reduce_max3A = arith.constant dense<0xFF800000> : vector<8xf32>
      %reduce_max3A_74 = vector.multi_reduction <maximumf>, %min3A_73, %reduce_max3A [1] : vector<8x512xf32> to vector<8xf32>
      %broadcast_in_dim3A_75 = vector.shape_cast %reduce_max3A_74 : vector<8xf32> to vector<8x1xf32>
      %eq3A_76 = vector.broadcast %broadcast_in_dim3A_75 : vector<8x1xf32> to vector<8x512xf32>
      %eq3A_77 = arith.cmpf oeq, %min3A_73, %eq3A_76 : vector<8x512xf32>
      %jit3A_78 = arith.constant 512 : i32
      %broadcast_in_dim3A_79 = vector.broadcast %jit3A_78 : i32 to vector<8x512xi32>
      %select_n3A_80 = arith.select %eq3A_77, %iota3A, %broadcast_in_dim3A_79 : vector<8x512xi1>, vector<8x512xi32>
      %reduce_min3A = arith.constant dense<2147483647> : vector<8xi32>
      %reduce_min3A_81 = vector.multi_reduction <minsi>, %select_n3A_80, %reduce_min3A [1] : vector<8x512xi32> to vector<8xi32>
      %broadcast_in_dim3A_82 = vector.shape_cast %reduce_min3A_81 : vector<8xi32> to vector<8x1xi32>
      scf.yield %min3A_73, %broadcast_in_dim3A_82, %add3A_45 : vector<8x512xf32>, vector<8x1xi32>, vector<8x256xi32>
    }
    %scan3A_34 = arith.constant 256 : i32
    %swap3A_35 = arith.constant 0 : index
    %swap3A_36 = arith.constant 0 : index
    %swap3A_37 = vector.load %arg1[%swap3A_35, %swap3A_36] : memref<8x256xi32, #tpu.memory_space<vmem>>, vector<8x256xi32>
    tpu.vector_store %arg1[%swap3A_35, %swap3A_36], %scan3A_33#2 {strides = array<i32>} : memref<8x256xi32, #tpu.memory_space<vmem>>, vector<8x256xi32>,
    return
  }
}

module attributes {stable_mosaic.version = 14 : i64} {
  func.func @_knn_body(%arg0: i32, %arg1: i32, %arg2: memref<1x3x1024xf32, #tpu.memory_space<vmem>>, %arg3: memref<1x128x3xf32, #tpu.memory_space<vmem>>, %arg4: memref<1x128x24xi32, #tpu.memory_space<vmem>>, %arg5: memref<128x1024xf32, #tpu.memory_space<vmem>>) attributes {dimension_semantics = [#tpu.dimension_semantics<arbitrary>, #tpu.dimension_semantics<arbitrary>], iteration_bounds = array<i64: 8, 4>, scalar_prefetch = 0 : i64, scratch_operands = 1 : i64, tpu.core_type = #tpu.core_type<tc>, window_params = [{transform_indices = @transform_0, window_bounds = array<i64: 1, 3, 1024>}, {transform_indices = @transform_1, window_bounds = array<i64: 1, 128, 3>}, {transform_indices = @transform_2, window_bounds = array<i64: 1, 128, 24>}]} {
    %get3A = arith.constant 0 : index
    %get3A_0 = arith.constant 0 : index
    %get3A_1 = arith.constant 0 : index
    %get3A_2 = vector.load %arg2[%get3A, %get3A_0, %get3A_1] : memref<1x3x1024xf32, #tpu.memory_space<vmem>>, vector<1x3x1024xf32>
    %get3A_3 = vector.shape_cast %get3A_2 : vector<1x3x1024xf32> to vector<3x1024xf32>
    %slice3A = vector.extract_strided_slice %get3A_3 {offsets = [0, 0], sizes = [1, 1024], strides = [1, 1]} : vector<3x1024xf32> to vector<1x1024xf32>
    %slice3A_4 = vector.extract_strided_slice %get3A_3 {offsets = [1, 0], sizes = [1, 1024], strides = [1, 1]} : vector<3x1024xf32> to vector<1x1024xf32>
    %slice3A_5 = vector.extract_strided_slice %get3A_3 {offsets = [2, 0], sizes = [1, 1024], strides = [1, 1]} : vector<3x1024xf32> to vector<1x1024xf32>
    %get3A_6 = arith.constant 0 : index
    %get3A_7 = arith.constant 0 : index
    %get3A_8 = arith.constant 0 : index
    %get3A_9 = vector.load %arg3[%get3A_6, %get3A_7, %get3A_8] : memref<1x128x3xf32, #tpu.memory_space<vmem>>, vector<1x128x3xf32>
    %get3A_10 = vector.shape_cast %get3A_9 : vector<1x128x3xf32> to vector<128x3xf32>
    %slice3A_11 = vector.extract_strided_slice %get3A_10 {offsets = [0, 0], sizes = [128, 1], strides = [1, 1]} : vector<128x3xf32> to vector<128x1xf32>
    %slice3A_12 = vector.extract_strided_slice %get3A_10 {offsets = [0, 1], sizes = [128, 1], strides = [1, 1]} : vector<128x3xf32> to vector<128x1xf32>
    %slice3A_13 = vector.extract_strided_slice %get3A_10 {offsets = [0, 2], sizes = [128, 1], strides = [1, 1]} : vector<128x3xf32> to vector<128x1xf32>
    %mul3A = arith.mulf %slice3A, %slice3A : vector<1x1024xf32>
    %mul3A_14 = arith.mulf %slice3A_4, %slice3A_4 : vector<1x1024xf32>
    %add3A = arith.addf %mul3A, %mul3A_14 : vector<1x1024xf32>
    %mul3A_15 = arith.mulf %slice3A_5, %slice3A_5 : vector<1x1024xf32>
    %add3A_16 = arith.addf %add3A, %mul3A_15 : vector<1x1024xf32>
    %mul3A_17 = arith.mulf %slice3A_11, %slice3A_11 : vector<128x1xf32>
    %mul3A_18 = arith.mulf %slice3A_12, %slice3A_12 : vector<128x1xf32>
    %add3A_19 = arith.addf %mul3A_17, %mul3A_18 : vector<128x1xf32>
    %mul3A_20 = arith.mulf %slice3A_13, %slice3A_13 : vector<128x1xf32>
    %add3A_21 = arith.addf %add3A_19, %mul3A_20 : vector<128x1xf32>
    %dot_general3A = arith.constant dense<0.000000e+00> : vector<128x1024xf32>
    %dot_general3A_22 = tpu.matmul %get3A_10, %get3A_3, %dot_general3A {dimension_numbers = #tpu.dot_dimension_numbers<[1], [0], [0], [1], [0, 0, 1, 1], [], []>, transpose_lhs_hint = false} : vector<128x3xf32>, vector<3x1024xf32>, vector<128x1024xf32> -> vector<128x1024xf32>
    %mul3A_23 = arith.constant 2.000000e+00 : f32
    %mul3A_24 = vector.broadcast %mul3A_23 : f32 to vector<128x1024xf32>
    %mul3A_25 = arith.mulf %mul3A_24, %dot_general3A_22 : vector<128x1024xf32>
    %sub3A = vector.broadcast %add3A_21 : vector<128x1xf32> to vector<128x1024xf32>
    %sub3A_26 = arith.subf %sub3A, %mul3A_25 : vector<128x1024xf32>
    %add3A_27 = vector.broadcast %add3A_16 : vector<1x1024xf32> to vector<128x1024xf32>
    %add3A_28 = arith.addf %sub3A_26, %add3A_27 : vector<128x1024xf32>
    %swap3A = arith.constant 0 : index
    %swap3A_29 = arith.constant 0 : index
    %swap3A_30 = vector.load %arg5[%swap3A, %swap3A_29] : memref<128x1024xf32, #tpu.memory_space<vmem>>, vector<128x1024xf32>
    tpu.vector_store %arg5[%swap3A, %swap3A_29], %add3A_28 {strides = array<i32>} : memref<128x1024xf32, #tpu.memory_space<vmem>>, vector<128x1024xf32>,
    %iota3A = tpu.iota {dimensions = array<i32: 1>} : vector<8x1024xi32>
    %iota3A_31 = tpu.iota {dimensions = array<i32: 1>} : vector<8x24xi32>
    %scan3A = arith.constant 0x7F800000 : f32
    %scan3A_32 = arith.constant 0 : i32
    %scan3A_33 = arith.constant 16 : i32
    %scan3A_34 = arith.addi %scan3A_32, %scan3A_33 : i32
    %scan3A_35 = arith.constant 1 : i32
    scf.for %scan3A_37 = %scan3A_32 to %scan3A_34 step %scan3A_35  : i32 {
      %mul3A_38 = arith.constant 8 : i32
      %mul3A_39 = arith.muli %scan3A_37, %mul3A_38 : i32
      %get3A_40 = arith.index_cast %mul3A_39 : i32 to index
      %get3A_41 = arith.constant 0 : index
      %get3A_42 = vector.load %arg5[%get3A_40, %get3A_41] : memref<128x1024xf32, #tpu.memory_space<vmem>>, vector<8x1024xf32>
      %mul3A_43 = arith.constant 0 : i32
      %mul3A_44 = vector.broadcast %mul3A_43 : i32 to vector<8x24xi32>
      %mul3A_45 = arith.muli %iota3A_31, %mul3A_44 : vector<8x24xi32>
      %scan3A_46 = arith.constant 0 : i32
      %scan3A_47 = arith.constant 24 : i32
      %scan3A_48 = arith.addi %scan3A_46, %scan3A_47 : i32
      %scan3A_49 = arith.constant 1 : i32
      %scan3A_50:2 = scf.for %scan3A_60 = %scan3A_46 to %scan3A_48 step %scan3A_49 iter_args(%scan3A_61 = %get3A_42, %scan3A_62 = %mul3A_45) -> (vector<8x1024xf32>, vector<8x24xi32>)  : i32 {
        %reduce_min3A = arith.constant dense<0x7F800000> : vector<8xf32>
        %reduce_min3A_63 = vector.multi_reduction <minimumf>, %scan3A_61, %reduce_min3A [1] : vector<8x1024xf32> to vector<8xf32>
        %broadcast_in_dim3A = vector.shape_cast %reduce_min3A_63 : vector<8xf32> to vector<8x1xf32>
        %eq3A = vector.broadcast %broadcast_in_dim3A : vector<8x1xf32> to vector<8x1024xf32>
        %eq3A_64 = arith.cmpf oeq, %scan3A_61, %eq3A : vector<8x1024xf32>
        %jit3A = arith.constant 1024 : i32
        %broadcast_in_dim3A_65 = vector.broadcast %jit3A : i32 to vector<8x1024xi32>
        %select_n3A = arith.select %eq3A_64, %iota3A, %broadcast_in_dim3A_65 : vector<8x1024xi1>, vector<8x1024xi32>
        %reduce_min3A_66 = arith.constant dense<2147483647> : vector<8xi32>
        %reduce_min3A_67 = vector.multi_reduction <minsi>, %select_n3A, %reduce_min3A_66 [1] : vector<8x1024xi32> to vector<8xi32>
        %broadcast_in_dim3A_68 = vector.shape_cast %reduce_min3A_67 : vector<8xi32> to vector<8x1xi32>
        %eq3A_69 = vector.broadcast %scan3A_60 : i32 to vector<8x24xi32>
        %eq3A_70 = arith.cmpi eq, %iota3A_31, %eq3A_69 : vector<8x24xi32>
        %convert_element_type3A = arith.extui %eq3A_70 : vector<8x24xi1> to vector<8x24xi32>
        %mul3A_71 = vector.broadcast %broadcast_in_dim3A_68 : vector<8x1xi32> to vector<8x24xi32>
        %mul3A_72 = arith.muli %convert_element_type3A, %mul3A_71 : vector<8x24xi32>
        %add3A_73 = arith.addi %scan3A_62, %mul3A_72 : vector<8x24xi32>
        %eq3A_74 = vector.broadcast %broadcast_in_dim3A_68 : vector<8x1xi32> to vector<8x1024xi32>
        %eq3A_75 = arith.cmpi eq, %iota3A, %eq3A_74 : vector<8x1024xi32>
        %broadcast_in_dim3A_76 = vector.broadcast %scan3A : f32 to vector<8x1024xf32>
        %select_n3A_77 = arith.select %eq3A_75, %broadcast_in_dim3A_76, %scan3A_61 : vector<8x1024xi1>, vector<8x1024xf32>
        scf.yield %select_n3A_77, %add3A_73 : vector<8x1024xf32>, vector<8x24xi32>
      }
      %scan3A_51 = arith.constant 24 : i32
      %mul3A_52 = arith.constant 8 : i32
      %mul3A_53 = arith.muli %scan3A_37, %mul3A_52 : i32
      %swap3A_54 = arith.constant 0 : index
      %swap3A_55 = arith.index_cast %mul3A_53 : i32 to index
      %swap3A_56 = arith.constant 0 : index
      %swap3A_57 = vector.load %arg4[%swap3A_54, %swap3A_55, %swap3A_56] : memref<1x128x24xi32, #tpu.memory_space<vmem>>, vector<1x8x24xi32>
      %swap3A_58 = vector.shape_cast %swap3A_57 : vector<1x8x24xi32> to vector<8x24xi32>
      %swap3A_59 = vector.shape_cast %scan3A_50#1 : vector<8x24xi32> to vector<1x8x24xi32>
      tpu.vector_store %arg4[%swap3A_54, %swap3A_55, %swap3A_56], %swap3A_59 {strides = array<i32>} : memref<1x128x24xi32, #tpu.memory_space<vmem>>, vector<1x8x24xi32>,
    }
    %scan3A_36 = arith.constant 16 : i32
    return
  }
  func.func @transform_0(%arg0: i32, %arg1: i32) -> (i32, i32, i32) {
    %c0_i32 = arith.constant 0 : i32
    %c0_i32_0 = arith.constant 0 : i32
    %c0_i32_1 = arith.constant 0 : i32
    return %arg0, %c0_i32, %c0_i32_0 : i32, i32, i32
  }
  func.func @transform_1(%arg0: i32, %arg1: i32) -> (i32, i32, i32) {
    %c0_i32 = arith.constant 0 : i32
    %c0_i32_0 = arith.constant 0 : i32
    return %arg0, %arg1, %c0_i32 : i32, i32, i32
  }
  func.func @transform_2(%arg0: i32, %arg1: i32) -> (i32, i32, i32) {
    %c0_i32 = arith.constant 0 : i32
    %c0_i32_0 = arith.constant 0 : i32
    return %arg0, %arg1, %c0_i32 : i32, i32, i32
  }
}

module attributes {stable_mosaic.version = 14 : i64} {
  func.func @_fps_body(%arg0: memref<3x8x256xf32, #tpu.memory_space<vmem>>, %arg1: memref<8x128xi32, #tpu.memory_space<vmem>>) attributes {dimension_semantics = [], scalar_prefetch = 0 : i64, scratch_operands = 0 : i64, tpu.core_type = #tpu.core_type<tc>} {
    %get3A = arith.constant 0 : index
    %get3A_0 = arith.constant 0 : index
    %get3A_1 = arith.constant 0 : index
    %get3A_2 = vector.load %arg0[%get3A, %get3A_0, %get3A_1] : memref<3x8x256xf32, #tpu.memory_space<vmem>>, vector<1x8x256xf32>
    %get3A_3 = vector.shape_cast %get3A_2 : vector<1x8x256xf32> to vector<8x256xf32>
    %get3A_4 = arith.constant 1 : index
    %get3A_5 = arith.constant 0 : index
    %get3A_6 = arith.constant 0 : index
    %get3A_7 = vector.load %arg0[%get3A_4, %get3A_5, %get3A_6] : memref<3x8x256xf32, #tpu.memory_space<vmem>>, vector<1x8x256xf32>
    %get3A_8 = vector.shape_cast %get3A_7 : vector<1x8x256xf32> to vector<8x256xf32>
    %get3A_9 = arith.constant 2 : index
    %get3A_10 = arith.constant 0 : index
    %get3A_11 = arith.constant 0 : index
    %get3A_12 = vector.load %arg0[%get3A_9, %get3A_10, %get3A_11] : memref<3x8x256xf32, #tpu.memory_space<vmem>>, vector<1x8x256xf32>
    %get3A_13 = vector.shape_cast %get3A_12 : vector<1x8x256xf32> to vector<8x256xf32>
    %iota3A = tpu.iota {dimensions = array<i32: 1>} : vector<8x256xi32>
    %iota3A_14 = tpu.iota {dimensions = array<i32: 1>} : vector<8x128xi32>
    %broadcast_in_dim3A = arith.constant 0 : i32
    %broadcast_in_dim3A_15 = vector.broadcast %broadcast_in_dim3A : i32 to vector<8x128xi32>
    %swap3A = arith.constant 0 : index
    %swap3A_16 = arith.constant 0 : index
    %swap3A_17 = vector.load %arg1[%swap3A, %swap3A_16] : memref<8x128xi32, #tpu.memory_space<vmem>>, vector<8x128xi32>
    tpu.vector_store %arg1[%swap3A, %swap3A_16], %broadcast_in_dim3A_15 {strides = array<i32>} : memref<8x128xi32, #tpu.memory_space<vmem>>, vector<8x128xi32>,
    %get3A_18 = arith.constant 0 : index
    %get3A_19 = arith.constant 0 : index
    %get3A_20 = vector.load %arg1[%get3A_18, %get3A_19] : memref<8x128xi32, #tpu.memory_space<vmem>>, vector<8x128xi32>
    %mul3A = arith.mulf %get3A_3, %get3A_3 : vector<8x256xf32>
    %mul3A_21 = arith.constant 0.000000e+00 : f32
    %mul3A_22 = vector.broadcast %mul3A_21 : f32 to vector<8x256xf32>
    %mul3A_23 = arith.mulf %mul3A, %mul3A_22 : vector<8x256xf32>
    %add3A = arith.constant 1.000000e+10 : f32
    %add3A_24 = vector.broadcast %add3A : f32 to vector<8x256xf32>
    %add3A_25 = arith.addf %mul3A_23, %add3A_24 : vector<8x256xf32>
    %min3A = arith.constant 1.000000e+10 : f32
    %min3A_26 = vector.broadcast %min3A : f32 to vector<8x256xf32>
    %min3A_27 = arith.minimumf %add3A_25, %min3A_26 : vector<8x256xf32>
    %broadcast_in_dim3A_28 = arith.constant 0 : i32
    %broadcast_in_dim3A_29 = vector.broadcast %broadcast_in_dim3A_28 : i32 to vector<8x1xi32>
    %scan3A = arith.constant 0 : i32
    %scan3A_30 = arith.constant 128 : i32
    %scan3A_31 = arith.addi %scan3A, %scan3A_30 : i32
    %scan3A_32 = arith.constant 1 : i32
    %scan3A_33:3 = scf.for %scan3A_38 = %scan3A to %scan3A_31 step %scan3A_32 iter_args(%scan3A_39 = %min3A_27, %scan3A_40 = %broadcast_in_dim3A_29, %scan3A_41 = %get3A_20) -> (vector<8x256xf32>, vector<8x1xi32>, vector<8x128xi32>)  : i32 {
      %eq3A = vector.broadcast %scan3A_38 : i32 to vector<8x128xi32>
      %eq3A_42 = arith.cmpi eq, %iota3A_14, %eq3A : vector<8x128xi32>
      %convert_element_type3A = arith.extui %eq3A_42 : vector<8x128xi1> to vector<8x128xi32>
      %mul3A_43 = vector.broadcast %scan3A_40 : vector<8x1xi32> to vector<8x128xi32>
      %mul3A_44 = arith.muli %convert_element_type3A, %mul3A_43 : vector<8x128xi32>
      %add3A_45 = arith.addi %scan3A_41, %mul3A_44 : vector<8x128xi32>
      %eq3A_46 = vector.broadcast %scan3A_40 : vector<8x1xi32> to vector<8x256xi32>
      %eq3A_47 = arith.cmpi eq, %iota3A, %eq3A_46 : vector<8x256xi32>
      %jit3A = arith.constant 0.000000e+00 : f32
      %broadcast_in_dim3A_48 = vector.broadcast %jit3A : f32 to vector<8x256xf32>
      %select_n3A = arith.select %eq3A_47, %get3A_3, %broadcast_in_dim3A_48 : vector<8x256xi1>, vector<8x256xf32>
      %reduce_sum3A = arith.constant dense<0.000000e+00> : vector<8xf32>
      %reduce_sum3A_49 = vector.multi_reduction <add>, %select_n3A, %reduce_sum3A [1] : vector<8x256xf32> to vector<8xf32>
      %broadcast_in_dim3A_50 = vector.shape_cast %reduce_sum3A_49 : vector<8xf32> to vector<8x1xf32>
      %jit3A_51 = arith.constant 0.000000e+00 : f32
      %broadcast_in_dim3A_52 = vector.broadcast %jit3A_51 : f32 to vector<8x256xf32>
      %select_n3A_53 = arith.select %eq3A_47, %get3A_8, %broadcast_in_dim3A_52 : vector<8x256xi1>, vector<8x256xf32>
      %reduce_sum3A_54 = arith.constant dense<0.000000e+00> : vector<8xf32>
      %reduce_sum3A_55 = vector.multi_reduction <add>, %select_n3A_53, %reduce_sum3A_54 [1] : vector<8x256xf32> to vector<8xf32>
      %broadcast_in_dim3A_56 = vector.shape_cast %reduce_sum3A_55 : vector<8xf32> to vector<8x1xf32>
      %jit3A_57 = arith.constant 0.000000e+00 : f32
      %broadcast_in_dim3A_58 = vector.broadcast %jit3A_57 : f32 to vector<8x256xf32>
      %select_n3A_59 = arith.select %eq3A_47, %get3A_13, %broadcast_in_dim3A_58 : vector<8x256xi1>, vector<8x256xf32>
      %reduce_sum3A_60 = arith.constant dense<0.000000e+00> : vector<8xf32>
      %reduce_sum3A_61 = vector.multi_reduction <add>, %select_n3A_59, %reduce_sum3A_60 [1] : vector<8x256xf32> to vector<8xf32>
      %broadcast_in_dim3A_62 = vector.shape_cast %reduce_sum3A_61 : vector<8xf32> to vector<8x1xf32>
      %sub3A = vector.broadcast %broadcast_in_dim3A_50 : vector<8x1xf32> to vector<8x256xf32>
      %sub3A_63 = arith.subf %get3A_3, %sub3A : vector<8x256xf32>
      %sub3A_64 = vector.broadcast %broadcast_in_dim3A_56 : vector<8x1xf32> to vector<8x256xf32>
      %sub3A_65 = arith.subf %get3A_8, %sub3A_64 : vector<8x256xf32>
      %sub3A_66 = vector.broadcast %broadcast_in_dim3A_62 : vector<8x1xf32> to vector<8x256xf32>
      %sub3A_67 = arith.subf %get3A_13, %sub3A_66 : vector<8x256xf32>
      %mul3A_68 = arith.mulf %sub3A_63, %sub3A_63 : vector<8x256xf32>
      %mul3A_69 = arith.mulf %sub3A_65, %sub3A_65 : vector<8x256xf32>
      %add3A_70 = arith.addf %mul3A_68, %mul3A_69 : vector<8x256xf32>
      %mul3A_71 = arith.mulf %sub3A_67, %sub3A_67 : vector<8x256xf32>
      %add3A_72 = arith.addf %add3A_70, %mul3A_71 : vector<8x256xf32>
      %min3A_73 = arith.minimumf %scan3A_39, %add3A_72 : vector<8x256xf32>
      %reduce_max3A = arith.constant dense<0xFF800000> : vector<8xf32>
      %reduce_max3A_74 = vector.multi_reduction <maximumf>, %min3A_73, %reduce_max3A [1] : vector<8x256xf32> to vector<8xf32>
      %broadcast_in_dim3A_75 = vector.shape_cast %reduce_max3A_74 : vector<8xf32> to vector<8x1xf32>
      %eq3A_76 = vector.broadcast %broadcast_in_dim3A_75 : vector<8x1xf32> to vector<8x256xf32>
      %eq3A_77 = arith.cmpf oeq, %min3A_73, %eq3A_76 : vector<8x256xf32>
      %jit3A_78 = arith.constant 256 : i32
      %broadcast_in_dim3A_79 = vector.broadcast %jit3A_78 : i32 to vector<8x256xi32>
      %select_n3A_80 = arith.select %eq3A_77, %iota3A, %broadcast_in_dim3A_79 : vector<8x256xi1>, vector<8x256xi32>
      %reduce_min3A = arith.constant dense<2147483647> : vector<8xi32>
      %reduce_min3A_81 = vector.multi_reduction <minsi>, %select_n3A_80, %reduce_min3A [1] : vector<8x256xi32> to vector<8xi32>
      %broadcast_in_dim3A_82 = vector.shape_cast %reduce_min3A_81 : vector<8xi32> to vector<8x1xi32>
      scf.yield %min3A_73, %broadcast_in_dim3A_82, %add3A_45 : vector<8x256xf32>, vector<8x1xi32>, vector<8x128xi32>
    }
    %scan3A_34 = arith.constant 128 : i32
    %swap3A_35 = arith.constant 0 : index
    %swap3A_36 = arith.constant 0 : index
    %swap3A_37 = vector.load %arg1[%swap3A_35, %swap3A_36] : memref<8x128xi32, #tpu.memory_space<vmem>>, vector<8x128xi32>
    tpu.vector_store %arg1[%swap3A_35, %swap3A_36], %scan3A_33#2 {strides = array<i32>} : memref<8x128xi32, #tpu.memory_space<vmem>>, vector<8x128xi32>,
    return
  }
}

module attributes {stable_mosaic.version = 14 : i64} {
  func.func @_knn_body(%arg0: i32, %arg1: i32, %arg2: memref<1x3x512xf32, #tpu.memory_space<vmem>>, %arg3: memref<1x128x3xf32, #tpu.memory_space<vmem>>, %arg4: memref<1x128x24xi32, #tpu.memory_space<vmem>>, %arg5: memref<128x512xf32, #tpu.memory_space<vmem>>) attributes {dimension_semantics = [#tpu.dimension_semantics<arbitrary>, #tpu.dimension_semantics<arbitrary>], iteration_bounds = array<i64: 8, 2>, scalar_prefetch = 0 : i64, scratch_operands = 1 : i64, tpu.core_type = #tpu.core_type<tc>, window_params = [{transform_indices = @transform_0, window_bounds = array<i64: 1, 3, 512>}, {transform_indices = @transform_1, window_bounds = array<i64: 1, 128, 3>}, {transform_indices = @transform_2, window_bounds = array<i64: 1, 128, 24>}]} {
    %get3A = arith.constant 0 : index
    %get3A_0 = arith.constant 0 : index
    %get3A_1 = arith.constant 0 : index
    %get3A_2 = vector.load %arg2[%get3A, %get3A_0, %get3A_1] : memref<1x3x512xf32, #tpu.memory_space<vmem>>, vector<1x3x512xf32>
    %get3A_3 = vector.shape_cast %get3A_2 : vector<1x3x512xf32> to vector<3x512xf32>
    %slice3A = vector.extract_strided_slice %get3A_3 {offsets = [0, 0], sizes = [1, 512], strides = [1, 1]} : vector<3x512xf32> to vector<1x512xf32>
    %slice3A_4 = vector.extract_strided_slice %get3A_3 {offsets = [1, 0], sizes = [1, 512], strides = [1, 1]} : vector<3x512xf32> to vector<1x512xf32>
    %slice3A_5 = vector.extract_strided_slice %get3A_3 {offsets = [2, 0], sizes = [1, 512], strides = [1, 1]} : vector<3x512xf32> to vector<1x512xf32>
    %get3A_6 = arith.constant 0 : index
    %get3A_7 = arith.constant 0 : index
    %get3A_8 = arith.constant 0 : index
    %get3A_9 = vector.load %arg3[%get3A_6, %get3A_7, %get3A_8] : memref<1x128x3xf32, #tpu.memory_space<vmem>>, vector<1x128x3xf32>
    %get3A_10 = vector.shape_cast %get3A_9 : vector<1x128x3xf32> to vector<128x3xf32>
    %slice3A_11 = vector.extract_strided_slice %get3A_10 {offsets = [0, 0], sizes = [128, 1], strides = [1, 1]} : vector<128x3xf32> to vector<128x1xf32>
    %slice3A_12 = vector.extract_strided_slice %get3A_10 {offsets = [0, 1], sizes = [128, 1], strides = [1, 1]} : vector<128x3xf32> to vector<128x1xf32>
    %slice3A_13 = vector.extract_strided_slice %get3A_10 {offsets = [0, 2], sizes = [128, 1], strides = [1, 1]} : vector<128x3xf32> to vector<128x1xf32>
    %mul3A = arith.mulf %slice3A, %slice3A : vector<1x512xf32>
    %mul3A_14 = arith.mulf %slice3A_4, %slice3A_4 : vector<1x512xf32>
    %add3A = arith.addf %mul3A, %mul3A_14 : vector<1x512xf32>
    %mul3A_15 = arith.mulf %slice3A_5, %slice3A_5 : vector<1x512xf32>
    %add3A_16 = arith.addf %add3A, %mul3A_15 : vector<1x512xf32>
    %mul3A_17 = arith.mulf %slice3A_11, %slice3A_11 : vector<128x1xf32>
    %mul3A_18 = arith.mulf %slice3A_12, %slice3A_12 : vector<128x1xf32>
    %add3A_19 = arith.addf %mul3A_17, %mul3A_18 : vector<128x1xf32>
    %mul3A_20 = arith.mulf %slice3A_13, %slice3A_13 : vector<128x1xf32>
    %add3A_21 = arith.addf %add3A_19, %mul3A_20 : vector<128x1xf32>
    %dot_general3A = arith.constant dense<0.000000e+00> : vector<128x512xf32>
    %dot_general3A_22 = tpu.matmul %get3A_10, %get3A_3, %dot_general3A {dimension_numbers = #tpu.dot_dimension_numbers<[1], [0], [0], [1], [0, 0, 1, 1], [], []>, transpose_lhs_hint = false} : vector<128x3xf32>, vector<3x512xf32>, vector<128x512xf32> -> vector<128x512xf32>
    %mul3A_23 = arith.constant 2.000000e+00 : f32
    %mul3A_24 = vector.broadcast %mul3A_23 : f32 to vector<128x512xf32>
    %mul3A_25 = arith.mulf %mul3A_24, %dot_general3A_22 : vector<128x512xf32>
    %sub3A = vector.broadcast %add3A_21 : vector<128x1xf32> to vector<128x512xf32>
    %sub3A_26 = arith.subf %sub3A, %mul3A_25 : vector<128x512xf32>
    %add3A_27 = vector.broadcast %add3A_16 : vector<1x512xf32> to vector<128x512xf32>
    %add3A_28 = arith.addf %sub3A_26, %add3A_27 : vector<128x512xf32>
    %swap3A = arith.constant 0 : index
    %swap3A_29 = arith.constant 0 : index
    %swap3A_30 = vector.load %arg5[%swap3A, %swap3A_29] : memref<128x512xf32, #tpu.memory_space<vmem>>, vector<128x512xf32>
    tpu.vector_store %arg5[%swap3A, %swap3A_29], %add3A_28 {strides = array<i32>} : memref<128x512xf32, #tpu.memory_space<vmem>>, vector<128x512xf32>,
    %iota3A = tpu.iota {dimensions = array<i32: 1>} : vector<8x512xi32>
    %iota3A_31 = tpu.iota {dimensions = array<i32: 1>} : vector<8x24xi32>
    %scan3A = arith.constant 0x7F800000 : f32
    %scan3A_32 = arith.constant 0 : i32
    %scan3A_33 = arith.constant 16 : i32
    %scan3A_34 = arith.addi %scan3A_32, %scan3A_33 : i32
    %scan3A_35 = arith.constant 1 : i32
    scf.for %scan3A_37 = %scan3A_32 to %scan3A_34 step %scan3A_35  : i32 {
      %mul3A_38 = arith.constant 8 : i32
      %mul3A_39 = arith.muli %scan3A_37, %mul3A_38 : i32
      %get3A_40 = arith.index_cast %mul3A_39 : i32 to index
      %get3A_41 = arith.constant 0 : index
      %get3A_42 = vector.load %arg5[%get3A_40, %get3A_41] : memref<128x512xf32, #tpu.memory_space<vmem>>, vector<8x512xf32>
      %mul3A_43 = arith.constant 0 : i32
      %mul3A_44 = vector.broadcast %mul3A_43 : i32 to vector<8x24xi32>
      %mul3A_45 = arith.muli %iota3A_31, %mul3A_44 : vector<8x24xi32>
      %scan3A_46 = arith.constant 0 : i32
      %scan3A_47 = arith.constant 24 : i32
      %scan3A_48 = arith.addi %scan3A_46, %scan3A_47 : i32
      %scan3A_49 = arith.constant 1 : i32
      %scan3A_50:2 = scf.for %scan3A_60 = %scan3A_46 to %scan3A_48 step %scan3A_49 iter_args(%scan3A_61 = %get3A_42, %scan3A_62 = %mul3A_45) -> (vector<8x512xf32>, vector<8x24xi32>)  : i32 {
        %reduce_min3A = arith.constant dense<0x7F800000> : vector<8xf32>
        %reduce_min3A_63 = vector.multi_reduction <minimumf>, %scan3A_61, %reduce_min3A [1] : vector<8x512xf32> to vector<8xf32>
        %broadcast_in_dim3A = vector.shape_cast %reduce_min3A_63 : vector<8xf32> to vector<8x1xf32>
        %eq3A = vector.broadcast %broadcast_in_dim3A : vector<8x1xf32> to vector<8x512xf32>
        %eq3A_64 = arith.cmpf oeq, %scan3A_61, %eq3A : vector<8x512xf32>
        %jit3A = arith.constant 512 : i32
        %broadcast_in_dim3A_65 = vector.broadcast %jit3A : i32 to vector<8x512xi32>
        %select_n3A = arith.select %eq3A_64, %iota3A, %broadcast_in_dim3A_65 : vector<8x512xi1>, vector<8x512xi32>
        %reduce_min3A_66 = arith.constant dense<2147483647> : vector<8xi32>
        %reduce_min3A_67 = vector.multi_reduction <minsi>, %select_n3A, %reduce_min3A_66 [1] : vector<8x512xi32> to vector<8xi32>
        %broadcast_in_dim3A_68 = vector.shape_cast %reduce_min3A_67 : vector<8xi32> to vector<8x1xi32>
        %eq3A_69 = vector.broadcast %scan3A_60 : i32 to vector<8x24xi32>
        %eq3A_70 = arith.cmpi eq, %iota3A_31, %eq3A_69 : vector<8x24xi32>
        %convert_element_type3A = arith.extui %eq3A_70 : vector<8x24xi1> to vector<8x24xi32>
        %mul3A_71 = vector.broadcast %broadcast_in_dim3A_68 : vector<8x1xi32> to vector<8x24xi32>
        %mul3A_72 = arith.muli %convert_element_type3A, %mul3A_71 : vector<8x24xi32>
        %add3A_73 = arith.addi %scan3A_62, %mul3A_72 : vector<8x24xi32>
        %eq3A_74 = vector.broadcast %broadcast_in_dim3A_68 : vector<8x1xi32> to vector<8x512xi32>
        %eq3A_75 = arith.cmpi eq, %iota3A, %eq3A_74 : vector<8x512xi32>
        %broadcast_in_dim3A_76 = vector.broadcast %scan3A : f32 to vector<8x512xf32>
        %select_n3A_77 = arith.select %eq3A_75, %broadcast_in_dim3A_76, %scan3A_61 : vector<8x512xi1>, vector<8x512xf32>
        scf.yield %select_n3A_77, %add3A_73 : vector<8x512xf32>, vector<8x24xi32>
      }
      %scan3A_51 = arith.constant 24 : i32
      %mul3A_52 = arith.constant 8 : i32
      %mul3A_53 = arith.muli %scan3A_37, %mul3A_52 : i32
      %swap3A_54 = arith.constant 0 : index
      %swap3A_55 = arith.index_cast %mul3A_53 : i32 to index
      %swap3A_56 = arith.constant 0 : index
      %swap3A_57 = vector.load %arg4[%swap3A_54, %swap3A_55, %swap3A_56] : memref<1x128x24xi32, #tpu.memory_space<vmem>>, vector<1x8x24xi32>
      %swap3A_58 = vector.shape_cast %swap3A_57 : vector<1x8x24xi32> to vector<8x24xi32>
      %swap3A_59 = vector.shape_cast %scan3A_50#1 : vector<8x24xi32> to vector<1x8x24xi32>
      tpu.vector_store %arg4[%swap3A_54, %swap3A_55, %swap3A_56], %swap3A_59 {strides = array<i32>} : memref<1x128x24xi32, #tpu.memory_space<vmem>>, vector<1x8x24xi32>,
    }
    %scan3A_36 = arith.constant 16 : i32
    return
  }
  func.func @transform_0(%arg0: i32, %arg1: i32) -> (i32, i32, i32) {
    %c0_i32 = arith.constant 0 : i32
    %c0_i32_0 = arith.constant 0 : i32
    %c0_i32_1 = arith.constant 0 : i32
    return %arg0, %c0_i32, %c0_i32_0 : i32, i32, i32
  }
  func.func @transform_1(%arg0: i32, %arg1: i32) -> (i32, i32, i32) {
    %c0_i32 = arith.constant 0 : i32
    %c0_i32_0 = arith.constant 0 : i32
    return %arg0, %arg1, %c0_i32 : i32, i32, i32
  }
  func.func @transform_2(%arg0: i32, %arg1: i32) -> (i32, i32, i32) {
    %c0_i32 = arith.constant 0 : i32
    %c0_i32_0 = arith.constant 0 : i32
    return %arg0, %arg1, %c0_i32 : i32, i32, i32
  }
}

module attributes {stable_mosaic.version = 14 : i64} {
  func.func @_knn_body(%arg0: i32, %arg1: i32, %arg2: memref<1x3x256xf32, #tpu.memory_space<vmem>>, %arg3: memref<1x128x3xf32, #tpu.memory_space<vmem>>, %arg4: memref<1x128x24xi32, #tpu.memory_space<vmem>>, %arg5: memref<128x256xf32, #tpu.memory_space<vmem>>) attributes {dimension_semantics = [#tpu.dimension_semantics<arbitrary>, #tpu.dimension_semantics<arbitrary>], iteration_bounds = array<i64: 8, 1>, scalar_prefetch = 0 : i64, scratch_operands = 1 : i64, tpu.core_type = #tpu.core_type<tc>, window_params = [{transform_indices = @transform_0, window_bounds = array<i64: 1, 3, 256>}, {transform_indices = @transform_1, window_bounds = array<i64: 1, 128, 3>}, {transform_indices = @transform_2, window_bounds = array<i64: 1, 128, 24>}]} {
    %get3A = arith.constant 0 : index
    %get3A_0 = arith.constant 0 : index
    %get3A_1 = arith.constant 0 : index
    %get3A_2 = vector.load %arg2[%get3A, %get3A_0, %get3A_1] : memref<1x3x256xf32, #tpu.memory_space<vmem>>, vector<1x3x256xf32>
    %get3A_3 = vector.shape_cast %get3A_2 : vector<1x3x256xf32> to vector<3x256xf32>
    %slice3A = vector.extract_strided_slice %get3A_3 {offsets = [0, 0], sizes = [1, 256], strides = [1, 1]} : vector<3x256xf32> to vector<1x256xf32>
    %slice3A_4 = vector.extract_strided_slice %get3A_3 {offsets = [1, 0], sizes = [1, 256], strides = [1, 1]} : vector<3x256xf32> to vector<1x256xf32>
    %slice3A_5 = vector.extract_strided_slice %get3A_3 {offsets = [2, 0], sizes = [1, 256], strides = [1, 1]} : vector<3x256xf32> to vector<1x256xf32>
    %get3A_6 = arith.constant 0 : index
    %get3A_7 = arith.constant 0 : index
    %get3A_8 = arith.constant 0 : index
    %get3A_9 = vector.load %arg3[%get3A_6, %get3A_7, %get3A_8] : memref<1x128x3xf32, #tpu.memory_space<vmem>>, vector<1x128x3xf32>
    %get3A_10 = vector.shape_cast %get3A_9 : vector<1x128x3xf32> to vector<128x3xf32>
    %slice3A_11 = vector.extract_strided_slice %get3A_10 {offsets = [0, 0], sizes = [128, 1], strides = [1, 1]} : vector<128x3xf32> to vector<128x1xf32>
    %slice3A_12 = vector.extract_strided_slice %get3A_10 {offsets = [0, 1], sizes = [128, 1], strides = [1, 1]} : vector<128x3xf32> to vector<128x1xf32>
    %slice3A_13 = vector.extract_strided_slice %get3A_10 {offsets = [0, 2], sizes = [128, 1], strides = [1, 1]} : vector<128x3xf32> to vector<128x1xf32>
    %mul3A = arith.mulf %slice3A, %slice3A : vector<1x256xf32>
    %mul3A_14 = arith.mulf %slice3A_4, %slice3A_4 : vector<1x256xf32>
    %add3A = arith.addf %mul3A, %mul3A_14 : vector<1x256xf32>
    %mul3A_15 = arith.mulf %slice3A_5, %slice3A_5 : vector<1x256xf32>
    %add3A_16 = arith.addf %add3A, %mul3A_15 : vector<1x256xf32>
    %mul3A_17 = arith.mulf %slice3A_11, %slice3A_11 : vector<128x1xf32>
    %mul3A_18 = arith.mulf %slice3A_12, %slice3A_12 : vector<128x1xf32>
    %add3A_19 = arith.addf %mul3A_17, %mul3A_18 : vector<128x1xf32>
    %mul3A_20 = arith.mulf %slice3A_13, %slice3A_13 : vector<128x1xf32>
    %add3A_21 = arith.addf %add3A_19, %mul3A_20 : vector<128x1xf32>
    %dot_general3A = arith.constant dense<0.000000e+00> : vector<128x256xf32>
    %dot_general3A_22 = tpu.matmul %get3A_10, %get3A_3, %dot_general3A {dimension_numbers = #tpu.dot_dimension_numbers<[1], [0], [0], [1], [0, 0, 1, 1], [], []>, transpose_lhs_hint = false} : vector<128x3xf32>, vector<3x256xf32>, vector<128x256xf32> -> vector<128x256xf32>
    %mul3A_23 = arith.constant 2.000000e+00 : f32
    %mul3A_24 = vector.broadcast %mul3A_23 : f32 to vector<128x256xf32>
    %mul3A_25 = arith.mulf %mul3A_24, %dot_general3A_22 : vector<128x256xf32>
    %sub3A = vector.broadcast %add3A_21 : vector<128x1xf32> to vector<128x256xf32>
    %sub3A_26 = arith.subf %sub3A, %mul3A_25 : vector<128x256xf32>
    %add3A_27 = vector.broadcast %add3A_16 : vector<1x256xf32> to vector<128x256xf32>
    %add3A_28 = arith.addf %sub3A_26, %add3A_27 : vector<128x256xf32>
    %swap3A = arith.constant 0 : index
    %swap3A_29 = arith.constant 0 : index
    %swap3A_30 = vector.load %arg5[%swap3A, %swap3A_29] : memref<128x256xf32, #tpu.memory_space<vmem>>, vector<128x256xf32>
    tpu.vector_store %arg5[%swap3A, %swap3A_29], %add3A_28 {strides = array<i32>} : memref<128x256xf32, #tpu.memory_space<vmem>>, vector<128x256xf32>,
    %iota3A = tpu.iota {dimensions = array<i32: 1>} : vector<8x256xi32>
    %iota3A_31 = tpu.iota {dimensions = array<i32: 1>} : vector<8x24xi32>
    %scan3A = arith.constant 0x7F800000 : f32
    %scan3A_32 = arith.constant 0 : i32
    %scan3A_33 = arith.constant 16 : i32
    %scan3A_34 = arith.addi %scan3A_32, %scan3A_33 : i32
    %scan3A_35 = arith.constant 1 : i32
    scf.for %scan3A_37 = %scan3A_32 to %scan3A_34 step %scan3A_35  : i32 {
      %mul3A_38 = arith.constant 8 : i32
      %mul3A_39 = arith.muli %scan3A_37, %mul3A_38 : i32
      %get3A_40 = arith.index_cast %mul3A_39 : i32 to index
      %get3A_41 = arith.constant 0 : index
      %get3A_42 = vector.load %arg5[%get3A_40, %get3A_41] : memref<128x256xf32, #tpu.memory_space<vmem>>, vector<8x256xf32>
      %mul3A_43 = arith.constant 0 : i32
      %mul3A_44 = vector.broadcast %mul3A_43 : i32 to vector<8x24xi32>
      %mul3A_45 = arith.muli %iota3A_31, %mul3A_44 : vector<8x24xi32>
      %scan3A_46 = arith.constant 0 : i32
      %scan3A_47 = arith.constant 24 : i32
      %scan3A_48 = arith.addi %scan3A_46, %scan3A_47 : i32
      %scan3A_49 = arith.constant 1 : i32
      %scan3A_50:2 = scf.for %scan3A_60 = %scan3A_46 to %scan3A_48 step %scan3A_49 iter_args(%scan3A_61 = %get3A_42, %scan3A_62 = %mul3A_45) -> (vector<8x256xf32>, vector<8x24xi32>)  : i32 {
        %reduce_min3A = arith.constant dense<0x7F800000> : vector<8xf32>
        %reduce_min3A_63 = vector.multi_reduction <minimumf>, %scan3A_61, %reduce_min3A [1] : vector<8x256xf32> to vector<8xf32>
        %broadcast_in_dim3A = vector.shape_cast %reduce_min3A_63 : vector<8xf32> to vector<8x1xf32>
        %eq3A = vector.broadcast %broadcast_in_dim3A : vector<8x1xf32> to vector<8x256xf32>
        %eq3A_64 = arith.cmpf oeq, %scan3A_61, %eq3A : vector<8x256xf32>
        %jit3A = arith.constant 256 : i32
        %broadcast_in_dim3A_65 = vector.broadcast %jit3A : i32 to vector<8x256xi32>
        %select_n3A = arith.select %eq3A_64, %iota3A, %broadcast_in_dim3A_65 : vector<8x256xi1>, vector<8x256xi32>
        %reduce_min3A_66 = arith.constant dense<2147483647> : vector<8xi32>
        %reduce_min3A_67 = vector.multi_reduction <minsi>, %select_n3A, %reduce_min3A_66 [1] : vector<8x256xi32> to vector<8xi32>
        %broadcast_in_dim3A_68 = vector.shape_cast %reduce_min3A_67 : vector<8xi32> to vector<8x1xi32>
        %eq3A_69 = vector.broadcast %scan3A_60 : i32 to vector<8x24xi32>
        %eq3A_70 = arith.cmpi eq, %iota3A_31, %eq3A_69 : vector<8x24xi32>
        %convert_element_type3A = arith.extui %eq3A_70 : vector<8x24xi1> to vector<8x24xi32>
        %mul3A_71 = vector.broadcast %broadcast_in_dim3A_68 : vector<8x1xi32> to vector<8x24xi32>
        %mul3A_72 = arith.muli %convert_element_type3A, %mul3A_71 : vector<8x24xi32>
        %add3A_73 = arith.addi %scan3A_62, %mul3A_72 : vector<8x24xi32>
        %eq3A_74 = vector.broadcast %broadcast_in_dim3A_68 : vector<8x1xi32> to vector<8x256xi32>
        %eq3A_75 = arith.cmpi eq, %iota3A, %eq3A_74 : vector<8x256xi32>
        %broadcast_in_dim3A_76 = vector.broadcast %scan3A : f32 to vector<8x256xf32>
        %select_n3A_77 = arith.select %eq3A_75, %broadcast_in_dim3A_76, %scan3A_61 : vector<8x256xi1>, vector<8x256xf32>
        scf.yield %select_n3A_77, %add3A_73 : vector<8x256xf32>, vector<8x24xi32>
      }
      %scan3A_51 = arith.constant 24 : i32
      %mul3A_52 = arith.constant 8 : i32
      %mul3A_53 = arith.muli %scan3A_37, %mul3A_52 : i32
      %swap3A_54 = arith.constant 0 : index
      %swap3A_55 = arith.index_cast %mul3A_53 : i32 to index
      %swap3A_56 = arith.constant 0 : index
      %swap3A_57 = vector.load %arg4[%swap3A_54, %swap3A_55, %swap3A_56] : memref<1x128x24xi32, #tpu.memory_space<vmem>>, vector<1x8x24xi32>
      %swap3A_58 = vector.shape_cast %swap3A_57 : vector<1x8x24xi32> to vector<8x24xi32>
      %swap3A_59 = vector.shape_cast %scan3A_50#1 : vector<8x24xi32> to vector<1x8x24xi32>
      tpu.vector_store %arg4[%swap3A_54, %swap3A_55, %swap3A_56], %swap3A_59 {strides = array<i32>} : memref<1x128x24xi32, #tpu.memory_space<vmem>>, vector<1x8x24xi32>,
    }
    %scan3A_36 = arith.constant 16 : i32
    return
  }
  func.func @transform_0(%arg0: i32, %arg1: i32) -> (i32, i32, i32) {
    %c0_i32 = arith.constant 0 : i32
    %c0_i32_0 = arith.constant 0 : i32
    %c0_i32_1 = arith.constant 0 : i32
    return %arg0, %c0_i32, %c0_i32_0 : i32, i32, i32
  }
  func.func @transform_1(%arg0: i32, %arg1: i32) -> (i32, i32, i32) {
    %c0_i32 = arith.constant 0 : i32
    %c0_i32_0 = arith.constant 0 : i32
    return %arg0, %arg1, %c0_i32 : i32, i32, i32
  }
  func.func @transform_2(%arg0: i32, %arg1: i32) -> (i32, i32, i32) {
    %c0_i32 = arith.constant 0 : i32
    %c0_i32_0 = arith.constant 0 : i32
    return %arg0, %arg1, %c0_i32 : i32, i32, i32
  }
}

module attributes {stable_mosaic.version = 14 : i64} {
  func.func @_fuse_body(%arg0: i32, %arg1: i32, %arg2: memref<1x32x24x64xf32, #tpu.memory_space<vmem>>, %arg3: memref<1x32x24x3xf32, #tpu.memory_space<vmem>>, %arg4: memref<1x32x64xf32, #tpu.memory_space<vmem>>, %arg5: memref<1x32x3xf32, #tpu.memory_space<vmem>>, %arg6: memref<1x2xf32, #tpu.memory_space<vmem>>, %arg7: memref<1x128xf32, #tpu.memory_space<vmem>>, %arg8: memref<1x128xf32, #tpu.memory_space<vmem>>, %arg9: memref<1x128xf32, #tpu.memory_space<vmem>>, %arg10: memref<1x128xf32, #tpu.memory_space<vmem>>, %arg11: memref<1x128xf32, #tpu.memory_space<vmem>>, %arg12: memref<1x32x128xf32, #tpu.memory_space<vmem>>) attributes {dimension_semantics = [#tpu.dimension_semantics<arbitrary>, #tpu.dimension_semantics<arbitrary>], iteration_bounds = array<i64: 8, 32>, scalar_prefetch = 0 : i64, scratch_operands = 0 : i64, tpu.core_type = #tpu.core_type<tc>, window_params = [{transform_indices = @transform_0, window_bounds = array<i64: 1, 32, 24, 64>}, {transform_indices = @transform_1, window_bounds = array<i64: 1, 32, 24, 3>}, {transform_indices = @transform_2, window_bounds = array<i64: 1, 32, 64>}, {transform_indices = @transform_3, window_bounds = array<i64: 1, 32, 3>}, {pipeline_mode = #tpu.pipeline_mode<synchronous>, transform_indices = @transform_4, window_bounds = array<i64: 1, 2>}, {pipeline_mode = #tpu.pipeline_mode<synchronous>, transform_indices = @transform_5, window_bounds = array<i64: 1, 128>}, {pipeline_mode = #tpu.pipeline_mode<synchronous>, transform_indices = @transform_6, window_bounds = array<i64: 1, 128>}, {pipeline_mode = #tpu.pipeline_mode<synchronous>, transform_indices = @transform_7, window_bounds = array<i64: 1, 128>}, {pipeline_mode = #tpu.pipeline_mode<synchronous>, transform_indices = @transform_8, window_bounds = array<i64: 1, 128>}, {pipeline_mode = #tpu.pipeline_mode<synchronous>, transform_indices = @transform_9, window_bounds = array<i64: 1, 128>}, {transform_indices = @transform_10, window_bounds = array<i64: 1, 32, 128>}]} {
    %get3A = arith.constant 0 : index
    %get3A_0 = arith.constant 0 : index
    %get3A_1 = arith.constant 0 : index
    %get3A_2 = arith.constant 0 : index
    %get3A_3 = vector.load %arg2[%get3A, %get3A_0, %get3A_1, %get3A_2] : memref<1x32x24x64xf32, #tpu.memory_space<vmem>>, vector<1x32x24x64xf32>
    %get3A_4 = vector.shape_cast %get3A_3 : vector<1x32x24x64xf32> to vector<32x24x64xf32>
    %get3A_5 = arith.constant 0 : index
    %get3A_6 = arith.constant 0 : index
    %get3A_7 = arith.constant 0 : index
    %get3A_8 = arith.constant 0 : index
    %get3A_9 = vector.load %arg3[%get3A_5, %get3A_6, %get3A_7, %get3A_8] : memref<1x32x24x3xf32, #tpu.memory_space<vmem>>, vector<1x32x24x3xf32>
    %get3A_10 = vector.shape_cast %get3A_9 : vector<1x32x24x3xf32> to vector<32x24x3xf32>
    %get3A_11 = arith.constant 0 : index
    %get3A_12 = arith.constant 0 : index
    %get3A_13 = arith.constant 0 : index
    %get3A_14 = vector.load %arg4[%get3A_11, %get3A_12, %get3A_13] : memref<1x32x64xf32, #tpu.memory_space<vmem>>, vector<1x32x64xf32>
    %get3A_15 = vector.shape_cast %get3A_14 : vector<1x32x64xf32> to vector<32x64xf32>
    %get3A_16 = arith.constant 0 : index
    %get3A_17 = arith.constant 0 : index
    %get3A_18 = arith.constant 0 : index
    %get3A_19 = vector.load %arg5[%get3A_16, %get3A_17, %get3A_18] : memref<1x32x3xf32, #tpu.memory_space<vmem>>, vector<1x32x3xf32>
    %get3A_20 = vector.shape_cast %get3A_19 : vector<1x32x3xf32> to vector<32x3xf32>
    %get3A_21 = arith.constant 0 : index
    %get3A_22 = arith.constant 0 : index
    %get3A_23 = vector.load %arg6[%get3A_21, %get3A_22] : memref<1x2xf32, #tpu.memory_space<vmem>>, vector<1x1xf32>
    %get3A_24 = arith.constant 0 : index
    %get3A_25 = arith.constant 1 : index
    %get3A_26 = vector.load %arg6[%get3A_24, %get3A_25] : memref<1x2xf32, #tpu.memory_space<vmem>>, vector<1x1xf32>
    %broadcast_in_dim3A = vector.shape_cast %get3A_20 : vector<32x3xf32> to vector<32x1x3xf32>
    %sub3A = vector.broadcast %broadcast_in_dim3A : vector<32x1x3xf32> to vector<32x24x3xf32>
    %sub3A_27 = arith.subf %get3A_10, %sub3A : vector<32x24x3xf32>
    %broadcast_in_dim3A_28 = vector.shape_cast %get3A_23 : vector<1x1xf32> to vector<1x1x1xf32>
    %div3A = vector.broadcast %broadcast_in_dim3A_28 : vector<1x1x1xf32> to vector<32x24x3xf32>
    %div3A_29 = arith.divf %sub3A_27, %div3A : vector<32x24x3xf32>
    %broadcast_in_dim3A_30 = vector.shape_cast %get3A_15 : vector<32x64xf32> to vector<32x1x64xf32>
    %sub3A_31 = vector.broadcast %broadcast_in_dim3A_30 : vector<32x1x64xf32> to vector<32x24x64xf32>
    %sub3A_32 = arith.subf %get3A_4, %sub3A_31 : vector<32x24x64xf32>
    %broadcast_in_dim3A_33 = vector.shape_cast %get3A_26 : vector<1x1xf32> to vector<1x1x1xf32>
    %div3A_34 = vector.broadcast %broadcast_in_dim3A_33 : vector<1x1x1xf32> to vector<32x24x64xf32>
    %div3A_35 = arith.divf %sub3A_32, %div3A_34 : vector<32x24x64xf32>
    %get3A_36 = arith.constant 0 : index
    %get3A_37 = arith.constant 0 : index
    %get3A_38 = vector.load %arg7[%get3A_36, %get3A_37] : memref<1x128xf32, #tpu.memory_space<vmem>>, vector<1x128xf32>
    %reshape3A = vector.shape_cast %get3A_38 : vector<1x128xf32> to vector<1x1x128xf32>
    %get3A_39 = arith.constant 0 : index
    %get3A_40 = arith.constant 0 : index
    %get3A_41 = vector.load %arg8[%get3A_39, %get3A_40] : memref<1x128xf32, #tpu.memory_space<vmem>>, vector<1x128xf32>
    %reshape3A_42 = vector.shape_cast %get3A_41 : vector<1x128xf32> to vector<1x1x128xf32>
    %get3A_43 = arith.constant 0 : index
    %get3A_44 = arith.constant 0 : index
    %get3A_45 = vector.load %arg9[%get3A_43, %get3A_44] : memref<1x128xf32, #tpu.memory_space<vmem>>, vector<1x128xf32>
    %reshape3A_46 = vector.shape_cast %get3A_45 : vector<1x128xf32> to vector<1x1x128xf32>
    %get3A_47 = arith.constant 0 : index
    %get3A_48 = arith.constant 0 : index
    %get3A_49 = vector.load %arg10[%get3A_47, %get3A_48] : memref<1x128xf32, #tpu.memory_space<vmem>>, vector<1x128xf32>
    %reshape3A_50 = vector.shape_cast %get3A_49 : vector<1x128xf32> to vector<1x1x128xf32>
    %get3A_51 = arith.constant 0 : index
    %get3A_52 = arith.constant 0 : index
    %get3A_53 = vector.load %arg11[%get3A_51, %get3A_52] : memref<1x128xf32, #tpu.memory_space<vmem>>, vector<1x128xf32>
    %reshape3A_54 = vector.shape_cast %get3A_53 : vector<1x128xf32> to vector<1x1x128xf32>
    %ne3A = arith.constant 0.000000e+00 : f32
    %ne3A_55 = vector.broadcast %ne3A : f32 to vector<1x1x128xf32>
    %ne3A_56 = arith.cmpf one, %reshape3A_54, %ne3A_55 : vector<1x1x128xf32>
    %slice3A = vector.extract_strided_slice %div3A_29 {offsets = [0, 0, 0], sizes = [32, 24, 1], strides = [1, 1, 1]} : vector<32x24x3xf32> to vector<32x24x1xf32>
    %mul3A = vector.broadcast %slice3A : vector<32x24x1xf32> to vector<32x24x128xf32>
    %mul3A_57 = vector.broadcast %reshape3A : vector<1x1x128xf32> to vector<32x24x128xf32>
    %mul3A_58 = arith.mulf %mul3A, %mul3A_57 : vector<32x24x128xf32>
    %slice3A_59 = vector.extract_strided_slice %div3A_29 {offsets = [0, 0, 1], sizes = [32, 24, 1], strides = [1, 1, 1]} : vector<32x24x3xf32> to vector<32x24x1xf32>
    %mul3A_60 = vector.broadcast %slice3A_59 : vector<32x24x1xf32> to vector<32x24x128xf32>
    %mul3A_61 = vector.broadcast %reshape3A_42 : vector<1x1x128xf32> to vector<32x24x128xf32>
    %mul3A_62 = arith.mulf %mul3A_60, %mul3A_61 : vector<32x24x128xf32>
    %add3A = arith.addf %mul3A_58, %mul3A_62 : vector<32x24x128xf32>
    %slice3A_63 = vector.extract_strided_slice %div3A_29 {offsets = [0, 0, 2], sizes = [32, 24, 1], strides = [1, 1, 1]} : vector<32x24x3xf32> to vector<32x24x1xf32>
    %mul3A_64 = vector.broadcast %slice3A_63 : vector<32x24x1xf32> to vector<32x24x128xf32>
    %mul3A_65 = vector.broadcast %reshape3A_46 : vector<1x1x128xf32> to vector<32x24x128xf32>
    %mul3A_66 = arith.mulf %mul3A_64, %mul3A_65 : vector<32x24x128xf32>
    %add3A_67 = arith.addf %add3A, %mul3A_66 : vector<32x24x128xf32>
    %mul3A_68 = arith.constant 1.000000e+02 : f32
    %mul3A_69 = vector.broadcast %mul3A_68 : f32 to vector<32x24x128xf32>
    %mul3A_70 = arith.mulf %mul3A_69, %add3A_67 : vector<32x24x128xf32>
    %div3A_71 = vector.broadcast %reshape3A_50 : vector<1x1x128xf32> to vector<32x24x128xf32>
    %div3A_72 = arith.divf %mul3A_70, %div3A_71 : vector<32x24x128xf32>
    %sin3A = math.sin %div3A_72 : vector<32x24x128xf32>
    %cos3A = math.cos %div3A_72 : vector<32x24x128xf32>
    %broadcast_in_dim3A_73 = vector.shape_cast %ne3A_56 : vector<1x1x128xi1> to vector<1x1x128xi1>
    %broadcast_in_dim3A_74 = vector.broadcast %broadcast_in_dim3A_73 : vector<1x1x128xi1> to vector<32x24x128xi1>
    %select_n3A = arith.select %broadcast_in_dim3A_74, %sin3A, %cos3A : vector<32x24x128xi1>, vector<32x24x128xf32>
    %slice3A_75 = vector.extract_strided_slice %select_n3A {offsets = [0, 0, 0], sizes = [32, 24, 64], strides = [1, 1, 1]} : vector<32x24x128xf32> to vector<32x24x64xf32>
    %slice3A_76 = vector.extract_strided_slice %select_n3A {offsets = [0, 0, 64], sizes = [32, 24, 64], strides = [1, 1, 1]} : vector<32x24x128xf32> to vector<32x24x64xf32>
    %add3A_77 = arith.addf %div3A_35, %slice3A_75 : vector<32x24x64xf32>
    %mul3A_78 = arith.mulf %add3A_77, %slice3A_75 : vector<32x24x64xf32>
    %broadcast_in_dim3A_79 = vector.shape_cast %get3A_15 : vector<32x64xf32> to vector<32x1x64xf32>
    %add3A_80 = vector.broadcast %broadcast_in_dim3A_79 : vector<32x1x64xf32> to vector<32x24x64xf32>
    %add3A_81 = arith.addf %add3A_80, %slice3A_76 : vector<32x24x64xf32>
    %mul3A_82 = arith.mulf %add3A_81, %slice3A_76 : vector<32x24x64xf32>
    %reduce_max3A = arith.constant dense<0xFF800000> : vector<32x64xf32>
    %reduce_max3A_83 = vector.multi_reduction <maximumf>, %mul3A_78, %reduce_max3A [1] : vector<32x24x64xf32> to vector<32x64xf32>
    %reduce_sum3A = arith.constant dense<0.000000e+00> : vector<32x64xf32>
    %reduce_sum3A_84 = vector.multi_reduction <add>, %mul3A_78, %reduce_sum3A [1] : vector<32x24x64xf32> to vector<32x64xf32>
    %div3A_85 = arith.constant 2.400000e+01 : f32
    %div3A_86 = vector.broadcast %div3A_85 : f32 to vector<32x64xf32>
    %div3A_87 = arith.divf %reduce_sum3A_84, %div3A_86 : vector<32x64xf32>
    %add3A_88 = arith.addf %reduce_max3A_83, %div3A_87 : vector<32x64xf32>
    %reduce_max3A_89 = arith.constant dense<0xFF800000> : vector<32x64xf32>
    %reduce_max3A_90 = vector.multi_reduction <maximumf>, %mul3A_82, %reduce_max3A_89 [1] : vector<32x24x64xf32> to vector<32x64xf32>
    %reduce_sum3A_91 = arith.constant dense<0.000000e+00> : vector<32x64xf32>
    %reduce_sum3A_92 = vector.multi_reduction <add>, %mul3A_82, %reduce_sum3A_91 [1] : vector<32x24x64xf32> to vector<32x64xf32>
    %div3A_93 = arith.constant 2.400000e+01 : f32
    %div3A_94 = vector.broadcast %div3A_93 : f32 to vector<32x64xf32>
    %div3A_95 = arith.divf %reduce_sum3A_92, %div3A_94 : vector<32x64xf32>
    %add3A_96 = arith.addf %reduce_max3A_90, %div3A_95 : vector<32x64xf32>
    %concatenate3A = tpu.concatenate %add3A_88, %add3A_96 in 1 : vector<32x64xf32>, vector<32x64xf32> -> vector<32x128xf32>
    %swap3A = arith.constant 0 : index
    %swap3A_97 = arith.constant 0 : index
    %swap3A_98 = arith.constant 0 : index
    %swap3A_99 = vector.load %arg12[%swap3A, %swap3A_97, %swap3A_98] : memref<1x32x128xf32, #tpu.memory_space<vmem>>, vector<1x32x128xf32>
    %swap3A_100 = vector.shape_cast %swap3A_99 : vector<1x32x128xf32> to vector<32x128xf32>
    %swap3A_101 = vector.shape_cast %concatenate3A : vector<32x128xf32> to vector<1x32x128xf32>
    tpu.vector_store %arg12[%swap3A, %swap3A_97, %swap3A_98], %swap3A_101 {strides = array<i32>} : memref<1x32x128xf32, #tpu.memory_space<vmem>>, vector<1x32x128xf32>,
    return
  }
  func.func @transform_0(%arg0: i32, %arg1: i32) -> (i32, i32, i32, i32) {
    %c0_i32 = arith.constant 0 : i32
    %c0_i32_0 = arith.constant 0 : i32
    %c0_i32_1 = arith.constant 0 : i32
    return %arg0, %arg1, %c0_i32, %c0_i32_0 : i32, i32, i32, i32
  }
  func.func @transform_1(%arg0: i32, %arg1: i32) -> (i32, i32, i32, i32) {
    %c0_i32 = arith.constant 0 : i32
    %c0_i32_0 = arith.constant 0 : i32
    %c0_i32_1 = arith.constant 0 : i32
    return %arg0, %arg1, %c0_i32, %c0_i32_0 : i32, i32, i32, i32
  }
  func.func @transform_2(%arg0: i32, %arg1: i32) -> (i32, i32, i32) {
    %c0_i32 = arith.constant 0 : i32
    %c0_i32_0 = arith.constant 0 : i32
    return %arg0, %arg1, %c0_i32 : i32, i32, i32
  }
  func.func @transform_3(%arg0: i32, %arg1: i32) -> (i32, i32, i32) {
    %c0_i32 = arith.constant 0 : i32
    %c0_i32_0 = arith.constant 0 : i32
    return %arg0, %arg1, %c0_i32 : i32, i32, i32
  }
  func.func @transform_4(%arg0: i32, %arg1: i32) -> (i32, i32) {
    %c0_i32 = arith.constant 0 : i32
    %c0_i32_0 = arith.constant 0 : i32
    %c0_i32_1 = arith.constant 0 : i32
    return %c0_i32, %c0_i32_0 : i32, i32
  }
  func.func @transform_5(%arg0: i32, %arg1: i32) -> (i32, i32) {
    %c0_i32 = arith.constant 0 : i32
    %c0_i32_0 = arith.constant 0 : i32
    %c0_i32_1 = arith.constant 0 : i32
    return %c0_i32, %c0_i32_0 : i32, i32
  }
  func.func @transform_6(%arg0: i32, %arg1: i32) -> (i32, i32) {
    %c0_i32 = arith.constant 0 : i32
    %c0_i32_0 = arith.constant 0 : i32
    %c0_i32_1 = arith.constant 0 : i32
    return %c0_i32, %c0_i32_0 : i32, i32
  }
  func.func @transform_7(%arg0: i32, %arg1: i32) -> (i32, i32) {
    %c0_i32 = arith.constant 0 : i32
    %c0_i32_0 = arith.constant 0 : i32
    %c0_i32_1 = arith.constant 0 : i32
    return %c0_i32, %c0_i32_0 : i32, i32
  }
  func.func @transform_8(%arg0: i32, %arg1: i32) -> (i32, i32) {
    %c0_i32 = arith.constant 0 : i32
    %c0_i32_0 = arith.constant 0 : i32
    %c0_i32_1 = arith.constant 0 : i32
    return %c0_i32, %c0_i32_0 : i32, i32
  }
  func.func @transform_9(%arg0: i32, %arg1: i32) -> (i32, i32) {
    %c0_i32 = arith.constant 0 : i32
    %c0_i32_0 = arith.constant 0 : i32
    %c0_i32_1 = arith.constant 0 : i32
    return %c0_i32, %c0_i32_0 : i32, i32
  }
  func.func @transform_10(%arg0: i32, %arg1: i32) -> (i32, i32, i32) {
    %c0_i32 = arith.constant 0 : i32
    %c0_i32_0 = arith.constant 0 : i32
    return %arg0, %arg1, %c0_i32 : i32, i32, i32
  }
}

module attributes {stable_mosaic.version = 14 : i64} {
  func.func @_gather_body(%arg0: i32, %arg1: i32, %arg2: memref<1x32x24xi32, #tpu.memory_space<smem>>, %arg3: memref<1x1024x131xf32, #tpu.memory_space<vmem>>, %arg4: memref<1x32x24x128xf32, #tpu.memory_space<vmem>>, %arg5: memref<1x32x24x3xf32, #tpu.memory_space<vmem>>) attributes {dimension_semantics = [#tpu.dimension_semantics<arbitrary>, #tpu.dimension_semantics<arbitrary>], iteration_bounds = array<i64: 8, 16>, scalar_prefetch = 0 : i64, scratch_operands = 0 : i64, tpu.core_type = #tpu.core_type<tc>, window_params = [{transform_indices = @transform_0, window_bounds = array<i64: 1, 32, 24>}, {transform_indices = @transform_1, window_bounds = array<i64: 1, 1024, 131>}, {transform_indices = @transform_2, window_bounds = array<i64: 1, 32, 24, 128>}, {transform_indices = @transform_3, window_bounds = array<i64: 1, 32, 24, 3>}]} {
    %scan3A = arith.constant 0 : i32
    %scan3A_0 = arith.constant 32 : i32
    %scan3A_1 = arith.addi %scan3A, %scan3A_0 : i32
    %scan3A_2 = arith.constant 1 : i32
    scf.for %scan3A_4 = %scan3A to %scan3A_1 step %scan3A_2  : i32 {
      %get3A = arith.constant 0 : index
      %get3A_5 = arith.index_cast %scan3A_4 : i32 to index
      %get3A_6 = arith.constant 0 : index
      %get3A_7 = memref.load %arg2[%get3A, %get3A_5, %get3A_6] : memref<1x32x24xi32, #tpu.memory_space<smem>>
      %get3A_8 = arith.constant 0 : index
      %get3A_9 = arith.index_cast %get3A_7 : i32 to index
      %get3A_10 = arith.constant 0 : index
      %get3A_11 = vector.load %arg3[%get3A_8, %get3A_9, %get3A_10] : memref<1x1024x131xf32, #tpu.memory_space<vmem>>, vector<1x1x131xf32>
      %get3A_12 = vector.shape_cast %get3A_11 : vector<1x1x131xf32> to vector<1x131xf32>
      %slice3A = vector.extract_strided_slice %get3A_12 {offsets = [0, 0], sizes = [1, 128], strides = [1, 1]} : vector<1x131xf32> to vector<1x128xf32>
      %swap3A = arith.constant 0 : index
      %swap3A_13 = arith.index_cast %scan3A_4 : i32 to index
      %swap3A_14 = arith.constant 0 : index
      %swap3A_15 = arith.constant 0 : index
      %swap3A_16 = vector.load %arg4[%swap3A, %swap3A_13, %swap3A_14, %swap3A_15] : memref<1x32x24x128xf32, #tpu.memory_space<vmem>>, vector<1x1x1x128xf32>
      %swap3A_17 = vector.shape_cast %swap3A_16 : vector<1x1x1x128xf32> to vector<1x128xf32>
      %swap3A_18 = vector.shape_cast %slice3A : vector<1x128xf32> to vector<1x1x1x128xf32>
      tpu.vector_store %arg4[%swap3A, %swap3A_13, %swap3A_14, %swap3A_15], %swap3A_18 {strides = array<i32>} : memref<1x32x24x128xf32, #tpu.memory_space<vmem>>, vector<1x1x1x128xf32>,
      %slice3A_19 = vector.extract_strided_slice %get3A_12 {offsets = [0, 128], sizes = [1, 3], strides = [1, 1]} : vector<1x131xf32> to vector<1x3xf32>
      %swap3A_20 = arith.constant 0 : index
      %swap3A_21 = arith.index_cast %scan3A_4 : i32 to index
      %swap3A_22 = arith.constant 0 : index
      %swap3A_23 = arith.constant 0 : index
      %swap3A_24 = vector.load %arg5[%swap3A_20, %swap3A_21, %swap3A_22, %swap3A_23] : memref<1x32x24x3xf32, #tpu.memory_space<vmem>>, vector<1x1x1x3xf32>
      %swap3A_25 = vector.shape_cast %swap3A_24 : vector<1x1x1x3xf32> to vector<1x3xf32>
      %swap3A_26 = vector.shape_cast %slice3A_19 : vector<1x3xf32> to vector<1x1x1x3xf32>
      tpu.vector_store %arg5[%swap3A_20, %swap3A_21, %swap3A_22, %swap3A_23], %swap3A_26 {strides = array<i32>} : memref<1x32x24x3xf32, #tpu.memory_space<vmem>>, vector<1x1x1x3xf32>,
      %get3A_27 = arith.constant 0 : index
      %get3A_28 = arith.index_cast %scan3A_4 : i32 to index
      %get3A_29 = arith.constant 1 : index
      %get3A_30 = memref.load %arg2[%get3A_27, %get3A_28, %get3A_29] : memref<1x32x24xi32, #tpu.memory_space<smem>>
      %get3A_31 = arith.constant 0 : index
      %get3A_32 = arith.index_cast %get3A_30 : i32 to index
      %get3A_33 = arith.constant 0 : index
      %get3A_34 = vector.load %arg3[%get3A_31, %get3A_32, %get3A_33] : memref<1x1024x131xf32, #tpu.memory_space<vmem>>, vector<1x1x131xf32>
      %get3A_35 = vector.shape_cast %get3A_34 : vector<1x1x131xf32> to vector<1x131xf32>
      %slice3A_36 = vector.extract_strided_slice %get3A_35 {offsets = [0, 0], sizes = [1, 128], strides = [1, 1]} : vector<1x131xf32> to vector<1x128xf32>
      %swap3A_37 = arith.constant 0 : index
      %swap3A_38 = arith.index_cast %scan3A_4 : i32 to index
      %swap3A_39 = arith.constant 1 : index
      %swap3A_40 = arith.constant 0 : index
      %swap3A_41 = vector.load %arg4[%swap3A_37, %swap3A_38, %swap3A_39, %swap3A_40] : memref<1x32x24x128xf32, #tpu.memory_space<vmem>>, vector<1x1x1x128xf32>
      %swap3A_42 = vector.shape_cast %swap3A_41 : vector<1x1x1x128xf32> to vector<1x128xf32>
      %swap3A_43 = vector.shape_cast %slice3A_36 : vector<1x128xf32> to vector<1x1x1x128xf32>
      tpu.vector_store %arg4[%swap3A_37, %swap3A_38, %swap3A_39, %swap3A_40], %swap3A_43 {strides = array<i32>} : memref<1x32x24x128xf32, #tpu.memory_space<vmem>>, vector<1x1x1x128xf32>,
      %slice3A_44 = vector.extract_strided_slice %get3A_35 {offsets = [0, 128], sizes = [1, 3], strides = [1, 1]} : vector<1x131xf32> to vector<1x3xf32>
      %swap3A_45 = arith.constant 0 : index
      %swap3A_46 = arith.index_cast %scan3A_4 : i32 to index
      %swap3A_47 = arith.constant 1 : index
      %swap3A_48 = arith.constant 0 : index
      %swap3A_49 = vector.load %arg5[%swap3A_45, %swap3A_46, %swap3A_47, %swap3A_48] : memref<1x32x24x3xf32, #tpu.memory_space<vmem>>, vector<1x1x1x3xf32>
      %swap3A_50 = vector.shape_cast %swap3A_49 : vector<1x1x1x3xf32> to vector<1x3xf32>
      %swap3A_51 = vector.shape_cast %slice3A_44 : vector<1x3xf32> to vector<1x1x1x3xf32>
      tpu.vector_store %arg5[%swap3A_45, %swap3A_46, %swap3A_47, %swap3A_48], %swap3A_51 {strides = array<i32>} : memref<1x32x24x3xf32, #tpu.memory_space<vmem>>, vector<1x1x1x3xf32>,
      %get3A_52 = arith.constant 0 : index
      %get3A_53 = arith.index_cast %scan3A_4 : i32 to index
      %get3A_54 = arith.constant 2 : index
      %get3A_55 = memref.load %arg2[%get3A_52, %get3A_53, %get3A_54] : memref<1x32x24xi32, #tpu.memory_space<smem>>
      %get3A_56 = arith.constant 0 : index
      %get3A_57 = arith.index_cast %get3A_55 : i32 to index
      %get3A_58 = arith.constant 0 : index
      %get3A_59 = vector.load %arg3[%get3A_56, %get3A_57, %get3A_58] : memref<1x1024x131xf32, #tpu.memory_space<vmem>>, vector<1x1x131xf32>
      %get3A_60 = vector.shape_cast %get3A_59 : vector<1x1x131xf32> to vector<1x131xf32>
      %slice3A_61 = vector.extract_strided_slice %get3A_60 {offsets = [0, 0], sizes = [1, 128], strides = [1, 1]} : vector<1x131xf32> to vector<1x128xf32>
      %swap3A_62 = arith.constant 0 : index
      %swap3A_63 = arith.index_cast %scan3A_4 : i32 to index
      %swap3A_64 = arith.constant 2 : index
      %swap3A_65 = arith.constant 0 : index
      %swap3A_66 = vector.load %arg4[%swap3A_62, %swap3A_63, %swap3A_64, %swap3A_65] : memref<1x32x24x128xf32, #tpu.memory_space<vmem>>, vector<1x1x1x128xf32>
      %swap3A_67 = vector.shape_cast %swap3A_66 : vector<1x1x1x128xf32> to vector<1x128xf32>
      %swap3A_68 = vector.shape_cast %slice3A_61 : vector<1x128xf32> to vector<1x1x1x128xf32>
      tpu.vector_store %arg4[%swap3A_62, %swap3A_63, %swap3A_64, %swap3A_65], %swap3A_68 {strides = array<i32>} : memref<1x32x24x128xf32, #tpu.memory_space<vmem>>, vector<1x1x1x128xf32>,
      %slice3A_69 = vector.extract_strided_slice %get3A_60 {offsets = [0, 128], sizes = [1, 3], strides = [1, 1]} : vector<1x131xf32> to vector<1x3xf32>
      %swap3A_70 = arith.constant 0 : index
      %swap3A_71 = arith.index_cast %scan3A_4 : i32 to index
      %swap3A_72 = arith.constant 2 : index
      %swap3A_73 = arith.constant 0 : index
      %swap3A_74 = vector.load %arg5[%swap3A_70, %swap3A_71, %swap3A_72, %swap3A_73] : memref<1x32x24x3xf32, #tpu.memory_space<vmem>>, vector<1x1x1x3xf32>
      %swap3A_75 = vector.shape_cast %swap3A_74 : vector<1x1x1x3xf32> to vector<1x3xf32>
      %swap3A_76 = vector.shape_cast %slice3A_69 : vector<1x3xf32> to vector<1x1x1x3xf32>
      tpu.vector_store %arg5[%swap3A_70, %swap3A_71, %swap3A_72, %swap3A_73], %swap3A_76 {strides = array<i32>} : memref<1x32x24x3xf32, #tpu.memory_space<vmem>>, vector<1x1x1x3xf32>,
      %get3A_77 = arith.constant 0 : index
      %get3A_78 = arith.index_cast %scan3A_4 : i32 to index
      %get3A_79 = arith.constant 3 : index
      %get3A_80 = memref.load %arg2[%get3A_77, %get3A_78, %get3A_79] : memref<1x32x24xi32, #tpu.memory_space<smem>>
      %get3A_81 = arith.constant 0 : index
      %get3A_82 = arith.index_cast %get3A_80 : i32 to index
      %get3A_83 = arith.constant 0 : index
      %get3A_84 = vector.load %arg3[%get3A_81, %get3A_82, %get3A_83] : memref<1x1024x131xf32, #tpu.memory_space<vmem>>, vector<1x1x131xf32>
      %get3A_85 = vector.shape_cast %get3A_84 : vector<1x1x131xf32> to vector<1x131xf32>
      %slice3A_86 = vector.extract_strided_slice %get3A_85 {offsets = [0, 0], sizes = [1, 128], strides = [1, 1]} : vector<1x131xf32> to vector<1x128xf32>
      %swap3A_87 = arith.constant 0 : index
      %swap3A_88 = arith.index_cast %scan3A_4 : i32 to index
      %swap3A_89 = arith.constant 3 : index
      %swap3A_90 = arith.constant 0 : index
      %swap3A_91 = vector.load %arg4[%swap3A_87, %swap3A_88, %swap3A_89, %swap3A_90] : memref<1x32x24x128xf32, #tpu.memory_space<vmem>>, vector<1x1x1x128xf32>
      %swap3A_92 = vector.shape_cast %swap3A_91 : vector<1x1x1x128xf32> to vector<1x128xf32>
      %swap3A_93 = vector.shape_cast %slice3A_86 : vector<1x128xf32> to vector<1x1x1x128xf32>
      tpu.vector_store %arg4[%swap3A_87, %swap3A_88, %swap3A_89, %swap3A_90], %swap3A_93 {strides = array<i32>} : memref<1x32x24x128xf32, #tpu.memory_space<vmem>>, vector<1x1x1x128xf32>,
      %slice3A_94 = vector.extract_strided_slice %get3A_85 {offsets = [0, 128], sizes = [1, 3], strides = [1, 1]} : vector<1x131xf32> to vector<1x3xf32>
      %swap3A_95 = arith.constant 0 : index
      %swap3A_96 = arith.index_cast %scan3A_4 : i32 to index
      %swap3A_97 = arith.constant 3 : index
      %swap3A_98 = arith.constant 0 : index
      %swap3A_99 = vector.load %arg5[%swap3A_95, %swap3A_96, %swap3A_97, %swap3A_98] : memref<1x32x24x3xf32, #tpu.memory_space<vmem>>, vector<1x1x1x3xf32>
      %swap3A_100 = vector.shape_cast %swap3A_99 : vector<1x1x1x3xf32> to vector<1x3xf32>
      %swap3A_101 = vector.shape_cast %slice3A_94 : vector<1x3xf32> to vector<1x1x1x3xf32>
      tpu.vector_store %arg5[%swap3A_95, %swap3A_96, %swap3A_97, %swap3A_98], %swap3A_101 {strides = array<i32>} : memref<1x32x24x3xf32, #tpu.memory_space<vmem>>, vector<1x1x1x3xf32>,
      %get3A_102 = arith.constant 0 : index
      %get3A_103 = arith.index_cast %scan3A_4 : i32 to index
      %get3A_104 = arith.constant 4 : index
      %get3A_105 = memref.load %arg2[%get3A_102, %get3A_103, %get3A_104] : memref<1x32x24xi32, #tpu.memory_space<smem>>
      %get3A_106 = arith.constant 0 : index
      %get3A_107 = arith.index_cast %get3A_105 : i32 to index
      %get3A_108 = arith.constant 0 : index
      %get3A_109 = vector.load %arg3[%get3A_106, %get3A_107, %get3A_108] : memref<1x1024x131xf32, #tpu.memory_space<vmem>>, vector<1x1x131xf32>
      %get3A_110 = vector.shape_cast %get3A_109 : vector<1x1x131xf32> to vector<1x131xf32>
      %slice3A_111 = vector.extract_strided_slice %get3A_110 {offsets = [0, 0], sizes = [1, 128], strides = [1, 1]} : vector<1x131xf32> to vector<1x128xf32>
      %swap3A_112 = arith.constant 0 : index
      %swap3A_113 = arith.index_cast %scan3A_4 : i32 to index
      %swap3A_114 = arith.constant 4 : index
      %swap3A_115 = arith.constant 0 : index
      %swap3A_116 = vector.load %arg4[%swap3A_112, %swap3A_113, %swap3A_114, %swap3A_115] : memref<1x32x24x128xf32, #tpu.memory_space<vmem>>, vector<1x1x1x128xf32>
      %swap3A_117 = vector.shape_cast %swap3A_116 : vector<1x1x1x128xf32> to vector<1x128xf32>
      %swap3A_118 = vector.shape_cast %slice3A_111 : vector<1x128xf32> to vector<1x1x1x128xf32>
      tpu.vector_store %arg4[%swap3A_112, %swap3A_113, %swap3A_114, %swap3A_115], %swap3A_118 {strides = array<i32>} : memref<1x32x24x128xf32, #tpu.memory_space<vmem>>, vector<1x1x1x128xf32>,
      %slice3A_119 = vector.extract_strided_slice %get3A_110 {offsets = [0, 128], sizes = [1, 3], strides = [1, 1]} : vector<1x131xf32> to vector<1x3xf32>
      %swap3A_120 = arith.constant 0 : index
      %swap3A_121 = arith.index_cast %scan3A_4 : i32 to index
      %swap3A_122 = arith.constant 4 : index
      %swap3A_123 = arith.constant 0 : index
      %swap3A_124 = vector.load %arg5[%swap3A_120, %swap3A_121, %swap3A_122, %swap3A_123] : memref<1x32x24x3xf32, #tpu.memory_space<vmem>>, vector<1x1x1x3xf32>
      %swap3A_125 = vector.shape_cast %swap3A_124 : vector<1x1x1x3xf32> to vector<1x3xf32>
      %swap3A_126 = vector.shape_cast %slice3A_119 : vector<1x3xf32> to vector<1x1x1x3xf32>
      tpu.vector_store %arg5[%swap3A_120, %swap3A_121, %swap3A_122, %swap3A_123], %swap3A_126 {strides = array<i32>} : memref<1x32x24x3xf32, #tpu.memory_space<vmem>>, vector<1x1x1x3xf32>,
      %get3A_127 = arith.constant 0 : index
      %get3A_128 = arith.index_cast %scan3A_4 : i32 to index
      %get3A_129 = arith.constant 5 : index
      %get3A_130 = memref.load %arg2[%get3A_127, %get3A_128, %get3A_129] : memref<1x32x24xi32, #tpu.memory_space<smem>>
      %get3A_131 = arith.constant 0 : index
      %get3A_132 = arith.index_cast %get3A_130 : i32 to index
      %get3A_133 = arith.constant 0 : index
      %get3A_134 = vector.load %arg3[%get3A_131, %get3A_132, %get3A_133] : memref<1x1024x131xf32, #tpu.memory_space<vmem>>, vector<1x1x131xf32>
      %get3A_135 = vector.shape_cast %get3A_134 : vector<1x1x131xf32> to vector<1x131xf32>
      %slice3A_136 = vector.extract_strided_slice %get3A_135 {offsets = [0, 0], sizes = [1, 128], strides = [1, 1]} : vector<1x131xf32> to vector<1x128xf32>
      %swap3A_137 = arith.constant 0 : index
      %swap3A_138 = arith.index_cast %scan3A_4 : i32 to index
      %swap3A_139 = arith.constant 5 : index
      %swap3A_140 = arith.constant 0 : index
      %swap3A_141 = vector.load %arg4[%swap3A_137, %swap3A_138, %swap3A_139, %swap3A_140] : memref<1x32x24x128xf32, #tpu.memory_space<vmem>>, vector<1x1x1x128xf32>
      %swap3A_142 = vector.shape_cast %swap3A_141 : vector<1x1x1x128xf32> to vector<1x128xf32>
      %swap3A_143 = vector.shape_cast %slice3A_136 : vector<1x128xf32> to vector<1x1x1x128xf32>
      tpu.vector_store %arg4[%swap3A_137, %swap3A_138, %swap3A_139, %swap3A_140], %swap3A_143 {strides = array<i32>} : memref<1x32x24x128xf32, #tpu.memory_space<vmem>>, vector<1x1x1x128xf32>,
      %slice3A_144 = vector.extract_strided_slice %get3A_135 {offsets = [0, 128], sizes = [1, 3], strides = [1, 1]} : vector<1x131xf32> to vector<1x3xf32>
      %swap3A_145 = arith.constant 0 : index
      %swap3A_146 = arith.index_cast %scan3A_4 : i32 to index
      %swap3A_147 = arith.constant 5 : index
      %swap3A_148 = arith.constant 0 : index
      %swap3A_149 = vector.load %arg5[%swap3A_145, %swap3A_146, %swap3A_147, %swap3A_148] : memref<1x32x24x3xf32, #tpu.memory_space<vmem>>, vector<1x1x1x3xf32>
      %swap3A_150 = vector.shape_cast %swap3A_149 : vector<1x1x1x3xf32> to vector<1x3xf32>
      %swap3A_151 = vector.shape_cast %slice3A_144 : vector<1x3xf32> to vector<1x1x1x3xf32>
      tpu.vector_store %arg5[%swap3A_145, %swap3A_146, %swap3A_147, %swap3A_148], %swap3A_151 {strides = array<i32>} : memref<1x32x24x3xf32, #tpu.memory_space<vmem>>, vector<1x1x1x3xf32>,
      %get3A_152 = arith.constant 0 : index
      %get3A_153 = arith.index_cast %scan3A_4 : i32 to index
      %get3A_154 = arith.constant 6 : index
      %get3A_155 = memref.load %arg2[%get3A_152, %get3A_153, %get3A_154] : memref<1x32x24xi32, #tpu.memory_space<smem>>
      %get3A_156 = arith.constant 0 : index
      %get3A_157 = arith.index_cast %get3A_155 : i32 to index
      %get3A_158 = arith.constant 0 : index
      %get3A_159 = vector.load %arg3[%get3A_156, %get3A_157, %get3A_158] : memref<1x1024x131xf32, #tpu.memory_space<vmem>>, vector<1x1x131xf32>
      %get3A_160 = vector.shape_cast %get3A_159 : vector<1x1x131xf32> to vector<1x131xf32>
      %slice3A_161 = vector.extract_strided_slice %get3A_160 {offsets = [0, 0], sizes = [1, 128], strides = [1, 1]} : vector<1x131xf32> to vector<1x128xf32>
      %swap3A_162 = arith.constant 0 : index
      %swap3A_163 = arith.index_cast %scan3A_4 : i32 to index
      %swap3A_164 = arith.constant 6 : index
      %swap3A_165 = arith.constant 0 : index
      %swap3A_166 = vector.load %arg4[%swap3A_162, %swap3A_163, %swap3A_164, %swap3A_165] : memref<1x32x24x128xf32, #tpu.memory_space<vmem>>, vector<1x1x1x128xf32>
      %swap3A_167 = vector.shape_cast %swap3A_166 : vector<1x1x1x128xf32> to vector<1x128xf32>
      %swap3A_168 = vector.shape_cast %slice3A_161 : vector<1x128xf32> to vector<1x1x1x128xf32>
      tpu.vector_store %arg4[%swap3A_162, %swap3A_163, %swap3A_164, %swap3A_165], %swap3A_168 {strides = array<i32>} : memref<1x32x24x128xf32, #tpu.memory_space<vmem>>, vector<1x1x1x128xf32>,
      %slice3A_169 = vector.extract_strided_slice %get3A_160 {offsets = [0, 128], sizes = [1, 3], strides = [1, 1]} : vector<1x131xf32> to vector<1x3xf32>
      %swap3A_170 = arith.constant 0 : index
      %swap3A_171 = arith.index_cast %scan3A_4 : i32 to index
      %swap3A_172 = arith.constant 6 : index
      %swap3A_173 = arith.constant 0 : index
      %swap3A_174 = vector.load %arg5[%swap3A_170, %swap3A_171, %swap3A_172, %swap3A_173] : memref<1x32x24x3xf32, #tpu.memory_space<vmem>>, vector<1x1x1x3xf32>
      %swap3A_175 = vector.shape_cast %swap3A_174 : vector<1x1x1x3xf32> to vector<1x3xf32>
      %swap3A_176 = vector.shape_cast %slice3A_169 : vector<1x3xf32> to vector<1x1x1x3xf32>
      tpu.vector_store %arg5[%swap3A_170, %swap3A_171, %swap3A_172, %swap3A_173], %swap3A_176 {strides = array<i32>} : memref<1x32x24x3xf32, #tpu.memory_space<vmem>>, vector<1x1x1x3xf32>,
      %get3A_177 = arith.constant 0 : index
      %get3A_178 = arith.index_cast %scan3A_4 : i32 to index
      %get3A_179 = arith.constant 7 : index
      %get3A_180 = memref.load %arg2[%get3A_177, %get3A_178, %get3A_179] : memref<1x32x24xi32, #tpu.memory_space<smem>>
      %get3A_181 = arith.constant 0 : index
      %get3A_182 = arith.index_cast %get3A_180 : i32 to index
      %get3A_183 = arith.constant 0 : index
      %get3A_184 = vector.load %arg3[%get3A_181, %get3A_182, %get3A_183] : memref<1x1024x131xf32, #tpu.memory_space<vmem>>, vector<1x1x131xf32>
      %get3A_185 = vector.shape_cast %get3A_184 : vector<1x1x131xf32> to vector<1x131xf32>
      %slice3A_186 = vector.extract_strided_slice %get3A_185 {offsets = [0, 0], sizes = [1, 128], strides = [1, 1]} : vector<1x131xf32> to vector<1x128xf32>
      %swap3A_187 = arith.constant 0 : index
      %swap3A_188 = arith.index_cast %scan3A_4 : i32 to index
      %swap3A_189 = arith.constant 7 : index
      %swap3A_190 = arith.constant 0 : index
      %swap3A_191 = vector.load %arg4[%swap3A_187, %swap3A_188, %swap3A_189, %swap3A_190] : memref<1x32x24x128xf32, #tpu.memory_space<vmem>>, vector<1x1x1x128xf32>
      %swap3A_192 = vector.shape_cast %swap3A_191 : vector<1x1x1x128xf32> to vector<1x128xf32>
      %swap3A_193 = vector.shape_cast %slice3A_186 : vector<1x128xf32> to vector<1x1x1x128xf32>
      tpu.vector_store %arg4[%swap3A_187, %swap3A_188, %swap3A_189, %swap3A_190], %swap3A_193 {strides = array<i32>} : memref<1x32x24x128xf32, #tpu.memory_space<vmem>>, vector<1x1x1x128xf32>,
      %slice3A_194 = vector.extract_strided_slice %get3A_185 {offsets = [0, 128], sizes = [1, 3], strides = [1, 1]} : vector<1x131xf32> to vector<1x3xf32>
      %swap3A_195 = arith.constant 0 : index
      %swap3A_196 = arith.index_cast %scan3A_4 : i32 to index
      %swap3A_197 = arith.constant 7 : index
      %swap3A_198 = arith.constant 0 : index
      %swap3A_199 = vector.load %arg5[%swap3A_195, %swap3A_196, %swap3A_197, %swap3A_198] : memref<1x32x24x3xf32, #tpu.memory_space<vmem>>, vector<1x1x1x3xf32>
      %swap3A_200 = vector.shape_cast %swap3A_199 : vector<1x1x1x3xf32> to vector<1x3xf32>
      %swap3A_201 = vector.shape_cast %slice3A_194 : vector<1x3xf32> to vector<1x1x1x3xf32>
      tpu.vector_store %arg5[%swap3A_195, %swap3A_196, %swap3A_197, %swap3A_198], %swap3A_201 {strides = array<i32>} : memref<1x32x24x3xf32, #tpu.memory_space<vmem>>, vector<1x1x1x3xf32>,
      %get3A_202 = arith.constant 0 : index
      %get3A_203 = arith.index_cast %scan3A_4 : i32 to index
      %get3A_204 = arith.constant 8 : index
      %get3A_205 = memref.load %arg2[%get3A_202, %get3A_203, %get3A_204] : memref<1x32x24xi32, #tpu.memory_space<smem>>
      %get3A_206 = arith.constant 0 : index
      %get3A_207 = arith.index_cast %get3A_205 : i32 to index
      %get3A_208 = arith.constant 0 : index
      %get3A_209 = vector.load %arg3[%get3A_206, %get3A_207, %get3A_208] : memref<1x1024x131xf32, #tpu.memory_space<vmem>>, vector<1x1x131xf32>
      %get3A_210 = vector.shape_cast %get3A_209 : vector<1x1x131xf32> to vector<1x131xf32>
      %slice3A_211 = vector.extract_strided_slice %get3A_210 {offsets = [0, 0], sizes = [1, 128], strides = [1, 1]} : vector<1x131xf32> to vector<1x128xf32>
      %swap3A_212 = arith.constant 0 : index
      %swap3A_213 = arith.index_cast %scan3A_4 : i32 to index
      %swap3A_214 = arith.constant 8 : index
      %swap3A_215 = arith.constant 0 : index
      %swap3A_216 = vector.load %arg4[%swap3A_212, %swap3A_213, %swap3A_214, %swap3A_215] : memref<1x32x24x128xf32, #tpu.memory_space<vmem>>, vector<1x1x1x128xf32>
      %swap3A_217 = vector.shape_cast %swap3A_216 : vector<1x1x1x128xf32> to vector<1x128xf32>
      %swap3A_218 = vector.shape_cast %slice3A_211 : vector<1x128xf32> to vector<1x1x1x128xf32>
      tpu.vector_store %arg4[%swap3A_212, %swap3A_213, %swap3A_214, %swap3A_215], %swap3A_218 {strides = array<i32>} : memref<1x32x24x128xf32, #tpu.memory_space<vmem>>, vector<1x1x1x128xf32>,
      %slice3A_219 = vector.extract_strided_slice %get3A_210 {offsets = [0, 128], sizes = [1, 3], strides = [1, 1]} : vector<1x131xf32> to vector<1x3xf32>
      %swap3A_220 = arith.constant 0 : index
      %swap3A_221 = arith.index_cast %scan3A_4 : i32 to index
      %swap3A_222 = arith.constant 8 : index
      %swap3A_223 = arith.constant 0 : index
      %swap3A_224 = vector.load %arg5[%swap3A_220, %swap3A_221, %swap3A_222, %swap3A_223] : memref<1x32x24x3xf32, #tpu.memory_space<vmem>>, vector<1x1x1x3xf32>
      %swap3A_225 = vector.shape_cast %swap3A_224 : vector<1x1x1x3xf32> to vector<1x3xf32>
      %swap3A_226 = vector.shape_cast %slice3A_219 : vector<1x3xf32> to vector<1x1x1x3xf32>
      tpu.vector_store %arg5[%swap3A_220, %swap3A_221, %swap3A_222, %swap3A_223], %swap3A_226 {strides = array<i32>} : memref<1x32x24x3xf32, #tpu.memory_space<vmem>>, vector<1x1x1x3xf32>,
      %get3A_227 = arith.constant 0 : index
      %get3A_228 = arith.index_cast %scan3A_4 : i32 to index
      %get3A_229 = arith.constant 9 : index
      %get3A_230 = memref.load %arg2[%get3A_227, %get3A_228, %get3A_229] : memref<1x32x24xi32, #tpu.memory_space<smem>>
      %get3A_231 = arith.constant 0 : index
      %get3A_232 = arith.index_cast %get3A_230 : i32 to index
      %get3A_233 = arith.constant 0 : index
      %get3A_234 = vector.load %arg3[%get3A_231, %get3A_232, %get3A_233] : memref<1x1024x131xf32, #tpu.memory_space<vmem>>, vector<1x1x131xf32>
      %get3A_235 = vector.shape_cast %get3A_234 : vector<1x1x131xf32> to vector<1x131xf32>
      %slice3A_236 = vector.extract_strided_slice %get3A_235 {offsets = [0, 0], sizes = [1, 128], strides = [1, 1]} : vector<1x131xf32> to vector<1x128xf32>
      %swap3A_237 = arith.constant 0 : index
      %swap3A_238 = arith.index_cast %scan3A_4 : i32 to index
      %swap3A_239 = arith.constant 9 : index
      %swap3A_240 = arith.constant 0 : index
      %swap3A_241 = vector.load %arg4[%swap3A_237, %swap3A_238, %swap3A_239, %swap3A_240] : memref<1x32x24x128xf32, #tpu.memory_space<vmem>>, vector<1x1x1x128xf32>
      %swap3A_242 = vector.shape_cast %swap3A_241 : vector<1x1x1x128xf32> to vector<1x128xf32>
      %swap3A_243 = vector.shape_cast %slice3A_236 : vector<1x128xf32> to vector<1x1x1x128xf32>
      tpu.vector_store %arg4[%swap3A_237, %swap3A_238, %swap3A_239, %swap3A_240], %swap3A_243 {strides = array<i32>} : memref<1x32x24x128xf32, #tpu.memory_space<vmem>>, vector<1x1x1x128xf32>,
      %slice3A_244 = vector.extract_strided_slice %get3A_235 {offsets = [0, 128], sizes = [1, 3], strides = [1, 1]} : vector<1x131xf32> to vector<1x3xf32>
      %swap3A_245 = arith.constant 0 : index
      %swap3A_246 = arith.index_cast %scan3A_4 : i32 to index
      %swap3A_247 = arith.constant 9 : index
      %swap3A_248 = arith.constant 0 : index
      %swap3A_249 = vector.load %arg5[%swap3A_245, %swap3A_246, %swap3A_247, %swap3A_248] : memref<1x32x24x3xf32, #tpu.memory_space<vmem>>, vector<1x1x1x3xf32>
      %swap3A_250 = vector.shape_cast %swap3A_249 : vector<1x1x1x3xf32> to vector<1x3xf32>
      %swap3A_251 = vector.shape_cast %slice3A_244 : vector<1x3xf32> to vector<1x1x1x3xf32>
      tpu.vector_store %arg5[%swap3A_245, %swap3A_246, %swap3A_247, %swap3A_248], %swap3A_251 {strides = array<i32>} : memref<1x32x24x3xf32, #tpu.memory_space<vmem>>, vector<1x1x1x3xf32>,
      %get3A_252 = arith.constant 0 : index
      %get3A_253 = arith.index_cast %scan3A_4 : i32 to index
      %get3A_254 = arith.constant 10 : index
      %get3A_255 = memref.load %arg2[%get3A_252, %get3A_253, %get3A_254] : memref<1x32x24xi32, #tpu.memory_space<smem>>
      %get3A_256 = arith.constant 0 : index
      %get3A_257 = arith.index_cast %get3A_255 : i32 to index
      %get3A_258 = arith.constant 0 : index
      %get3A_259 = vector.load %arg3[%get3A_256, %get3A_257, %get3A_258] : memref<1x1024x131xf32, #tpu.memory_space<vmem>>, vector<1x1x131xf32>
      %get3A_260 = vector.shape_cast %get3A_259 : vector<1x1x131xf32> to vector<1x131xf32>
      %slice3A_261 = vector.extract_strided_slice %get3A_260 {offsets = [0, 0], sizes = [1, 128], strides = [1, 1]} : vector<1x131xf32> to vector<1x128xf32>
      %swap3A_262 = arith.constant 0 : index
      %swap3A_263 = arith.index_cast %scan3A_4 : i32 to index
      %swap3A_264 = arith.constant 10 : index
      %swap3A_265 = arith.constant 0 : index
      %swap3A_266 = vector.load %arg4[%swap3A_262, %swap3A_263, %swap3A_264, %swap3A_265] : memref<1x32x24x128xf32, #tpu.memory_space<vmem>>, vector<1x1x1x128xf32>
      %swap3A_267 = vector.shape_cast %swap3A_266 : vector<1x1x1x128xf32> to vector<1x128xf32>
      %swap3A_268 = vector.shape_cast %slice3A_261 : vector<1x128xf32> to vector<1x1x1x128xf32>
      tpu.vector_store %arg4[%swap3A_262, %swap3A_263, %swap3A_264, %swap3A_265], %swap3A_268 {strides = array<i32>} : memref<1x32x24x128xf32, #tpu.memory_space<vmem>>, vector<1x1x1x128xf32>,
      %slice3A_269 = vector.extract_strided_slice %get3A_260 {offsets = [0, 128], sizes = [1, 3], strides = [1, 1]} : vector<1x131xf32> to vector<1x3xf32>
      %swap3A_270 = arith.constant 0 : index
      %swap3A_271 = arith.index_cast %scan3A_4 : i32 to index
      %swap3A_272 = arith.constant 10 : index
      %swap3A_273 = arith.constant 0 : index
      %swap3A_274 = vector.load %arg5[%swap3A_270, %swap3A_271, %swap3A_272, %swap3A_273] : memref<1x32x24x3xf32, #tpu.memory_space<vmem>>, vector<1x1x1x3xf32>
      %swap3A_275 = vector.shape_cast %swap3A_274 : vector<1x1x1x3xf32> to vector<1x3xf32>
      %swap3A_276 = vector.shape_cast %slice3A_269 : vector<1x3xf32> to vector<1x1x1x3xf32>
      tpu.vector_store %arg5[%swap3A_270, %swap3A_271, %swap3A_272, %swap3A_273], %swap3A_276 {strides = array<i32>} : memref<1x32x24x3xf32, #tpu.memory_space<vmem>>, vector<1x1x1x3xf32>,
      %get3A_277 = arith.constant 0 : index
      %get3A_278 = arith.index_cast %scan3A_4 : i32 to index
      %get3A_279 = arith.constant 11 : index
      %get3A_280 = memref.load %arg2[%get3A_277, %get3A_278, %get3A_279] : memref<1x32x24xi32, #tpu.memory_space<smem>>
      %get3A_281 = arith.constant 0 : index
      %get3A_282 = arith.index_cast %get3A_280 : i32 to index
      %get3A_283 = arith.constant 0 : index
      %get3A_284 = vector.load %arg3[%get3A_281, %get3A_282, %get3A_283] : memref<1x1024x131xf32, #tpu.memory_space<vmem>>, vector<1x1x131xf32>
      %get3A_285 = vector.shape_cast %get3A_284 : vector<1x1x131xf32> to vector<1x131xf32>
      %slice3A_286 = vector.extract_strided_slice %get3A_285 {offsets = [0, 0], sizes = [1, 128], strides = [1, 1]} : vector<1x131xf32> to vector<1x128xf32>
      %swap3A_287 = arith.constant 0 : index
      %swap3A_288 = arith.index_cast %scan3A_4 : i32 to index
      %swap3A_289 = arith.constant 11 : index
      %swap3A_290 = arith.constant 0 : index
      %swap3A_291 = vector.load %arg4[%swap3A_287, %swap3A_288, %swap3A_289, %swap3A_290] : memref<1x32x24x128xf32, #tpu.memory_space<vmem>>, vector<1x1x1x128xf32>
      %swap3A_292 = vector.shape_cast %swap3A_291 : vector<1x1x1x128xf32> to vector<1x128xf32>
      %swap3A_293 = vector.shape_cast %slice3A_286 : vector<1x128xf32> to vector<1x1x1x128xf32>
      tpu.vector_store %arg4[%swap3A_287, %swap3A_288, %swap3A_289, %swap3A_290], %swap3A_293 {strides = array<i32>} : memref<1x32x24x128xf32, #tpu.memory_space<vmem>>, vector<1x1x1x128xf32>,
      %slice3A_294 = vector.extract_strided_slice %get3A_285 {offsets = [0, 128], sizes = [1, 3], strides = [1, 1]} : vector<1x131xf32> to vector<1x3xf32>
      %swap3A_295 = arith.constant 0 : index
      %swap3A_296 = arith.index_cast %scan3A_4 : i32 to index
      %swap3A_297 = arith.constant 11 : index
      %swap3A_298 = arith.constant 0 : index
      %swap3A_299 = vector.load %arg5[%swap3A_295, %swap3A_296, %swap3A_297, %swap3A_298] : memref<1x32x24x3xf32, #tpu.memory_space<vmem>>, vector<1x1x1x3xf32>
      %swap3A_300 = vector.shape_cast %swap3A_299 : vector<1x1x1x3xf32> to vector<1x3xf32>
      %swap3A_301 = vector.shape_cast %slice3A_294 : vector<1x3xf32> to vector<1x1x1x3xf32>
      tpu.vector_store %arg5[%swap3A_295, %swap3A_296, %swap3A_297, %swap3A_298], %swap3A_301 {strides = array<i32>} : memref<1x32x24x3xf32, #tpu.memory_space<vmem>>, vector<1x1x1x3xf32>,
      %get3A_302 = arith.constant 0 : index
      %get3A_303 = arith.index_cast %scan3A_4 : i32 to index
      %get3A_304 = arith.constant 12 : index
      %get3A_305 = memref.load %arg2[%get3A_302, %get3A_303, %get3A_304] : memref<1x32x24xi32, #tpu.memory_space<smem>>
      %get3A_306 = arith.constant 0 : index
      %get3A_307 = arith.index_cast %get3A_305 : i32 to index
      %get3A_308 = arith.constant 0 : index
      %get3A_309 = vector.load %arg3[%get3A_306, %get3A_307, %get3A_308] : memref<1x1024x131xf32, #tpu.memory_space<vmem>>, vector<1x1x131xf32>
      %get3A_310 = vector.shape_cast %get3A_309 : vector<1x1x131xf32> to vector<1x131xf32>
      %slice3A_311 = vector.extract_strided_slice %get3A_310 {offsets = [0, 0], sizes = [1, 128], strides = [1, 1]} : vector<1x131xf32> to vector<1x128xf32>
      %swap3A_312 = arith.constant 0 : index
      %swap3A_313 = arith.index_cast %scan3A_4 : i32 to index
      %swap3A_314 = arith.constant 12 : index
      %swap3A_315 = arith.constant 0 : index
      %swap3A_316 = vector.load %arg4[%swap3A_312, %swap3A_313, %swap3A_314, %swap3A_315] : memref<1x32x24x128xf32, #tpu.memory_space<vmem>>, vector<1x1x1x128xf32>
      %swap3A_317 = vector.shape_cast %swap3A_316 : vector<1x1x1x128xf32> to vector<1x128xf32>
      %swap3A_318 = vector.shape_cast %slice3A_311 : vector<1x128xf32> to vector<1x1x1x128xf32>
      tpu.vector_store %arg4[%swap3A_312, %swap3A_313, %swap3A_314, %swap3A_315], %swap3A_318 {strides = array<i32>} : memref<1x32x24x128xf32, #tpu.memory_space<vmem>>, vector<1x1x1x128xf32>,
      %slice3A_319 = vector.extract_strided_slice %get3A_310 {offsets = [0, 128], sizes = [1, 3], strides = [1, 1]} : vector<1x131xf32> to vector<1x3xf32>
      %swap3A_320 = arith.constant 0 : index
      %swap3A_321 = arith.index_cast %scan3A_4 : i32 to index
      %swap3A_322 = arith.constant 12 : index
      %swap3A_323 = arith.constant 0 : index
      %swap3A_324 = vector.load %arg5[%swap3A_320, %swap3A_321, %swap3A_322, %swap3A_323] : memref<1x32x24x3xf32, #tpu.memory_space<vmem>>, vector<1x1x1x3xf32>
      %swap3A_325 = vector.shape_cast %swap3A_324 : vector<1x1x1x3xf32> to vector<1x3xf32>
      %swap3A_326 = vector.shape_cast %slice3A_319 : vector<1x3xf32> to vector<1x1x1x3xf32>
      tpu.vector_store %arg5[%swap3A_320, %swap3A_321, %swap3A_322, %swap3A_323], %swap3A_326 {strides = array<i32>} : memref<1x32x24x3xf32, #tpu.memory_space<vmem>>, vector<1x1x1x3xf32>,
      %get3A_327 = arith.constant 0 : index
      %get3A_328 = arith.index_cast %scan3A_4 : i32 to index
      %get3A_329 = arith.constant 13 : index
      %get3A_330 = memref.load %arg2[%get3A_327, %get3A_328, %get3A_329] : memref<1x32x24xi32, #tpu.memory_space<smem>>
      %get3A_331 = arith.constant 0 : index
      %get3A_332 = arith.index_cast %get3A_330 : i32 to index
      %get3A_333 = arith.constant 0 : index
      %get3A_334 = vector.load %arg3[%get3A_331, %get3A_332, %get3A_333] : memref<1x1024x131xf32, #tpu.memory_space<vmem>>, vector<1x1x131xf32>
      %get3A_335 = vector.shape_cast %get3A_334 : vector<1x1x131xf32> to vector<1x131xf32>
      %slice3A_336 = vector.extract_strided_slice %get3A_335 {offsets = [0, 0], sizes = [1, 128], strides = [1, 1]} : vector<1x131xf32> to vector<1x128xf32>
      %swap3A_337 = arith.constant 0 : index
      %swap3A_338 = arith.index_cast %scan3A_4 : i32 to index
      %swap3A_339 = arith.constant 13 : index
      %swap3A_340 = arith.constant 0 : index
      %swap3A_341 = vector.load %arg4[%swap3A_337, %swap3A_338, %swap3A_339, %swap3A_340] : memref<1x32x24x128xf32, #tpu.memory_space<vmem>>, vector<1x1x1x128xf32>
      %swap3A_342 = vector.shape_cast %swap3A_341 : vector<1x1x1x128xf32> to vector<1x128xf32>
      %swap3A_343 = vector.shape_cast %slice3A_336 : vector<1x128xf32> to vector<1x1x1x128xf32>
      tpu.vector_store %arg4[%swap3A_337, %swap3A_338, %swap3A_339, %swap3A_340], %swap3A_343 {strides = array<i32>} : memref<1x32x24x128xf32, #tpu.memory_space<vmem>>, vector<1x1x1x128xf32>,
      %slice3A_344 = vector.extract_strided_slice %get3A_335 {offsets = [0, 128], sizes = [1, 3], strides = [1, 1]} : vector<1x131xf32> to vector<1x3xf32>
      %swap3A_345 = arith.constant 0 : index
      %swap3A_346 = arith.index_cast %scan3A_4 : i32 to index
      %swap3A_347 = arith.constant 13 : index
      %swap3A_348 = arith.constant 0 : index
      %swap3A_349 = vector.load %arg5[%swap3A_345, %swap3A_346, %swap3A_347, %swap3A_348] : memref<1x32x24x3xf32, #tpu.memory_space<vmem>>, vector<1x1x1x3xf32>
      %swap3A_350 = vector.shape_cast %swap3A_349 : vector<1x1x1x3xf32> to vector<1x3xf32>
      %swap3A_351 = vector.shape_cast %slice3A_344 : vector<1x3xf32> to vector<1x1x1x3xf32>
      tpu.vector_store %arg5[%swap3A_345, %swap3A_346, %swap3A_347, %swap3A_348], %swap3A_351 {strides = array<i32>} : memref<1x32x24x3xf32, #tpu.memory_space<vmem>>, vector<1x1x1x3xf32>,
      %get3A_352 = arith.constant 0 : index
      %get3A_353 = arith.index_cast %scan3A_4 : i32 to index
      %get3A_354 = arith.constant 14 : index
      %get3A_355 = memref.load %arg2[%get3A_352, %get3A_353, %get3A_354] : memref<1x32x24xi32, #tpu.memory_space<smem>>
      %get3A_356 = arith.constant 0 : index
      %get3A_357 = arith.index_cast %get3A_355 : i32 to index
      %get3A_358 = arith.constant 0 : index
      %get3A_359 = vector.load %arg3[%get3A_356, %get3A_357, %get3A_358] : memref<1x1024x131xf32, #tpu.memory_space<vmem>>, vector<1x1x131xf32>
      %get3A_360 = vector.shape_cast %get3A_359 : vector<1x1x131xf32> to vector<1x131xf32>
      %slice3A_361 = vector.extract_strided_slice %get3A_360 {offsets = [0, 0], sizes = [1, 128], strides = [1, 1]} : vector<1x131xf32> to vector<1x128xf32>
      %swap3A_362 = arith.constant 0 : index
      %swap3A_363 = arith.index_cast %scan3A_4 : i32 to index
      %swap3A_364 = arith.constant 14 : index
      %swap3A_365 = arith.constant 0 : index
      %swap3A_366 = vector.load %arg4[%swap3A_362, %swap3A_363, %swap3A_364, %swap3A_365] : memref<1x32x24x128xf32, #tpu.memory_space<vmem>>, vector<1x1x1x128xf32>
      %swap3A_367 = vector.shape_cast %swap3A_366 : vector<1x1x1x128xf32> to vector<1x128xf32>
      %swap3A_368 = vector.shape_cast %slice3A_361 : vector<1x128xf32> to vector<1x1x1x128xf32>
      tpu.vector_store %arg4[%swap3A_362, %swap3A_363, %swap3A_364, %swap3A_365], %swap3A_368 {strides = array<i32>} : memref<1x32x24x128xf32, #tpu.memory_space<vmem>>, vector<1x1x1x128xf32>,
      %slice3A_369 = vector.extract_strided_slice %get3A_360 {offsets = [0, 128], sizes = [1, 3], strides = [1, 1]} : vector<1x131xf32> to vector<1x3xf32>
      %swap3A_370 = arith.constant 0 : index
      %swap3A_371 = arith.index_cast %scan3A_4 : i32 to index
      %swap3A_372 = arith.constant 14 : index
      %swap3A_373 = arith.constant 0 : index
      %swap3A_374 = vector.load %arg5[%swap3A_370, %swap3A_371, %swap3A_372, %swap3A_373] : memref<1x32x24x3xf32, #tpu.memory_space<vmem>>, vector<1x1x1x3xf32>
      %swap3A_375 = vector.shape_cast %swap3A_374 : vector<1x1x1x3xf32> to vector<1x3xf32>
      %swap3A_376 = vector.shape_cast %slice3A_369 : vector<1x3xf32> to vector<1x1x1x3xf32>
      tpu.vector_store %arg5[%swap3A_370, %swap3A_371, %swap3A_372, %swap3A_373], %swap3A_376 {strides = array<i32>} : memref<1x32x24x3xf32, #tpu.memory_space<vmem>>, vector<1x1x1x3xf32>,
      %get3A_377 = arith.constant 0 : index
      %get3A_378 = arith.index_cast %scan3A_4 : i32 to index
      %get3A_379 = arith.constant 15 : index
      %get3A_380 = memref.load %arg2[%get3A_377, %get3A_378, %get3A_379] : memref<1x32x24xi32, #tpu.memory_space<smem>>
      %get3A_381 = arith.constant 0 : index
      %get3A_382 = arith.index_cast %get3A_380 : i32 to index
      %get3A_383 = arith.constant 0 : index
      %get3A_384 = vector.load %arg3[%get3A_381, %get3A_382, %get3A_383] : memref<1x1024x131xf32, #tpu.memory_space<vmem>>, vector<1x1x131xf32>
      %get3A_385 = vector.shape_cast %get3A_384 : vector<1x1x131xf32> to vector<1x131xf32>
      %slice3A_386 = vector.extract_strided_slice %get3A_385 {offsets = [0, 0], sizes = [1, 128], strides = [1, 1]} : vector<1x131xf32> to vector<1x128xf32>
      %swap3A_387 = arith.constant 0 : index
      %swap3A_388 = arith.index_cast %scan3A_4 : i32 to index
      %swap3A_389 = arith.constant 15 : index
      %swap3A_390 = arith.constant 0 : index
      %swap3A_391 = vector.load %arg4[%swap3A_387, %swap3A_388, %swap3A_389, %swap3A_390] : memref<1x32x24x128xf32, #tpu.memory_space<vmem>>, vector<1x1x1x128xf32>
      %swap3A_392 = vector.shape_cast %swap3A_391 : vector<1x1x1x128xf32> to vector<1x128xf32>
      %swap3A_393 = vector.shape_cast %slice3A_386 : vector<1x128xf32> to vector<1x1x1x128xf32>
      tpu.vector_store %arg4[%swap3A_387, %swap3A_388, %swap3A_389, %swap3A_390], %swap3A_393 {strides = array<i32>} : memref<1x32x24x128xf32, #tpu.memory_space<vmem>>, vector<1x1x1x128xf32>,
      %slice3A_394 = vector.extract_strided_slice %get3A_385 {offsets = [0, 128], sizes = [1, 3], strides = [1, 1]} : vector<1x131xf32> to vector<1x3xf32>
      %swap3A_395 = arith.constant 0 : index
      %swap3A_396 = arith.index_cast %scan3A_4 : i32 to index
      %swap3A_397 = arith.constant 15 : index
      %swap3A_398 = arith.constant 0 : index
      %swap3A_399 = vector.load %arg5[%swap3A_395, %swap3A_396, %swap3A_397, %swap3A_398] : memref<1x32x24x3xf32, #tpu.memory_space<vmem>>, vector<1x1x1x3xf32>
      %swap3A_400 = vector.shape_cast %swap3A_399 : vector<1x1x1x3xf32> to vector<1x3xf32>
      %swap3A_401 = vector.shape_cast %slice3A_394 : vector<1x3xf32> to vector<1x1x1x3xf32>
      tpu.vector_store %arg5[%swap3A_395, %swap3A_396, %swap3A_397, %swap3A_398], %swap3A_401 {strides = array<i32>} : memref<1x32x24x3xf32, #tpu.memory_space<vmem>>, vector<1x1x1x3xf32>,
      %get3A_402 = arith.constant 0 : index
      %get3A_403 = arith.index_cast %scan3A_4 : i32 to index
      %get3A_404 = arith.constant 16 : index
      %get3A_405 = memref.load %arg2[%get3A_402, %get3A_403, %get3A_404] : memref<1x32x24xi32, #tpu.memory_space<smem>>
      %get3A_406 = arith.constant 0 : index
      %get3A_407 = arith.index_cast %get3A_405 : i32 to index
      %get3A_408 = arith.constant 0 : index
      %get3A_409 = vector.load %arg3[%get3A_406, %get3A_407, %get3A_408] : memref<1x1024x131xf32, #tpu.memory_space<vmem>>, vector<1x1x131xf32>
      %get3A_410 = vector.shape_cast %get3A_409 : vector<1x1x131xf32> to vector<1x131xf32>
      %slice3A_411 = vector.extract_strided_slice %get3A_410 {offsets = [0, 0], sizes = [1, 128], strides = [1, 1]} : vector<1x131xf32> to vector<1x128xf32>
      %swap3A_412 = arith.constant 0 : index
      %swap3A_413 = arith.index_cast %scan3A_4 : i32 to index
      %swap3A_414 = arith.constant 16 : index
      %swap3A_415 = arith.constant 0 : index
      %swap3A_416 = vector.load %arg4[%swap3A_412, %swap3A_413, %swap3A_414, %swap3A_415] : memref<1x32x24x128xf32, #tpu.memory_space<vmem>>, vector<1x1x1x128xf32>
      %swap3A_417 = vector.shape_cast %swap3A_416 : vector<1x1x1x128xf32> to vector<1x128xf32>
      %swap3A_418 = vector.shape_cast %slice3A_411 : vector<1x128xf32> to vector<1x1x1x128xf32>
      tpu.vector_store %arg4[%swap3A_412, %swap3A_413, %swap3A_414, %swap3A_415], %swap3A_418 {strides = array<i32>} : memref<1x32x24x128xf32, #tpu.memory_space<vmem>>, vector<1x1x1x128xf32>,
      %slice3A_419 = vector.extract_strided_slice %get3A_410 {offsets = [0, 128], sizes = [1, 3], strides = [1, 1]} : vector<1x131xf32> to vector<1x3xf32>
      %swap3A_420 = arith.constant 0 : index
      %swap3A_421 = arith.index_cast %scan3A_4 : i32 to index
      %swap3A_422 = arith.constant 16 : index
      %swap3A_423 = arith.constant 0 : index
      %swap3A_424 = vector.load %arg5[%swap3A_420, %swap3A_421, %swap3A_422, %swap3A_423] : memref<1x32x24x3xf32, #tpu.memory_space<vmem>>, vector<1x1x1x3xf32>
      %swap3A_425 = vector.shape_cast %swap3A_424 : vector<1x1x1x3xf32> to vector<1x3xf32>
      %swap3A_426 = vector.shape_cast %slice3A_419 : vector<1x3xf32> to vector<1x1x1x3xf32>
      tpu.vector_store %arg5[%swap3A_420, %swap3A_421, %swap3A_422, %swap3A_423], %swap3A_426 {strides = array<i32>} : memref<1x32x24x3xf32, #tpu.memory_space<vmem>>, vector<1x1x1x3xf32>,
      %get3A_427 = arith.constant 0 : index
      %get3A_428 = arith.index_cast %scan3A_4 : i32 to index
      %get3A_429 = arith.constant 17 : index
      %get3A_430 = memref.load %arg2[%get3A_427, %get3A_428, %get3A_429] : memref<1x32x24xi32, #tpu.memory_space<smem>>
      %get3A_431 = arith.constant 0 : index
      %get3A_432 = arith.index_cast %get3A_430 : i32 to index
      %get3A_433 = arith.constant 0 : index
      %get3A_434 = vector.load %arg3[%get3A_431, %get3A_432, %get3A_433] : memref<1x1024x131xf32, #tpu.memory_space<vmem>>, vector<1x1x131xf32>
      %get3A_435 = vector.shape_cast %get3A_434 : vector<1x1x131xf32> to vector<1x131xf32>
      %slice3A_436 = vector.extract_strided_slice %get3A_435 {offsets = [0, 0], sizes = [1, 128], strides = [1, 1]} : vector<1x131xf32> to vector<1x128xf32>
      %swap3A_437 = arith.constant 0 : index
      %swap3A_438 = arith.index_cast %scan3A_4 : i32 to index
      %swap3A_439 = arith.constant 17 : index
      %swap3A_440 = arith.constant 0 : index
      %swap3A_441 = vector.load %arg4[%swap3A_437, %swap3A_438, %swap3A_439, %swap3A_440] : memref<1x32x24x128xf32, #tpu.memory_space<vmem>>, vector<1x1x1x128xf32>
      %swap3A_442 = vector.shape_cast %swap3A_441 : vector<1x1x1x128xf32> to vector<1x128xf32>
      %swap3A_443 = vector.shape_cast %slice3A_436 : vector<1x128xf32> to vector<1x1x1x128xf32>
      tpu.vector_store %arg4[%swap3A_437, %swap3A_438, %swap3A_439, %swap3A_440], %swap3A_443 {strides = array<i32>} : memref<1x32x24x128xf32, #tpu.memory_space<vmem>>, vector<1x1x1x128xf32>,
      %slice3A_444 = vector.extract_strided_slice %get3A_435 {offsets = [0, 128], sizes = [1, 3], strides = [1, 1]} : vector<1x131xf32> to vector<1x3xf32>
      %swap3A_445 = arith.constant 0 : index
      %swap3A_446 = arith.index_cast %scan3A_4 : i32 to index
      %swap3A_447 = arith.constant 17 : index
      %swap3A_448 = arith.constant 0 : index
      %swap3A_449 = vector.load %arg5[%swap3A_445, %swap3A_446, %swap3A_447, %swap3A_448] : memref<1x32x24x3xf32, #tpu.memory_space<vmem>>, vector<1x1x1x3xf32>
      %swap3A_450 = vector.shape_cast %swap3A_449 : vector<1x1x1x3xf32> to vector<1x3xf32>
      %swap3A_451 = vector.shape_cast %slice3A_444 : vector<1x3xf32> to vector<1x1x1x3xf32>
      tpu.vector_store %arg5[%swap3A_445, %swap3A_446, %swap3A_447, %swap3A_448], %swap3A_451 {strides = array<i32>} : memref<1x32x24x3xf32, #tpu.memory_space<vmem>>, vector<1x1x1x3xf32>,
      %get3A_452 = arith.constant 0 : index
      %get3A_453 = arith.index_cast %scan3A_4 : i32 to index
      %get3A_454 = arith.constant 18 : index
      %get3A_455 = memref.load %arg2[%get3A_452, %get3A_453, %get3A_454] : memref<1x32x24xi32, #tpu.memory_space<smem>>
      %get3A_456 = arith.constant 0 : index
      %get3A_457 = arith.index_cast %get3A_455 : i32 to index
      %get3A_458 = arith.constant 0 : index
      %get3A_459 = vector.load %arg3[%get3A_456, %get3A_457, %get3A_458] : memref<1x1024x131xf32, #tpu.memory_space<vmem>>, vector<1x1x131xf32>
      %get3A_460 = vector.shape_cast %get3A_459 : vector<1x1x131xf32> to vector<1x131xf32>
      %slice3A_461 = vector.extract_strided_slice %get3A_460 {offsets = [0, 0], sizes = [1, 128], strides = [1, 1]} : vector<1x131xf32> to vector<1x128xf32>
      %swap3A_462 = arith.constant 0 : index
      %swap3A_463 = arith.index_cast %scan3A_4 : i32 to index
      %swap3A_464 = arith.constant 18 : index
      %swap3A_465 = arith.constant 0 : index
      %swap3A_466 = vector.load %arg4[%swap3A_462, %swap3A_463, %swap3A_464, %swap3A_465] : memref<1x32x24x128xf32, #tpu.memory_space<vmem>>, vector<1x1x1x128xf32>
      %swap3A_467 = vector.shape_cast %swap3A_466 : vector<1x1x1x128xf32> to vector<1x128xf32>
      %swap3A_468 = vector.shape_cast %slice3A_461 : vector<1x128xf32> to vector<1x1x1x128xf32>
      tpu.vector_store %arg4[%swap3A_462, %swap3A_463, %swap3A_464, %swap3A_465], %swap3A_468 {strides = array<i32>} : memref<1x32x24x128xf32, #tpu.memory_space<vmem>>, vector<1x1x1x128xf32>,
      %slice3A_469 = vector.extract_strided_slice %get3A_460 {offsets = [0, 128], sizes = [1, 3], strides = [1, 1]} : vector<1x131xf32> to vector<1x3xf32>
      %swap3A_470 = arith.constant 0 : index
      %swap3A_471 = arith.index_cast %scan3A_4 : i32 to index
      %swap3A_472 = arith.constant 18 : index
      %swap3A_473 = arith.constant 0 : index
      %swap3A_474 = vector.load %arg5[%swap3A_470, %swap3A_471, %swap3A_472, %swap3A_473] : memref<1x32x24x3xf32, #tpu.memory_space<vmem>>, vector<1x1x1x3xf32>
      %swap3A_475 = vector.shape_cast %swap3A_474 : vector<1x1x1x3xf32> to vector<1x3xf32>
      %swap3A_476 = vector.shape_cast %slice3A_469 : vector<1x3xf32> to vector<1x1x1x3xf32>
      tpu.vector_store %arg5[%swap3A_470, %swap3A_471, %swap3A_472, %swap3A_473], %swap3A_476 {strides = array<i32>} : memref<1x32x24x3xf32, #tpu.memory_space<vmem>>, vector<1x1x1x3xf32>,
      %get3A_477 = arith.constant 0 : index
      %get3A_478 = arith.index_cast %scan3A_4 : i32 to index
      %get3A_479 = arith.constant 19 : index
      %get3A_480 = memref.load %arg2[%get3A_477, %get3A_478, %get3A_479] : memref<1x32x24xi32, #tpu.memory_space<smem>>
      %get3A_481 = arith.constant 0 : index
      %get3A_482 = arith.index_cast %get3A_480 : i32 to index
      %get3A_483 = arith.constant 0 : index
      %get3A_484 = vector.load %arg3[%get3A_481, %get3A_482, %get3A_483] : memref<1x1024x131xf32, #tpu.memory_space<vmem>>, vector<1x1x131xf32>
      %get3A_485 = vector.shape_cast %get3A_484 : vector<1x1x131xf32> to vector<1x131xf32>
      %slice3A_486 = vector.extract_strided_slice %get3A_485 {offsets = [0, 0], sizes = [1, 128], strides = [1, 1]} : vector<1x131xf32> to vector<1x128xf32>
      %swap3A_487 = arith.constant 0 : index
      %swap3A_488 = arith.index_cast %scan3A_4 : i32 to index
      %swap3A_489 = arith.constant 19 : index
      %swap3A_490 = arith.constant 0 : index
      %swap3A_491 = vector.load %arg4[%swap3A_487, %swap3A_488, %swap3A_489, %swap3A_490] : memref<1x32x24x128xf32, #tpu.memory_space<vmem>>, vector<1x1x1x128xf32>
      %swap3A_492 = vector.shape_cast %swap3A_491 : vector<1x1x1x128xf32> to vector<1x128xf32>
      %swap3A_493 = vector.shape_cast %slice3A_486 : vector<1x128xf32> to vector<1x1x1x128xf32>
      tpu.vector_store %arg4[%swap3A_487, %swap3A_488, %swap3A_489, %swap3A_490], %swap3A_493 {strides = array<i32>} : memref<1x32x24x128xf32, #tpu.memory_space<vmem>>, vector<1x1x1x128xf32>,
      %slice3A_494 = vector.extract_strided_slice %get3A_485 {offsets = [0, 128], sizes = [1, 3], strides = [1, 1]} : vector<1x131xf32> to vector<1x3xf32>
      %swap3A_495 = arith.constant 0 : index
      %swap3A_496 = arith.index_cast %scan3A_4 : i32 to index
      %swap3A_497 = arith.constant 19 : index
      %swap3A_498 = arith.constant 0 : index
      %swap3A_499 = vector.load %arg5[%swap3A_495, %swap3A_496, %swap3A_497, %swap3A_498] : memref<1x32x24x3xf32, #tpu.memory_space<vmem>>, vector<1x1x1x3xf32>
      %swap3A_500 = vector.shape_cast %swap3A_499 : vector<1x1x1x3xf32> to vector<1x3xf32>
      %swap3A_501 = vector.shape_cast %slice3A_494 : vector<1x3xf32> to vector<1x1x1x3xf32>
      tpu.vector_store %arg5[%swap3A_495, %swap3A_496, %swap3A_497, %swap3A_498], %swap3A_501 {strides = array<i32>} : memref<1x32x24x3xf32, #tpu.memory_space<vmem>>, vector<1x1x1x3xf32>,
      %get3A_502 = arith.constant 0 : index
      %get3A_503 = arith.index_cast %scan3A_4 : i32 to index
      %get3A_504 = arith.constant 20 : index
      %get3A_505 = memref.load %arg2[%get3A_502, %get3A_503, %get3A_504] : memref<1x32x24xi32, #tpu.memory_space<smem>>
      %get3A_506 = arith.constant 0 : index
      %get3A_507 = arith.index_cast %get3A_505 : i32 to index
      %get3A_508 = arith.constant 0 : index
      %get3A_509 = vector.load %arg3[%get3A_506, %get3A_507, %get3A_508] : memref<1x1024x131xf32, #tpu.memory_space<vmem>>, vector<1x1x131xf32>
      %get3A_510 = vector.shape_cast %get3A_509 : vector<1x1x131xf32> to vector<1x131xf32>
      %slice3A_511 = vector.extract_strided_slice %get3A_510 {offsets = [0, 0], sizes = [1, 128], strides = [1, 1]} : vector<1x131xf32> to vector<1x128xf32>
      %swap3A_512 = arith.constant 0 : index
      %swap3A_513 = arith.index_cast %scan3A_4 : i32 to index
      %swap3A_514 = arith.constant 20 : index
      %swap3A_515 = arith.constant 0 : index
      %swap3A_516 = vector.load %arg4[%swap3A_512, %swap3A_513, %swap3A_514, %swap3A_515] : memref<1x32x24x128xf32, #tpu.memory_space<vmem>>, vector<1x1x1x128xf32>
      %swap3A_517 = vector.shape_cast %swap3A_516 : vector<1x1x1x128xf32> to vector<1x128xf32>
      %swap3A_518 = vector.shape_cast %slice3A_511 : vector<1x128xf32> to vector<1x1x1x128xf32>
      tpu.vector_store %arg4[%swap3A_512, %swap3A_513, %swap3A_514, %swap3A_515], %swap3A_518 {strides = array<i32>} : memref<1x32x24x128xf32, #tpu.memory_space<vmem>>, vector<1x1x1x128xf32>,
      %slice3A_519 = vector.extract_strided_slice %get3A_510 {offsets = [0, 128], sizes = [1, 3], strides = [1, 1]} : vector<1x131xf32> to vector<1x3xf32>
      %swap3A_520 = arith.constant 0 : index
      %swap3A_521 = arith.index_cast %scan3A_4 : i32 to index
      %swap3A_522 = arith.constant 20 : index
      %swap3A_523 = arith.constant 0 : index
      %swap3A_524 = vector.load %arg5[%swap3A_520, %swap3A_521, %swap3A_522, %swap3A_523] : memref<1x32x24x3xf32, #tpu.memory_space<vmem>>, vector<1x1x1x3xf32>
      %swap3A_525 = vector.shape_cast %swap3A_524 : vector<1x1x1x3xf32> to vector<1x3xf32>
      %swap3A_526 = vector.shape_cast %slice3A_519 : vector<1x3xf32> to vector<1x1x1x3xf32>
      tpu.vector_store %arg5[%swap3A_520, %swap3A_521, %swap3A_522, %swap3A_523], %swap3A_526 {strides = array<i32>} : memref<1x32x24x3xf32, #tpu.memory_space<vmem>>, vector<1x1x1x3xf32>,
      %get3A_527 = arith.constant 0 : index
      %get3A_528 = arith.index_cast %scan3A_4 : i32 to index
      %get3A_529 = arith.constant 21 : index
      %get3A_530 = memref.load %arg2[%get3A_527, %get3A_528, %get3A_529] : memref<1x32x24xi32, #tpu.memory_space<smem>>
      %get3A_531 = arith.constant 0 : index
      %get3A_532 = arith.index_cast %get3A_530 : i32 to index
      %get3A_533 = arith.constant 0 : index
      %get3A_534 = vector.load %arg3[%get3A_531, %get3A_532, %get3A_533] : memref<1x1024x131xf32, #tpu.memory_space<vmem>>, vector<1x1x131xf32>
      %get3A_535 = vector.shape_cast %get3A_534 : vector<1x1x131xf32> to vector<1x131xf32>
      %slice3A_536 = vector.extract_strided_slice %get3A_535 {offsets = [0, 0], sizes = [1, 128], strides = [1, 1]} : vector<1x131xf32> to vector<1x128xf32>
      %swap3A_537 = arith.constant 0 : index
      %swap3A_538 = arith.index_cast %scan3A_4 : i32 to index
      %swap3A_539 = arith.constant 21 : index
      %swap3A_540 = arith.constant 0 : index
      %swap3A_541 = vector.load %arg4[%swap3A_537, %swap3A_538, %swap3A_539, %swap3A_540] : memref<1x32x24x128xf32, #tpu.memory_space<vmem>>, vector<1x1x1x128xf32>
      %swap3A_542 = vector.shape_cast %swap3A_541 : vector<1x1x1x128xf32> to vector<1x128xf32>
      %swap3A_543 = vector.shape_cast %slice3A_536 : vector<1x128xf32> to vector<1x1x1x128xf32>
      tpu.vector_store %arg4[%swap3A_537, %swap3A_538, %swap3A_539, %swap3A_540], %swap3A_543 {strides = array<i32>} : memref<1x32x24x128xf32, #tpu.memory_space<vmem>>, vector<1x1x1x128xf32>,
      %slice3A_544 = vector.extract_strided_slice %get3A_535 {offsets = [0, 128], sizes = [1, 3], strides = [1, 1]} : vector<1x131xf32> to vector<1x3xf32>
      %swap3A_545 = arith.constant 0 : index
      %swap3A_546 = arith.index_cast %scan3A_4 : i32 to index
      %swap3A_547 = arith.constant 21 : index
      %swap3A_548 = arith.constant 0 : index
      %swap3A_549 = vector.load %arg5[%swap3A_545, %swap3A_546, %swap3A_547, %swap3A_548] : memref<1x32x24x3xf32, #tpu.memory_space<vmem>>, vector<1x1x1x3xf32>
      %swap3A_550 = vector.shape_cast %swap3A_549 : vector<1x1x1x3xf32> to vector<1x3xf32>
      %swap3A_551 = vector.shape_cast %slice3A_544 : vector<1x3xf32> to vector<1x1x1x3xf32>
      tpu.vector_store %arg5[%swap3A_545, %swap3A_546, %swap3A_547, %swap3A_548], %swap3A_551 {strides = array<i32>} : memref<1x32x24x3xf32, #tpu.memory_space<vmem>>, vector<1x1x1x3xf32>,
      %get3A_552 = arith.constant 0 : index
      %get3A_553 = arith.index_cast %scan3A_4 : i32 to index
      %get3A_554 = arith.constant 22 : index
      %get3A_555 = memref.load %arg2[%get3A_552, %get3A_553, %get3A_554] : memref<1x32x24xi32, #tpu.memory_space<smem>>
      %get3A_556 = arith.constant 0 : index
      %get3A_557 = arith.index_cast %get3A_555 : i32 to index
      %get3A_558 = arith.constant 0 : index
      %get3A_559 = vector.load %arg3[%get3A_556, %get3A_557, %get3A_558] : memref<1x1024x131xf32, #tpu.memory_space<vmem>>, vector<1x1x131xf32>
      %get3A_560 = vector.shape_cast %get3A_559 : vector<1x1x131xf32> to vector<1x131xf32>
      %slice3A_561 = vector.extract_strided_slice %get3A_560 {offsets = [0, 0], sizes = [1, 128], strides = [1, 1]} : vector<1x131xf32> to vector<1x128xf32>
      %swap3A_562 = arith.constant 0 : index
      %swap3A_563 = arith.index_cast %scan3A_4 : i32 to index
      %swap3A_564 = arith.constant 22 : index
      %swap3A_565 = arith.constant 0 : index
      %swap3A_566 = vector.load %arg4[%swap3A_562, %swap3A_563, %swap3A_564, %swap3A_565] : memref<1x32x24x128xf32, #tpu.memory_space<vmem>>, vector<1x1x1x128xf32>
      %swap3A_567 = vector.shape_cast %swap3A_566 : vector<1x1x1x128xf32> to vector<1x128xf32>
      %swap3A_568 = vector.shape_cast %slice3A_561 : vector<1x128xf32> to vector<1x1x1x128xf32>
      tpu.vector_store %arg4[%swap3A_562, %swap3A_563, %swap3A_564, %swap3A_565], %swap3A_568 {strides = array<i32>} : memref<1x32x24x128xf32, #tpu.memory_space<vmem>>, vector<1x1x1x128xf32>,
      %slice3A_569 = vector.extract_strided_slice %get3A_560 {offsets = [0, 128], sizes = [1, 3], strides = [1, 1]} : vector<1x131xf32> to vector<1x3xf32>
      %swap3A_570 = arith.constant 0 : index
      %swap3A_571 = arith.index_cast %scan3A_4 : i32 to index
      %swap3A_572 = arith.constant 22 : index
      %swap3A_573 = arith.constant 0 : index
      %swap3A_574 = vector.load %arg5[%swap3A_570, %swap3A_571, %swap3A_572, %swap3A_573] : memref<1x32x24x3xf32, #tpu.memory_space<vmem>>, vector<1x1x1x3xf32>
      %swap3A_575 = vector.shape_cast %swap3A_574 : vector<1x1x1x3xf32> to vector<1x3xf32>
      %swap3A_576 = vector.shape_cast %slice3A_569 : vector<1x3xf32> to vector<1x1x1x3xf32>
      tpu.vector_store %arg5[%swap3A_570, %swap3A_571, %swap3A_572, %swap3A_573], %swap3A_576 {strides = array<i32>} : memref<1x32x24x3xf32, #tpu.memory_space<vmem>>, vector<1x1x1x3xf32>,
      %get3A_577 = arith.constant 0 : index
      %get3A_578 = arith.index_cast %scan3A_4 : i32 to index
      %get3A_579 = arith.constant 23 : index
      %get3A_580 = memref.load %arg2[%get3A_577, %get3A_578, %get3A_579] : memref<1x32x24xi32, #tpu.memory_space<smem>>
      %get3A_581 = arith.constant 0 : index
      %get3A_582 = arith.index_cast %get3A_580 : i32 to index
      %get3A_583 = arith.constant 0 : index
      %get3A_584 = vector.load %arg3[%get3A_581, %get3A_582, %get3A_583] : memref<1x1024x131xf32, #tpu.memory_space<vmem>>, vector<1x1x131xf32>
      %get3A_585 = vector.shape_cast %get3A_584 : vector<1x1x131xf32> to vector<1x131xf32>
      %slice3A_586 = vector.extract_strided_slice %get3A_585 {offsets = [0, 0], sizes = [1, 128], strides = [1, 1]} : vector<1x131xf32> to vector<1x128xf32>
      %swap3A_587 = arith.constant 0 : index
      %swap3A_588 = arith.index_cast %scan3A_4 : i32 to index
      %swap3A_589 = arith.constant 23 : index
      %swap3A_590 = arith.constant 0 : index
      %swap3A_591 = vector.load %arg4[%swap3A_587, %swap3A_588, %swap3A_589, %swap3A_590] : memref<1x32x24x128xf32, #tpu.memory_space<vmem>>, vector<1x1x1x128xf32>
      %swap3A_592 = vector.shape_cast %swap3A_591 : vector<1x1x1x128xf32> to vector<1x128xf32>
      %swap3A_593 = vector.shape_cast %slice3A_586 : vector<1x128xf32> to vector<1x1x1x128xf32>
      tpu.vector_store %arg4[%swap3A_587, %swap3A_588, %swap3A_589, %swap3A_590], %swap3A_593 {strides = array<i32>} : memref<1x32x24x128xf32, #tpu.memory_space<vmem>>, vector<1x1x1x128xf32>,
      %slice3A_594 = vector.extract_strided_slice %get3A_585 {offsets = [0, 128], sizes = [1, 3], strides = [1, 1]} : vector<1x131xf32> to vector<1x3xf32>
      %swap3A_595 = arith.constant 0 : index
      %swap3A_596 = arith.index_cast %scan3A_4 : i32 to index
      %swap3A_597 = arith.constant 23 : index
      %swap3A_598 = arith.constant 0 : index
      %swap3A_599 = vector.load %arg5[%swap3A_595, %swap3A_596, %swap3A_597, %swap3A_598] : memref<1x32x24x3xf32, #tpu.memory_space<vmem>>, vector<1x1x1x3xf32>
      %swap3A_600 = vector.shape_cast %swap3A_599 : vector<1x1x1x3xf32> to vector<1x3xf32>
      %swap3A_601 = vector.shape_cast %slice3A_594 : vector<1x3xf32> to vector<1x1x1x3xf32>
      tpu.vector_store %arg5[%swap3A_595, %swap3A_596, %swap3A_597, %swap3A_598], %swap3A_601 {strides = array<i32>} : memref<1x32x24x3xf32, #tpu.memory_space<vmem>>, vector<1x1x1x3xf32>,
    }
    %scan3A_3 = arith.constant 32 : i32
    return
  }
  func.func @transform_0(%arg0: i32, %arg1: i32) -> (i32, i32, i32) {
    %c0_i32 = arith.constant 0 : i32
    %c0_i32_0 = arith.constant 0 : i32
    return %arg0, %arg1, %c0_i32 : i32, i32, i32
  }
  func.func @transform_1(%arg0: i32, %arg1: i32) -> (i32, i32, i32) {
    %c0_i32 = arith.constant 0 : i32
    %c0_i32_0 = arith.constant 0 : i32
    %c0_i32_1 = arith.constant 0 : i32
    return %arg0, %c0_i32, %c0_i32_0 : i32, i32, i32
  }
  func.func @transform_2(%arg0: i32, %arg1: i32) -> (i32, i32, i32, i32) {
    %c0_i32 = arith.constant 0 : i32
    %c0_i32_0 = arith.constant 0 : i32
    %c0_i32_1 = arith.constant 0 : i32
    return %arg0, %arg1, %c0_i32, %c0_i32_0 : i32, i32, i32, i32
  }
  func.func @transform_3(%arg0: i32, %arg1: i32) -> (i32, i32, i32, i32) {
    %c0_i32 = arith.constant 0 : i32
    %c0_i32_0 = arith.constant 0 : i32
    %c0_i32_1 = arith.constant 0 : i32
    return %arg0, %arg1, %c0_i32, %c0_i32_0 : i32, i32, i32, i32
  }
}

module attributes {stable_mosaic.version = 14 : i64} {
  func.func @_fuse_body(%arg0: i32, %arg1: i32, %arg2: memref<1x32x24x128xf32, #tpu.memory_space<vmem>>, %arg3: memref<1x32x24x3xf32, #tpu.memory_space<vmem>>, %arg4: memref<1x32x128xf32, #tpu.memory_space<vmem>>, %arg5: memref<1x32x3xf32, #tpu.memory_space<vmem>>, %arg6: memref<1x2xf32, #tpu.memory_space<vmem>>, %arg7: memref<1x256xf32, #tpu.memory_space<vmem>>, %arg8: memref<1x256xf32, #tpu.memory_space<vmem>>, %arg9: memref<1x256xf32, #tpu.memory_space<vmem>>, %arg10: memref<1x256xf32, #tpu.memory_space<vmem>>, %arg11: memref<1x256xf32, #tpu.memory_space<vmem>>, %arg12: memref<1x32x256xf32, #tpu.memory_space<vmem>>) attributes {dimension_semantics = [#tpu.dimension_semantics<arbitrary>, #tpu.dimension_semantics<arbitrary>], iteration_bounds = array<i64: 8, 16>, scalar_prefetch = 0 : i64, scratch_operands = 0 : i64, tpu.core_type = #tpu.core_type<tc>, window_params = [{transform_indices = @transform_0, window_bounds = array<i64: 1, 32, 24, 128>}, {transform_indices = @transform_1, window_bounds = array<i64: 1, 32, 24, 3>}, {transform_indices = @transform_2, window_bounds = array<i64: 1, 32, 128>}, {transform_indices = @transform_3, window_bounds = array<i64: 1, 32, 3>}, {pipeline_mode = #tpu.pipeline_mode<synchronous>, transform_indices = @transform_4, window_bounds = array<i64: 1, 2>}, {pipeline_mode = #tpu.pipeline_mode<synchronous>, transform_indices = @transform_5, window_bounds = array<i64: 1, 256>}, {pipeline_mode = #tpu.pipeline_mode<synchronous>, transform_indices = @transform_6, window_bounds = array<i64: 1, 256>}, {pipeline_mode = #tpu.pipeline_mode<synchronous>, transform_indices = @transform_7, window_bounds = array<i64: 1, 256>}, {pipeline_mode = #tpu.pipeline_mode<synchronous>, transform_indices = @transform_8, window_bounds = array<i64: 1, 256>}, {pipeline_mode = #tpu.pipeline_mode<synchronous>, transform_indices = @transform_9, window_bounds = array<i64: 1, 256>}, {transform_indices = @transform_10, window_bounds = array<i64: 1, 32, 256>}]} {
    %get3A = arith.constant 0 : index
    %get3A_0 = arith.constant 0 : index
    %get3A_1 = arith.constant 0 : index
    %get3A_2 = arith.constant 0 : index
    %get3A_3 = vector.load %arg2[%get3A, %get3A_0, %get3A_1, %get3A_2] : memref<1x32x24x128xf32, #tpu.memory_space<vmem>>, vector<1x32x24x128xf32>
    %get3A_4 = vector.shape_cast %get3A_3 : vector<1x32x24x128xf32> to vector<32x24x128xf32>
    %get3A_5 = arith.constant 0 : index
    %get3A_6 = arith.constant 0 : index
    %get3A_7 = arith.constant 0 : index
    %get3A_8 = arith.constant 0 : index
    %get3A_9 = vector.load %arg3[%get3A_5, %get3A_6, %get3A_7, %get3A_8] : memref<1x32x24x3xf32, #tpu.memory_space<vmem>>, vector<1x32x24x3xf32>
    %get3A_10 = vector.shape_cast %get3A_9 : vector<1x32x24x3xf32> to vector<32x24x3xf32>
    %get3A_11 = arith.constant 0 : index
    %get3A_12 = arith.constant 0 : index
    %get3A_13 = arith.constant 0 : index
    %get3A_14 = vector.load %arg4[%get3A_11, %get3A_12, %get3A_13] : memref<1x32x128xf32, #tpu.memory_space<vmem>>, vector<1x32x128xf32>
    %get3A_15 = vector.shape_cast %get3A_14 : vector<1x32x128xf32> to vector<32x128xf32>
    %get3A_16 = arith.constant 0 : index
    %get3A_17 = arith.constant 0 : index
    %get3A_18 = arith.constant 0 : index
    %get3A_19 = vector.load %arg5[%get3A_16, %get3A_17, %get3A_18] : memref<1x32x3xf32, #tpu.memory_space<vmem>>, vector<1x32x3xf32>
    %get3A_20 = vector.shape_cast %get3A_19 : vector<1x32x3xf32> to vector<32x3xf32>
    %get3A_21 = arith.constant 0 : index
    %get3A_22 = arith.constant 0 : index
    %get3A_23 = vector.load %arg6[%get3A_21, %get3A_22] : memref<1x2xf32, #tpu.memory_space<vmem>>, vector<1x1xf32>
    %get3A_24 = arith.constant 0 : index
    %get3A_25 = arith.constant 1 : index
    %get3A_26 = vector.load %arg6[%get3A_24, %get3A_25] : memref<1x2xf32, #tpu.memory_space<vmem>>, vector<1x1xf32>
    %broadcast_in_dim3A = vector.shape_cast %get3A_20 : vector<32x3xf32> to vector<32x1x3xf32>
    %sub3A = vector.broadcast %broadcast_in_dim3A : vector<32x1x3xf32> to vector<32x24x3xf32>
    %sub3A_27 = arith.subf %get3A_10, %sub3A : vector<32x24x3xf32>
    %broadcast_in_dim3A_28 = vector.shape_cast %get3A_23 : vector<1x1xf32> to vector<1x1x1xf32>
    %div3A = vector.broadcast %broadcast_in_dim3A_28 : vector<1x1x1xf32> to vector<32x24x3xf32>
    %div3A_29 = arith.divf %sub3A_27, %div3A : vector<32x24x3xf32>
    %broadcast_in_dim3A_30 = vector.shape_cast %get3A_15 : vector<32x128xf32> to vector<32x1x128xf32>
    %sub3A_31 = vector.broadcast %broadcast_in_dim3A_30 : vector<32x1x128xf32> to vector<32x24x128xf32>
    %sub3A_32 = arith.subf %get3A_4, %sub3A_31 : vector<32x24x128xf32>
    %broadcast_in_dim3A_33 = vector.shape_cast %get3A_26 : vector<1x1xf32> to vector<1x1x1xf32>
    %div3A_34 = vector.broadcast %broadcast_in_dim3A_33 : vector<1x1x1xf32> to vector<32x24x128xf32>
    %div3A_35 = arith.divf %sub3A_32, %div3A_34 : vector<32x24x128xf32>
    %get3A_36 = arith.constant 0 : index
    %get3A_37 = arith.constant 0 : index
    %get3A_38 = vector.load %arg7[%get3A_36, %get3A_37] : memref<1x256xf32, #tpu.memory_space<vmem>>, vector<1x256xf32>
    %reshape3A = vector.shape_cast %get3A_38 : vector<1x256xf32> to vector<1x1x256xf32>
    %get3A_39 = arith.constant 0 : index
    %get3A_40 = arith.constant 0 : index
    %get3A_41 = vector.load %arg8[%get3A_39, %get3A_40] : memref<1x256xf32, #tpu.memory_space<vmem>>, vector<1x256xf32>
    %reshape3A_42 = vector.shape_cast %get3A_41 : vector<1x256xf32> to vector<1x1x256xf32>
    %get3A_43 = arith.constant 0 : index
    %get3A_44 = arith.constant 0 : index
    %get3A_45 = vector.load %arg9[%get3A_43, %get3A_44] : memref<1x256xf32, #tpu.memory_space<vmem>>, vector<1x256xf32>
    %reshape3A_46 = vector.shape_cast %get3A_45 : vector<1x256xf32> to vector<1x1x256xf32>
    %get3A_47 = arith.constant 0 : index
    %get3A_48 = arith.constant 0 : index
    %get3A_49 = vector.load %arg10[%get3A_47, %get3A_48] : memref<1x256xf32, #tpu.memory_space<vmem>>, vector<1x256xf32>
    %reshape3A_50 = vector.shape_cast %get3A_49 : vector<1x256xf32> to vector<1x1x256xf32>
    %get3A_51 = arith.constant 0 : index
    %get3A_52 = arith.constant 0 : index
    %get3A_53 = vector.load %arg11[%get3A_51, %get3A_52] : memref<1x256xf32, #tpu.memory_space<vmem>>, vector<1x256xf32>
    %reshape3A_54 = vector.shape_cast %get3A_53 : vector<1x256xf32> to vector<1x1x256xf32>
    %ne3A = arith.constant 0.000000e+00 : f32
    %ne3A_55 = vector.broadcast %ne3A : f32 to vector<1x1x256xf32>
    %ne3A_56 = arith.cmpf one, %reshape3A_54, %ne3A_55 : vector<1x1x256xf32>
    %slice3A = vector.extract_strided_slice %div3A_29 {offsets = [0, 0, 0], sizes = [32, 24, 1], strides = [1, 1, 1]} : vector<32x24x3xf32> to vector<32x24x1xf32>
    %mul3A = vector.broadcast %slice3A : vector<32x24x1xf32> to vector<32x24x256xf32>
    %mul3A_57 = vector.broadcast %reshape3A : vector<1x1x256xf32> to vector<32x24x256xf32>
    %mul3A_58 = arith.mulf %mul3A, %mul3A_57 : vector<32x24x256xf32>
    %slice3A_59 = vector.extract_strided_slice %div3A_29 {offsets = [0, 0, 1], sizes = [32, 24, 1], strides = [1, 1, 1]} : vector<32x24x3xf32> to vector<32x24x1xf32>
    %mul3A_60 = vector.broadcast %slice3A_59 : vector<32x24x1xf32> to vector<32x24x256xf32>
    %mul3A_61 = vector.broadcast %reshape3A_42 : vector<1x1x256xf32> to vector<32x24x256xf32>
    %mul3A_62 = arith.mulf %mul3A_60, %mul3A_61 : vector<32x24x256xf32>
    %add3A = arith.addf %mul3A_58, %mul3A_62 : vector<32x24x256xf32>
    %slice3A_63 = vector.extract_strided_slice %div3A_29 {offsets = [0, 0, 2], sizes = [32, 24, 1], strides = [1, 1, 1]} : vector<32x24x3xf32> to vector<32x24x1xf32>
    %mul3A_64 = vector.broadcast %slice3A_63 : vector<32x24x1xf32> to vector<32x24x256xf32>
    %mul3A_65 = vector.broadcast %reshape3A_46 : vector<1x1x256xf32> to vector<32x24x256xf32>
    %mul3A_66 = arith.mulf %mul3A_64, %mul3A_65 : vector<32x24x256xf32>
    %add3A_67 = arith.addf %add3A, %mul3A_66 : vector<32x24x256xf32>
    %mul3A_68 = arith.constant 1.000000e+02 : f32
    %mul3A_69 = vector.broadcast %mul3A_68 : f32 to vector<32x24x256xf32>
    %mul3A_70 = arith.mulf %mul3A_69, %add3A_67 : vector<32x24x256xf32>
    %div3A_71 = vector.broadcast %reshape3A_50 : vector<1x1x256xf32> to vector<32x24x256xf32>
    %div3A_72 = arith.divf %mul3A_70, %div3A_71 : vector<32x24x256xf32>
    %sin3A = math.sin %div3A_72 : vector<32x24x256xf32>
    %cos3A = math.cos %div3A_72 : vector<32x24x256xf32>
    %broadcast_in_dim3A_73 = vector.shape_cast %ne3A_56 : vector<1x1x256xi1> to vector<1x1x256xi1>
    %broadcast_in_dim3A_74 = vector.broadcast %broadcast_in_dim3A_73 : vector<1x1x256xi1> to vector<32x24x256xi1>
    %select_n3A = arith.select %broadcast_in_dim3A_74, %sin3A, %cos3A : vector<32x24x256xi1>, vector<32x24x256xf32>
    %slice3A_75 = vector.extract_strided_slice %select_n3A {offsets = [0, 0, 0], sizes = [32, 24, 128], strides = [1, 1, 1]} : vector<32x24x256xf32> to vector<32x24x128xf32>
    %slice3A_76 = vector.extract_strided_slice %select_n3A {offsets = [0, 0, 128], sizes = [32, 24, 128], strides = [1, 1, 1]} : vector<32x24x256xf32> to vector<32x24x128xf32>
    %add3A_77 = arith.addf %div3A_35, %slice3A_75 : vector<32x24x128xf32>
    %mul3A_78 = arith.mulf %add3A_77, %slice3A_75 : vector<32x24x128xf32>
    %broadcast_in_dim3A_79 = vector.shape_cast %get3A_15 : vector<32x128xf32> to vector<32x1x128xf32>
    %add3A_80 = vector.broadcast %broadcast_in_dim3A_79 : vector<32x1x128xf32> to vector<32x24x128xf32>
    %add3A_81 = arith.addf %add3A_80, %slice3A_76 : vector<32x24x128xf32>
    %mul3A_82 = arith.mulf %add3A_81, %slice3A_76 : vector<32x24x128xf32>
    %reduce_max3A = arith.constant dense<0xFF800000> : vector<32x128xf32>
    %reduce_max3A_83 = vector.multi_reduction <maximumf>, %mul3A_78, %reduce_max3A [1] : vector<32x24x128xf32> to vector<32x128xf32>
    %reduce_sum3A = arith.constant dense<0.000000e+00> : vector<32x128xf32>
    %reduce_sum3A_84 = vector.multi_reduction <add>, %mul3A_78, %reduce_sum3A [1] : vector<32x24x128xf32> to vector<32x128xf32>
    %div3A_85 = arith.constant 2.400000e+01 : f32
    %div3A_86 = vector.broadcast %div3A_85 : f32 to vector<32x128xf32>
    %div3A_87 = arith.divf %reduce_sum3A_84, %div3A_86 : vector<32x128xf32>
    %add3A_88 = arith.addf %reduce_max3A_83, %div3A_87 : vector<32x128xf32>
    %reduce_max3A_89 = arith.constant dense<0xFF800000> : vector<32x128xf32>
    %reduce_max3A_90 = vector.multi_reduction <maximumf>, %mul3A_82, %reduce_max3A_89 [1] : vector<32x24x128xf32> to vector<32x128xf32>
    %reduce_sum3A_91 = arith.constant dense<0.000000e+00> : vector<32x128xf32>
    %reduce_sum3A_92 = vector.multi_reduction <add>, %mul3A_82, %reduce_sum3A_91 [1] : vector<32x24x128xf32> to vector<32x128xf32>
    %div3A_93 = arith.constant 2.400000e+01 : f32
    %div3A_94 = vector.broadcast %div3A_93 : f32 to vector<32x128xf32>
    %div3A_95 = arith.divf %reduce_sum3A_92, %div3A_94 : vector<32x128xf32>
    %add3A_96 = arith.addf %reduce_max3A_90, %div3A_95 : vector<32x128xf32>
    %concatenate3A = tpu.concatenate %add3A_88, %add3A_96 in 1 : vector<32x128xf32>, vector<32x128xf32> -> vector<32x256xf32>
    %swap3A = arith.constant 0 : index
    %swap3A_97 = arith.constant 0 : index
    %swap3A_98 = arith.constant 0 : index
    %swap3A_99 = vector.load %arg12[%swap3A, %swap3A_97, %swap3A_98] : memref<1x32x256xf32, #tpu.memory_space<vmem>>, vector<1x32x256xf32>
    %swap3A_100 = vector.shape_cast %swap3A_99 : vector<1x32x256xf32> to vector<32x256xf32>
    %swap3A_101 = vector.shape_cast %concatenate3A : vector<32x256xf32> to vector<1x32x256xf32>
    tpu.vector_store %arg12[%swap3A, %swap3A_97, %swap3A_98], %swap3A_101 {strides = array<i32>} : memref<1x32x256xf32, #tpu.memory_space<vmem>>, vector<1x32x256xf32>,
    return
  }
  func.func @transform_0(%arg0: i32, %arg1: i32) -> (i32, i32, i32, i32) {
    %c0_i32 = arith.constant 0 : i32
    %c0_i32_0 = arith.constant 0 : i32
    %c0_i32_1 = arith.constant 0 : i32
    return %arg0, %arg1, %c0_i32, %c0_i32_0 : i32, i32, i32, i32
  }
  func.func @transform_1(%arg0: i32, %arg1: i32) -> (i32, i32, i32, i32) {
    %c0_i32 = arith.constant 0 : i32
    %c0_i32_0 = arith.constant 0 : i32
    %c0_i32_1 = arith.constant 0 : i32
    return %arg0, %arg1, %c0_i32, %c0_i32_0 : i32, i32, i32, i32
  }
  func.func @transform_2(%arg0: i32, %arg1: i32) -> (i32, i32, i32) {
    %c0_i32 = arith.constant 0 : i32
    %c0_i32_0 = arith.constant 0 : i32
    return %arg0, %arg1, %c0_i32 : i32, i32, i32
  }
  func.func @transform_3(%arg0: i32, %arg1: i32) -> (i32, i32, i32) {
    %c0_i32 = arith.constant 0 : i32
    %c0_i32_0 = arith.constant 0 : i32
    return %arg0, %arg1, %c0_i32 : i32, i32, i32
  }
  func.func @transform_4(%arg0: i32, %arg1: i32) -> (i32, i32) {
    %c0_i32 = arith.constant 0 : i32
    %c0_i32_0 = arith.constant 0 : i32
    %c0_i32_1 = arith.constant 0 : i32
    return %c0_i32, %c0_i32_0 : i32, i32
  }
  func.func @transform_5(%arg0: i32, %arg1: i32) -> (i32, i32) {
    %c0_i32 = arith.constant 0 : i32
    %c0_i32_0 = arith.constant 0 : i32
    %c0_i32_1 = arith.constant 0 : i32
    return %c0_i32, %c0_i32_0 : i32, i32
  }
  func.func @transform_6(%arg0: i32, %arg1: i32) -> (i32, i32) {
    %c0_i32 = arith.constant 0 : i32
    %c0_i32_0 = arith.constant 0 : i32
    %c0_i32_1 = arith.constant 0 : i32
    return %c0_i32, %c0_i32_0 : i32, i32
  }
  func.func @transform_7(%arg0: i32, %arg1: i32) -> (i32, i32) {
    %c0_i32 = arith.constant 0 : i32
    %c0_i32_0 = arith.constant 0 : i32
    %c0_i32_1 = arith.constant 0 : i32
    return %c0_i32, %c0_i32_0 : i32, i32
  }
  func.func @transform_8(%arg0: i32, %arg1: i32) -> (i32, i32) {
    %c0_i32 = arith.constant 0 : i32
    %c0_i32_0 = arith.constant 0 : i32
    %c0_i32_1 = arith.constant 0 : i32
    return %c0_i32, %c0_i32_0 : i32, i32
  }
  func.func @transform_9(%arg0: i32, %arg1: i32) -> (i32, i32) {
    %c0_i32 = arith.constant 0 : i32
    %c0_i32_0 = arith.constant 0 : i32
    %c0_i32_1 = arith.constant 0 : i32
    return %c0_i32, %c0_i32_0 : i32, i32
  }
  func.func @transform_10(%arg0: i32, %arg1: i32) -> (i32, i32, i32) {
    %c0_i32 = arith.constant 0 : i32
    %c0_i32_0 = arith.constant 0 : i32
    return %arg0, %arg1, %c0_i32 : i32, i32, i32
  }
}

module attributes {stable_mosaic.version = 14 : i64} {
  func.func @_gather_body(%arg0: i32, %arg1: i32, %arg2: memref<1x32x24xi32, #tpu.memory_space<smem>>, %arg3: memref<1x512x259xf32, #tpu.memory_space<vmem>>, %arg4: memref<1x32x24x256xf32, #tpu.memory_space<vmem>>, %arg5: memref<1x32x24x3xf32, #tpu.memory_space<vmem>>) attributes {dimension_semantics = [#tpu.dimension_semantics<arbitrary>, #tpu.dimension_semantics<arbitrary>], iteration_bounds = array<i64: 8, 8>, scalar_prefetch = 0 : i64, scratch_operands = 0 : i64, tpu.core_type = #tpu.core_type<tc>, window_params = [{transform_indices = @transform_0, window_bounds = array<i64: 1, 32, 24>}, {transform_indices = @transform_1, window_bounds = array<i64: 1, 512, 259>}, {transform_indices = @transform_2, window_bounds = array<i64: 1, 32, 24, 256>}, {transform_indices = @transform_3, window_bounds = array<i64: 1, 32, 24, 3>}]} {
    %scan3A = arith.constant 0 : i32
    %scan3A_0 = arith.constant 32 : i32
    %scan3A_1 = arith.addi %scan3A, %scan3A_0 : i32
    %scan3A_2 = arith.constant 1 : i32
    scf.for %scan3A_4 = %scan3A to %scan3A_1 step %scan3A_2  : i32 {
      %get3A = arith.constant 0 : index
      %get3A_5 = arith.index_cast %scan3A_4 : i32 to index
      %get3A_6 = arith.constant 0 : index
      %get3A_7 = memref.load %arg2[%get3A, %get3A_5, %get3A_6] : memref<1x32x24xi32, #tpu.memory_space<smem>>
      %get3A_8 = arith.constant 0 : index
      %get3A_9 = arith.index_cast %get3A_7 : i32 to index
      %get3A_10 = arith.constant 0 : index
      %get3A_11 = vector.load %arg3[%get3A_8, %get3A_9, %get3A_10] : memref<1x512x259xf32, #tpu.memory_space<vmem>>, vector<1x1x259xf32>
      %get3A_12 = vector.shape_cast %get3A_11 : vector<1x1x259xf32> to vector<1x259xf32>
      %slice3A = vector.extract_strided_slice %get3A_12 {offsets = [0, 0], sizes = [1, 256], strides = [1, 1]} : vector<1x259xf32> to vector<1x256xf32>
      %swap3A = arith.constant 0 : index
      %swap3A_13 = arith.index_cast %scan3A_4 : i32 to index
      %swap3A_14 = arith.constant 0 : index
      %swap3A_15 = arith.constant 0 : index
      %swap3A_16 = vector.load %arg4[%swap3A, %swap3A_13, %swap3A_14, %swap3A_15] : memref<1x32x24x256xf32, #tpu.memory_space<vmem>>, vector<1x1x1x256xf32>
      %swap3A_17 = vector.shape_cast %swap3A_16 : vector<1x1x1x256xf32> to vector<1x256xf32>
      %swap3A_18 = vector.shape_cast %slice3A : vector<1x256xf32> to vector<1x1x1x256xf32>
      tpu.vector_store %arg4[%swap3A, %swap3A_13, %swap3A_14, %swap3A_15], %swap3A_18 {strides = array<i32>} : memref<1x32x24x256xf32, #tpu.memory_space<vmem>>, vector<1x1x1x256xf32>,
      %slice3A_19 = vector.extract_strided_slice %get3A_12 {offsets = [0, 256], sizes = [1, 3], strides = [1, 1]} : vector<1x259xf32> to vector<1x3xf32>
      %swap3A_20 = arith.constant 0 : index
      %swap3A_21 = arith.index_cast %scan3A_4 : i32 to index
      %swap3A_22 = arith.constant 0 : index
      %swap3A_23 = arith.constant 0 : index
      %swap3A_24 = vector.load %arg5[%swap3A_20, %swap3A_21, %swap3A_22, %swap3A_23] : memref<1x32x24x3xf32, #tpu.memory_space<vmem>>, vector<1x1x1x3xf32>
      %swap3A_25 = vector.shape_cast %swap3A_24 : vector<1x1x1x3xf32> to vector<1x3xf32>
      %swap3A_26 = vector.shape_cast %slice3A_19 : vector<1x3xf32> to vector<1x1x1x3xf32>
      tpu.vector_store %arg5[%swap3A_20, %swap3A_21, %swap3A_22, %swap3A_23], %swap3A_26 {strides = array<i32>} : memref<1x32x24x3xf32, #tpu.memory_space<vmem>>, vector<1x1x1x3xf32>,
      %get3A_27 = arith.constant 0 : index
      %get3A_28 = arith.index_cast %scan3A_4 : i32 to index
      %get3A_29 = arith.constant 1 : index
      %get3A_30 = memref.load %arg2[%get3A_27, %get3A_28, %get3A_29] : memref<1x32x24xi32, #tpu.memory_space<smem>>
      %get3A_31 = arith.constant 0 : index
      %get3A_32 = arith.index_cast %get3A_30 : i32 to index
      %get3A_33 = arith.constant 0 : index
      %get3A_34 = vector.load %arg3[%get3A_31, %get3A_32, %get3A_33] : memref<1x512x259xf32, #tpu.memory_space<vmem>>, vector<1x1x259xf32>
      %get3A_35 = vector.shape_cast %get3A_34 : vector<1x1x259xf32> to vector<1x259xf32>
      %slice3A_36 = vector.extract_strided_slice %get3A_35 {offsets = [0, 0], sizes = [1, 256], strides = [1, 1]} : vector<1x259xf32> to vector<1x256xf32>
      %swap3A_37 = arith.constant 0 : index
      %swap3A_38 = arith.index_cast %scan3A_4 : i32 to index
      %swap3A_39 = arith.constant 1 : index
      %swap3A_40 = arith.constant 0 : index
      %swap3A_41 = vector.load %arg4[%swap3A_37, %swap3A_38, %swap3A_39, %swap3A_40] : memref<1x32x24x256xf32, #tpu.memory_space<vmem>>, vector<1x1x1x256xf32>
      %swap3A_42 = vector.shape_cast %swap3A_41 : vector<1x1x1x256xf32> to vector<1x256xf32>
      %swap3A_43 = vector.shape_cast %slice3A_36 : vector<1x256xf32> to vector<1x1x1x256xf32>
      tpu.vector_store %arg4[%swap3A_37, %swap3A_38, %swap3A_39, %swap3A_40], %swap3A_43 {strides = array<i32>} : memref<1x32x24x256xf32, #tpu.memory_space<vmem>>, vector<1x1x1x256xf32>,
      %slice3A_44 = vector.extract_strided_slice %get3A_35 {offsets = [0, 256], sizes = [1, 3], strides = [1, 1]} : vector<1x259xf32> to vector<1x3xf32>
      %swap3A_45 = arith.constant 0 : index
      %swap3A_46 = arith.index_cast %scan3A_4 : i32 to index
      %swap3A_47 = arith.constant 1 : index
      %swap3A_48 = arith.constant 0 : index
      %swap3A_49 = vector.load %arg5[%swap3A_45, %swap3A_46, %swap3A_47, %swap3A_48] : memref<1x32x24x3xf32, #tpu.memory_space<vmem>>, vector<1x1x1x3xf32>
      %swap3A_50 = vector.shape_cast %swap3A_49 : vector<1x1x1x3xf32> to vector<1x3xf32>
      %swap3A_51 = vector.shape_cast %slice3A_44 : vector<1x3xf32> to vector<1x1x1x3xf32>
      tpu.vector_store %arg5[%swap3A_45, %swap3A_46, %swap3A_47, %swap3A_48], %swap3A_51 {strides = array<i32>} : memref<1x32x24x3xf32, #tpu.memory_space<vmem>>, vector<1x1x1x3xf32>,
      %get3A_52 = arith.constant 0 : index
      %get3A_53 = arith.index_cast %scan3A_4 : i32 to index
      %get3A_54 = arith.constant 2 : index
      %get3A_55 = memref.load %arg2[%get3A_52, %get3A_53, %get3A_54] : memref<1x32x24xi32, #tpu.memory_space<smem>>
      %get3A_56 = arith.constant 0 : index
      %get3A_57 = arith.index_cast %get3A_55 : i32 to index
      %get3A_58 = arith.constant 0 : index
      %get3A_59 = vector.load %arg3[%get3A_56, %get3A_57, %get3A_58] : memref<1x512x259xf32, #tpu.memory_space<vmem>>, vector<1x1x259xf32>
      %get3A_60 = vector.shape_cast %get3A_59 : vector<1x1x259xf32> to vector<1x259xf32>
      %slice3A_61 = vector.extract_strided_slice %get3A_60 {offsets = [0, 0], sizes = [1, 256], strides = [1, 1]} : vector<1x259xf32> to vector<1x256xf32>
      %swap3A_62 = arith.constant 0 : index
      %swap3A_63 = arith.index_cast %scan3A_4 : i32 to index
      %swap3A_64 = arith.constant 2 : index
      %swap3A_65 = arith.constant 0 : index
      %swap3A_66 = vector.load %arg4[%swap3A_62, %swap3A_63, %swap3A_64, %swap3A_65] : memref<1x32x24x256xf32, #tpu.memory_space<vmem>>, vector<1x1x1x256xf32>
      %swap3A_67 = vector.shape_cast %swap3A_66 : vector<1x1x1x256xf32> to vector<1x256xf32>
      %swap3A_68 = vector.shape_cast %slice3A_61 : vector<1x256xf32> to vector<1x1x1x256xf32>
      tpu.vector_store %arg4[%swap3A_62, %swap3A_63, %swap3A_64, %swap3A_65], %swap3A_68 {strides = array<i32>} : memref<1x32x24x256xf32, #tpu.memory_space<vmem>>, vector<1x1x1x256xf32>,
      %slice3A_69 = vector.extract_strided_slice %get3A_60 {offsets = [0, 256], sizes = [1, 3], strides = [1, 1]} : vector<1x259xf32> to vector<1x3xf32>
      %swap3A_70 = arith.constant 0 : index
      %swap3A_71 = arith.index_cast %scan3A_4 : i32 to index
      %swap3A_72 = arith.constant 2 : index
      %swap3A_73 = arith.constant 0 : index
      %swap3A_74 = vector.load %arg5[%swap3A_70, %swap3A_71, %swap3A_72, %swap3A_73] : memref<1x32x24x3xf32, #tpu.memory_space<vmem>>, vector<1x1x1x3xf32>
      %swap3A_75 = vector.shape_cast %swap3A_74 : vector<1x1x1x3xf32> to vector<1x3xf32>
      %swap3A_76 = vector.shape_cast %slice3A_69 : vector<1x3xf32> to vector<1x1x1x3xf32>
      tpu.vector_store %arg5[%swap3A_70, %swap3A_71, %swap3A_72, %swap3A_73], %swap3A_76 {strides = array<i32>} : memref<1x32x24x3xf32, #tpu.memory_space<vmem>>, vector<1x1x1x3xf32>,
      %get3A_77 = arith.constant 0 : index
      %get3A_78 = arith.index_cast %scan3A_4 : i32 to index
      %get3A_79 = arith.constant 3 : index
      %get3A_80 = memref.load %arg2[%get3A_77, %get3A_78, %get3A_79] : memref<1x32x24xi32, #tpu.memory_space<smem>>
      %get3A_81 = arith.constant 0 : index
      %get3A_82 = arith.index_cast %get3A_80 : i32 to index
      %get3A_83 = arith.constant 0 : index
      %get3A_84 = vector.load %arg3[%get3A_81, %get3A_82, %get3A_83] : memref<1x512x259xf32, #tpu.memory_space<vmem>>, vector<1x1x259xf32>
      %get3A_85 = vector.shape_cast %get3A_84 : vector<1x1x259xf32> to vector<1x259xf32>
      %slice3A_86 = vector.extract_strided_slice %get3A_85 {offsets = [0, 0], sizes = [1, 256], strides = [1, 1]} : vector<1x259xf32> to vector<1x256xf32>
      %swap3A_87 = arith.constant 0 : index
      %swap3A_88 = arith.index_cast %scan3A_4 : i32 to index
      %swap3A_89 = arith.constant 3 : index
      %swap3A_90 = arith.constant 0 : index
      %swap3A_91 = vector.load %arg4[%swap3A_87, %swap3A_88, %swap3A_89, %swap3A_90] : memref<1x32x24x256xf32, #tpu.memory_space<vmem>>, vector<1x1x1x256xf32>
      %swap3A_92 = vector.shape_cast %swap3A_91 : vector<1x1x1x256xf32> to vector<1x256xf32>
      %swap3A_93 = vector.shape_cast %slice3A_86 : vector<1x256xf32> to vector<1x1x1x256xf32>
      tpu.vector_store %arg4[%swap3A_87, %swap3A_88, %swap3A_89, %swap3A_90], %swap3A_93 {strides = array<i32>} : memref<1x32x24x256xf32, #tpu.memory_space<vmem>>, vector<1x1x1x256xf32>,
      %slice3A_94 = vector.extract_strided_slice %get3A_85 {offsets = [0, 256], sizes = [1, 3], strides = [1, 1]} : vector<1x259xf32> to vector<1x3xf32>
      %swap3A_95 = arith.constant 0 : index
      %swap3A_96 = arith.index_cast %scan3A_4 : i32 to index
      %swap3A_97 = arith.constant 3 : index
      %swap3A_98 = arith.constant 0 : index
      %swap3A_99 = vector.load %arg5[%swap3A_95, %swap3A_96, %swap3A_97, %swap3A_98] : memref<1x32x24x3xf32, #tpu.memory_space<vmem>>, vector<1x1x1x3xf32>
      %swap3A_100 = vector.shape_cast %swap3A_99 : vector<1x1x1x3xf32> to vector<1x3xf32>
      %swap3A_101 = vector.shape_cast %slice3A_94 : vector<1x3xf32> to vector<1x1x1x3xf32>
      tpu.vector_store %arg5[%swap3A_95, %swap3A_96, %swap3A_97, %swap3A_98], %swap3A_101 {strides = array<i32>} : memref<1x32x24x3xf32, #tpu.memory_space<vmem>>, vector<1x1x1x3xf32>,
      %get3A_102 = arith.constant 0 : index
      %get3A_103 = arith.index_cast %scan3A_4 : i32 to index
      %get3A_104 = arith.constant 4 : index
      %get3A_105 = memref.load %arg2[%get3A_102, %get3A_103, %get3A_104] : memref<1x32x24xi32, #tpu.memory_space<smem>>
      %get3A_106 = arith.constant 0 : index
      %get3A_107 = arith.index_cast %get3A_105 : i32 to index
      %get3A_108 = arith.constant 0 : index
      %get3A_109 = vector.load %arg3[%get3A_106, %get3A_107, %get3A_108] : memref<1x512x259xf32, #tpu.memory_space<vmem>>, vector<1x1x259xf32>
      %get3A_110 = vector.shape_cast %get3A_109 : vector<1x1x259xf32> to vector<1x259xf32>
      %slice3A_111 = vector.extract_strided_slice %get3A_110 {offsets = [0, 0], sizes = [1, 256], strides = [1, 1]} : vector<1x259xf32> to vector<1x256xf32>
      %swap3A_112 = arith.constant 0 : index
      %swap3A_113 = arith.index_cast %scan3A_4 : i32 to index
      %swap3A_114 = arith.constant 4 : index
      %swap3A_115 = arith.constant 0 : index
      %swap3A_116 = vector.load %arg4[%swap3A_112, %swap3A_113, %swap3A_114, %swap3A_115] : memref<1x32x24x256xf32, #tpu.memory_space<vmem>>, vector<1x1x1x256xf32>
      %swap3A_117 = vector.shape_cast %swap3A_116 : vector<1x1x1x256xf32> to vector<1x256xf32>
      %swap3A_118 = vector.shape_cast %slice3A_111 : vector<1x256xf32> to vector<1x1x1x256xf32>
      tpu.vector_store %arg4[%swap3A_112, %swap3A_113, %swap3A_114, %swap3A_115], %swap3A_118 {strides = array<i32>} : memref<1x32x24x256xf32, #tpu.memory_space<vmem>>, vector<1x1x1x256xf32>,
      %slice3A_119 = vector.extract_strided_slice %get3A_110 {offsets = [0, 256], sizes = [1, 3], strides = [1, 1]} : vector<1x259xf32> to vector<1x3xf32>
      %swap3A_120 = arith.constant 0 : index
      %swap3A_121 = arith.index_cast %scan3A_4 : i32 to index
      %swap3A_122 = arith.constant 4 : index
      %swap3A_123 = arith.constant 0 : index
      %swap3A_124 = vector.load %arg5[%swap3A_120, %swap3A_121, %swap3A_122, %swap3A_123] : memref<1x32x24x3xf32, #tpu.memory_space<vmem>>, vector<1x1x1x3xf32>
      %swap3A_125 = vector.shape_cast %swap3A_124 : vector<1x1x1x3xf32> to vector<1x3xf32>
      %swap3A_126 = vector.shape_cast %slice3A_119 : vector<1x3xf32> to vector<1x1x1x3xf32>
      tpu.vector_store %arg5[%swap3A_120, %swap3A_121, %swap3A_122, %swap3A_123], %swap3A_126 {strides = array<i32>} : memref<1x32x24x3xf32, #tpu.memory_space<vmem>>, vector<1x1x1x3xf32>,
      %get3A_127 = arith.constant 0 : index
      %get3A_128 = arith.index_cast %scan3A_4 : i32 to index
      %get3A_129 = arith.constant 5 : index
      %get3A_130 = memref.load %arg2[%get3A_127, %get3A_128, %get3A_129] : memref<1x32x24xi32, #tpu.memory_space<smem>>
      %get3A_131 = arith.constant 0 : index
      %get3A_132 = arith.index_cast %get3A_130 : i32 to index
      %get3A_133 = arith.constant 0 : index
      %get3A_134 = vector.load %arg3[%get3A_131, %get3A_132, %get3A_133] : memref<1x512x259xf32, #tpu.memory_space<vmem>>, vector<1x1x259xf32>
      %get3A_135 = vector.shape_cast %get3A_134 : vector<1x1x259xf32> to vector<1x259xf32>
      %slice3A_136 = vector.extract_strided_slice %get3A_135 {offsets = [0, 0], sizes = [1, 256], strides = [1, 1]} : vector<1x259xf32> to vector<1x256xf32>
      %swap3A_137 = arith.constant 0 : index
      %swap3A_138 = arith.index_cast %scan3A_4 : i32 to index
      %swap3A_139 = arith.constant 5 : index
      %swap3A_140 = arith.constant 0 : index
      %swap3A_141 = vector.load %arg4[%swap3A_137, %swap3A_138, %swap3A_139, %swap3A_140] : memref<1x32x24x256xf32, #tpu.memory_space<vmem>>, vector<1x1x1x256xf32>
      %swap3A_142 = vector.shape_cast %swap3A_141 : vector<1x1x1x256xf32> to vector<1x256xf32>
      %swap3A_143 = vector.shape_cast %slice3A_136 : vector<1x256xf32> to vector<1x1x1x256xf32>
      tpu.vector_store %arg4[%swap3A_137, %swap3A_138, %swap3A_139, %swap3A_140], %swap3A_143 {strides = array<i32>} : memref<1x32x24x256xf32, #tpu.memory_space<vmem>>, vector<1x1x1x256xf32>,
      %slice3A_144 = vector.extract_strided_slice %get3A_135 {offsets = [0, 256], sizes = [1, 3], strides = [1, 1]} : vector<1x259xf32> to vector<1x3xf32>
      %swap3A_145 = arith.constant 0 : index
      %swap3A_146 = arith.index_cast %scan3A_4 : i32 to index
      %swap3A_147 = arith.constant 5 : index
      %swap3A_148 = arith.constant 0 : index
      %swap3A_149 = vector.load %arg5[%swap3A_145, %swap3A_146, %swap3A_147, %swap3A_148] : memref<1x32x24x3xf32, #tpu.memory_space<vmem>>, vector<1x1x1x3xf32>
      %swap3A_150 = vector.shape_cast %swap3A_149 : vector<1x1x1x3xf32> to vector<1x3xf32>
      %swap3A_151 = vector.shape_cast %slice3A_144 : vector<1x3xf32> to vector<1x1x1x3xf32>
      tpu.vector_store %arg5[%swap3A_145, %swap3A_146, %swap3A_147, %swap3A_148], %swap3A_151 {strides = array<i32>} : memref<1x32x24x3xf32, #tpu.memory_space<vmem>>, vector<1x1x1x3xf32>,
      %get3A_152 = arith.constant 0 : index
      %get3A_153 = arith.index_cast %scan3A_4 : i32 to index
      %get3A_154 = arith.constant 6 : index
      %get3A_155 = memref.load %arg2[%get3A_152, %get3A_153, %get3A_154] : memref<1x32x24xi32, #tpu.memory_space<smem>>
      %get3A_156 = arith.constant 0 : index
      %get3A_157 = arith.index_cast %get3A_155 : i32 to index
      %get3A_158 = arith.constant 0 : index
      %get3A_159 = vector.load %arg3[%get3A_156, %get3A_157, %get3A_158] : memref<1x512x259xf32, #tpu.memory_space<vmem>>, vector<1x1x259xf32>
      %get3A_160 = vector.shape_cast %get3A_159 : vector<1x1x259xf32> to vector<1x259xf32>
      %slice3A_161 = vector.extract_strided_slice %get3A_160 {offsets = [0, 0], sizes = [1, 256], strides = [1, 1]} : vector<1x259xf32> to vector<1x256xf32>
      %swap3A_162 = arith.constant 0 : index
      %swap3A_163 = arith.index_cast %scan3A_4 : i32 to index
      %swap3A_164 = arith.constant 6 : index
      %swap3A_165 = arith.constant 0 : index
      %swap3A_166 = vector.load %arg4[%swap3A_162, %swap3A_163, %swap3A_164, %swap3A_165] : memref<1x32x24x256xf32, #tpu.memory_space<vmem>>, vector<1x1x1x256xf32>
      %swap3A_167 = vector.shape_cast %swap3A_166 : vector<1x1x1x256xf32> to vector<1x256xf32>
      %swap3A_168 = vector.shape_cast %slice3A_161 : vector<1x256xf32> to vector<1x1x1x256xf32>
      tpu.vector_store %arg4[%swap3A_162, %swap3A_163, %swap3A_164, %swap3A_165], %swap3A_168 {strides = array<i32>} : memref<1x32x24x256xf32, #tpu.memory_space<vmem>>, vector<1x1x1x256xf32>,
      %slice3A_169 = vector.extract_strided_slice %get3A_160 {offsets = [0, 256], sizes = [1, 3], strides = [1, 1]} : vector<1x259xf32> to vector<1x3xf32>
      %swap3A_170 = arith.constant 0 : index
      %swap3A_171 = arith.index_cast %scan3A_4 : i32 to index
      %swap3A_172 = arith.constant 6 : index
      %swap3A_173 = arith.constant 0 : index
      %swap3A_174 = vector.load %arg5[%swap3A_170, %swap3A_171, %swap3A_172, %swap3A_173] : memref<1x32x24x3xf32, #tpu.memory_space<vmem>>, vector<1x1x1x3xf32>
      %swap3A_175 = vector.shape_cast %swap3A_174 : vector<1x1x1x3xf32> to vector<1x3xf32>
      %swap3A_176 = vector.shape_cast %slice3A_169 : vector<1x3xf32> to vector<1x1x1x3xf32>
      tpu.vector_store %arg5[%swap3A_170, %swap3A_171, %swap3A_172, %swap3A_173], %swap3A_176 {strides = array<i32>} : memref<1x32x24x3xf32, #tpu.memory_space<vmem>>, vector<1x1x1x3xf32>,
      %get3A_177 = arith.constant 0 : index
      %get3A_178 = arith.index_cast %scan3A_4 : i32 to index
      %get3A_179 = arith.constant 7 : index
      %get3A_180 = memref.load %arg2[%get3A_177, %get3A_178, %get3A_179] : memref<1x32x24xi32, #tpu.memory_space<smem>>
      %get3A_181 = arith.constant 0 : index
      %get3A_182 = arith.index_cast %get3A_180 : i32 to index
      %get3A_183 = arith.constant 0 : index
      %get3A_184 = vector.load %arg3[%get3A_181, %get3A_182, %get3A_183] : memref<1x512x259xf32, #tpu.memory_space<vmem>>, vector<1x1x259xf32>
      %get3A_185 = vector.shape_cast %get3A_184 : vector<1x1x259xf32> to vector<1x259xf32>
      %slice3A_186 = vector.extract_strided_slice %get3A_185 {offsets = [0, 0], sizes = [1, 256], strides = [1, 1]} : vector<1x259xf32> to vector<1x256xf32>
      %swap3A_187 = arith.constant 0 : index
      %swap3A_188 = arith.index_cast %scan3A_4 : i32 to index
      %swap3A_189 = arith.constant 7 : index
      %swap3A_190 = arith.constant 0 : index
      %swap3A_191 = vector.load %arg4[%swap3A_187, %swap3A_188, %swap3A_189, %swap3A_190] : memref<1x32x24x256xf32, #tpu.memory_space<vmem>>, vector<1x1x1x256xf32>
      %swap3A_192 = vector.shape_cast %swap3A_191 : vector<1x1x1x256xf32> to vector<1x256xf32>
      %swap3A_193 = vector.shape_cast %slice3A_186 : vector<1x256xf32> to vector<1x1x1x256xf32>
      tpu.vector_store %arg4[%swap3A_187, %swap3A_188, %swap3A_189, %swap3A_190], %swap3A_193 {strides = array<i32>} : memref<1x32x24x256xf32, #tpu.memory_space<vmem>>, vector<1x1x1x256xf32>,
      %slice3A_194 = vector.extract_strided_slice %get3A_185 {offsets = [0, 256], sizes = [1, 3], strides = [1, 1]} : vector<1x259xf32> to vector<1x3xf32>
      %swap3A_195 = arith.constant 0 : index
      %swap3A_196 = arith.index_cast %scan3A_4 : i32 to index
      %swap3A_197 = arith.constant 7 : index
      %swap3A_198 = arith.constant 0 : index
      %swap3A_199 = vector.load %arg5[%swap3A_195, %swap3A_196, %swap3A_197, %swap3A_198] : memref<1x32x24x3xf32, #tpu.memory_space<vmem>>, vector<1x1x1x3xf32>
      %swap3A_200 = vector.shape_cast %swap3A_199 : vector<1x1x1x3xf32> to vector<1x3xf32>
      %swap3A_201 = vector.shape_cast %slice3A_194 : vector<1x3xf32> to vector<1x1x1x3xf32>
      tpu.vector_store %arg5[%swap3A_195, %swap3A_196, %swap3A_197, %swap3A_198], %swap3A_201 {strides = array<i32>} : memref<1x32x24x3xf32, #tpu.memory_space<vmem>>, vector<1x1x1x3xf32>,
      %get3A_202 = arith.constant 0 : index
      %get3A_203 = arith.index_cast %scan3A_4 : i32 to index
      %get3A_204 = arith.constant 8 : index
      %get3A_205 = memref.load %arg2[%get3A_202, %get3A_203, %get3A_204] : memref<1x32x24xi32, #tpu.memory_space<smem>>
      %get3A_206 = arith.constant 0 : index
      %get3A_207 = arith.index_cast %get3A_205 : i32 to index
      %get3A_208 = arith.constant 0 : index
      %get3A_209 = vector.load %arg3[%get3A_206, %get3A_207, %get3A_208] : memref<1x512x259xf32, #tpu.memory_space<vmem>>, vector<1x1x259xf32>
      %get3A_210 = vector.shape_cast %get3A_209 : vector<1x1x259xf32> to vector<1x259xf32>
      %slice3A_211 = vector.extract_strided_slice %get3A_210 {offsets = [0, 0], sizes = [1, 256], strides = [1, 1]} : vector<1x259xf32> to vector<1x256xf32>
      %swap3A_212 = arith.constant 0 : index
      %swap3A_213 = arith.index_cast %scan3A_4 : i32 to index
      %swap3A_214 = arith.constant 8 : index
      %swap3A_215 = arith.constant 0 : index
      %swap3A_216 = vector.load %arg4[%swap3A_212, %swap3A_213, %swap3A_214, %swap3A_215] : memref<1x32x24x256xf32, #tpu.memory_space<vmem>>, vector<1x1x1x256xf32>
      %swap3A_217 = vector.shape_cast %swap3A_216 : vector<1x1x1x256xf32> to vector<1x256xf32>
      %swap3A_218 = vector.shape_cast %slice3A_211 : vector<1x256xf32> to vector<1x1x1x256xf32>
      tpu.vector_store %arg4[%swap3A_212, %swap3A_213, %swap3A_214, %swap3A_215], %swap3A_218 {strides = array<i32>} : memref<1x32x24x256xf32, #tpu.memory_space<vmem>>, vector<1x1x1x256xf32>,
      %slice3A_219 = vector.extract_strided_slice %get3A_210 {offsets = [0, 256], sizes = [1, 3], strides = [1, 1]} : vector<1x259xf32> to vector<1x3xf32>
      %swap3A_220 = arith.constant 0 : index
      %swap3A_221 = arith.index_cast %scan3A_4 : i32 to index
      %swap3A_222 = arith.constant 8 : index
      %swap3A_223 = arith.constant 0 : index
      %swap3A_224 = vector.load %arg5[%swap3A_220, %swap3A_221, %swap3A_222, %swap3A_223] : memref<1x32x24x3xf32, #tpu.memory_space<vmem>>, vector<1x1x1x3xf32>
      %swap3A_225 = vector.shape_cast %swap3A_224 : vector<1x1x1x3xf32> to vector<1x3xf32>
      %swap3A_226 = vector.shape_cast %slice3A_219 : vector<1x3xf32> to vector<1x1x1x3xf32>
      tpu.vector_store %arg5[%swap3A_220, %swap3A_221, %swap3A_222, %swap3A_223], %swap3A_226 {strides = array<i32>} : memref<1x32x24x3xf32, #tpu.memory_space<vmem>>, vector<1x1x1x3xf32>,
      %get3A_227 = arith.constant 0 : index
      %get3A_228 = arith.index_cast %scan3A_4 : i32 to index
      %get3A_229 = arith.constant 9 : index
      %get3A_230 = memref.load %arg2[%get3A_227, %get3A_228, %get3A_229] : memref<1x32x24xi32, #tpu.memory_space<smem>>
      %get3A_231 = arith.constant 0 : index
      %get3A_232 = arith.index_cast %get3A_230 : i32 to index
      %get3A_233 = arith.constant 0 : index
      %get3A_234 = vector.load %arg3[%get3A_231, %get3A_232, %get3A_233] : memref<1x512x259xf32, #tpu.memory_space<vmem>>, vector<1x1x259xf32>
      %get3A_235 = vector.shape_cast %get3A_234 : vector<1x1x259xf32> to vector<1x259xf32>
      %slice3A_236 = vector.extract_strided_slice %get3A_235 {offsets = [0, 0], sizes = [1, 256], strides = [1, 1]} : vector<1x259xf32> to vector<1x256xf32>
      %swap3A_237 = arith.constant 0 : index
      %swap3A_238 = arith.index_cast %scan3A_4 : i32 to index
      %swap3A_239 = arith.constant 9 : index
      %swap3A_240 = arith.constant 0 : index
      %swap3A_241 = vector.load %arg4[%swap3A_237, %swap3A_238, %swap3A_239, %swap3A_240] : memref<1x32x24x256xf32, #tpu.memory_space<vmem>>, vector<1x1x1x256xf32>
      %swap3A_242 = vector.shape_cast %swap3A_241 : vector<1x1x1x256xf32> to vector<1x256xf32>
      %swap3A_243 = vector.shape_cast %slice3A_236 : vector<1x256xf32> to vector<1x1x1x256xf32>
      tpu.vector_store %arg4[%swap3A_237, %swap3A_238, %swap3A_239, %swap3A_240], %swap3A_243 {strides = array<i32>} : memref<1x32x24x256xf32, #tpu.memory_space<vmem>>, vector<1x1x1x256xf32>,
      %slice3A_244 = vector.extract_strided_slice %get3A_235 {offsets = [0, 256], sizes = [1, 3], strides = [1, 1]} : vector<1x259xf32> to vector<1x3xf32>
      %swap3A_245 = arith.constant 0 : index
      %swap3A_246 = arith.index_cast %scan3A_4 : i32 to index
      %swap3A_247 = arith.constant 9 : index
      %swap3A_248 = arith.constant 0 : index
      %swap3A_249 = vector.load %arg5[%swap3A_245, %swap3A_246, %swap3A_247, %swap3A_248] : memref<1x32x24x3xf32, #tpu.memory_space<vmem>>, vector<1x1x1x3xf32>
      %swap3A_250 = vector.shape_cast %swap3A_249 : vector<1x1x1x3xf32> to vector<1x3xf32>
      %swap3A_251 = vector.shape_cast %slice3A_244 : vector<1x3xf32> to vector<1x1x1x3xf32>
      tpu.vector_store %arg5[%swap3A_245, %swap3A_246, %swap3A_247, %swap3A_248], %swap3A_251 {strides = array<i32>} : memref<1x32x24x3xf32, #tpu.memory_space<vmem>>, vector<1x1x1x3xf32>,
      %get3A_252 = arith.constant 0 : index
      %get3A_253 = arith.index_cast %scan3A_4 : i32 to index
      %get3A_254 = arith.constant 10 : index
      %get3A_255 = memref.load %arg2[%get3A_252, %get3A_253, %get3A_254] : memref<1x32x24xi32, #tpu.memory_space<smem>>
      %get3A_256 = arith.constant 0 : index
      %get3A_257 = arith.index_cast %get3A_255 : i32 to index
      %get3A_258 = arith.constant 0 : index
      %get3A_259 = vector.load %arg3[%get3A_256, %get3A_257, %get3A_258] : memref<1x512x259xf32, #tpu.memory_space<vmem>>, vector<1x1x259xf32>
      %get3A_260 = vector.shape_cast %get3A_259 : vector<1x1x259xf32> to vector<1x259xf32>
      %slice3A_261 = vector.extract_strided_slice %get3A_260 {offsets = [0, 0], sizes = [1, 256], strides = [1, 1]} : vector<1x259xf32> to vector<1x256xf32>
      %swap3A_262 = arith.constant 0 : index
      %swap3A_263 = arith.index_cast %scan3A_4 : i32 to index
      %swap3A_264 = arith.constant 10 : index
      %swap3A_265 = arith.constant 0 : index
      %swap3A_266 = vector.load %arg4[%swap3A_262, %swap3A_263, %swap3A_264, %swap3A_265] : memref<1x32x24x256xf32, #tpu.memory_space<vmem>>, vector<1x1x1x256xf32>
      %swap3A_267 = vector.shape_cast %swap3A_266 : vector<1x1x1x256xf32> to vector<1x256xf32>
      %swap3A_268 = vector.shape_cast %slice3A_261 : vector<1x256xf32> to vector<1x1x1x256xf32>
      tpu.vector_store %arg4[%swap3A_262, %swap3A_263, %swap3A_264, %swap3A_265], %swap3A_268 {strides = array<i32>} : memref<1x32x24x256xf32, #tpu.memory_space<vmem>>, vector<1x1x1x256xf32>,
      %slice3A_269 = vector.extract_strided_slice %get3A_260 {offsets = [0, 256], sizes = [1, 3], strides = [1, 1]} : vector<1x259xf32> to vector<1x3xf32>
      %swap3A_270 = arith.constant 0 : index
      %swap3A_271 = arith.index_cast %scan3A_4 : i32 to index
      %swap3A_272 = arith.constant 10 : index
      %swap3A_273 = arith.constant 0 : index
      %swap3A_274 = vector.load %arg5[%swap3A_270, %swap3A_271, %swap3A_272, %swap3A_273] : memref<1x32x24x3xf32, #tpu.memory_space<vmem>>, vector<1x1x1x3xf32>
      %swap3A_275 = vector.shape_cast %swap3A_274 : vector<1x1x1x3xf32> to vector<1x3xf32>
      %swap3A_276 = vector.shape_cast %slice3A_269 : vector<1x3xf32> to vector<1x1x1x3xf32>
      tpu.vector_store %arg5[%swap3A_270, %swap3A_271, %swap3A_272, %swap3A_273], %swap3A_276 {strides = array<i32>} : memref<1x32x24x3xf32, #tpu.memory_space<vmem>>, vector<1x1x1x3xf32>,
      %get3A_277 = arith.constant 0 : index
      %get3A_278 = arith.index_cast %scan3A_4 : i32 to index
      %get3A_279 = arith.constant 11 : index
      %get3A_280 = memref.load %arg2[%get3A_277, %get3A_278, %get3A_279] : memref<1x32x24xi32, #tpu.memory_space<smem>>
      %get3A_281 = arith.constant 0 : index
      %get3A_282 = arith.index_cast %get3A_280 : i32 to index
      %get3A_283 = arith.constant 0 : index
      %get3A_284 = vector.load %arg3[%get3A_281, %get3A_282, %get3A_283] : memref<1x512x259xf32, #tpu.memory_space<vmem>>, vector<1x1x259xf32>
      %get3A_285 = vector.shape_cast %get3A_284 : vector<1x1x259xf32> to vector<1x259xf32>
      %slice3A_286 = vector.extract_strided_slice %get3A_285 {offsets = [0, 0], sizes = [1, 256], strides = [1, 1]} : vector<1x259xf32> to vector<1x256xf32>
      %swap3A_287 = arith.constant 0 : index
      %swap3A_288 = arith.index_cast %scan3A_4 : i32 to index
      %swap3A_289 = arith.constant 11 : index
      %swap3A_290 = arith.constant 0 : index
      %swap3A_291 = vector.load %arg4[%swap3A_287, %swap3A_288, %swap3A_289, %swap3A_290] : memref<1x32x24x256xf32, #tpu.memory_space<vmem>>, vector<1x1x1x256xf32>
      %swap3A_292 = vector.shape_cast %swap3A_291 : vector<1x1x1x256xf32> to vector<1x256xf32>
      %swap3A_293 = vector.shape_cast %slice3A_286 : vector<1x256xf32> to vector<1x1x1x256xf32>
      tpu.vector_store %arg4[%swap3A_287, %swap3A_288, %swap3A_289, %swap3A_290], %swap3A_293 {strides = array<i32>} : memref<1x32x24x256xf32, #tpu.memory_space<vmem>>, vector<1x1x1x256xf32>,
      %slice3A_294 = vector.extract_strided_slice %get3A_285 {offsets = [0, 256], sizes = [1, 3], strides = [1, 1]} : vector<1x259xf32> to vector<1x3xf32>
      %swap3A_295 = arith.constant 0 : index
      %swap3A_296 = arith.index_cast %scan3A_4 : i32 to index
      %swap3A_297 = arith.constant 11 : index
      %swap3A_298 = arith.constant 0 : index
      %swap3A_299 = vector.load %arg5[%swap3A_295, %swap3A_296, %swap3A_297, %swap3A_298] : memref<1x32x24x3xf32, #tpu.memory_space<vmem>>, vector<1x1x1x3xf32>
      %swap3A_300 = vector.shape_cast %swap3A_299 : vector<1x1x1x3xf32> to vector<1x3xf32>
      %swap3A_301 = vector.shape_cast %slice3A_294 : vector<1x3xf32> to vector<1x1x1x3xf32>
      tpu.vector_store %arg5[%swap3A_295, %swap3A_296, %swap3A_297, %swap3A_298], %swap3A_301 {strides = array<i32>} : memref<1x32x24x3xf32, #tpu.memory_space<vmem>>, vector<1x1x1x3xf32>,
      %get3A_302 = arith.constant 0 : index
      %get3A_303 = arith.index_cast %scan3A_4 : i32 to index
      %get3A_304 = arith.constant 12 : index
      %get3A_305 = memref.load %arg2[%get3A_302, %get3A_303, %get3A_304] : memref<1x32x24xi32, #tpu.memory_space<smem>>
      %get3A_306 = arith.constant 0 : index
      %get3A_307 = arith.index_cast %get3A_305 : i32 to index
      %get3A_308 = arith.constant 0 : index
      %get3A_309 = vector.load %arg3[%get3A_306, %get3A_307, %get3A_308] : memref<1x512x259xf32, #tpu.memory_space<vmem>>, vector<1x1x259xf32>
      %get3A_310 = vector.shape_cast %get3A_309 : vector<1x1x259xf32> to vector<1x259xf32>
      %slice3A_311 = vector.extract_strided_slice %get3A_310 {offsets = [0, 0], sizes = [1, 256], strides = [1, 1]} : vector<1x259xf32> to vector<1x256xf32>
      %swap3A_312 = arith.constant 0 : index
      %swap3A_313 = arith.index_cast %scan3A_4 : i32 to index
      %swap3A_314 = arith.constant 12 : index
      %swap3A_315 = arith.constant 0 : index
      %swap3A_316 = vector.load %arg4[%swap3A_312, %swap3A_313, %swap3A_314, %swap3A_315] : memref<1x32x24x256xf32, #tpu.memory_space<vmem>>, vector<1x1x1x256xf32>
      %swap3A_317 = vector.shape_cast %swap3A_316 : vector<1x1x1x256xf32> to vector<1x256xf32>
      %swap3A_318 = vector.shape_cast %slice3A_311 : vector<1x256xf32> to vector<1x1x1x256xf32>
      tpu.vector_store %arg4[%swap3A_312, %swap3A_313, %swap3A_314, %swap3A_315], %swap3A_318 {strides = array<i32>} : memref<1x32x24x256xf32, #tpu.memory_space<vmem>>, vector<1x1x1x256xf32>,
      %slice3A_319 = vector.extract_strided_slice %get3A_310 {offsets = [0, 256], sizes = [1, 3], strides = [1, 1]} : vector<1x259xf32> to vector<1x3xf32>
      %swap3A_320 = arith.constant 0 : index
      %swap3A_321 = arith.index_cast %scan3A_4 : i32 to index
      %swap3A_322 = arith.constant 12 : index
      %swap3A_323 = arith.constant 0 : index
      %swap3A_324 = vector.load %arg5[%swap3A_320, %swap3A_321, %swap3A_322, %swap3A_323] : memref<1x32x24x3xf32, #tpu.memory_space<vmem>>, vector<1x1x1x3xf32>
      %swap3A_325 = vector.shape_cast %swap3A_324 : vector<1x1x1x3xf32> to vector<1x3xf32>
      %swap3A_326 = vector.shape_cast %slice3A_319 : vector<1x3xf32> to vector<1x1x1x3xf32>
      tpu.vector_store %arg5[%swap3A_320, %swap3A_321, %swap3A_322, %swap3A_323], %swap3A_326 {strides = array<i32>} : memref<1x32x24x3xf32, #tpu.memory_space<vmem>>, vector<1x1x1x3xf32>,
      %get3A_327 = arith.constant 0 : index
      %get3A_328 = arith.index_cast %scan3A_4 : i32 to index
      %get3A_329 = arith.constant 13 : index
      %get3A_330 = memref.load %arg2[%get3A_327, %get3A_328, %get3A_329] : memref<1x32x24xi32, #tpu.memory_space<smem>>
      %get3A_331 = arith.constant 0 : index
      %get3A_332 = arith.index_cast %get3A_330 : i32 to index
      %get3A_333 = arith.constant 0 : index
      %get3A_334 = vector.load %arg3[%get3A_331, %get3A_332, %get3A_333] : memref<1x512x259xf32, #tpu.memory_space<vmem>>, vector<1x1x259xf32>
      %get3A_335 = vector.shape_cast %get3A_334 : vector<1x1x259xf32> to vector<1x259xf32>
      %slice3A_336 = vector.extract_strided_slice %get3A_335 {offsets = [0, 0], sizes = [1, 256], strides = [1, 1]} : vector<1x259xf32> to vector<1x256xf32>
      %swap3A_337 = arith.constant 0 : index
      %swap3A_338 = arith.index_cast %scan3A_4 : i32 to index
      %swap3A_339 = arith.constant 13 : index
      %swap3A_340 = arith.constant 0 : index
      %swap3A_341 = vector.load %arg4[%swap3A_337, %swap3A_338, %swap3A_339, %swap3A_340] : memref<1x32x24x256xf32, #tpu.memory_space<vmem>>, vector<1x1x1x256xf32>
      %swap3A_342 = vector.shape_cast %swap3A_341 : vector<1x1x1x256xf32> to vector<1x256xf32>
      %swap3A_343 = vector.shape_cast %slice3A_336 : vector<1x256xf32> to vector<1x1x1x256xf32>
      tpu.vector_store %arg4[%swap3A_337, %swap3A_338, %swap3A_339, %swap3A_340], %swap3A_343 {strides = array<i32>} : memref<1x32x24x256xf32, #tpu.memory_space<vmem>>, vector<1x1x1x256xf32>,
      %slice3A_344 = vector.extract_strided_slice %get3A_335 {offsets = [0, 256], sizes = [1, 3], strides = [1, 1]} : vector<1x259xf32> to vector<1x3xf32>
      %swap3A_345 = arith.constant 0 : index
      %swap3A_346 = arith.index_cast %scan3A_4 : i32 to index
      %swap3A_347 = arith.constant 13 : index
      %swap3A_348 = arith.constant 0 : index
      %swap3A_349 = vector.load %arg5[%swap3A_345, %swap3A_346, %swap3A_347, %swap3A_348] : memref<1x32x24x3xf32, #tpu.memory_space<vmem>>, vector<1x1x1x3xf32>
      %swap3A_350 = vector.shape_cast %swap3A_349 : vector<1x1x1x3xf32> to vector<1x3xf32>
      %swap3A_351 = vector.shape_cast %slice3A_344 : vector<1x3xf32> to vector<1x1x1x3xf32>
      tpu.vector_store %arg5[%swap3A_345, %swap3A_346, %swap3A_347, %swap3A_348], %swap3A_351 {strides = array<i32>} : memref<1x32x24x3xf32, #tpu.memory_space<vmem>>, vector<1x1x1x3xf32>,
      %get3A_352 = arith.constant 0 : index
      %get3A_353 = arith.index_cast %scan3A_4 : i32 to index
      %get3A_354 = arith.constant 14 : index
      %get3A_355 = memref.load %arg2[%get3A_352, %get3A_353, %get3A_354] : memref<1x32x24xi32, #tpu.memory_space<smem>>
      %get3A_356 = arith.constant 0 : index
      %get3A_357 = arith.index_cast %get3A_355 : i32 to index
      %get3A_358 = arith.constant 0 : index
      %get3A_359 = vector.load %arg3[%get3A_356, %get3A_357, %get3A_358] : memref<1x512x259xf32, #tpu.memory_space<vmem>>, vector<1x1x259xf32>
      %get3A_360 = vector.shape_cast %get3A_359 : vector<1x1x259xf32> to vector<1x259xf32>
      %slice3A_361 = vector.extract_strided_slice %get3A_360 {offsets = [0, 0], sizes = [1, 256], strides = [1, 1]} : vector<1x259xf32> to vector<1x256xf32>
      %swap3A_362 = arith.constant 0 : index
      %swap3A_363 = arith.index_cast %scan3A_4 : i32 to index
      %swap3A_364 = arith.constant 14 : index
      %swap3A_365 = arith.constant 0 : index
      %swap3A_366 = vector.load %arg4[%swap3A_362, %swap3A_363, %swap3A_364, %swap3A_365] : memref<1x32x24x256xf32, #tpu.memory_space<vmem>>, vector<1x1x1x256xf32>
      %swap3A_367 = vector.shape_cast %swap3A_366 : vector<1x1x1x256xf32> to vector<1x256xf32>
      %swap3A_368 = vector.shape_cast %slice3A_361 : vector<1x256xf32> to vector<1x1x1x256xf32>
      tpu.vector_store %arg4[%swap3A_362, %swap3A_363, %swap3A_364, %swap3A_365], %swap3A_368 {strides = array<i32>} : memref<1x32x24x256xf32, #tpu.memory_space<vmem>>, vector<1x1x1x256xf32>,
      %slice3A_369 = vector.extract_strided_slice %get3A_360 {offsets = [0, 256], sizes = [1, 3], strides = [1, 1]} : vector<1x259xf32> to vector<1x3xf32>
      %swap3A_370 = arith.constant 0 : index
      %swap3A_371 = arith.index_cast %scan3A_4 : i32 to index
      %swap3A_372 = arith.constant 14 : index
      %swap3A_373 = arith.constant 0 : index
      %swap3A_374 = vector.load %arg5[%swap3A_370, %swap3A_371, %swap3A_372, %swap3A_373] : memref<1x32x24x3xf32, #tpu.memory_space<vmem>>, vector<1x1x1x3xf32>
      %swap3A_375 = vector.shape_cast %swap3A_374 : vector<1x1x1x3xf32> to vector<1x3xf32>
      %swap3A_376 = vector.shape_cast %slice3A_369 : vector<1x3xf32> to vector<1x1x1x3xf32>
      tpu.vector_store %arg5[%swap3A_370, %swap3A_371, %swap3A_372, %swap3A_373], %swap3A_376 {strides = array<i32>} : memref<1x32x24x3xf32, #tpu.memory_space<vmem>>, vector<1x1x1x3xf32>,
      %get3A_377 = arith.constant 0 : index
      %get3A_378 = arith.index_cast %scan3A_4 : i32 to index
      %get3A_379 = arith.constant 15 : index
      %get3A_380 = memref.load %arg2[%get3A_377, %get3A_378, %get3A_379] : memref<1x32x24xi32, #tpu.memory_space<smem>>
      %get3A_381 = arith.constant 0 : index
      %get3A_382 = arith.index_cast %get3A_380 : i32 to index
      %get3A_383 = arith.constant 0 : index
      %get3A_384 = vector.load %arg3[%get3A_381, %get3A_382, %get3A_383] : memref<1x512x259xf32, #tpu.memory_space<vmem>>, vector<1x1x259xf32>
      %get3A_385 = vector.shape_cast %get3A_384 : vector<1x1x259xf32> to vector<1x259xf32>
      %slice3A_386 = vector.extract_strided_slice %get3A_385 {offsets = [0, 0], sizes = [1, 256], strides = [1, 1]} : vector<1x259xf32> to vector<1x256xf32>
      %swap3A_387 = arith.constant 0 : index
      %swap3A_388 = arith.index_cast %scan3A_4 : i32 to index
      %swap3A_389 = arith.constant 15 : index
      %swap3A_390 = arith.constant 0 : index
      %swap3A_391 = vector.load %arg4[%swap3A_387, %swap3A_388, %swap3A_389, %swap3A_390] : memref<1x32x24x256xf32, #tpu.memory_space<vmem>>, vector<1x1x1x256xf32>
      %swap3A_392 = vector.shape_cast %swap3A_391 : vector<1x1x1x256xf32> to vector<1x256xf32>
      %swap3A_393 = vector.shape_cast %slice3A_386 : vector<1x256xf32> to vector<1x1x1x256xf32>
      tpu.vector_store %arg4[%swap3A_387, %swap3A_388, %swap3A_389, %swap3A_390], %swap3A_393 {strides = array<i32>} : memref<1x32x24x256xf32, #tpu.memory_space<vmem>>, vector<1x1x1x256xf32>,
      %slice3A_394 = vector.extract_strided_slice %get3A_385 {offsets = [0, 256], sizes = [1, 3], strides = [1, 1]} : vector<1x259xf32> to vector<1x3xf32>
      %swap3A_395 = arith.constant 0 : index
      %swap3A_396 = arith.index_cast %scan3A_4 : i32 to index
      %swap3A_397 = arith.constant 15 : index
      %swap3A_398 = arith.constant 0 : index
      %swap3A_399 = vector.load %arg5[%swap3A_395, %swap3A_396, %swap3A_397, %swap3A_398] : memref<1x32x24x3xf32, #tpu.memory_space<vmem>>, vector<1x1x1x3xf32>
      %swap3A_400 = vector.shape_cast %swap3A_399 : vector<1x1x1x3xf32> to vector<1x3xf32>
      %swap3A_401 = vector.shape_cast %slice3A_394 : vector<1x3xf32> to vector<1x1x1x3xf32>
      tpu.vector_store %arg5[%swap3A_395, %swap3A_396, %swap3A_397, %swap3A_398], %swap3A_401 {strides = array<i32>} : memref<1x32x24x3xf32, #tpu.memory_space<vmem>>, vector<1x1x1x3xf32>,
      %get3A_402 = arith.constant 0 : index
      %get3A_403 = arith.index_cast %scan3A_4 : i32 to index
      %get3A_404 = arith.constant 16 : index
      %get3A_405 = memref.load %arg2[%get3A_402, %get3A_403, %get3A_404] : memref<1x32x24xi32, #tpu.memory_space<smem>>
      %get3A_406 = arith.constant 0 : index
      %get3A_407 = arith.index_cast %get3A_405 : i32 to index
      %get3A_408 = arith.constant 0 : index
      %get3A_409 = vector.load %arg3[%get3A_406, %get3A_407, %get3A_408] : memref<1x512x259xf32, #tpu.memory_space<vmem>>, vector<1x1x259xf32>
      %get3A_410 = vector.shape_cast %get3A_409 : vector<1x1x259xf32> to vector<1x259xf32>
      %slice3A_411 = vector.extract_strided_slice %get3A_410 {offsets = [0, 0], sizes = [1, 256], strides = [1, 1]} : vector<1x259xf32> to vector<1x256xf32>
      %swap3A_412 = arith.constant 0 : index
      %swap3A_413 = arith.index_cast %scan3A_4 : i32 to index
      %swap3A_414 = arith.constant 16 : index
      %swap3A_415 = arith.constant 0 : index
      %swap3A_416 = vector.load %arg4[%swap3A_412, %swap3A_413, %swap3A_414, %swap3A_415] : memref<1x32x24x256xf32, #tpu.memory_space<vmem>>, vector<1x1x1x256xf32>
      %swap3A_417 = vector.shape_cast %swap3A_416 : vector<1x1x1x256xf32> to vector<1x256xf32>
      %swap3A_418 = vector.shape_cast %slice3A_411 : vector<1x256xf32> to vector<1x1x1x256xf32>
      tpu.vector_store %arg4[%swap3A_412, %swap3A_413, %swap3A_414, %swap3A_415], %swap3A_418 {strides = array<i32>} : memref<1x32x24x256xf32, #tpu.memory_space<vmem>>, vector<1x1x1x256xf32>,
      %slice3A_419 = vector.extract_strided_slice %get3A_410 {offsets = [0, 256], sizes = [1, 3], strides = [1, 1]} : vector<1x259xf32> to vector<1x3xf32>
      %swap3A_420 = arith.constant 0 : index
      %swap3A_421 = arith.index_cast %scan3A_4 : i32 to index
      %swap3A_422 = arith.constant 16 : index
      %swap3A_423 = arith.constant 0 : index
      %swap3A_424 = vector.load %arg5[%swap3A_420, %swap3A_421, %swap3A_422, %swap3A_423] : memref<1x32x24x3xf32, #tpu.memory_space<vmem>>, vector<1x1x1x3xf32>
      %swap3A_425 = vector.shape_cast %swap3A_424 : vector<1x1x1x3xf32> to vector<1x3xf32>
      %swap3A_426 = vector.shape_cast %slice3A_419 : vector<1x3xf32> to vector<1x1x1x3xf32>
      tpu.vector_store %arg5[%swap3A_420, %swap3A_421, %swap3A_422, %swap3A_423], %swap3A_426 {strides = array<i32>} : memref<1x32x24x3xf32, #tpu.memory_space<vmem>>, vector<1x1x1x3xf32>,
      %get3A_427 = arith.constant 0 : index
      %get3A_428 = arith.index_cast %scan3A_4 : i32 to index
      %get3A_429 = arith.constant 17 : index
      %get3A_430 = memref.load %arg2[%get3A_427, %get3A_428, %get3A_429] : memref<1x32x24xi32, #tpu.memory_space<smem>>
      %get3A_431 = arith.constant 0 : index
      %get3A_432 = arith.index_cast %get3A_430 : i32 to index
      %get3A_433 = arith.constant 0 : index
      %get3A_434 = vector.load %arg3[%get3A_431, %get3A_432, %get3A_433] : memref<1x512x259xf32, #tpu.memory_space<vmem>>, vector<1x1x259xf32>
      %get3A_435 = vector.shape_cast %get3A_434 : vector<1x1x259xf32> to vector<1x259xf32>
      %slice3A_436 = vector.extract_strided_slice %get3A_435 {offsets = [0, 0], sizes = [1, 256], strides = [1, 1]} : vector<1x259xf32> to vector<1x256xf32>
      %swap3A_437 = arith.constant 0 : index
      %swap3A_438 = arith.index_cast %scan3A_4 : i32 to index
      %swap3A_439 = arith.constant 17 : index
      %swap3A_440 = arith.constant 0 : index
      %swap3A_441 = vector.load %arg4[%swap3A_437, %swap3A_438, %swap3A_439, %swap3A_440] : memref<1x32x24x256xf32, #tpu.memory_space<vmem>>, vector<1x1x1x256xf32>
      %swap3A_442 = vector.shape_cast %swap3A_441 : vector<1x1x1x256xf32> to vector<1x256xf32>
      %swap3A_443 = vector.shape_cast %slice3A_436 : vector<1x256xf32> to vector<1x1x1x256xf32>
      tpu.vector_store %arg4[%swap3A_437, %swap3A_438, %swap3A_439, %swap3A_440], %swap3A_443 {strides = array<i32>} : memref<1x32x24x256xf32, #tpu.memory_space<vmem>>, vector<1x1x1x256xf32>,
      %slice3A_444 = vector.extract_strided_slice %get3A_435 {offsets = [0, 256], sizes = [1, 3], strides = [1, 1]} : vector<1x259xf32> to vector<1x3xf32>
      %swap3A_445 = arith.constant 0 : index
      %swap3A_446 = arith.index_cast %scan3A_4 : i32 to index
      %swap3A_447 = arith.constant 17 : index
      %swap3A_448 = arith.constant 0 : index
      %swap3A_449 = vector.load %arg5[%swap3A_445, %swap3A_446, %swap3A_447, %swap3A_448] : memref<1x32x24x3xf32, #tpu.memory_space<vmem>>, vector<1x1x1x3xf32>
      %swap3A_450 = vector.shape_cast %swap3A_449 : vector<1x1x1x3xf32> to vector<1x3xf32>
      %swap3A_451 = vector.shape_cast %slice3A_444 : vector<1x3xf32> to vector<1x1x1x3xf32>
      tpu.vector_store %arg5[%swap3A_445, %swap3A_446, %swap3A_447, %swap3A_448], %swap3A_451 {strides = array<i32>} : memref<1x32x24x3xf32, #tpu.memory_space<vmem>>, vector<1x1x1x3xf32>,
      %get3A_452 = arith.constant 0 : index
      %get3A_453 = arith.index_cast %scan3A_4 : i32 to index
      %get3A_454 = arith.constant 18 : index
      %get3A_455 = memref.load %arg2[%get3A_452, %get3A_453, %get3A_454] : memref<1x32x24xi32, #tpu.memory_space<smem>>
      %get3A_456 = arith.constant 0 : index
      %get3A_457 = arith.index_cast %get3A_455 : i32 to index
      %get3A_458 = arith.constant 0 : index
      %get3A_459 = vector.load %arg3[%get3A_456, %get3A_457, %get3A_458] : memref<1x512x259xf32, #tpu.memory_space<vmem>>, vector<1x1x259xf32>
      %get3A_460 = vector.shape_cast %get3A_459 : vector<1x1x259xf32> to vector<1x259xf32>
      %slice3A_461 = vector.extract_strided_slice %get3A_460 {offsets = [0, 0], sizes = [1, 256], strides = [1, 1]} : vector<1x259xf32> to vector<1x256xf32>
      %swap3A_462 = arith.constant 0 : index
      %swap3A_463 = arith.index_cast %scan3A_4 : i32 to index
      %swap3A_464 = arith.constant 18 : index
      %swap3A_465 = arith.constant 0 : index
      %swap3A_466 = vector.load %arg4[%swap3A_462, %swap3A_463, %swap3A_464, %swap3A_465] : memref<1x32x24x256xf32, #tpu.memory_space<vmem>>, vector<1x1x1x256xf32>
      %swap3A_467 = vector.shape_cast %swap3A_466 : vector<1x1x1x256xf32> to vector<1x256xf32>
      %swap3A_468 = vector.shape_cast %slice3A_461 : vector<1x256xf32> to vector<1x1x1x256xf32>
      tpu.vector_store %arg4[%swap3A_462, %swap3A_463, %swap3A_464, %swap3A_465], %swap3A_468 {strides = array<i32>} : memref<1x32x24x256xf32, #tpu.memory_space<vmem>>, vector<1x1x1x256xf32>,
      %slice3A_469 = vector.extract_strided_slice %get3A_460 {offsets = [0, 256], sizes = [1, 3], strides = [1, 1]} : vector<1x259xf32> to vector<1x3xf32>
      %swap3A_470 = arith.constant 0 : index
      %swap3A_471 = arith.index_cast %scan3A_4 : i32 to index
      %swap3A_472 = arith.constant 18 : index
      %swap3A_473 = arith.constant 0 : index
      %swap3A_474 = vector.load %arg5[%swap3A_470, %swap3A_471, %swap3A_472, %swap3A_473] : memref<1x32x24x3xf32, #tpu.memory_space<vmem>>, vector<1x1x1x3xf32>
      %swap3A_475 = vector.shape_cast %swap3A_474 : vector<1x1x1x3xf32> to vector<1x3xf32>
      %swap3A_476 = vector.shape_cast %slice3A_469 : vector<1x3xf32> to vector<1x1x1x3xf32>
      tpu.vector_store %arg5[%swap3A_470, %swap3A_471, %swap3A_472, %swap3A_473], %swap3A_476 {strides = array<i32>} : memref<1x32x24x3xf32, #tpu.memory_space<vmem>>, vector<1x1x1x3xf32>,
      %get3A_477 = arith.constant 0 : index
      %get3A_478 = arith.index_cast %scan3A_4 : i32 to index
      %get3A_479 = arith.constant 19 : index
      %get3A_480 = memref.load %arg2[%get3A_477, %get3A_478, %get3A_479] : memref<1x32x24xi32, #tpu.memory_space<smem>>
      %get3A_481 = arith.constant 0 : index
      %get3A_482 = arith.index_cast %get3A_480 : i32 to index
      %get3A_483 = arith.constant 0 : index
      %get3A_484 = vector.load %arg3[%get3A_481, %get3A_482, %get3A_483] : memref<1x512x259xf32, #tpu.memory_space<vmem>>, vector<1x1x259xf32>
      %get3A_485 = vector.shape_cast %get3A_484 : vector<1x1x259xf32> to vector<1x259xf32>
      %slice3A_486 = vector.extract_strided_slice %get3A_485 {offsets = [0, 0], sizes = [1, 256], strides = [1, 1]} : vector<1x259xf32> to vector<1x256xf32>
      %swap3A_487 = arith.constant 0 : index
      %swap3A_488 = arith.index_cast %scan3A_4 : i32 to index
      %swap3A_489 = arith.constant 19 : index
      %swap3A_490 = arith.constant 0 : index
      %swap3A_491 = vector.load %arg4[%swap3A_487, %swap3A_488, %swap3A_489, %swap3A_490] : memref<1x32x24x256xf32, #tpu.memory_space<vmem>>, vector<1x1x1x256xf32>
      %swap3A_492 = vector.shape_cast %swap3A_491 : vector<1x1x1x256xf32> to vector<1x256xf32>
      %swap3A_493 = vector.shape_cast %slice3A_486 : vector<1x256xf32> to vector<1x1x1x256xf32>
      tpu.vector_store %arg4[%swap3A_487, %swap3A_488, %swap3A_489, %swap3A_490], %swap3A_493 {strides = array<i32>} : memref<1x32x24x256xf32, #tpu.memory_space<vmem>>, vector<1x1x1x256xf32>,
      %slice3A_494 = vector.extract_strided_slice %get3A_485 {offsets = [0, 256], sizes = [1, 3], strides = [1, 1]} : vector<1x259xf32> to vector<1x3xf32>
      %swap3A_495 = arith.constant 0 : index
      %swap3A_496 = arith.index_cast %scan3A_4 : i32 to index
      %swap3A_497 = arith.constant 19 : index
      %swap3A_498 = arith.constant 0 : index
      %swap3A_499 = vector.load %arg5[%swap3A_495, %swap3A_496, %swap3A_497, %swap3A_498] : memref<1x32x24x3xf32, #tpu.memory_space<vmem>>, vector<1x1x1x3xf32>
      %swap3A_500 = vector.shape_cast %swap3A_499 : vector<1x1x1x3xf32> to vector<1x3xf32>
      %swap3A_501 = vector.shape_cast %slice3A_494 : vector<1x3xf32> to vector<1x1x1x3xf32>
      tpu.vector_store %arg5[%swap3A_495, %swap3A_496, %swap3A_497, %swap3A_498], %swap3A_501 {strides = array<i32>} : memref<1x32x24x3xf32, #tpu.memory_space<vmem>>, vector<1x1x1x3xf32>,
      %get3A_502 = arith.constant 0 : index
      %get3A_503 = arith.index_cast %scan3A_4 : i32 to index
      %get3A_504 = arith.constant 20 : index
      %get3A_505 = memref.load %arg2[%get3A_502, %get3A_503, %get3A_504] : memref<1x32x24xi32, #tpu.memory_space<smem>>
      %get3A_506 = arith.constant 0 : index
      %get3A_507 = arith.index_cast %get3A_505 : i32 to index
      %get3A_508 = arith.constant 0 : index
      %get3A_509 = vector.load %arg3[%get3A_506, %get3A_507, %get3A_508] : memref<1x512x259xf32, #tpu.memory_space<vmem>>, vector<1x1x259xf32>
      %get3A_510 = vector.shape_cast %get3A_509 : vector<1x1x259xf32> to vector<1x259xf32>
      %slice3A_511 = vector.extract_strided_slice %get3A_510 {offsets = [0, 0], sizes = [1, 256], strides = [1, 1]} : vector<1x259xf32> to vector<1x256xf32>
      %swap3A_512 = arith.constant 0 : index
      %swap3A_513 = arith.index_cast %scan3A_4 : i32 to index
      %swap3A_514 = arith.constant 20 : index
      %swap3A_515 = arith.constant 0 : index
      %swap3A_516 = vector.load %arg4[%swap3A_512, %swap3A_513, %swap3A_514, %swap3A_515] : memref<1x32x24x256xf32, #tpu.memory_space<vmem>>, vector<1x1x1x256xf32>
      %swap3A_517 = vector.shape_cast %swap3A_516 : vector<1x1x1x256xf32> to vector<1x256xf32>
      %swap3A_518 = vector.shape_cast %slice3A_511 : vector<1x256xf32> to vector<1x1x1x256xf32>
      tpu.vector_store %arg4[%swap3A_512, %swap3A_513, %swap3A_514, %swap3A_515], %swap3A_518 {strides = array<i32>} : memref<1x32x24x256xf32, #tpu.memory_space<vmem>>, vector<1x1x1x256xf32>,
      %slice3A_519 = vector.extract_strided_slice %get3A_510 {offsets = [0, 256], sizes = [1, 3], strides = [1, 1]} : vector<1x259xf32> to vector<1x3xf32>
      %swap3A_520 = arith.constant 0 : index
      %swap3A_521 = arith.index_cast %scan3A_4 : i32 to index
      %swap3A_522 = arith.constant 20 : index
      %swap3A_523 = arith.constant 0 : index
      %swap3A_524 = vector.load %arg5[%swap3A_520, %swap3A_521, %swap3A_522, %swap3A_523] : memref<1x32x24x3xf32, #tpu.memory_space<vmem>>, vector<1x1x1x3xf32>
      %swap3A_525 = vector.shape_cast %swap3A_524 : vector<1x1x1x3xf32> to vector<1x3xf32>
      %swap3A_526 = vector.shape_cast %slice3A_519 : vector<1x3xf32> to vector<1x1x1x3xf32>
      tpu.vector_store %arg5[%swap3A_520, %swap3A_521, %swap3A_522, %swap3A_523], %swap3A_526 {strides = array<i32>} : memref<1x32x24x3xf32, #tpu.memory_space<vmem>>, vector<1x1x1x3xf32>,
      %get3A_527 = arith.constant 0 : index
      %get3A_528 = arith.index_cast %scan3A_4 : i32 to index
      %get3A_529 = arith.constant 21 : index
      %get3A_530 = memref.load %arg2[%get3A_527, %get3A_528, %get3A_529] : memref<1x32x24xi32, #tpu.memory_space<smem>>
      %get3A_531 = arith.constant 0 : index
      %get3A_532 = arith.index_cast %get3A_530 : i32 to index
      %get3A_533 = arith.constant 0 : index
      %get3A_534 = vector.load %arg3[%get3A_531, %get3A_532, %get3A_533] : memref<1x512x259xf32, #tpu.memory_space<vmem>>, vector<1x1x259xf32>
      %get3A_535 = vector.shape_cast %get3A_534 : vector<1x1x259xf32> to vector<1x259xf32>
      %slice3A_536 = vector.extract_strided_slice %get3A_535 {offsets = [0, 0], sizes = [1, 256], strides = [1, 1]} : vector<1x259xf32> to vector<1x256xf32>
      %swap3A_537 = arith.constant 0 : index
      %swap3A_538 = arith.index_cast %scan3A_4 : i32 to index
      %swap3A_539 = arith.constant 21 : index
      %swap3A_540 = arith.constant 0 : index
      %swap3A_541 = vector.load %arg4[%swap3A_537, %swap3A_538, %swap3A_539, %swap3A_540] : memref<1x32x24x256xf32, #tpu.memory_space<vmem>>, vector<1x1x1x256xf32>
      %swap3A_542 = vector.shape_cast %swap3A_541 : vector<1x1x1x256xf32> to vector<1x256xf32>
      %swap3A_543 = vector.shape_cast %slice3A_536 : vector<1x256xf32> to vector<1x1x1x256xf32>
      tpu.vector_store %arg4[%swap3A_537, %swap3A_538, %swap3A_539, %swap3A_540], %swap3A_543 {strides = array<i32>} : memref<1x32x24x256xf32, #tpu.memory_space<vmem>>, vector<1x1x1x256xf32>,
      %slice3A_544 = vector.extract_strided_slice %get3A_535 {offsets = [0, 256], sizes = [1, 3], strides = [1, 1]} : vector<1x259xf32> to vector<1x3xf32>
      %swap3A_545 = arith.constant 0 : index
      %swap3A_546 = arith.index_cast %scan3A_4 : i32 to index
      %swap3A_547 = arith.constant 21 : index
      %swap3A_548 = arith.constant 0 : index
      %swap3A_549 = vector.load %arg5[%swap3A_545, %swap3A_546, %swap3A_547, %swap3A_548] : memref<1x32x24x3xf32, #tpu.memory_space<vmem>>, vector<1x1x1x3xf32>
      %swap3A_550 = vector.shape_cast %swap3A_549 : vector<1x1x1x3xf32> to vector<1x3xf32>
      %swap3A_551 = vector.shape_cast %slice3A_544 : vector<1x3xf32> to vector<1x1x1x3xf32>
      tpu.vector_store %arg5[%swap3A_545, %swap3A_546, %swap3A_547, %swap3A_548], %swap3A_551 {strides = array<i32>} : memref<1x32x24x3xf32, #tpu.memory_space<vmem>>, vector<1x1x1x3xf32>,
      %get3A_552 = arith.constant 0 : index
      %get3A_553 = arith.index_cast %scan3A_4 : i32 to index
      %get3A_554 = arith.constant 22 : index
      %get3A_555 = memref.load %arg2[%get3A_552, %get3A_553, %get3A_554] : memref<1x32x24xi32, #tpu.memory_space<smem>>
      %get3A_556 = arith.constant 0 : index
      %get3A_557 = arith.index_cast %get3A_555 : i32 to index
      %get3A_558 = arith.constant 0 : index
      %get3A_559 = vector.load %arg3[%get3A_556, %get3A_557, %get3A_558] : memref<1x512x259xf32, #tpu.memory_space<vmem>>, vector<1x1x259xf32>
      %get3A_560 = vector.shape_cast %get3A_559 : vector<1x1x259xf32> to vector<1x259xf32>
      %slice3A_561 = vector.extract_strided_slice %get3A_560 {offsets = [0, 0], sizes = [1, 256], strides = [1, 1]} : vector<1x259xf32> to vector<1x256xf32>
      %swap3A_562 = arith.constant 0 : index
      %swap3A_563 = arith.index_cast %scan3A_4 : i32 to index
      %swap3A_564 = arith.constant 22 : index
      %swap3A_565 = arith.constant 0 : index
      %swap3A_566 = vector.load %arg4[%swap3A_562, %swap3A_563, %swap3A_564, %swap3A_565] : memref<1x32x24x256xf32, #tpu.memory_space<vmem>>, vector<1x1x1x256xf32>
      %swap3A_567 = vector.shape_cast %swap3A_566 : vector<1x1x1x256xf32> to vector<1x256xf32>
      %swap3A_568 = vector.shape_cast %slice3A_561 : vector<1x256xf32> to vector<1x1x1x256xf32>
      tpu.vector_store %arg4[%swap3A_562, %swap3A_563, %swap3A_564, %swap3A_565], %swap3A_568 {strides = array<i32>} : memref<1x32x24x256xf32, #tpu.memory_space<vmem>>, vector<1x1x1x256xf32>,
      %slice3A_569 = vector.extract_strided_slice %get3A_560 {offsets = [0, 256], sizes = [1, 3], strides = [1, 1]} : vector<1x259xf32> to vector<1x3xf32>
      %swap3A_570 = arith.constant 0 : index
      %swap3A_571 = arith.index_cast %scan3A_4 : i32 to index
      %swap3A_572 = arith.constant 22 : index
      %swap3A_573 = arith.constant 0 : index
      %swap3A_574 = vector.load %arg5[%swap3A_570, %swap3A_571, %swap3A_572, %swap3A_573] : memref<1x32x24x3xf32, #tpu.memory_space<vmem>>, vector<1x1x1x3xf32>
      %swap3A_575 = vector.shape_cast %swap3A_574 : vector<1x1x1x3xf32> to vector<1x3xf32>
      %swap3A_576 = vector.shape_cast %slice3A_569 : vector<1x3xf32> to vector<1x1x1x3xf32>
      tpu.vector_store %arg5[%swap3A_570, %swap3A_571, %swap3A_572, %swap3A_573], %swap3A_576 {strides = array<i32>} : memref<1x32x24x3xf32, #tpu.memory_space<vmem>>, vector<1x1x1x3xf32>,
      %get3A_577 = arith.constant 0 : index
      %get3A_578 = arith.index_cast %scan3A_4 : i32 to index
      %get3A_579 = arith.constant 23 : index
      %get3A_580 = memref.load %arg2[%get3A_577, %get3A_578, %get3A_579] : memref<1x32x24xi32, #tpu.memory_space<smem>>
      %get3A_581 = arith.constant 0 : index
      %get3A_582 = arith.index_cast %get3A_580 : i32 to index
      %get3A_583 = arith.constant 0 : index
      %get3A_584 = vector.load %arg3[%get3A_581, %get3A_582, %get3A_583] : memref<1x512x259xf32, #tpu.memory_space<vmem>>, vector<1x1x259xf32>
      %get3A_585 = vector.shape_cast %get3A_584 : vector<1x1x259xf32> to vector<1x259xf32>
      %slice3A_586 = vector.extract_strided_slice %get3A_585 {offsets = [0, 0], sizes = [1, 256], strides = [1, 1]} : vector<1x259xf32> to vector<1x256xf32>
      %swap3A_587 = arith.constant 0 : index
      %swap3A_588 = arith.index_cast %scan3A_4 : i32 to index
      %swap3A_589 = arith.constant 23 : index
      %swap3A_590 = arith.constant 0 : index
      %swap3A_591 = vector.load %arg4[%swap3A_587, %swap3A_588, %swap3A_589, %swap3A_590] : memref<1x32x24x256xf32, #tpu.memory_space<vmem>>, vector<1x1x1x256xf32>
      %swap3A_592 = vector.shape_cast %swap3A_591 : vector<1x1x1x256xf32> to vector<1x256xf32>
      %swap3A_593 = vector.shape_cast %slice3A_586 : vector<1x256xf32> to vector<1x1x1x256xf32>
      tpu.vector_store %arg4[%swap3A_587, %swap3A_588, %swap3A_589, %swap3A_590], %swap3A_593 {strides = array<i32>} : memref<1x32x24x256xf32, #tpu.memory_space<vmem>>, vector<1x1x1x256xf32>,
      %slice3A_594 = vector.extract_strided_slice %get3A_585 {offsets = [0, 256], sizes = [1, 3], strides = [1, 1]} : vector<1x259xf32> to vector<1x3xf32>
      %swap3A_595 = arith.constant 0 : index
      %swap3A_596 = arith.index_cast %scan3A_4 : i32 to index
      %swap3A_597 = arith.constant 23 : index
      %swap3A_598 = arith.constant 0 : index
      %swap3A_599 = vector.load %arg5[%swap3A_595, %swap3A_596, %swap3A_597, %swap3A_598] : memref<1x32x24x3xf32, #tpu.memory_space<vmem>>, vector<1x1x1x3xf32>
      %swap3A_600 = vector.shape_cast %swap3A_599 : vector<1x1x1x3xf32> to vector<1x3xf32>
      %swap3A_601 = vector.shape_cast %slice3A_594 : vector<1x3xf32> to vector<1x1x1x3xf32>
      tpu.vector_store %arg5[%swap3A_595, %swap3A_596, %swap3A_597, %swap3A_598], %swap3A_601 {strides = array<i32>} : memref<1x32x24x3xf32, #tpu.memory_space<vmem>>, vector<1x1x1x3xf32>,
    }
    %scan3A_3 = arith.constant 32 : i32
    return
  }
  func.func @transform_0(%arg0: i32, %arg1: i32) -> (i32, i32, i32) {
    %c0_i32 = arith.constant 0 : i32
    %c0_i32_0 = arith.constant 0 : i32
    return %arg0, %arg1, %c0_i32 : i32, i32, i32
  }
  func.func @transform_1(%arg0: i32, %arg1: i32) -> (i32, i32, i32) {
    %c0_i32 = arith.constant 0 : i32
    %c0_i32_0 = arith.constant 0 : i32
    %c0_i32_1 = arith.constant 0 : i32
    return %arg0, %c0_i32, %c0_i32_0 : i32, i32, i32
  }
  func.func @transform_2(%arg0: i32, %arg1: i32) -> (i32, i32, i32, i32) {
    %c0_i32 = arith.constant 0 : i32
    %c0_i32_0 = arith.constant 0 : i32
    %c0_i32_1 = arith.constant 0 : i32
    return %arg0, %arg1, %c0_i32, %c0_i32_0 : i32, i32, i32, i32
  }
  func.func @transform_3(%arg0: i32, %arg1: i32) -> (i32, i32, i32, i32) {
    %c0_i32 = arith.constant 0 : i32
    %c0_i32_0 = arith.constant 0 : i32
    %c0_i32_1 = arith.constant 0 : i32
    return %arg0, %arg1, %c0_i32, %c0_i32_0 : i32, i32, i32, i32
  }
}

module attributes {stable_mosaic.version = 14 : i64} {
  func.func @_fuse_body(%arg0: i32, %arg1: i32, %arg2: memref<1x32x24x256xf32, #tpu.memory_space<vmem>>, %arg3: memref<1x32x24x3xf32, #tpu.memory_space<vmem>>, %arg4: memref<1x32x256xf32, #tpu.memory_space<vmem>>, %arg5: memref<1x32x3xf32, #tpu.memory_space<vmem>>, %arg6: memref<1x2xf32, #tpu.memory_space<vmem>>, %arg7: memref<1x512xf32, #tpu.memory_space<vmem>>, %arg8: memref<1x512xf32, #tpu.memory_space<vmem>>, %arg9: memref<1x512xf32, #tpu.memory_space<vmem>>, %arg10: memref<1x512xf32, #tpu.memory_space<vmem>>, %arg11: memref<1x512xf32, #tpu.memory_space<vmem>>, %arg12: memref<1x32x512xf32, #tpu.memory_space<vmem>>) attributes {dimension_semantics = [#tpu.dimension_semantics<arbitrary>, #tpu.dimension_semantics<arbitrary>], iteration_bounds = array<i64: 8, 8>, scalar_prefetch = 0 : i64, scratch_operands = 0 : i64, tpu.core_type = #tpu.core_type<tc>, window_params = [{transform_indices = @transform_0, window_bounds = array<i64: 1, 32, 24, 256>}, {transform_indices = @transform_1, window_bounds = array<i64: 1, 32, 24, 3>}, {transform_indices = @transform_2, window_bounds = array<i64: 1, 32, 256>}, {transform_indices = @transform_3, window_bounds = array<i64: 1, 32, 3>}, {pipeline_mode = #tpu.pipeline_mode<synchronous>, transform_indices = @transform_4, window_bounds = array<i64: 1, 2>}, {pipeline_mode = #tpu.pipeline_mode<synchronous>, transform_indices = @transform_5, window_bounds = array<i64: 1, 512>}, {pipeline_mode = #tpu.pipeline_mode<synchronous>, transform_indices = @transform_6, window_bounds = array<i64: 1, 512>}, {pipeline_mode = #tpu.pipeline_mode<synchronous>, transform_indices = @transform_7, window_bounds = array<i64: 1, 512>}, {pipeline_mode = #tpu.pipeline_mode<synchronous>, transform_indices = @transform_8, window_bounds = array<i64: 1, 512>}, {pipeline_mode = #tpu.pipeline_mode<synchronous>, transform_indices = @transform_9, window_bounds = array<i64: 1, 512>}, {transform_indices = @transform_10, window_bounds = array<i64: 1, 32, 512>}]} {
    %get3A = arith.constant 0 : index
    %get3A_0 = arith.constant 0 : index
    %get3A_1 = arith.constant 0 : index
    %get3A_2 = arith.constant 0 : index
    %get3A_3 = vector.load %arg2[%get3A, %get3A_0, %get3A_1, %get3A_2] : memref<1x32x24x256xf32, #tpu.memory_space<vmem>>, vector<1x32x24x256xf32>
    %get3A_4 = vector.shape_cast %get3A_3 : vector<1x32x24x256xf32> to vector<32x24x256xf32>
    %get3A_5 = arith.constant 0 : index
    %get3A_6 = arith.constant 0 : index
    %get3A_7 = arith.constant 0 : index
    %get3A_8 = arith.constant 0 : index
    %get3A_9 = vector.load %arg3[%get3A_5, %get3A_6, %get3A_7, %get3A_8] : memref<1x32x24x3xf32, #tpu.memory_space<vmem>>, vector<1x32x24x3xf32>
    %get3A_10 = vector.shape_cast %get3A_9 : vector<1x32x24x3xf32> to vector<32x24x3xf32>
    %get3A_11 = arith.constant 0 : index
    %get3A_12 = arith.constant 0 : index
    %get3A_13 = arith.constant 0 : index
    %get3A_14 = vector.load %arg4[%get3A_11, %get3A_12, %get3A_13] : memref<1x32x256xf32, #tpu.memory_space<vmem>>, vector<1x32x256xf32>
    %get3A_15 = vector.shape_cast %get3A_14 : vector<1x32x256xf32> to vector<32x256xf32>
    %get3A_16 = arith.constant 0 : index
    %get3A_17 = arith.constant 0 : index
    %get3A_18 = arith.constant 0 : index
    %get3A_19 = vector.load %arg5[%get3A_16, %get3A_17, %get3A_18] : memref<1x32x3xf32, #tpu.memory_space<vmem>>, vector<1x32x3xf32>
    %get3A_20 = vector.shape_cast %get3A_19 : vector<1x32x3xf32> to vector<32x3xf32>
    %get3A_21 = arith.constant 0 : index
    %get3A_22 = arith.constant 0 : index
    %get3A_23 = vector.load %arg6[%get3A_21, %get3A_22] : memref<1x2xf32, #tpu.memory_space<vmem>>, vector<1x1xf32>
    %get3A_24 = arith.constant 0 : index
    %get3A_25 = arith.constant 1 : index
    %get3A_26 = vector.load %arg6[%get3A_24, %get3A_25] : memref<1x2xf32, #tpu.memory_space<vmem>>, vector<1x1xf32>
    %broadcast_in_dim3A = vector.shape_cast %get3A_20 : vector<32x3xf32> to vector<32x1x3xf32>
    %sub3A = vector.broadcast %broadcast_in_dim3A : vector<32x1x3xf32> to vector<32x24x3xf32>
    %sub3A_27 = arith.subf %get3A_10, %sub3A : vector<32x24x3xf32>
    %broadcast_in_dim3A_28 = vector.shape_cast %get3A_23 : vector<1x1xf32> to vector<1x1x1xf32>
    %div3A = vector.broadcast %broadcast_in_dim3A_28 : vector<1x1x1xf32> to vector<32x24x3xf32>
    %div3A_29 = arith.divf %sub3A_27, %div3A : vector<32x24x3xf32>
    %broadcast_in_dim3A_30 = vector.shape_cast %get3A_15 : vector<32x256xf32> to vector<32x1x256xf32>
    %sub3A_31 = vector.broadcast %broadcast_in_dim3A_30 : vector<32x1x256xf32> to vector<32x24x256xf32>
    %sub3A_32 = arith.subf %get3A_4, %sub3A_31 : vector<32x24x256xf32>
    %broadcast_in_dim3A_33 = vector.shape_cast %get3A_26 : vector<1x1xf32> to vector<1x1x1xf32>
    %div3A_34 = vector.broadcast %broadcast_in_dim3A_33 : vector<1x1x1xf32> to vector<32x24x256xf32>
    %div3A_35 = arith.divf %sub3A_32, %div3A_34 : vector<32x24x256xf32>
    %get3A_36 = arith.constant 0 : index
    %get3A_37 = arith.constant 0 : index
    %get3A_38 = vector.load %arg7[%get3A_36, %get3A_37] : memref<1x512xf32, #tpu.memory_space<vmem>>, vector<1x512xf32>
    %reshape3A = vector.shape_cast %get3A_38 : vector<1x512xf32> to vector<1x1x512xf32>
    %get3A_39 = arith.constant 0 : index
    %get3A_40 = arith.constant 0 : index
    %get3A_41 = vector.load %arg8[%get3A_39, %get3A_40] : memref<1x512xf32, #tpu.memory_space<vmem>>, vector<1x512xf32>
    %reshape3A_42 = vector.shape_cast %get3A_41 : vector<1x512xf32> to vector<1x1x512xf32>
    %get3A_43 = arith.constant 0 : index
    %get3A_44 = arith.constant 0 : index
    %get3A_45 = vector.load %arg9[%get3A_43, %get3A_44] : memref<1x512xf32, #tpu.memory_space<vmem>>, vector<1x512xf32>
    %reshape3A_46 = vector.shape_cast %get3A_45 : vector<1x512xf32> to vector<1x1x512xf32>
    %get3A_47 = arith.constant 0 : index
    %get3A_48 = arith.constant 0 : index
    %get3A_49 = vector.load %arg10[%get3A_47, %get3A_48] : memref<1x512xf32, #tpu.memory_space<vmem>>, vector<1x512xf32>
    %reshape3A_50 = vector.shape_cast %get3A_49 : vector<1x512xf32> to vector<1x1x512xf32>
    %get3A_51 = arith.constant 0 : index
    %get3A_52 = arith.constant 0 : index
    %get3A_53 = vector.load %arg11[%get3A_51, %get3A_52] : memref<1x512xf32, #tpu.memory_space<vmem>>, vector<1x512xf32>
    %reshape3A_54 = vector.shape_cast %get3A_53 : vector<1x512xf32> to vector<1x1x512xf32>
    %ne3A = arith.constant 0.000000e+00 : f32
    %ne3A_55 = vector.broadcast %ne3A : f32 to vector<1x1x512xf32>
    %ne3A_56 = arith.cmpf one, %reshape3A_54, %ne3A_55 : vector<1x1x512xf32>
    %slice3A = vector.extract_strided_slice %div3A_29 {offsets = [0, 0, 0], sizes = [32, 24, 1], strides = [1, 1, 1]} : vector<32x24x3xf32> to vector<32x24x1xf32>
    %mul3A = vector.broadcast %slice3A : vector<32x24x1xf32> to vector<32x24x512xf32>
    %mul3A_57 = vector.broadcast %reshape3A : vector<1x1x512xf32> to vector<32x24x512xf32>
    %mul3A_58 = arith.mulf %mul3A, %mul3A_57 : vector<32x24x512xf32>
    %slice3A_59 = vector.extract_strided_slice %div3A_29 {offsets = [0, 0, 1], sizes = [32, 24, 1], strides = [1, 1, 1]} : vector<32x24x3xf32> to vector<32x24x1xf32>
    %mul3A_60 = vector.broadcast %slice3A_59 : vector<32x24x1xf32> to vector<32x24x512xf32>
    %mul3A_61 = vector.broadcast %reshape3A_42 : vector<1x1x512xf32> to vector<32x24x512xf32>
    %mul3A_62 = arith.mulf %mul3A_60, %mul3A_61 : vector<32x24x512xf32>
    %add3A = arith.addf %mul3A_58, %mul3A_62 : vector<32x24x512xf32>
    %slice3A_63 = vector.extract_strided_slice %div3A_29 {offsets = [0, 0, 2], sizes = [32, 24, 1], strides = [1, 1, 1]} : vector<32x24x3xf32> to vector<32x24x1xf32>
    %mul3A_64 = vector.broadcast %slice3A_63 : vector<32x24x1xf32> to vector<32x24x512xf32>
    %mul3A_65 = vector.broadcast %reshape3A_46 : vector<1x1x512xf32> to vector<32x24x512xf32>
    %mul3A_66 = arith.mulf %mul3A_64, %mul3A_65 : vector<32x24x512xf32>
    %add3A_67 = arith.addf %add3A, %mul3A_66 : vector<32x24x512xf32>
    %mul3A_68 = arith.constant 1.000000e+02 : f32
    %mul3A_69 = vector.broadcast %mul3A_68 : f32 to vector<32x24x512xf32>
    %mul3A_70 = arith.mulf %mul3A_69, %add3A_67 : vector<32x24x512xf32>
    %div3A_71 = vector.broadcast %reshape3A_50 : vector<1x1x512xf32> to vector<32x24x512xf32>
    %div3A_72 = arith.divf %mul3A_70, %div3A_71 : vector<32x24x512xf32>
    %sin3A = math.sin %div3A_72 : vector<32x24x512xf32>
    %cos3A = math.cos %div3A_72 : vector<32x24x512xf32>
    %broadcast_in_dim3A_73 = vector.shape_cast %ne3A_56 : vector<1x1x512xi1> to vector<1x1x512xi1>
    %broadcast_in_dim3A_74 = vector.broadcast %broadcast_in_dim3A_73 : vector<1x1x512xi1> to vector<32x24x512xi1>
    %select_n3A = arith.select %broadcast_in_dim3A_74, %sin3A, %cos3A : vector<32x24x512xi1>, vector<32x24x512xf32>
    %slice3A_75 = vector.extract_strided_slice %select_n3A {offsets = [0, 0, 0], sizes = [32, 24, 256], strides = [1, 1, 1]} : vector<32x24x512xf32> to vector<32x24x256xf32>
    %slice3A_76 = vector.extract_strided_slice %select_n3A {offsets = [0, 0, 256], sizes = [32, 24, 256], strides = [1, 1, 1]} : vector<32x24x512xf32> to vector<32x24x256xf32>
    %add3A_77 = arith.addf %div3A_35, %slice3A_75 : vector<32x24x256xf32>
    %mul3A_78 = arith.mulf %add3A_77, %slice3A_75 : vector<32x24x256xf32>
    %broadcast_in_dim3A_79 = vector.shape_cast %get3A_15 : vector<32x256xf32> to vector<32x1x256xf32>
    %add3A_80 = vector.broadcast %broadcast_in_dim3A_79 : vector<32x1x256xf32> to vector<32x24x256xf32>
    %add3A_81 = arith.addf %add3A_80, %slice3A_76 : vector<32x24x256xf32>
    %mul3A_82 = arith.mulf %add3A_81, %slice3A_76 : vector<32x24x256xf32>
    %reduce_max3A = arith.constant dense<0xFF800000> : vector<32x256xf32>
    %reduce_max3A_83 = vector.multi_reduction <maximumf>, %mul3A_78, %reduce_max3A [1] : vector<32x24x256xf32> to vector<32x256xf32>
    %reduce_sum3A = arith.constant dense<0.000000e+00> : vector<32x256xf32>
    %reduce_sum3A_84 = vector.multi_reduction <add>, %mul3A_78, %reduce_sum3A [1] : vector<32x24x256xf32> to vector<32x256xf32>
    %div3A_85 = arith.constant 2.400000e+01 : f32
    %div3A_86 = vector.broadcast %div3A_85 : f32 to vector<32x256xf32>
    %div3A_87 = arith.divf %reduce_sum3A_84, %div3A_86 : vector<32x256xf32>
    %add3A_88 = arith.addf %reduce_max3A_83, %div3A_87 : vector<32x256xf32>
    %reduce_max3A_89 = arith.constant dense<0xFF800000> : vector<32x256xf32>
    %reduce_max3A_90 = vector.multi_reduction <maximumf>, %mul3A_82, %reduce_max3A_89 [1] : vector<32x24x256xf32> to vector<32x256xf32>
    %reduce_sum3A_91 = arith.constant dense<0.000000e+00> : vector<32x256xf32>
    %reduce_sum3A_92 = vector.multi_reduction <add>, %mul3A_82, %reduce_sum3A_91 [1] : vector<32x24x256xf32> to vector<32x256xf32>
    %div3A_93 = arith.constant 2.400000e+01 : f32
    %div3A_94 = vector.broadcast %div3A_93 : f32 to vector<32x256xf32>
    %div3A_95 = arith.divf %reduce_sum3A_92, %div3A_94 : vector<32x256xf32>
    %add3A_96 = arith.addf %reduce_max3A_90, %div3A_95 : vector<32x256xf32>
    %concatenate3A = tpu.concatenate %add3A_88, %add3A_96 in 1 : vector<32x256xf32>, vector<32x256xf32> -> vector<32x512xf32>
    %swap3A = arith.constant 0 : index
    %swap3A_97 = arith.constant 0 : index
    %swap3A_98 = arith.constant 0 : index
    %swap3A_99 = vector.load %arg12[%swap3A, %swap3A_97, %swap3A_98] : memref<1x32x512xf32, #tpu.memory_space<vmem>>, vector<1x32x512xf32>
    %swap3A_100 = vector.shape_cast %swap3A_99 : vector<1x32x512xf32> to vector<32x512xf32>
    %swap3A_101 = vector.shape_cast %concatenate3A : vector<32x512xf32> to vector<1x32x512xf32>
    tpu.vector_store %arg12[%swap3A, %swap3A_97, %swap3A_98], %swap3A_101 {strides = array<i32>} : memref<1x32x512xf32, #tpu.memory_space<vmem>>, vector<1x32x512xf32>,
    return
  }
  func.func @transform_0(%arg0: i32, %arg1: i32) -> (i32, i32, i32, i32) {
    %c0_i32 = arith.constant 0 : i32
    %c0_i32_0 = arith.constant 0 : i32
    %c0_i32_1 = arith.constant 0 : i32
    return %arg0, %arg1, %c0_i32, %c0_i32_0 : i32, i32, i32, i32
  }
  func.func @transform_1(%arg0: i32, %arg1: i32) -> (i32, i32, i32, i32) {
    %c0_i32 = arith.constant 0 : i32
    %c0_i32_0 = arith.constant 0 : i32
    %c0_i32_1 = arith.constant 0 : i32
    return %arg0, %arg1, %c0_i32, %c0_i32_0 : i32, i32, i32, i32
  }
  func.func @transform_2(%arg0: i32, %arg1: i32) -> (i32, i32, i32) {
    %c0_i32 = arith.constant 0 : i32
    %c0_i32_0 = arith.constant 0 : i32
    return %arg0, %arg1, %c0_i32 : i32, i32, i32
  }
  func.func @transform_3(%arg0: i32, %arg1: i32) -> (i32, i32, i32) {
    %c0_i32 = arith.constant 0 : i32
    %c0_i32_0 = arith.constant 0 : i32
    return %arg0, %arg1, %c0_i32 : i32, i32, i32
  }
  func.func @transform_4(%arg0: i32, %arg1: i32) -> (i32, i32) {
    %c0_i32 = arith.constant 0 : i32
    %c0_i32_0 = arith.constant 0 : i32
    %c0_i32_1 = arith.constant 0 : i32
    return %c0_i32, %c0_i32_0 : i32, i32
  }
  func.func @transform_5(%arg0: i32, %arg1: i32) -> (i32, i32) {
    %c0_i32 = arith.constant 0 : i32
    %c0_i32_0 = arith.constant 0 : i32
    %c0_i32_1 = arith.constant 0 : i32
    return %c0_i32, %c0_i32_0 : i32, i32
  }
  func.func @transform_6(%arg0: i32, %arg1: i32) -> (i32, i32) {
    %c0_i32 = arith.constant 0 : i32
    %c0_i32_0 = arith.constant 0 : i32
    %c0_i32_1 = arith.constant 0 : i32
    return %c0_i32, %c0_i32_0 : i32, i32
  }
  func.func @transform_7(%arg0: i32, %arg1: i32) -> (i32, i32) {
    %c0_i32 = arith.constant 0 : i32
    %c0_i32_0 = arith.constant 0 : i32
    %c0_i32_1 = arith.constant 0 : i32
    return %c0_i32, %c0_i32_0 : i32, i32
  }
  func.func @transform_8(%arg0: i32, %arg1: i32) -> (i32, i32) {
    %c0_i32 = arith.constant 0 : i32
    %c0_i32_0 = arith.constant 0 : i32
    %c0_i32_1 = arith.constant 0 : i32
    return %c0_i32, %c0_i32_0 : i32, i32
  }
  func.func @transform_9(%arg0: i32, %arg1: i32) -> (i32, i32) {
    %c0_i32 = arith.constant 0 : i32
    %c0_i32_0 = arith.constant 0 : i32
    %c0_i32_1 = arith.constant 0 : i32
    return %c0_i32, %c0_i32_0 : i32, i32
  }
  func.func @transform_10(%arg0: i32, %arg1: i32) -> (i32, i32, i32) {
    %c0_i32 = arith.constant 0 : i32
    %c0_i32_0 = arith.constant 0 : i32
    return %arg0, %arg1, %c0_i32 : i32, i32, i32
  }
}

module attributes {stable_mosaic.version = 14 : i64} {
  func.func @_gather_body(%arg0: i32, %arg1: i32, %arg2: memref<1x32x24xi32, #tpu.memory_space<smem>>, %arg3: memref<1x256x515xf32, #tpu.memory_space<vmem>>, %arg4: memref<1x32x24x512xf32, #tpu.memory_space<vmem>>, %arg5: memref<1x32x24x3xf32, #tpu.memory_space<vmem>>) attributes {dimension_semantics = [#tpu.dimension_semantics<arbitrary>, #tpu.dimension_semantics<arbitrary>], iteration_bounds = array<i64: 8, 4>, scalar_prefetch = 0 : i64, scratch_operands = 0 : i64, tpu.core_type = #tpu.core_type<tc>, window_params = [{transform_indices = @transform_0, window_bounds = array<i64: 1, 32, 24>}, {transform_indices = @transform_1, window_bounds = array<i64: 1, 256, 515>}, {transform_indices = @transform_2, window_bounds = array<i64: 1, 32, 24, 512>}, {transform_indices = @transform_3, window_bounds = array<i64: 1, 32, 24, 3>}]} {
    %scan3A = arith.constant 0 : i32
    %scan3A_0 = arith.constant 32 : i32
    %scan3A_1 = arith.addi %scan3A, %scan3A_0 : i32
    %scan3A_2 = arith.constant 1 : i32
    scf.for %scan3A_4 = %scan3A to %scan3A_1 step %scan3A_2  : i32 {
      %get3A = arith.constant 0 : index
      %get3A_5 = arith.index_cast %scan3A_4 : i32 to index
      %get3A_6 = arith.constant 0 : index
      %get3A_7 = memref.load %arg2[%get3A, %get3A_5, %get3A_6] : memref<1x32x24xi32, #tpu.memory_space<smem>>
      %get3A_8 = arith.constant 0 : index
      %get3A_9 = arith.index_cast %get3A_7 : i32 to index
      %get3A_10 = arith.constant 0 : index
      %get3A_11 = vector.load %arg3[%get3A_8, %get3A_9, %get3A_10] : memref<1x256x515xf32, #tpu.memory_space<vmem>>, vector<1x1x515xf32>
      %get3A_12 = vector.shape_cast %get3A_11 : vector<1x1x515xf32> to vector<1x515xf32>
      %slice3A = vector.extract_strided_slice %get3A_12 {offsets = [0, 0], sizes = [1, 512], strides = [1, 1]} : vector<1x515xf32> to vector<1x512xf32>
      %swap3A = arith.constant 0 : index
      %swap3A_13 = arith.index_cast %scan3A_4 : i32 to index
      %swap3A_14 = arith.constant 0 : index
      %swap3A_15 = arith.constant 0 : index
      %swap3A_16 = vector.load %arg4[%swap3A, %swap3A_13, %swap3A_14, %swap3A_15] : memref<1x32x24x512xf32, #tpu.memory_space<vmem>>, vector<1x1x1x512xf32>
      %swap3A_17 = vector.shape_cast %swap3A_16 : vector<1x1x1x512xf32> to vector<1x512xf32>
      %swap3A_18 = vector.shape_cast %slice3A : vector<1x512xf32> to vector<1x1x1x512xf32>
      tpu.vector_store %arg4[%swap3A, %swap3A_13, %swap3A_14, %swap3A_15], %swap3A_18 {strides = array<i32>} : memref<1x32x24x512xf32, #tpu.memory_space<vmem>>, vector<1x1x1x512xf32>,
      %slice3A_19 = vector.extract_strided_slice %get3A_12 {offsets = [0, 512], sizes = [1, 3], strides = [1, 1]} : vector<1x515xf32> to vector<1x3xf32>
      %swap3A_20 = arith.constant 0 : index
      %swap3A_21 = arith.index_cast %scan3A_4 : i32 to index
      %swap3A_22 = arith.constant 0 : index
      %swap3A_23 = arith.constant 0 : index
      %swap3A_24 = vector.load %arg5[%swap3A_20, %swap3A_21, %swap3A_22, %swap3A_23] : memref<1x32x24x3xf32, #tpu.memory_space<vmem>>, vector<1x1x1x3xf32>
      %swap3A_25 = vector.shape_cast %swap3A_24 : vector<1x1x1x3xf32> to vector<1x3xf32>
      %swap3A_26 = vector.shape_cast %slice3A_19 : vector<1x3xf32> to vector<1x1x1x3xf32>
      tpu.vector_store %arg5[%swap3A_20, %swap3A_21, %swap3A_22, %swap3A_23], %swap3A_26 {strides = array<i32>} : memref<1x32x24x3xf32, #tpu.memory_space<vmem>>, vector<1x1x1x3xf32>,
      %get3A_27 = arith.constant 0 : index
      %get3A_28 = arith.index_cast %scan3A_4 : i32 to index
      %get3A_29 = arith.constant 1 : index
      %get3A_30 = memref.load %arg2[%get3A_27, %get3A_28, %get3A_29] : memref<1x32x24xi32, #tpu.memory_space<smem>>
      %get3A_31 = arith.constant 0 : index
      %get3A_32 = arith.index_cast %get3A_30 : i32 to index
      %get3A_33 = arith.constant 0 : index
      %get3A_34 = vector.load %arg3[%get3A_31, %get3A_32, %get3A_33] : memref<1x256x515xf32, #tpu.memory_space<vmem>>, vector<1x1x515xf32>
      %get3A_35 = vector.shape_cast %get3A_34 : vector<1x1x515xf32> to vector<1x515xf32>
      %slice3A_36 = vector.extract_strided_slice %get3A_35 {offsets = [0, 0], sizes = [1, 512], strides = [1, 1]} : vector<1x515xf32> to vector<1x512xf32>
      %swap3A_37 = arith.constant 0 : index
      %swap3A_38 = arith.index_cast %scan3A_4 : i32 to index
      %swap3A_39 = arith.constant 1 : index
      %swap3A_40 = arith.constant 0 : index
      %swap3A_41 = vector.load %arg4[%swap3A_37, %swap3A_38, %swap3A_39, %swap3A_40] : memref<1x32x24x512xf32, #tpu.memory_space<vmem>>, vector<1x1x1x512xf32>
      %swap3A_42 = vector.shape_cast %swap3A_41 : vector<1x1x1x512xf32> to vector<1x512xf32>
      %swap3A_43 = vector.shape_cast %slice3A_36 : vector<1x512xf32> to vector<1x1x1x512xf32>
      tpu.vector_store %arg4[%swap3A_37, %swap3A_38, %swap3A_39, %swap3A_40], %swap3A_43 {strides = array<i32>} : memref<1x32x24x512xf32, #tpu.memory_space<vmem>>, vector<1x1x1x512xf32>,
      %slice3A_44 = vector.extract_strided_slice %get3A_35 {offsets = [0, 512], sizes = [1, 3], strides = [1, 1]} : vector<1x515xf32> to vector<1x3xf32>
      %swap3A_45 = arith.constant 0 : index
      %swap3A_46 = arith.index_cast %scan3A_4 : i32 to index
      %swap3A_47 = arith.constant 1 : index
      %swap3A_48 = arith.constant 0 : index
      %swap3A_49 = vector.load %arg5[%swap3A_45, %swap3A_46, %swap3A_47, %swap3A_48] : memref<1x32x24x3xf32, #tpu.memory_space<vmem>>, vector<1x1x1x3xf32>
      %swap3A_50 = vector.shape_cast %swap3A_49 : vector<1x1x1x3xf32> to vector<1x3xf32>
      %swap3A_51 = vector.shape_cast %slice3A_44 : vector<1x3xf32> to vector<1x1x1x3xf32>
      tpu.vector_store %arg5[%swap3A_45, %swap3A_46, %swap3A_47, %swap3A_48], %swap3A_51 {strides = array<i32>} : memref<1x32x24x3xf32, #tpu.memory_space<vmem>>, vector<1x1x1x3xf32>,
      %get3A_52 = arith.constant 0 : index
      %get3A_53 = arith.index_cast %scan3A_4 : i32 to index
      %get3A_54 = arith.constant 2 : index
      %get3A_55 = memref.load %arg2[%get3A_52, %get3A_53, %get3A_54] : memref<1x32x24xi32, #tpu.memory_space<smem>>
      %get3A_56 = arith.constant 0 : index
      %get3A_57 = arith.index_cast %get3A_55 : i32 to index
      %get3A_58 = arith.constant 0 : index
      %get3A_59 = vector.load %arg3[%get3A_56, %get3A_57, %get3A_58] : memref<1x256x515xf32, #tpu.memory_space<vmem>>, vector<1x1x515xf32>
      %get3A_60 = vector.shape_cast %get3A_59 : vector<1x1x515xf32> to vector<1x515xf32>
      %slice3A_61 = vector.extract_strided_slice %get3A_60 {offsets = [0, 0], sizes = [1, 512], strides = [1, 1]} : vector<1x515xf32> to vector<1x512xf32>
      %swap3A_62 = arith.constant 0 : index
      %swap3A_63 = arith.index_cast %scan3A_4 : i32 to index
      %swap3A_64 = arith.constant 2 : index
      %swap3A_65 = arith.constant 0 : index
      %swap3A_66 = vector.load %arg4[%swap3A_62, %swap3A_63, %swap3A_64, %swap3A_65] : memref<1x32x24x512xf32, #tpu.memory_space<vmem>>, vector<1x1x1x512xf32>
      %swap3A_67 = vector.shape_cast %swap3A_66 : vector<1x1x1x512xf32> to vector<1x512xf32>
      %swap3A_68 = vector.shape_cast %slice3A_61 : vector<1x512xf32> to vector<1x1x1x512xf32>
      tpu.vector_store %arg4[%swap3A_62, %swap3A_63, %swap3A_64, %swap3A_65], %swap3A_68 {strides = array<i32>} : memref<1x32x24x512xf32, #tpu.memory_space<vmem>>, vector<1x1x1x512xf32>,
      %slice3A_69 = vector.extract_strided_slice %get3A_60 {offsets = [0, 512], sizes = [1, 3], strides = [1, 1]} : vector<1x515xf32> to vector<1x3xf32>
      %swap3A_70 = arith.constant 0 : index
      %swap3A_71 = arith.index_cast %scan3A_4 : i32 to index
      %swap3A_72 = arith.constant 2 : index
      %swap3A_73 = arith.constant 0 : index
      %swap3A_74 = vector.load %arg5[%swap3A_70, %swap3A_71, %swap3A_72, %swap3A_73] : memref<1x32x24x3xf32, #tpu.memory_space<vmem>>, vector<1x1x1x3xf32>
      %swap3A_75 = vector.shape_cast %swap3A_74 : vector<1x1x1x3xf32> to vector<1x3xf32>
      %swap3A_76 = vector.shape_cast %slice3A_69 : vector<1x3xf32> to vector<1x1x1x3xf32>
      tpu.vector_store %arg5[%swap3A_70, %swap3A_71, %swap3A_72, %swap3A_73], %swap3A_76 {strides = array<i32>} : memref<1x32x24x3xf32, #tpu.memory_space<vmem>>, vector<1x1x1x3xf32>,
      %get3A_77 = arith.constant 0 : index
      %get3A_78 = arith.index_cast %scan3A_4 : i32 to index
      %get3A_79 = arith.constant 3 : index
      %get3A_80 = memref.load %arg2[%get3A_77, %get3A_78, %get3A_79] : memref<1x32x24xi32, #tpu.memory_space<smem>>
      %get3A_81 = arith.constant 0 : index
      %get3A_82 = arith.index_cast %get3A_80 : i32 to index
      %get3A_83 = arith.constant 0 : index
      %get3A_84 = vector.load %arg3[%get3A_81, %get3A_82, %get3A_83] : memref<1x256x515xf32, #tpu.memory_space<vmem>>, vector<1x1x515xf32>
      %get3A_85 = vector.shape_cast %get3A_84 : vector<1x1x515xf32> to vector<1x515xf32>
      %slice3A_86 = vector.extract_strided_slice %get3A_85 {offsets = [0, 0], sizes = [1, 512], strides = [1, 1]} : vector<1x515xf32> to vector<1x512xf32>
      %swap3A_87 = arith.constant 0 : index
      %swap3A_88 = arith.index_cast %scan3A_4 : i32 to index
      %swap3A_89 = arith.constant 3 : index
      %swap3A_90 = arith.constant 0 : index
      %swap3A_91 = vector.load %arg4[%swap3A_87, %swap3A_88, %swap3A_89, %swap3A_90] : memref<1x32x24x512xf32, #tpu.memory_space<vmem>>, vector<1x1x1x512xf32>
      %swap3A_92 = vector.shape_cast %swap3A_91 : vector<1x1x1x512xf32> to vector<1x512xf32>
      %swap3A_93 = vector.shape_cast %slice3A_86 : vector<1x512xf32> to vector<1x1x1x512xf32>
      tpu.vector_store %arg4[%swap3A_87, %swap3A_88, %swap3A_89, %swap3A_90], %swap3A_93 {strides = array<i32>} : memref<1x32x24x512xf32, #tpu.memory_space<vmem>>, vector<1x1x1x512xf32>,
      %slice3A_94 = vector.extract_strided_slice %get3A_85 {offsets = [0, 512], sizes = [1, 3], strides = [1, 1]} : vector<1x515xf32> to vector<1x3xf32>
      %swap3A_95 = arith.constant 0 : index
      %swap3A_96 = arith.index_cast %scan3A_4 : i32 to index
      %swap3A_97 = arith.constant 3 : index
      %swap3A_98 = arith.constant 0 : index
      %swap3A_99 = vector.load %arg5[%swap3A_95, %swap3A_96, %swap3A_97, %swap3A_98] : memref<1x32x24x3xf32, #tpu.memory_space<vmem>>, vector<1x1x1x3xf32>
      %swap3A_100 = vector.shape_cast %swap3A_99 : vector<1x1x1x3xf32> to vector<1x3xf32>
      %swap3A_101 = vector.shape_cast %slice3A_94 : vector<1x3xf32> to vector<1x1x1x3xf32>
      tpu.vector_store %arg5[%swap3A_95, %swap3A_96, %swap3A_97, %swap3A_98], %swap3A_101 {strides = array<i32>} : memref<1x32x24x3xf32, #tpu.memory_space<vmem>>, vector<1x1x1x3xf32>,
      %get3A_102 = arith.constant 0 : index
      %get3A_103 = arith.index_cast %scan3A_4 : i32 to index
      %get3A_104 = arith.constant 4 : index
      %get3A_105 = memref.load %arg2[%get3A_102, %get3A_103, %get3A_104] : memref<1x32x24xi32, #tpu.memory_space<smem>>
      %get3A_106 = arith.constant 0 : index
      %get3A_107 = arith.index_cast %get3A_105 : i32 to index
      %get3A_108 = arith.constant 0 : index
      %get3A_109 = vector.load %arg3[%get3A_106, %get3A_107, %get3A_108] : memref<1x256x515xf32, #tpu.memory_space<vmem>>, vector<1x1x515xf32>
      %get3A_110 = vector.shape_cast %get3A_109 : vector<1x1x515xf32> to vector<1x515xf32>
      %slice3A_111 = vector.extract_strided_slice %get3A_110 {offsets = [0, 0], sizes = [1, 512], strides = [1, 1]} : vector<1x515xf32> to vector<1x512xf32>
      %swap3A_112 = arith.constant 0 : index
      %swap3A_113 = arith.index_cast %scan3A_4 : i32 to index
      %swap3A_114 = arith.constant 4 : index
      %swap3A_115 = arith.constant 0 : index
      %swap3A_116 = vector.load %arg4[%swap3A_112, %swap3A_113, %swap3A_114, %swap3A_115] : memref<1x32x24x512xf32, #tpu.memory_space<vmem>>, vector<1x1x1x512xf32>
      %swap3A_117 = vector.shape_cast %swap3A_116 : vector<1x1x1x512xf32> to vector<1x512xf32>
      %swap3A_118 = vector.shape_cast %slice3A_111 : vector<1x512xf32> to vector<1x1x1x512xf32>
      tpu.vector_store %arg4[%swap3A_112, %swap3A_113, %swap3A_114, %swap3A_115], %swap3A_118 {strides = array<i32>} : memref<1x32x24x512xf32, #tpu.memory_space<vmem>>, vector<1x1x1x512xf32>,
      %slice3A_119 = vector.extract_strided_slice %get3A_110 {offsets = [0, 512], sizes = [1, 3], strides = [1, 1]} : vector<1x515xf32> to vector<1x3xf32>
      %swap3A_120 = arith.constant 0 : index
      %swap3A_121 = arith.index_cast %scan3A_4 : i32 to index
      %swap3A_122 = arith.constant 4 : index
      %swap3A_123 = arith.constant 0 : index
      %swap3A_124 = vector.load %arg5[%swap3A_120, %swap3A_121, %swap3A_122, %swap3A_123] : memref<1x32x24x3xf32, #tpu.memory_space<vmem>>, vector<1x1x1x3xf32>
      %swap3A_125 = vector.shape_cast %swap3A_124 : vector<1x1x1x3xf32> to vector<1x3xf32>
      %swap3A_126 = vector.shape_cast %slice3A_119 : vector<1x3xf32> to vector<1x1x1x3xf32>
      tpu.vector_store %arg5[%swap3A_120, %swap3A_121, %swap3A_122, %swap3A_123], %swap3A_126 {strides = array<i32>} : memref<1x32x24x3xf32, #tpu.memory_space<vmem>>, vector<1x1x1x3xf32>,
      %get3A_127 = arith.constant 0 : index
      %get3A_128 = arith.index_cast %scan3A_4 : i32 to index
      %get3A_129 = arith.constant 5 : index
      %get3A_130 = memref.load %arg2[%get3A_127, %get3A_128, %get3A_129] : memref<1x32x24xi32, #tpu.memory_space<smem>>
      %get3A_131 = arith.constant 0 : index
      %get3A_132 = arith.index_cast %get3A_130 : i32 to index
      %get3A_133 = arith.constant 0 : index
      %get3A_134 = vector.load %arg3[%get3A_131, %get3A_132, %get3A_133] : memref<1x256x515xf32, #tpu.memory_space<vmem>>, vector<1x1x515xf32>
      %get3A_135 = vector.shape_cast %get3A_134 : vector<1x1x515xf32> to vector<1x515xf32>
      %slice3A_136 = vector.extract_strided_slice %get3A_135 {offsets = [0, 0], sizes = [1, 512], strides = [1, 1]} : vector<1x515xf32> to vector<1x512xf32>
      %swap3A_137 = arith.constant 0 : index
      %swap3A_138 = arith.index_cast %scan3A_4 : i32 to index
      %swap3A_139 = arith.constant 5 : index
      %swap3A_140 = arith.constant 0 : index
      %swap3A_141 = vector.load %arg4[%swap3A_137, %swap3A_138, %swap3A_139, %swap3A_140] : memref<1x32x24x512xf32, #tpu.memory_space<vmem>>, vector<1x1x1x512xf32>
      %swap3A_142 = vector.shape_cast %swap3A_141 : vector<1x1x1x512xf32> to vector<1x512xf32>
      %swap3A_143 = vector.shape_cast %slice3A_136 : vector<1x512xf32> to vector<1x1x1x512xf32>
      tpu.vector_store %arg4[%swap3A_137, %swap3A_138, %swap3A_139, %swap3A_140], %swap3A_143 {strides = array<i32>} : memref<1x32x24x512xf32, #tpu.memory_space<vmem>>, vector<1x1x1x512xf32>,
      %slice3A_144 = vector.extract_strided_slice %get3A_135 {offsets = [0, 512], sizes = [1, 3], strides = [1, 1]} : vector<1x515xf32> to vector<1x3xf32>
      %swap3A_145 = arith.constant 0 : index
      %swap3A_146 = arith.index_cast %scan3A_4 : i32 to index
      %swap3A_147 = arith.constant 5 : index
      %swap3A_148 = arith.constant 0 : index
      %swap3A_149 = vector.load %arg5[%swap3A_145, %swap3A_146, %swap3A_147, %swap3A_148] : memref<1x32x24x3xf32, #tpu.memory_space<vmem>>, vector<1x1x1x3xf32>
      %swap3A_150 = vector.shape_cast %swap3A_149 : vector<1x1x1x3xf32> to vector<1x3xf32>
      %swap3A_151 = vector.shape_cast %slice3A_144 : vector<1x3xf32> to vector<1x1x1x3xf32>
      tpu.vector_store %arg5[%swap3A_145, %swap3A_146, %swap3A_147, %swap3A_148], %swap3A_151 {strides = array<i32>} : memref<1x32x24x3xf32, #tpu.memory_space<vmem>>, vector<1x1x1x3xf32>,
      %get3A_152 = arith.constant 0 : index
      %get3A_153 = arith.index_cast %scan3A_4 : i32 to index
      %get3A_154 = arith.constant 6 : index
      %get3A_155 = memref.load %arg2[%get3A_152, %get3A_153, %get3A_154] : memref<1x32x24xi32, #tpu.memory_space<smem>>
      %get3A_156 = arith.constant 0 : index
      %get3A_157 = arith.index_cast %get3A_155 : i32 to index
      %get3A_158 = arith.constant 0 : index
      %get3A_159 = vector.load %arg3[%get3A_156, %get3A_157, %get3A_158] : memref<1x256x515xf32, #tpu.memory_space<vmem>>, vector<1x1x515xf32>
      %get3A_160 = vector.shape_cast %get3A_159 : vector<1x1x515xf32> to vector<1x515xf32>
      %slice3A_161 = vector.extract_strided_slice %get3A_160 {offsets = [0, 0], sizes = [1, 512], strides = [1, 1]} : vector<1x515xf32> to vector<1x512xf32>
      %swap3A_162 = arith.constant 0 : index
      %swap3A_163 = arith.index_cast %scan3A_4 : i32 to index
      %swap3A_164 = arith.constant 6 : index
      %swap3A_165 = arith.constant 0 : index
      %swap3A_166 = vector.load %arg4[%swap3A_162, %swap3A_163, %swap3A_164, %swap3A_165] : memref<1x32x24x512xf32, #tpu.memory_space<vmem>>, vector<1x1x1x512xf32>
      %swap3A_167 = vector.shape_cast %swap3A_166 : vector<1x1x1x512xf32> to vector<1x512xf32>
      %swap3A_168 = vector.shape_cast %slice3A_161 : vector<1x512xf32> to vector<1x1x1x512xf32>
      tpu.vector_store %arg4[%swap3A_162, %swap3A_163, %swap3A_164, %swap3A_165], %swap3A_168 {strides = array<i32>} : memref<1x32x24x512xf32, #tpu.memory_space<vmem>>, vector<1x1x1x512xf32>,
      %slice3A_169 = vector.extract_strided_slice %get3A_160 {offsets = [0, 512], sizes = [1, 3], strides = [1, 1]} : vector<1x515xf32> to vector<1x3xf32>
      %swap3A_170 = arith.constant 0 : index
      %swap3A_171 = arith.index_cast %scan3A_4 : i32 to index
      %swap3A_172 = arith.constant 6 : index
      %swap3A_173 = arith.constant 0 : index
      %swap3A_174 = vector.load %arg5[%swap3A_170, %swap3A_171, %swap3A_172, %swap3A_173] : memref<1x32x24x3xf32, #tpu.memory_space<vmem>>, vector<1x1x1x3xf32>
      %swap3A_175 = vector.shape_cast %swap3A_174 : vector<1x1x1x3xf32> to vector<1x3xf32>
      %swap3A_176 = vector.shape_cast %slice3A_169 : vector<1x3xf32> to vector<1x1x1x3xf32>
      tpu.vector_store %arg5[%swap3A_170, %swap3A_171, %swap3A_172, %swap3A_173], %swap3A_176 {strides = array<i32>} : memref<1x32x24x3xf32, #tpu.memory_space<vmem>>, vector<1x1x1x3xf32>,
      %get3A_177 = arith.constant 0 : index
      %get3A_178 = arith.index_cast %scan3A_4 : i32 to index
      %get3A_179 = arith.constant 7 : index
      %get3A_180 = memref.load %arg2[%get3A_177, %get3A_178, %get3A_179] : memref<1x32x24xi32, #tpu.memory_space<smem>>
      %get3A_181 = arith.constant 0 : index
      %get3A_182 = arith.index_cast %get3A_180 : i32 to index
      %get3A_183 = arith.constant 0 : index
      %get3A_184 = vector.load %arg3[%get3A_181, %get3A_182, %get3A_183] : memref<1x256x515xf32, #tpu.memory_space<vmem>>, vector<1x1x515xf32>
      %get3A_185 = vector.shape_cast %get3A_184 : vector<1x1x515xf32> to vector<1x515xf32>
      %slice3A_186 = vector.extract_strided_slice %get3A_185 {offsets = [0, 0], sizes = [1, 512], strides = [1, 1]} : vector<1x515xf32> to vector<1x512xf32>
      %swap3A_187 = arith.constant 0 : index
      %swap3A_188 = arith.index_cast %scan3A_4 : i32 to index
      %swap3A_189 = arith.constant 7 : index
      %swap3A_190 = arith.constant 0 : index
      %swap3A_191 = vector.load %arg4[%swap3A_187, %swap3A_188, %swap3A_189, %swap3A_190] : memref<1x32x24x512xf32, #tpu.memory_space<vmem>>, vector<1x1x1x512xf32>
      %swap3A_192 = vector.shape_cast %swap3A_191 : vector<1x1x1x512xf32> to vector<1x512xf32>
      %swap3A_193 = vector.shape_cast %slice3A_186 : vector<1x512xf32> to vector<1x1x1x512xf32>
      tpu.vector_store %arg4[%swap3A_187, %swap3A_188, %swap3A_189, %swap3A_190], %swap3A_193 {strides = array<i32>} : memref<1x32x24x512xf32, #tpu.memory_space<vmem>>, vector<1x1x1x512xf32>,
      %slice3A_194 = vector.extract_strided_slice %get3A_185 {offsets = [0, 512], sizes = [1, 3], strides = [1, 1]} : vector<1x515xf32> to vector<1x3xf32>
      %swap3A_195 = arith.constant 0 : index
      %swap3A_196 = arith.index_cast %scan3A_4 : i32 to index
      %swap3A_197 = arith.constant 7 : index
      %swap3A_198 = arith.constant 0 : index
      %swap3A_199 = vector.load %arg5[%swap3A_195, %swap3A_196, %swap3A_197, %swap3A_198] : memref<1x32x24x3xf32, #tpu.memory_space<vmem>>, vector<1x1x1x3xf32>
      %swap3A_200 = vector.shape_cast %swap3A_199 : vector<1x1x1x3xf32> to vector<1x3xf32>
      %swap3A_201 = vector.shape_cast %slice3A_194 : vector<1x3xf32> to vector<1x1x1x3xf32>
      tpu.vector_store %arg5[%swap3A_195, %swap3A_196, %swap3A_197, %swap3A_198], %swap3A_201 {strides = array<i32>} : memref<1x32x24x3xf32, #tpu.memory_space<vmem>>, vector<1x1x1x3xf32>,
      %get3A_202 = arith.constant 0 : index
      %get3A_203 = arith.index_cast %scan3A_4 : i32 to index
      %get3A_204 = arith.constant 8 : index
      %get3A_205 = memref.load %arg2[%get3A_202, %get3A_203, %get3A_204] : memref<1x32x24xi32, #tpu.memory_space<smem>>
      %get3A_206 = arith.constant 0 : index
      %get3A_207 = arith.index_cast %get3A_205 : i32 to index
      %get3A_208 = arith.constant 0 : index
      %get3A_209 = vector.load %arg3[%get3A_206, %get3A_207, %get3A_208] : memref<1x256x515xf32, #tpu.memory_space<vmem>>, vector<1x1x515xf32>
      %get3A_210 = vector.shape_cast %get3A_209 : vector<1x1x515xf32> to vector<1x515xf32>
      %slice3A_211 = vector.extract_strided_slice %get3A_210 {offsets = [0, 0], sizes = [1, 512], strides = [1, 1]} : vector<1x515xf32> to vector<1x512xf32>
      %swap3A_212 = arith.constant 0 : index
      %swap3A_213 = arith.index_cast %scan3A_4 : i32 to index
      %swap3A_214 = arith.constant 8 : index
      %swap3A_215 = arith.constant 0 : index
      %swap3A_216 = vector.load %arg4[%swap3A_212, %swap3A_213, %swap3A_214, %swap3A_215] : memref<1x32x24x512xf32, #tpu.memory_space<vmem>>, vector<1x1x1x512xf32>
      %swap3A_217 = vector.shape_cast %swap3A_216 : vector<1x1x1x512xf32> to vector<1x512xf32>
      %swap3A_218 = vector.shape_cast %slice3A_211 : vector<1x512xf32> to vector<1x1x1x512xf32>
      tpu.vector_store %arg4[%swap3A_212, %swap3A_213, %swap3A_214, %swap3A_215], %swap3A_218 {strides = array<i32>} : memref<1x32x24x512xf32, #tpu.memory_space<vmem>>, vector<1x1x1x512xf32>,
      %slice3A_219 = vector.extract_strided_slice %get3A_210 {offsets = [0, 512], sizes = [1, 3], strides = [1, 1]} : vector<1x515xf32> to vector<1x3xf32>
      %swap3A_220 = arith.constant 0 : index
      %swap3A_221 = arith.index_cast %scan3A_4 : i32 to index
      %swap3A_222 = arith.constant 8 : index
      %swap3A_223 = arith.constant 0 : index
      %swap3A_224 = vector.load %arg5[%swap3A_220, %swap3A_221, %swap3A_222, %swap3A_223] : memref<1x32x24x3xf32, #tpu.memory_space<vmem>>, vector<1x1x1x3xf32>
      %swap3A_225 = vector.shape_cast %swap3A_224 : vector<1x1x1x3xf32> to vector<1x3xf32>
      %swap3A_226 = vector.shape_cast %slice3A_219 : vector<1x3xf32> to vector<1x1x1x3xf32>
      tpu.vector_store %arg5[%swap3A_220, %swap3A_221, %swap3A_222, %swap3A_223], %swap3A_226 {strides = array<i32>} : memref<1x32x24x3xf32, #tpu.memory_space<vmem>>, vector<1x1x1x3xf32>,
      %get3A_227 = arith.constant 0 : index
      %get3A_228 = arith.index_cast %scan3A_4 : i32 to index
      %get3A_229 = arith.constant 9 : index
      %get3A_230 = memref.load %arg2[%get3A_227, %get3A_228, %get3A_229] : memref<1x32x24xi32, #tpu.memory_space<smem>>
      %get3A_231 = arith.constant 0 : index
      %get3A_232 = arith.index_cast %get3A_230 : i32 to index
      %get3A_233 = arith.constant 0 : index
      %get3A_234 = vector.load %arg3[%get3A_231, %get3A_232, %get3A_233] : memref<1x256x515xf32, #tpu.memory_space<vmem>>, vector<1x1x515xf32>
      %get3A_235 = vector.shape_cast %get3A_234 : vector<1x1x515xf32> to vector<1x515xf32>
      %slice3A_236 = vector.extract_strided_slice %get3A_235 {offsets = [0, 0], sizes = [1, 512], strides = [1, 1]} : vector<1x515xf32> to vector<1x512xf32>
      %swap3A_237 = arith.constant 0 : index
      %swap3A_238 = arith.index_cast %scan3A_4 : i32 to index
      %swap3A_239 = arith.constant 9 : index
      %swap3A_240 = arith.constant 0 : index
      %swap3A_241 = vector.load %arg4[%swap3A_237, %swap3A_238, %swap3A_239, %swap3A_240] : memref<1x32x24x512xf32, #tpu.memory_space<vmem>>, vector<1x1x1x512xf32>
      %swap3A_242 = vector.shape_cast %swap3A_241 : vector<1x1x1x512xf32> to vector<1x512xf32>
      %swap3A_243 = vector.shape_cast %slice3A_236 : vector<1x512xf32> to vector<1x1x1x512xf32>
      tpu.vector_store %arg4[%swap3A_237, %swap3A_238, %swap3A_239, %swap3A_240], %swap3A_243 {strides = array<i32>} : memref<1x32x24x512xf32, #tpu.memory_space<vmem>>, vector<1x1x1x512xf32>,
      %slice3A_244 = vector.extract_strided_slice %get3A_235 {offsets = [0, 512], sizes = [1, 3], strides = [1, 1]} : vector<1x515xf32> to vector<1x3xf32>
      %swap3A_245 = arith.constant 0 : index
      %swap3A_246 = arith.index_cast %scan3A_4 : i32 to index
      %swap3A_247 = arith.constant 9 : index
      %swap3A_248 = arith.constant 0 : index
      %swap3A_249 = vector.load %arg5[%swap3A_245, %swap3A_246, %swap3A_247, %swap3A_248] : memref<1x32x24x3xf32, #tpu.memory_space<vmem>>, vector<1x1x1x3xf32>
      %swap3A_250 = vector.shape_cast %swap3A_249 : vector<1x1x1x3xf32> to vector<1x3xf32>
      %swap3A_251 = vector.shape_cast %slice3A_244 : vector<1x3xf32> to vector<1x1x1x3xf32>
      tpu.vector_store %arg5[%swap3A_245, %swap3A_246, %swap3A_247, %swap3A_248], %swap3A_251 {strides = array<i32>} : memref<1x32x24x3xf32, #tpu.memory_space<vmem>>, vector<1x1x1x3xf32>,
      %get3A_252 = arith.constant 0 : index
      %get3A_253 = arith.index_cast %scan3A_4 : i32 to index
      %get3A_254 = arith.constant 10 : index
      %get3A_255 = memref.load %arg2[%get3A_252, %get3A_253, %get3A_254] : memref<1x32x24xi32, #tpu.memory_space<smem>>
      %get3A_256 = arith.constant 0 : index
      %get3A_257 = arith.index_cast %get3A_255 : i32 to index
      %get3A_258 = arith.constant 0 : index
      %get3A_259 = vector.load %arg3[%get3A_256, %get3A_257, %get3A_258] : memref<1x256x515xf32, #tpu.memory_space<vmem>>, vector<1x1x515xf32>
      %get3A_260 = vector.shape_cast %get3A_259 : vector<1x1x515xf32> to vector<1x515xf32>
      %slice3A_261 = vector.extract_strided_slice %get3A_260 {offsets = [0, 0], sizes = [1, 512], strides = [1, 1]} : vector<1x515xf32> to vector<1x512xf32>
      %swap3A_262 = arith.constant 0 : index
      %swap3A_263 = arith.index_cast %scan3A_4 : i32 to index
      %swap3A_264 = arith.constant 10 : index
      %swap3A_265 = arith.constant 0 : index
      %swap3A_266 = vector.load %arg4[%swap3A_262, %swap3A_263, %swap3A_264, %swap3A_265] : memref<1x32x24x512xf32, #tpu.memory_space<vmem>>, vector<1x1x1x512xf32>
      %swap3A_267 = vector.shape_cast %swap3A_266 : vector<1x1x1x512xf32> to vector<1x512xf32>
      %swap3A_268 = vector.shape_cast %slice3A_261 : vector<1x512xf32> to vector<1x1x1x512xf32>
      tpu.vector_store %arg4[%swap3A_262, %swap3A_263, %swap3A_264, %swap3A_265], %swap3A_268 {strides = array<i32>} : memref<1x32x24x512xf32, #tpu.memory_space<vmem>>, vector<1x1x1x512xf32>,
      %slice3A_269 = vector.extract_strided_slice %get3A_260 {offsets = [0, 512], sizes = [1, 3], strides = [1, 1]} : vector<1x515xf32> to vector<1x3xf32>
      %swap3A_270 = arith.constant 0 : index
      %swap3A_271 = arith.index_cast %scan3A_4 : i32 to index
      %swap3A_272 = arith.constant 10 : index
      %swap3A_273 = arith.constant 0 : index
      %swap3A_274 = vector.load %arg5[%swap3A_270, %swap3A_271, %swap3A_272, %swap3A_273] : memref<1x32x24x3xf32, #tpu.memory_space<vmem>>, vector<1x1x1x3xf32>
      %swap3A_275 = vector.shape_cast %swap3A_274 : vector<1x1x1x3xf32> to vector<1x3xf32>
      %swap3A_276 = vector.shape_cast %slice3A_269 : vector<1x3xf32> to vector<1x1x1x3xf32>
      tpu.vector_store %arg5[%swap3A_270, %swap3A_271, %swap3A_272, %swap3A_273], %swap3A_276 {strides = array<i32>} : memref<1x32x24x3xf32, #tpu.memory_space<vmem>>, vector<1x1x1x3xf32>,
      %get3A_277 = arith.constant 0 : index
      %get3A_278 = arith.index_cast %scan3A_4 : i32 to index
      %get3A_279 = arith.constant 11 : index
      %get3A_280 = memref.load %arg2[%get3A_277, %get3A_278, %get3A_279] : memref<1x32x24xi32, #tpu.memory_space<smem>>
      %get3A_281 = arith.constant 0 : index
      %get3A_282 = arith.index_cast %get3A_280 : i32 to index
      %get3A_283 = arith.constant 0 : index
      %get3A_284 = vector.load %arg3[%get3A_281, %get3A_282, %get3A_283] : memref<1x256x515xf32, #tpu.memory_space<vmem>>, vector<1x1x515xf32>
      %get3A_285 = vector.shape_cast %get3A_284 : vector<1x1x515xf32> to vector<1x515xf32>
      %slice3A_286 = vector.extract_strided_slice %get3A_285 {offsets = [0, 0], sizes = [1, 512], strides = [1, 1]} : vector<1x515xf32> to vector<1x512xf32>
      %swap3A_287 = arith.constant 0 : index
      %swap3A_288 = arith.index_cast %scan3A_4 : i32 to index
      %swap3A_289 = arith.constant 11 : index
      %swap3A_290 = arith.constant 0 : index
      %swap3A_291 = vector.load %arg4[%swap3A_287, %swap3A_288, %swap3A_289, %swap3A_290] : memref<1x32x24x512xf32, #tpu.memory_space<vmem>>, vector<1x1x1x512xf32>
      %swap3A_292 = vector.shape_cast %swap3A_291 : vector<1x1x1x512xf32> to vector<1x512xf32>
      %swap3A_293 = vector.shape_cast %slice3A_286 : vector<1x512xf32> to vector<1x1x1x512xf32>
      tpu.vector_store %arg4[%swap3A_287, %swap3A_288, %swap3A_289, %swap3A_290], %swap3A_293 {strides = array<i32>} : memref<1x32x24x512xf32, #tpu.memory_space<vmem>>, vector<1x1x1x512xf32>,
      %slice3A_294 = vector.extract_strided_slice %get3A_285 {offsets = [0, 512], sizes = [1, 3], strides = [1, 1]} : vector<1x515xf32> to vector<1x3xf32>
      %swap3A_295 = arith.constant 0 : index
      %swap3A_296 = arith.index_cast %scan3A_4 : i32 to index
      %swap3A_297 = arith.constant 11 : index
      %swap3A_298 = arith.constant 0 : index
      %swap3A_299 = vector.load %arg5[%swap3A_295, %swap3A_296, %swap3A_297, %swap3A_298] : memref<1x32x24x3xf32, #tpu.memory_space<vmem>>, vector<1x1x1x3xf32>
      %swap3A_300 = vector.shape_cast %swap3A_299 : vector<1x1x1x3xf32> to vector<1x3xf32>
      %swap3A_301 = vector.shape_cast %slice3A_294 : vector<1x3xf32> to vector<1x1x1x3xf32>
      tpu.vector_store %arg5[%swap3A_295, %swap3A_296, %swap3A_297, %swap3A_298], %swap3A_301 {strides = array<i32>} : memref<1x32x24x3xf32, #tpu.memory_space<vmem>>, vector<1x1x1x3xf32>,
      %get3A_302 = arith.constant 0 : index
      %get3A_303 = arith.index_cast %scan3A_4 : i32 to index
      %get3A_304 = arith.constant 12 : index
      %get3A_305 = memref.load %arg2[%get3A_302, %get3A_303, %get3A_304] : memref<1x32x24xi32, #tpu.memory_space<smem>>
      %get3A_306 = arith.constant 0 : index
      %get3A_307 = arith.index_cast %get3A_305 : i32 to index
      %get3A_308 = arith.constant 0 : index
      %get3A_309 = vector.load %arg3[%get3A_306, %get3A_307, %get3A_308] : memref<1x256x515xf32, #tpu.memory_space<vmem>>, vector<1x1x515xf32>
      %get3A_310 = vector.shape_cast %get3A_309 : vector<1x1x515xf32> to vector<1x515xf32>
      %slice3A_311 = vector.extract_strided_slice %get3A_310 {offsets = [0, 0], sizes = [1, 512], strides = [1, 1]} : vector<1x515xf32> to vector<1x512xf32>
      %swap3A_312 = arith.constant 0 : index
      %swap3A_313 = arith.index_cast %scan3A_4 : i32 to index
      %swap3A_314 = arith.constant 12 : index
      %swap3A_315 = arith.constant 0 : index
      %swap3A_316 = vector.load %arg4[%swap3A_312, %swap3A_313, %swap3A_314, %swap3A_315] : memref<1x32x24x512xf32, #tpu.memory_space<vmem>>, vector<1x1x1x512xf32>
      %swap3A_317 = vector.shape_cast %swap3A_316 : vector<1x1x1x512xf32> to vector<1x512xf32>
      %swap3A_318 = vector.shape_cast %slice3A_311 : vector<1x512xf32> to vector<1x1x1x512xf32>
      tpu.vector_store %arg4[%swap3A_312, %swap3A_313, %swap3A_314, %swap3A_315], %swap3A_318 {strides = array<i32>} : memref<1x32x24x512xf32, #tpu.memory_space<vmem>>, vector<1x1x1x512xf32>,
      %slice3A_319 = vector.extract_strided_slice %get3A_310 {offsets = [0, 512], sizes = [1, 3], strides = [1, 1]} : vector<1x515xf32> to vector<1x3xf32>
      %swap3A_320 = arith.constant 0 : index
      %swap3A_321 = arith.index_cast %scan3A_4 : i32 to index
      %swap3A_322 = arith.constant 12 : index
      %swap3A_323 = arith.constant 0 : index
      %swap3A_324 = vector.load %arg5[%swap3A_320, %swap3A_321, %swap3A_322, %swap3A_323] : memref<1x32x24x3xf32, #tpu.memory_space<vmem>>, vector<1x1x1x3xf32>
      %swap3A_325 = vector.shape_cast %swap3A_324 : vector<1x1x1x3xf32> to vector<1x3xf32>
      %swap3A_326 = vector.shape_cast %slice3A_319 : vector<1x3xf32> to vector<1x1x1x3xf32>
      tpu.vector_store %arg5[%swap3A_320, %swap3A_321, %swap3A_322, %swap3A_323], %swap3A_326 {strides = array<i32>} : memref<1x32x24x3xf32, #tpu.memory_space<vmem>>, vector<1x1x1x3xf32>,
      %get3A_327 = arith.constant 0 : index
      %get3A_328 = arith.index_cast %scan3A_4 : i32 to index
      %get3A_329 = arith.constant 13 : index
      %get3A_330 = memref.load %arg2[%get3A_327, %get3A_328, %get3A_329] : memref<1x32x24xi32, #tpu.memory_space<smem>>
      %get3A_331 = arith.constant 0 : index
      %get3A_332 = arith.index_cast %get3A_330 : i32 to index
      %get3A_333 = arith.constant 0 : index
      %get3A_334 = vector.load %arg3[%get3A_331, %get3A_332, %get3A_333] : memref<1x256x515xf32, #tpu.memory_space<vmem>>, vector<1x1x515xf32>
      %get3A_335 = vector.shape_cast %get3A_334 : vector<1x1x515xf32> to vector<1x515xf32>
      %slice3A_336 = vector.extract_strided_slice %get3A_335 {offsets = [0, 0], sizes = [1, 512], strides = [1, 1]} : vector<1x515xf32> to vector<1x512xf32>
      %swap3A_337 = arith.constant 0 : index
      %swap3A_338 = arith.index_cast %scan3A_4 : i32 to index
      %swap3A_339 = arith.constant 13 : index
      %swap3A_340 = arith.constant 0 : index
      %swap3A_341 = vector.load %arg4[%swap3A_337, %swap3A_338, %swap3A_339, %swap3A_340] : memref<1x32x24x512xf32, #tpu.memory_space<vmem>>, vector<1x1x1x512xf32>
      %swap3A_342 = vector.shape_cast %swap3A_341 : vector<1x1x1x512xf32> to vector<1x512xf32>
      %swap3A_343 = vector.shape_cast %slice3A_336 : vector<1x512xf32> to vector<1x1x1x512xf32>
      tpu.vector_store %arg4[%swap3A_337, %swap3A_338, %swap3A_339, %swap3A_340], %swap3A_343 {strides = array<i32>} : memref<1x32x24x512xf32, #tpu.memory_space<vmem>>, vector<1x1x1x512xf32>,
      %slice3A_344 = vector.extract_strided_slice %get3A_335 {offsets = [0, 512], sizes = [1, 3], strides = [1, 1]} : vector<1x515xf32> to vector<1x3xf32>
      %swap3A_345 = arith.constant 0 : index
      %swap3A_346 = arith.index_cast %scan3A_4 : i32 to index
      %swap3A_347 = arith.constant 13 : index
      %swap3A_348 = arith.constant 0 : index
      %swap3A_349 = vector.load %arg5[%swap3A_345, %swap3A_346, %swap3A_347, %swap3A_348] : memref<1x32x24x3xf32, #tpu.memory_space<vmem>>, vector<1x1x1x3xf32>
      %swap3A_350 = vector.shape_cast %swap3A_349 : vector<1x1x1x3xf32> to vector<1x3xf32>
      %swap3A_351 = vector.shape_cast %slice3A_344 : vector<1x3xf32> to vector<1x1x1x3xf32>
      tpu.vector_store %arg5[%swap3A_345, %swap3A_346, %swap3A_347, %swap3A_348], %swap3A_351 {strides = array<i32>} : memref<1x32x24x3xf32, #tpu.memory_space<vmem>>, vector<1x1x1x3xf32>,
      %get3A_352 = arith.constant 0 : index
      %get3A_353 = arith.index_cast %scan3A_4 : i32 to index
      %get3A_354 = arith.constant 14 : index
      %get3A_355 = memref.load %arg2[%get3A_352, %get3A_353, %get3A_354] : memref<1x32x24xi32, #tpu.memory_space<smem>>
      %get3A_356 = arith.constant 0 : index
      %get3A_357 = arith.index_cast %get3A_355 : i32 to index
      %get3A_358 = arith.constant 0 : index
      %get3A_359 = vector.load %arg3[%get3A_356, %get3A_357, %get3A_358] : memref<1x256x515xf32, #tpu.memory_space<vmem>>, vector<1x1x515xf32>
      %get3A_360 = vector.shape_cast %get3A_359 : vector<1x1x515xf32> to vector<1x515xf32>
      %slice3A_361 = vector.extract_strided_slice %get3A_360 {offsets = [0, 0], sizes = [1, 512], strides = [1, 1]} : vector<1x515xf32> to vector<1x512xf32>
      %swap3A_362 = arith.constant 0 : index
      %swap3A_363 = arith.index_cast %scan3A_4 : i32 to index
      %swap3A_364 = arith.constant 14 : index
      %swap3A_365 = arith.constant 0 : index
      %swap3A_366 = vector.load %arg4[%swap3A_362, %swap3A_363, %swap3A_364, %swap3A_365] : memref<1x32x24x512xf32, #tpu.memory_space<vmem>>, vector<1x1x1x512xf32>
      %swap3A_367 = vector.shape_cast %swap3A_366 : vector<1x1x1x512xf32> to vector<1x512xf32>
      %swap3A_368 = vector.shape_cast %slice3A_361 : vector<1x512xf32> to vector<1x1x1x512xf32>
      tpu.vector_store %arg4[%swap3A_362, %swap3A_363, %swap3A_364, %swap3A_365], %swap3A_368 {strides = array<i32>} : memref<1x32x24x512xf32, #tpu.memory_space<vmem>>, vector<1x1x1x512xf32>,
      %slice3A_369 = vector.extract_strided_slice %get3A_360 {offsets = [0, 512], sizes = [1, 3], strides = [1, 1]} : vector<1x515xf32> to vector<1x3xf32>
      %swap3A_370 = arith.constant 0 : index
      %swap3A_371 = arith.index_cast %scan3A_4 : i32 to index
      %swap3A_372 = arith.constant 14 : index
      %swap3A_373 = arith.constant 0 : index
      %swap3A_374 = vector.load %arg5[%swap3A_370, %swap3A_371, %swap3A_372, %swap3A_373] : memref<1x32x24x3xf32, #tpu.memory_space<vmem>>, vector<1x1x1x3xf32>
      %swap3A_375 = vector.shape_cast %swap3A_374 : vector<1x1x1x3xf32> to vector<1x3xf32>
      %swap3A_376 = vector.shape_cast %slice3A_369 : vector<1x3xf32> to vector<1x1x1x3xf32>
      tpu.vector_store %arg5[%swap3A_370, %swap3A_371, %swap3A_372, %swap3A_373], %swap3A_376 {strides = array<i32>} : memref<1x32x24x3xf32, #tpu.memory_space<vmem>>, vector<1x1x1x3xf32>,
      %get3A_377 = arith.constant 0 : index
      %get3A_378 = arith.index_cast %scan3A_4 : i32 to index
      %get3A_379 = arith.constant 15 : index
      %get3A_380 = memref.load %arg2[%get3A_377, %get3A_378, %get3A_379] : memref<1x32x24xi32, #tpu.memory_space<smem>>
      %get3A_381 = arith.constant 0 : index
      %get3A_382 = arith.index_cast %get3A_380 : i32 to index
      %get3A_383 = arith.constant 0 : index
      %get3A_384 = vector.load %arg3[%get3A_381, %get3A_382, %get3A_383] : memref<1x256x515xf32, #tpu.memory_space<vmem>>, vector<1x1x515xf32>
      %get3A_385 = vector.shape_cast %get3A_384 : vector<1x1x515xf32> to vector<1x515xf32>
      %slice3A_386 = vector.extract_strided_slice %get3A_385 {offsets = [0, 0], sizes = [1, 512], strides = [1, 1]} : vector<1x515xf32> to vector<1x512xf32>
      %swap3A_387 = arith.constant 0 : index
      %swap3A_388 = arith.index_cast %scan3A_4 : i32 to index
      %swap3A_389 = arith.constant 15 : index
      %swap3A_390 = arith.constant 0 : index
      %swap3A_391 = vector.load %arg4[%swap3A_387, %swap3A_388, %swap3A_389, %swap3A_390] : memref<1x32x24x512xf32, #tpu.memory_space<vmem>>, vector<1x1x1x512xf32>
      %swap3A_392 = vector.shape_cast %swap3A_391 : vector<1x1x1x512xf32> to vector<1x512xf32>
      %swap3A_393 = vector.shape_cast %slice3A_386 : vector<1x512xf32> to vector<1x1x1x512xf32>
      tpu.vector_store %arg4[%swap3A_387, %swap3A_388, %swap3A_389, %swap3A_390], %swap3A_393 {strides = array<i32>} : memref<1x32x24x512xf32, #tpu.memory_space<vmem>>, vector<1x1x1x512xf32>,
      %slice3A_394 = vector.extract_strided_slice %get3A_385 {offsets = [0, 512], sizes = [1, 3], strides = [1, 1]} : vector<1x515xf32> to vector<1x3xf32>
      %swap3A_395 = arith.constant 0 : index
      %swap3A_396 = arith.index_cast %scan3A_4 : i32 to index
      %swap3A_397 = arith.constant 15 : index
      %swap3A_398 = arith.constant 0 : index
      %swap3A_399 = vector.load %arg5[%swap3A_395, %swap3A_396, %swap3A_397, %swap3A_398] : memref<1x32x24x3xf32, #tpu.memory_space<vmem>>, vector<1x1x1x3xf32>
      %swap3A_400 = vector.shape_cast %swap3A_399 : vector<1x1x1x3xf32> to vector<1x3xf32>
      %swap3A_401 = vector.shape_cast %slice3A_394 : vector<1x3xf32> to vector<1x1x1x3xf32>
      tpu.vector_store %arg5[%swap3A_395, %swap3A_396, %swap3A_397, %swap3A_398], %swap3A_401 {strides = array<i32>} : memref<1x32x24x3xf32, #tpu.memory_space<vmem>>, vector<1x1x1x3xf32>,
      %get3A_402 = arith.constant 0 : index
      %get3A_403 = arith.index_cast %scan3A_4 : i32 to index
      %get3A_404 = arith.constant 16 : index
      %get3A_405 = memref.load %arg2[%get3A_402, %get3A_403, %get3A_404] : memref<1x32x24xi32, #tpu.memory_space<smem>>
      %get3A_406 = arith.constant 0 : index
      %get3A_407 = arith.index_cast %get3A_405 : i32 to index
      %get3A_408 = arith.constant 0 : index
      %get3A_409 = vector.load %arg3[%get3A_406, %get3A_407, %get3A_408] : memref<1x256x515xf32, #tpu.memory_space<vmem>>, vector<1x1x515xf32>
      %get3A_410 = vector.shape_cast %get3A_409 : vector<1x1x515xf32> to vector<1x515xf32>
      %slice3A_411 = vector.extract_strided_slice %get3A_410 {offsets = [0, 0], sizes = [1, 512], strides = [1, 1]} : vector<1x515xf32> to vector<1x512xf32>
      %swap3A_412 = arith.constant 0 : index
      %swap3A_413 = arith.index_cast %scan3A_4 : i32 to index
      %swap3A_414 = arith.constant 16 : index
      %swap3A_415 = arith.constant 0 : index
      %swap3A_416 = vector.load %arg4[%swap3A_412, %swap3A_413, %swap3A_414, %swap3A_415] : memref<1x32x24x512xf32, #tpu.memory_space<vmem>>, vector<1x1x1x512xf32>
      %swap3A_417 = vector.shape_cast %swap3A_416 : vector<1x1x1x512xf32> to vector<1x512xf32>
      %swap3A_418 = vector.shape_cast %slice3A_411 : vector<1x512xf32> to vector<1x1x1x512xf32>
      tpu.vector_store %arg4[%swap3A_412, %swap3A_413, %swap3A_414, %swap3A_415], %swap3A_418 {strides = array<i32>} : memref<1x32x24x512xf32, #tpu.memory_space<vmem>>, vector<1x1x1x512xf32>,
      %slice3A_419 = vector.extract_strided_slice %get3A_410 {offsets = [0, 512], sizes = [1, 3], strides = [1, 1]} : vector<1x515xf32> to vector<1x3xf32>
      %swap3A_420 = arith.constant 0 : index
      %swap3A_421 = arith.index_cast %scan3A_4 : i32 to index
      %swap3A_422 = arith.constant 16 : index
      %swap3A_423 = arith.constant 0 : index
      %swap3A_424 = vector.load %arg5[%swap3A_420, %swap3A_421, %swap3A_422, %swap3A_423] : memref<1x32x24x3xf32, #tpu.memory_space<vmem>>, vector<1x1x1x3xf32>
      %swap3A_425 = vector.shape_cast %swap3A_424 : vector<1x1x1x3xf32> to vector<1x3xf32>
      %swap3A_426 = vector.shape_cast %slice3A_419 : vector<1x3xf32> to vector<1x1x1x3xf32>
      tpu.vector_store %arg5[%swap3A_420, %swap3A_421, %swap3A_422, %swap3A_423], %swap3A_426 {strides = array<i32>} : memref<1x32x24x3xf32, #tpu.memory_space<vmem>>, vector<1x1x1x3xf32>,
      %get3A_427 = arith.constant 0 : index
      %get3A_428 = arith.index_cast %scan3A_4 : i32 to index
      %get3A_429 = arith.constant 17 : index
      %get3A_430 = memref.load %arg2[%get3A_427, %get3A_428, %get3A_429] : memref<1x32x24xi32, #tpu.memory_space<smem>>
      %get3A_431 = arith.constant 0 : index
      %get3A_432 = arith.index_cast %get3A_430 : i32 to index
      %get3A_433 = arith.constant 0 : index
      %get3A_434 = vector.load %arg3[%get3A_431, %get3A_432, %get3A_433] : memref<1x256x515xf32, #tpu.memory_space<vmem>>, vector<1x1x515xf32>
      %get3A_435 = vector.shape_cast %get3A_434 : vector<1x1x515xf32> to vector<1x515xf32>
      %slice3A_436 = vector.extract_strided_slice %get3A_435 {offsets = [0, 0], sizes = [1, 512], strides = [1, 1]} : vector<1x515xf32> to vector<1x512xf32>
      %swap3A_437 = arith.constant 0 : index
      %swap3A_438 = arith.index_cast %scan3A_4 : i32 to index
      %swap3A_439 = arith.constant 17 : index
      %swap3A_440 = arith.constant 0 : index
      %swap3A_441 = vector.load %arg4[%swap3A_437, %swap3A_438, %swap3A_439, %swap3A_440] : memref<1x32x24x512xf32, #tpu.memory_space<vmem>>, vector<1x1x1x512xf32>
      %swap3A_442 = vector.shape_cast %swap3A_441 : vector<1x1x1x512xf32> to vector<1x512xf32>
      %swap3A_443 = vector.shape_cast %slice3A_436 : vector<1x512xf32> to vector<1x1x1x512xf32>
      tpu.vector_store %arg4[%swap3A_437, %swap3A_438, %swap3A_439, %swap3A_440], %swap3A_443 {strides = array<i32>} : memref<1x32x24x512xf32, #tpu.memory_space<vmem>>, vector<1x1x1x512xf32>,
      %slice3A_444 = vector.extract_strided_slice %get3A_435 {offsets = [0, 512], sizes = [1, 3], strides = [1, 1]} : vector<1x515xf32> to vector<1x3xf32>
      %swap3A_445 = arith.constant 0 : index
      %swap3A_446 = arith.index_cast %scan3A_4 : i32 to index
      %swap3A_447 = arith.constant 17 : index
      %swap3A_448 = arith.constant 0 : index
      %swap3A_449 = vector.load %arg5[%swap3A_445, %swap3A_446, %swap3A_447, %swap3A_448] : memref<1x32x24x3xf32, #tpu.memory_space<vmem>>, vector<1x1x1x3xf32>
      %swap3A_450 = vector.shape_cast %swap3A_449 : vector<1x1x1x3xf32> to vector<1x3xf32>
      %swap3A_451 = vector.shape_cast %slice3A_444 : vector<1x3xf32> to vector<1x1x1x3xf32>
      tpu.vector_store %arg5[%swap3A_445, %swap3A_446, %swap3A_447, %swap3A_448], %swap3A_451 {strides = array<i32>} : memref<1x32x24x3xf32, #tpu.memory_space<vmem>>, vector<1x1x1x3xf32>,
      %get3A_452 = arith.constant 0 : index
      %get3A_453 = arith.index_cast %scan3A_4 : i32 to index
      %get3A_454 = arith.constant 18 : index
      %get3A_455 = memref.load %arg2[%get3A_452, %get3A_453, %get3A_454] : memref<1x32x24xi32, #tpu.memory_space<smem>>
      %get3A_456 = arith.constant 0 : index
      %get3A_457 = arith.index_cast %get3A_455 : i32 to index
      %get3A_458 = arith.constant 0 : index
      %get3A_459 = vector.load %arg3[%get3A_456, %get3A_457, %get3A_458] : memref<1x256x515xf32, #tpu.memory_space<vmem>>, vector<1x1x515xf32>
      %get3A_460 = vector.shape_cast %get3A_459 : vector<1x1x515xf32> to vector<1x515xf32>
      %slice3A_461 = vector.extract_strided_slice %get3A_460 {offsets = [0, 0], sizes = [1, 512], strides = [1, 1]} : vector<1x515xf32> to vector<1x512xf32>
      %swap3A_462 = arith.constant 0 : index
      %swap3A_463 = arith.index_cast %scan3A_4 : i32 to index
      %swap3A_464 = arith.constant 18 : index
      %swap3A_465 = arith.constant 0 : index
      %swap3A_466 = vector.load %arg4[%swap3A_462, %swap3A_463, %swap3A_464, %swap3A_465] : memref<1x32x24x512xf32, #tpu.memory_space<vmem>>, vector<1x1x1x512xf32>
      %swap3A_467 = vector.shape_cast %swap3A_466 : vector<1x1x1x512xf32> to vector<1x512xf32>
      %swap3A_468 = vector.shape_cast %slice3A_461 : vector<1x512xf32> to vector<1x1x1x512xf32>
      tpu.vector_store %arg4[%swap3A_462, %swap3A_463, %swap3A_464, %swap3A_465], %swap3A_468 {strides = array<i32>} : memref<1x32x24x512xf32, #tpu.memory_space<vmem>>, vector<1x1x1x512xf32>,
      %slice3A_469 = vector.extract_strided_slice %get3A_460 {offsets = [0, 512], sizes = [1, 3], strides = [1, 1]} : vector<1x515xf32> to vector<1x3xf32>
      %swap3A_470 = arith.constant 0 : index
      %swap3A_471 = arith.index_cast %scan3A_4 : i32 to index
      %swap3A_472 = arith.constant 18 : index
      %swap3A_473 = arith.constant 0 : index
      %swap3A_474 = vector.load %arg5[%swap3A_470, %swap3A_471, %swap3A_472, %swap3A_473] : memref<1x32x24x3xf32, #tpu.memory_space<vmem>>, vector<1x1x1x3xf32>
      %swap3A_475 = vector.shape_cast %swap3A_474 : vector<1x1x1x3xf32> to vector<1x3xf32>
      %swap3A_476 = vector.shape_cast %slice3A_469 : vector<1x3xf32> to vector<1x1x1x3xf32>
      tpu.vector_store %arg5[%swap3A_470, %swap3A_471, %swap3A_472, %swap3A_473], %swap3A_476 {strides = array<i32>} : memref<1x32x24x3xf32, #tpu.memory_space<vmem>>, vector<1x1x1x3xf32>,
      %get3A_477 = arith.constant 0 : index
      %get3A_478 = arith.index_cast %scan3A_4 : i32 to index
      %get3A_479 = arith.constant 19 : index
      %get3A_480 = memref.load %arg2[%get3A_477, %get3A_478, %get3A_479] : memref<1x32x24xi32, #tpu.memory_space<smem>>
      %get3A_481 = arith.constant 0 : index
      %get3A_482 = arith.index_cast %get3A_480 : i32 to index
      %get3A_483 = arith.constant 0 : index
      %get3A_484 = vector.load %arg3[%get3A_481, %get3A_482, %get3A_483] : memref<1x256x515xf32, #tpu.memory_space<vmem>>, vector<1x1x515xf32>
      %get3A_485 = vector.shape_cast %get3A_484 : vector<1x1x515xf32> to vector<1x515xf32>
      %slice3A_486 = vector.extract_strided_slice %get3A_485 {offsets = [0, 0], sizes = [1, 512], strides = [1, 1]} : vector<1x515xf32> to vector<1x512xf32>
      %swap3A_487 = arith.constant 0 : index
      %swap3A_488 = arith.index_cast %scan3A_4 : i32 to index
      %swap3A_489 = arith.constant 19 : index
      %swap3A_490 = arith.constant 0 : index
      %swap3A_491 = vector.load %arg4[%swap3A_487, %swap3A_488, %swap3A_489, %swap3A_490] : memref<1x32x24x512xf32, #tpu.memory_space<vmem>>, vector<1x1x1x512xf32>
      %swap3A_492 = vector.shape_cast %swap3A_491 : vector<1x1x1x512xf32> to vector<1x512xf32>
      %swap3A_493 = vector.shape_cast %slice3A_486 : vector<1x512xf32> to vector<1x1x1x512xf32>
      tpu.vector_store %arg4[%swap3A_487, %swap3A_488, %swap3A_489, %swap3A_490], %swap3A_493 {strides = array<i32>} : memref<1x32x24x512xf32, #tpu.memory_space<vmem>>, vector<1x1x1x512xf32>,
      %slice3A_494 = vector.extract_strided_slice %get3A_485 {offsets = [0, 512], sizes = [1, 3], strides = [1, 1]} : vector<1x515xf32> to vector<1x3xf32>
      %swap3A_495 = arith.constant 0 : index
      %swap3A_496 = arith.index_cast %scan3A_4 : i32 to index
      %swap3A_497 = arith.constant 19 : index
      %swap3A_498 = arith.constant 0 : index
      %swap3A_499 = vector.load %arg5[%swap3A_495, %swap3A_496, %swap3A_497, %swap3A_498] : memref<1x32x24x3xf32, #tpu.memory_space<vmem>>, vector<1x1x1x3xf32>
      %swap3A_500 = vector.shape_cast %swap3A_499 : vector<1x1x1x3xf32> to vector<1x3xf32>
      %swap3A_501 = vector.shape_cast %slice3A_494 : vector<1x3xf32> to vector<1x1x1x3xf32>
      tpu.vector_store %arg5[%swap3A_495, %swap3A_496, %swap3A_497, %swap3A_498], %swap3A_501 {strides = array<i32>} : memref<1x32x24x3xf32, #tpu.memory_space<vmem>>, vector<1x1x1x3xf32>,
      %get3A_502 = arith.constant 0 : index
      %get3A_503 = arith.index_cast %scan3A_4 : i32 to index
      %get3A_504 = arith.constant 20 : index
      %get3A_505 = memref.load %arg2[%get3A_502, %get3A_503, %get3A_504] : memref<1x32x24xi32, #tpu.memory_space<smem>>
      %get3A_506 = arith.constant 0 : index
      %get3A_507 = arith.index_cast %get3A_505 : i32 to index
      %get3A_508 = arith.constant 0 : index
      %get3A_509 = vector.load %arg3[%get3A_506, %get3A_507, %get3A_508] : memref<1x256x515xf32, #tpu.memory_space<vmem>>, vector<1x1x515xf32>
      %get3A_510 = vector.shape_cast %get3A_509 : vector<1x1x515xf32> to vector<1x515xf32>
      %slice3A_511 = vector.extract_strided_slice %get3A_510 {offsets = [0, 0], sizes = [1, 512], strides = [1, 1]} : vector<1x515xf32> to vector<1x512xf32>
      %swap3A_512 = arith.constant 0 : index
      %swap3A_513 = arith.index_cast %scan3A_4 : i32 to index
      %swap3A_514 = arith.constant 20 : index
      %swap3A_515 = arith.constant 0 : index
      %swap3A_516 = vector.load %arg4[%swap3A_512, %swap3A_513, %swap3A_514, %swap3A_515] : memref<1x32x24x512xf32, #tpu.memory_space<vmem>>, vector<1x1x1x512xf32>
      %swap3A_517 = vector.shape_cast %swap3A_516 : vector<1x1x1x512xf32> to vector<1x512xf32>
      %swap3A_518 = vector.shape_cast %slice3A_511 : vector<1x512xf32> to vector<1x1x1x512xf32>
      tpu.vector_store %arg4[%swap3A_512, %swap3A_513, %swap3A_514, %swap3A_515], %swap3A_518 {strides = array<i32>} : memref<1x32x24x512xf32, #tpu.memory_space<vmem>>, vector<1x1x1x512xf32>,
      %slice3A_519 = vector.extract_strided_slice %get3A_510 {offsets = [0, 512], sizes = [1, 3], strides = [1, 1]} : vector<1x515xf32> to vector<1x3xf32>
      %swap3A_520 = arith.constant 0 : index
      %swap3A_521 = arith.index_cast %scan3A_4 : i32 to index
      %swap3A_522 = arith.constant 20 : index
      %swap3A_523 = arith.constant 0 : index
      %swap3A_524 = vector.load %arg5[%swap3A_520, %swap3A_521, %swap3A_522, %swap3A_523] : memref<1x32x24x3xf32, #tpu.memory_space<vmem>>, vector<1x1x1x3xf32>
      %swap3A_525 = vector.shape_cast %swap3A_524 : vector<1x1x1x3xf32> to vector<1x3xf32>
      %swap3A_526 = vector.shape_cast %slice3A_519 : vector<1x3xf32> to vector<1x1x1x3xf32>
      tpu.vector_store %arg5[%swap3A_520, %swap3A_521, %swap3A_522, %swap3A_523], %swap3A_526 {strides = array<i32>} : memref<1x32x24x3xf32, #tpu.memory_space<vmem>>, vector<1x1x1x3xf32>,
      %get3A_527 = arith.constant 0 : index
      %get3A_528 = arith.index_cast %scan3A_4 : i32 to index
      %get3A_529 = arith.constant 21 : index
      %get3A_530 = memref.load %arg2[%get3A_527, %get3A_528, %get3A_529] : memref<1x32x24xi32, #tpu.memory_space<smem>>
      %get3A_531 = arith.constant 0 : index
      %get3A_532 = arith.index_cast %get3A_530 : i32 to index
      %get3A_533 = arith.constant 0 : index
      %get3A_534 = vector.load %arg3[%get3A_531, %get3A_532, %get3A_533] : memref<1x256x515xf32, #tpu.memory_space<vmem>>, vector<1x1x515xf32>
      %get3A_535 = vector.shape_cast %get3A_534 : vector<1x1x515xf32> to vector<1x515xf32>
      %slice3A_536 = vector.extract_strided_slice %get3A_535 {offsets = [0, 0], sizes = [1, 512], strides = [1, 1]} : vector<1x515xf32> to vector<1x512xf32>
      %swap3A_537 = arith.constant 0 : index
      %swap3A_538 = arith.index_cast %scan3A_4 : i32 to index
      %swap3A_539 = arith.constant 21 : index
      %swap3A_540 = arith.constant 0 : index
      %swap3A_541 = vector.load %arg4[%swap3A_537, %swap3A_538, %swap3A_539, %swap3A_540] : memref<1x32x24x512xf32, #tpu.memory_space<vmem>>, vector<1x1x1x512xf32>
      %swap3A_542 = vector.shape_cast %swap3A_541 : vector<1x1x1x512xf32> to vector<1x512xf32>
      %swap3A_543 = vector.shape_cast %slice3A_536 : vector<1x512xf32> to vector<1x1x1x512xf32>
      tpu.vector_store %arg4[%swap3A_537, %swap3A_538, %swap3A_539, %swap3A_540], %swap3A_543 {strides = array<i32>} : memref<1x32x24x512xf32, #tpu.memory_space<vmem>>, vector<1x1x1x512xf32>,
      %slice3A_544 = vector.extract_strided_slice %get3A_535 {offsets = [0, 512], sizes = [1, 3], strides = [1, 1]} : vector<1x515xf32> to vector<1x3xf32>
      %swap3A_545 = arith.constant 0 : index
      %swap3A_546 = arith.index_cast %scan3A_4 : i32 to index
      %swap3A_547 = arith.constant 21 : index
      %swap3A_548 = arith.constant 0 : index
      %swap3A_549 = vector.load %arg5[%swap3A_545, %swap3A_546, %swap3A_547, %swap3A_548] : memref<1x32x24x3xf32, #tpu.memory_space<vmem>>, vector<1x1x1x3xf32>
      %swap3A_550 = vector.shape_cast %swap3A_549 : vector<1x1x1x3xf32> to vector<1x3xf32>
      %swap3A_551 = vector.shape_cast %slice3A_544 : vector<1x3xf32> to vector<1x1x1x3xf32>
      tpu.vector_store %arg5[%swap3A_545, %swap3A_546, %swap3A_547, %swap3A_548], %swap3A_551 {strides = array<i32>} : memref<1x32x24x3xf32, #tpu.memory_space<vmem>>, vector<1x1x1x3xf32>,
      %get3A_552 = arith.constant 0 : index
      %get3A_553 = arith.index_cast %scan3A_4 : i32 to index
      %get3A_554 = arith.constant 22 : index
      %get3A_555 = memref.load %arg2[%get3A_552, %get3A_553, %get3A_554] : memref<1x32x24xi32, #tpu.memory_space<smem>>
      %get3A_556 = arith.constant 0 : index
      %get3A_557 = arith.index_cast %get3A_555 : i32 to index
      %get3A_558 = arith.constant 0 : index
      %get3A_559 = vector.load %arg3[%get3A_556, %get3A_557, %get3A_558] : memref<1x256x515xf32, #tpu.memory_space<vmem>>, vector<1x1x515xf32>
      %get3A_560 = vector.shape_cast %get3A_559 : vector<1x1x515xf32> to vector<1x515xf32>
      %slice3A_561 = vector.extract_strided_slice %get3A_560 {offsets = [0, 0], sizes = [1, 512], strides = [1, 1]} : vector<1x515xf32> to vector<1x512xf32>
      %swap3A_562 = arith.constant 0 : index
      %swap3A_563 = arith.index_cast %scan3A_4 : i32 to index
      %swap3A_564 = arith.constant 22 : index
      %swap3A_565 = arith.constant 0 : index
      %swap3A_566 = vector.load %arg4[%swap3A_562, %swap3A_563, %swap3A_564, %swap3A_565] : memref<1x32x24x512xf32, #tpu.memory_space<vmem>>, vector<1x1x1x512xf32>
      %swap3A_567 = vector.shape_cast %swap3A_566 : vector<1x1x1x512xf32> to vector<1x512xf32>
      %swap3A_568 = vector.shape_cast %slice3A_561 : vector<1x512xf32> to vector<1x1x1x512xf32>
      tpu.vector_store %arg4[%swap3A_562, %swap3A_563, %swap3A_564, %swap3A_565], %swap3A_568 {strides = array<i32>} : memref<1x32x24x512xf32, #tpu.memory_space<vmem>>, vector<1x1x1x512xf32>,
      %slice3A_569 = vector.extract_strided_slice %get3A_560 {offsets = [0, 512], sizes = [1, 3], strides = [1, 1]} : vector<1x515xf32> to vector<1x3xf32>
      %swap3A_570 = arith.constant 0 : index
      %swap3A_571 = arith.index_cast %scan3A_4 : i32 to index
      %swap3A_572 = arith.constant 22 : index
      %swap3A_573 = arith.constant 0 : index
      %swap3A_574 = vector.load %arg5[%swap3A_570, %swap3A_571, %swap3A_572, %swap3A_573] : memref<1x32x24x3xf32, #tpu.memory_space<vmem>>, vector<1x1x1x3xf32>
      %swap3A_575 = vector.shape_cast %swap3A_574 : vector<1x1x1x3xf32> to vector<1x3xf32>
      %swap3A_576 = vector.shape_cast %slice3A_569 : vector<1x3xf32> to vector<1x1x1x3xf32>
      tpu.vector_store %arg5[%swap3A_570, %swap3A_571, %swap3A_572, %swap3A_573], %swap3A_576 {strides = array<i32>} : memref<1x32x24x3xf32, #tpu.memory_space<vmem>>, vector<1x1x1x3xf32>,
      %get3A_577 = arith.constant 0 : index
      %get3A_578 = arith.index_cast %scan3A_4 : i32 to index
      %get3A_579 = arith.constant 23 : index
      %get3A_580 = memref.load %arg2[%get3A_577, %get3A_578, %get3A_579] : memref<1x32x24xi32, #tpu.memory_space<smem>>
      %get3A_581 = arith.constant 0 : index
      %get3A_582 = arith.index_cast %get3A_580 : i32 to index
      %get3A_583 = arith.constant 0 : index
      %get3A_584 = vector.load %arg3[%get3A_581, %get3A_582, %get3A_583] : memref<1x256x515xf32, #tpu.memory_space<vmem>>, vector<1x1x515xf32>
      %get3A_585 = vector.shape_cast %get3A_584 : vector<1x1x515xf32> to vector<1x515xf32>
      %slice3A_586 = vector.extract_strided_slice %get3A_585 {offsets = [0, 0], sizes = [1, 512], strides = [1, 1]} : vector<1x515xf32> to vector<1x512xf32>
      %swap3A_587 = arith.constant 0 : index
      %swap3A_588 = arith.index_cast %scan3A_4 : i32 to index
      %swap3A_589 = arith.constant 23 : index
      %swap3A_590 = arith.constant 0 : index
      %swap3A_591 = vector.load %arg4[%swap3A_587, %swap3A_588, %swap3A_589, %swap3A_590] : memref<1x32x24x512xf32, #tpu.memory_space<vmem>>, vector<1x1x1x512xf32>
      %swap3A_592 = vector.shape_cast %swap3A_591 : vector<1x1x1x512xf32> to vector<1x512xf32>
      %swap3A_593 = vector.shape_cast %slice3A_586 : vector<1x512xf32> to vector<1x1x1x512xf32>
      tpu.vector_store %arg4[%swap3A_587, %swap3A_588, %swap3A_589, %swap3A_590], %swap3A_593 {strides = array<i32>} : memref<1x32x24x512xf32, #tpu.memory_space<vmem>>, vector<1x1x1x512xf32>,
      %slice3A_594 = vector.extract_strided_slice %get3A_585 {offsets = [0, 512], sizes = [1, 3], strides = [1, 1]} : vector<1x515xf32> to vector<1x3xf32>
      %swap3A_595 = arith.constant 0 : index
      %swap3A_596 = arith.index_cast %scan3A_4 : i32 to index
      %swap3A_597 = arith.constant 23 : index
      %swap3A_598 = arith.constant 0 : index
      %swap3A_599 = vector.load %arg5[%swap3A_595, %swap3A_596, %swap3A_597, %swap3A_598] : memref<1x32x24x3xf32, #tpu.memory_space<vmem>>, vector<1x1x1x3xf32>
      %swap3A_600 = vector.shape_cast %swap3A_599 : vector<1x1x1x3xf32> to vector<1x3xf32>
      %swap3A_601 = vector.shape_cast %slice3A_594 : vector<1x3xf32> to vector<1x1x1x3xf32>
      tpu.vector_store %arg5[%swap3A_595, %swap3A_596, %swap3A_597, %swap3A_598], %swap3A_601 {strides = array<i32>} : memref<1x32x24x3xf32, #tpu.memory_space<vmem>>, vector<1x1x1x3xf32>,
    }
    %scan3A_3 = arith.constant 32 : i32
    return
  }
  func.func @transform_0(%arg0: i32, %arg1: i32) -> (i32, i32, i32) {
    %c0_i32 = arith.constant 0 : i32
    %c0_i32_0 = arith.constant 0 : i32
    return %arg0, %arg1, %c0_i32 : i32, i32, i32
  }
  func.func @transform_1(%arg0: i32, %arg1: i32) -> (i32, i32, i32) {
    %c0_i32 = arith.constant 0 : i32
    %c0_i32_0 = arith.constant 0 : i32
    %c0_i32_1 = arith.constant 0 : i32
    return %arg0, %c0_i32, %c0_i32_0 : i32, i32, i32
  }
  func.func @transform_2(%arg0: i32, %arg1: i32) -> (i32, i32, i32, i32) {
    %c0_i32 = arith.constant 0 : i32
    %c0_i32_0 = arith.constant 0 : i32
    %c0_i32_1 = arith.constant 0 : i32
    return %arg0, %arg1, %c0_i32, %c0_i32_0 : i32, i32, i32, i32
  }
  func.func @transform_3(%arg0: i32, %arg1: i32) -> (i32, i32, i32, i32) {
    %c0_i32 = arith.constant 0 : i32
    %c0_i32_0 = arith.constant 0 : i32
    %c0_i32_1 = arith.constant 0 : i32
    return %arg0, %arg1, %c0_i32, %c0_i32_0 : i32, i32, i32, i32
  }
}

module attributes {stable_mosaic.version = 14 : i64} {
  func.func @_fuse_body(%arg0: i32, %arg1: i32, %arg2: memref<1x32x24x512xf32, #tpu.memory_space<vmem>>, %arg3: memref<1x32x24x3xf32, #tpu.memory_space<vmem>>, %arg4: memref<1x32x512xf32, #tpu.memory_space<vmem>>, %arg5: memref<1x32x3xf32, #tpu.memory_space<vmem>>, %arg6: memref<1x2xf32, #tpu.memory_space<vmem>>, %arg7: memref<1x1024xf32, #tpu.memory_space<vmem>>, %arg8: memref<1x1024xf32, #tpu.memory_space<vmem>>, %arg9: memref<1x1024xf32, #tpu.memory_space<vmem>>, %arg10: memref<1x1024xf32, #tpu.memory_space<vmem>>, %arg11: memref<1x1024xf32, #tpu.memory_space<vmem>>, %arg12: memref<1x32x1024xf32, #tpu.memory_space<vmem>>) attributes {dimension_semantics = [#tpu.dimension_semantics<arbitrary>, #tpu.dimension_semantics<arbitrary>], iteration_bounds = array<i64: 8, 4>, scalar_prefetch = 0 : i64, scratch_operands = 0 : i64, tpu.core_type = #tpu.core_type<tc>, window_params = [{transform_indices = @transform_0, window_bounds = array<i64: 1, 32, 24, 512>}, {transform_indices = @transform_1, window_bounds = array<i64: 1, 32, 24, 3>}, {transform_indices = @transform_2, window_bounds = array<i64: 1, 32, 512>}, {transform_indices = @transform_3, window_bounds = array<i64: 1, 32, 3>}, {pipeline_mode = #tpu.pipeline_mode<synchronous>, transform_indices = @transform_4, window_bounds = array<i64: 1, 2>}, {pipeline_mode = #tpu.pipeline_mode<synchronous>, transform_indices = @transform_5, window_bounds = array<i64: 1, 1024>}, {pipeline_mode = #tpu.pipeline_mode<synchronous>, transform_indices = @transform_6, window_bounds = array<i64: 1, 1024>}, {pipeline_mode = #tpu.pipeline_mode<synchronous>, transform_indices = @transform_7, window_bounds = array<i64: 1, 1024>}, {pipeline_mode = #tpu.pipeline_mode<synchronous>, transform_indices = @transform_8, window_bounds = array<i64: 1, 1024>}, {pipeline_mode = #tpu.pipeline_mode<synchronous>, transform_indices = @transform_9, window_bounds = array<i64: 1, 1024>}, {transform_indices = @transform_10, window_bounds = array<i64: 1, 32, 1024>}]} {
    %get3A = arith.constant 0 : index
    %get3A_0 = arith.constant 0 : index
    %get3A_1 = arith.constant 0 : index
    %get3A_2 = arith.constant 0 : index
    %get3A_3 = vector.load %arg2[%get3A, %get3A_0, %get3A_1, %get3A_2] : memref<1x32x24x512xf32, #tpu.memory_space<vmem>>, vector<1x32x24x512xf32>
    %get3A_4 = vector.shape_cast %get3A_3 : vector<1x32x24x512xf32> to vector<32x24x512xf32>
    %get3A_5 = arith.constant 0 : index
    %get3A_6 = arith.constant 0 : index
    %get3A_7 = arith.constant 0 : index
    %get3A_8 = arith.constant 0 : index
    %get3A_9 = vector.load %arg3[%get3A_5, %get3A_6, %get3A_7, %get3A_8] : memref<1x32x24x3xf32, #tpu.memory_space<vmem>>, vector<1x32x24x3xf32>
    %get3A_10 = vector.shape_cast %get3A_9 : vector<1x32x24x3xf32> to vector<32x24x3xf32>
    %get3A_11 = arith.constant 0 : index
    %get3A_12 = arith.constant 0 : index
    %get3A_13 = arith.constant 0 : index
    %get3A_14 = vector.load %arg4[%get3A_11, %get3A_12, %get3A_13] : memref<1x32x512xf32, #tpu.memory_space<vmem>>, vector<1x32x512xf32>
    %get3A_15 = vector.shape_cast %get3A_14 : vector<1x32x512xf32> to vector<32x512xf32>
    %get3A_16 = arith.constant 0 : index
    %get3A_17 = arith.constant 0 : index
    %get3A_18 = arith.constant 0 : index
    %get3A_19 = vector.load %arg5[%get3A_16, %get3A_17, %get3A_18] : memref<1x32x3xf32, #tpu.memory_space<vmem>>, vector<1x32x3xf32>
    %get3A_20 = vector.shape_cast %get3A_19 : vector<1x32x3xf32> to vector<32x3xf32>
    %get3A_21 = arith.constant 0 : index
    %get3A_22 = arith.constant 0 : index
    %get3A_23 = vector.load %arg6[%get3A_21, %get3A_22] : memref<1x2xf32, #tpu.memory_space<vmem>>, vector<1x1xf32>
    %get3A_24 = arith.constant 0 : index
    %get3A_25 = arith.constant 1 : index
    %get3A_26 = vector.load %arg6[%get3A_24, %get3A_25] : memref<1x2xf32, #tpu.memory_space<vmem>>, vector<1x1xf32>
    %broadcast_in_dim3A = vector.shape_cast %get3A_20 : vector<32x3xf32> to vector<32x1x3xf32>
    %sub3A = vector.broadcast %broadcast_in_dim3A : vector<32x1x3xf32> to vector<32x24x3xf32>
    %sub3A_27 = arith.subf %get3A_10, %sub3A : vector<32x24x3xf32>
    %broadcast_in_dim3A_28 = vector.shape_cast %get3A_23 : vector<1x1xf32> to vector<1x1x1xf32>
    %div3A = vector.broadcast %broadcast_in_dim3A_28 : vector<1x1x1xf32> to vector<32x24x3xf32>
    %div3A_29 = arith.divf %sub3A_27, %div3A : vector<32x24x3xf32>
    %broadcast_in_dim3A_30 = vector.shape_cast %get3A_15 : vector<32x512xf32> to vector<32x1x512xf32>
    %sub3A_31 = vector.broadcast %broadcast_in_dim3A_30 : vector<32x1x512xf32> to vector<32x24x512xf32>
    %sub3A_32 = arith.subf %get3A_4, %sub3A_31 : vector<32x24x512xf32>
    %broadcast_in_dim3A_33 = vector.shape_cast %get3A_26 : vector<1x1xf32> to vector<1x1x1xf32>
    %div3A_34 = vector.broadcast %broadcast_in_dim3A_33 : vector<1x1x1xf32> to vector<32x24x512xf32>
    %div3A_35 = arith.divf %sub3A_32, %div3A_34 : vector<32x24x512xf32>
    %get3A_36 = arith.constant 0 : index
    %get3A_37 = arith.constant 0 : index
    %get3A_38 = vector.load %arg7[%get3A_36, %get3A_37] : memref<1x1024xf32, #tpu.memory_space<vmem>>, vector<1x1024xf32>
    %reshape3A = vector.shape_cast %get3A_38 : vector<1x1024xf32> to vector<1x1x1024xf32>
    %get3A_39 = arith.constant 0 : index
    %get3A_40 = arith.constant 0 : index
    %get3A_41 = vector.load %arg8[%get3A_39, %get3A_40] : memref<1x1024xf32, #tpu.memory_space<vmem>>, vector<1x1024xf32>
    %reshape3A_42 = vector.shape_cast %get3A_41 : vector<1x1024xf32> to vector<1x1x1024xf32>
    %get3A_43 = arith.constant 0 : index
    %get3A_44 = arith.constant 0 : index
    %get3A_45 = vector.load %arg9[%get3A_43, %get3A_44] : memref<1x1024xf32, #tpu.memory_space<vmem>>, vector<1x1024xf32>
    %reshape3A_46 = vector.shape_cast %get3A_45 : vector<1x1024xf32> to vector<1x1x1024xf32>
    %get3A_47 = arith.constant 0 : index
    %get3A_48 = arith.constant 0 : index
    %get3A_49 = vector.load %arg10[%get3A_47, %get3A_48] : memref<1x1024xf32, #tpu.memory_space<vmem>>, vector<1x1024xf32>
    %reshape3A_50 = vector.shape_cast %get3A_49 : vector<1x1024xf32> to vector<1x1x1024xf32>
    %get3A_51 = arith.constant 0 : index
    %get3A_52 = arith.constant 0 : index
    %get3A_53 = vector.load %arg11[%get3A_51, %get3A_52] : memref<1x1024xf32, #tpu.memory_space<vmem>>, vector<1x1024xf32>
    %reshape3A_54 = vector.shape_cast %get3A_53 : vector<1x1024xf32> to vector<1x1x1024xf32>
    %ne3A = arith.constant 0.000000e+00 : f32
    %ne3A_55 = vector.broadcast %ne3A : f32 to vector<1x1x1024xf32>
    %ne3A_56 = arith.cmpf one, %reshape3A_54, %ne3A_55 : vector<1x1x1024xf32>
    %slice3A = vector.extract_strided_slice %div3A_29 {offsets = [0, 0, 0], sizes = [32, 24, 1], strides = [1, 1, 1]} : vector<32x24x3xf32> to vector<32x24x1xf32>
    %mul3A = vector.broadcast %slice3A : vector<32x24x1xf32> to vector<32x24x1024xf32>
    %mul3A_57 = vector.broadcast %reshape3A : vector<1x1x1024xf32> to vector<32x24x1024xf32>
    %mul3A_58 = arith.mulf %mul3A, %mul3A_57 : vector<32x24x1024xf32>
    %slice3A_59 = vector.extract_strided_slice %div3A_29 {offsets = [0, 0, 1], sizes = [32, 24, 1], strides = [1, 1, 1]} : vector<32x24x3xf32> to vector<32x24x1xf32>
    %mul3A_60 = vector.broadcast %slice3A_59 : vector<32x24x1xf32> to vector<32x24x1024xf32>
    %mul3A_61 = vector.broadcast %reshape3A_42 : vector<1x1x1024xf32> to vector<32x24x1024xf32>
    %mul3A_62 = arith.mulf %mul3A_60, %mul3A_61 : vector<32x24x1024xf32>
    %add3A = arith.addf %mul3A_58, %mul3A_62 : vector<32x24x1024xf32>
    %slice3A_63 = vector.extract_strided_slice %div3A_29 {offsets = [0, 0, 2], sizes = [32, 24, 1], strides = [1, 1, 1]} : vector<32x24x3xf32> to vector<32x24x1xf32>
    %mul3A_64 = vector.broadcast %slice3A_63 : vector<32x24x1xf32> to vector<32x24x1024xf32>
    %mul3A_65 = vector.broadcast %reshape3A_46 : vector<1x1x1024xf32> to vector<32x24x1024xf32>
    %mul3A_66 = arith.mulf %mul3A_64, %mul3A_65 : vector<32x24x1024xf32>
    %add3A_67 = arith.addf %add3A, %mul3A_66 : vector<32x24x1024xf32>
    %mul3A_68 = arith.constant 1.000000e+02 : f32
    %mul3A_69 = vector.broadcast %mul3A_68 : f32 to vector<32x24x1024xf32>
    %mul3A_70 = arith.mulf %mul3A_69, %add3A_67 : vector<32x24x1024xf32>
    %div3A_71 = vector.broadcast %reshape3A_50 : vector<1x1x1024xf32> to vector<32x24x1024xf32>
    %div3A_72 = arith.divf %mul3A_70, %div3A_71 : vector<32x24x1024xf32>
    %sin3A = math.sin %div3A_72 : vector<32x24x1024xf32>
    %cos3A = math.cos %div3A_72 : vector<32x24x1024xf32>
    %broadcast_in_dim3A_73 = vector.shape_cast %ne3A_56 : vector<1x1x1024xi1> to vector<1x1x1024xi1>
    %broadcast_in_dim3A_74 = vector.broadcast %broadcast_in_dim3A_73 : vector<1x1x1024xi1> to vector<32x24x1024xi1>
    %select_n3A = arith.select %broadcast_in_dim3A_74, %sin3A, %cos3A : vector<32x24x1024xi1>, vector<32x24x1024xf32>
    %slice3A_75 = vector.extract_strided_slice %select_n3A {offsets = [0, 0, 0], sizes = [32, 24, 512], strides = [1, 1, 1]} : vector<32x24x1024xf32> to vector<32x24x512xf32>
    %slice3A_76 = vector.extract_strided_slice %select_n3A {offsets = [0, 0, 512], sizes = [32, 24, 512], strides = [1, 1, 1]} : vector<32x24x1024xf32> to vector<32x24x512xf32>
    %add3A_77 = arith.addf %div3A_35, %slice3A_75 : vector<32x24x512xf32>
    %mul3A_78 = arith.mulf %add3A_77, %slice3A_75 : vector<32x24x512xf32>
    %broadcast_in_dim3A_79 = vector.shape_cast %get3A_15 : vector<32x512xf32> to vector<32x1x512xf32>
    %add3A_80 = vector.broadcast %broadcast_in_dim3A_79 : vector<32x1x512xf32> to vector<32x24x512xf32>
    %add3A_81 = arith.addf %add3A_80, %slice3A_76 : vector<32x24x512xf32>
    %mul3A_82 = arith.mulf %add3A_81, %slice3A_76 : vector<32x24x512xf32>
    %reduce_max3A = arith.constant dense<0xFF800000> : vector<32x512xf32>
    %reduce_max3A_83 = vector.multi_reduction <maximumf>, %mul3A_78, %reduce_max3A [1] : vector<32x24x512xf32> to vector<32x512xf32>
    %reduce_sum3A = arith.constant dense<0.000000e+00> : vector<32x512xf32>
    %reduce_sum3A_84 = vector.multi_reduction <add>, %mul3A_78, %reduce_sum3A [1] : vector<32x24x512xf32> to vector<32x512xf32>
    %div3A_85 = arith.constant 2.400000e+01 : f32
    %div3A_86 = vector.broadcast %div3A_85 : f32 to vector<32x512xf32>
    %div3A_87 = arith.divf %reduce_sum3A_84, %div3A_86 : vector<32x512xf32>
    %add3A_88 = arith.addf %reduce_max3A_83, %div3A_87 : vector<32x512xf32>
    %reduce_max3A_89 = arith.constant dense<0xFF800000> : vector<32x512xf32>
    %reduce_max3A_90 = vector.multi_reduction <maximumf>, %mul3A_82, %reduce_max3A_89 [1] : vector<32x24x512xf32> to vector<32x512xf32>
    %reduce_sum3A_91 = arith.constant dense<0.000000e+00> : vector<32x512xf32>
    %reduce_sum3A_92 = vector.multi_reduction <add>, %mul3A_82, %reduce_sum3A_91 [1] : vector<32x24x512xf32> to vector<32x512xf32>
    %div3A_93 = arith.constant 2.400000e+01 : f32
    %div3A_94 = vector.broadcast %div3A_93 : f32 to vector<32x512xf32>
    %div3A_95 = arith.divf %reduce_sum3A_92, %div3A_94 : vector<32x512xf32>
    %add3A_96 = arith.addf %reduce_max3A_90, %div3A_95 : vector<32x512xf32>
    %concatenate3A = tpu.concatenate %add3A_88, %add3A_96 in 1 : vector<32x512xf32>, vector<32x512xf32> -> vector<32x1024xf32>
    %swap3A = arith.constant 0 : index
    %swap3A_97 = arith.constant 0 : index
    %swap3A_98 = arith.constant 0 : index
    %swap3A_99 = vector.load %arg12[%swap3A, %swap3A_97, %swap3A_98] : memref<1x32x1024xf32, #tpu.memory_space<vmem>>, vector<1x32x1024xf32>
    %swap3A_100 = vector.shape_cast %swap3A_99 : vector<1x32x1024xf32> to vector<32x1024xf32>
    %swap3A_101 = vector.shape_cast %concatenate3A : vector<32x1024xf32> to vector<1x32x1024xf32>
    tpu.vector_store %arg12[%swap3A, %swap3A_97, %swap3A_98], %swap3A_101 {strides = array<i32>} : memref<1x32x1024xf32, #tpu.memory_space<vmem>>, vector<1x32x1024xf32>,
    return
  }
  func.func @transform_0(%arg0: i32, %arg1: i32) -> (i32, i32, i32, i32) {
    %c0_i32 = arith.constant 0 : i32
    %c0_i32_0 = arith.constant 0 : i32
    %c0_i32_1 = arith.constant 0 : i32
    return %arg0, %arg1, %c0_i32, %c0_i32_0 : i32, i32, i32, i32
  }
  func.func @transform_1(%arg0: i32, %arg1: i32) -> (i32, i32, i32, i32) {
    %c0_i32 = arith.constant 0 : i32
    %c0_i32_0 = arith.constant 0 : i32
    %c0_i32_1 = arith.constant 0 : i32
    return %arg0, %arg1, %c0_i32, %c0_i32_0 : i32, i32, i32, i32
  }
  func.func @transform_2(%arg0: i32, %arg1: i32) -> (i32, i32, i32) {
    %c0_i32 = arith.constant 0 : i32
    %c0_i32_0 = arith.constant 0 : i32
    return %arg0, %arg1, %c0_i32 : i32, i32, i32
  }
  func.func @transform_3(%arg0: i32, %arg1: i32) -> (i32, i32, i32) {
    %c0_i32 = arith.constant 0 : i32
    %c0_i32_0 = arith.constant 0 : i32
    return %arg0, %arg1, %c0_i32 : i32, i32, i32
  }
  func.func @transform_4(%arg0: i32, %arg1: i32) -> (i32, i32) {
    %c0_i32 = arith.constant 0 : i32
    %c0_i32_0 = arith.constant 0 : i32
    %c0_i32_1 = arith.constant 0 : i32
    return %c0_i32, %c0_i32_0 : i32, i32
  }
  func.func @transform_5(%arg0: i32, %arg1: i32) -> (i32, i32) {
    %c0_i32 = arith.constant 0 : i32
    %c0_i32_0 = arith.constant 0 : i32
    %c0_i32_1 = arith.constant 0 : i32
    return %c0_i32, %c0_i32_0 : i32, i32
  }
  func.func @transform_6(%arg0: i32, %arg1: i32) -> (i32, i32) {
    %c0_i32 = arith.constant 0 : i32
    %c0_i32_0 = arith.constant 0 : i32
    %c0_i32_1 = arith.constant 0 : i32
    return %c0_i32, %c0_i32_0 : i32, i32
  }
  func.func @transform_7(%arg0: i32, %arg1: i32) -> (i32, i32) {
    %c0_i32 = arith.constant 0 : i32
    %c0_i32_0 = arith.constant 0 : i32
    %c0_i32_1 = arith.constant 0 : i32
    return %c0_i32, %c0_i32_0 : i32, i32
  }
  func.func @transform_8(%arg0: i32, %arg1: i32) -> (i32, i32) {
    %c0_i32 = arith.constant 0 : i32
    %c0_i32_0 = arith.constant 0 : i32
    %c0_i32_1 = arith.constant 0 : i32
    return %c0_i32, %c0_i32_0 : i32, i32
  }
  func.func @transform_9(%arg0: i32, %arg1: i32) -> (i32, i32) {
    %c0_i32 = arith.constant 0 : i32
    %c0_i32_0 = arith.constant 0 : i32
    %c0_i32_1 = arith.constant 0 : i32
    return %c0_i32, %c0_i32_0 : i32, i32
  }
  func.func @transform_10(%arg0: i32, %arg1: i32) -> (i32, i32, i32) {
    %c0_i32 = arith.constant 0 : i32
    %c0_i32_0 = arith.constant 0 : i32
    return %arg0, %arg1, %c0_i32 : i32, i32, i32
  }
}

</mosaic_0001>

<sc_bundles>
// kernel: gather_offload_async_start.1
scs
__scs_entry_jumppad:
0x0: {  	(pc) =	sbr.rel $0x88, $3  }
0x1: {  	(tag) =	ssettag $0x0;
	lr =	simm.s32 $0x1  }
0x2: {  	[smem:$0x3F98] =	sst lr;
	_ =	strace $0xD0000000  }
0x3: {  	_ = 	snop  }
0x4: {  	_ = 	snop  }
0x5: {  	_ = 	snop  }
0x6: {  	_ = 	snop  }
0x7: {  	_ = 	snop  }
__scs_overlays_trampoline_lowered:
0x8: {  	[smem:$0x3FA7] =	sst s0  }
0x9: {  	[smem:$0x3FA8] =	sst s1  }
0xa: {  	[smem:$0x3FA9] =	sst s2  }
0xb: {  	[smem:$0x3FAA] =	sst s3  }
0xc: {  	[smem:$0x3FAB] =	sst s4  }
0xd: {  	[smem:$0x3FAC] =	sst s5  }
0xe: {  	[smem:$0x3FAD] =	sst s6  }
0xf: {  	[smem:$0x3FAE] =	sst s7  }
0x10: {  	[smem:$0x3FAF] =	sst s8  }
0x11: {  	[smem:$0x3FB0] =	sst s9;
	s0 =	simm.s32 @!p0 $0x0  }
0x12: {  	s1 =	sld [smem:$0x3F96];
	s0 =	simm.s32 @p0 $0x1  }
0x13: {  	[smem:$0x3FB1] =	sst s0;
	s0 =	simm.s32 @!p1 $0x0  }
0x14: {  	s2 =	sld [smem:$0x3F95];
	s0 =	simm.s32 @p1 $0x1  }
0x15: {  	[smem:$0x3FB2] =	sst s0;
	s0 =	simm.s32 @!p2 $0x0  }
0x16: {  	s3 =	sld [smem:$0x3FDB];
	s0 =	simm.s32 @p2 $0x1  }
0x17: {  	s4 =	simm.s32 $0x1BF5;
	[smem:$0x3FB4] =	sst s0  }
0x18: {  	s0 =	sld [smem:$0x3F97];
	_ =	swait.ge [sflag:s4], $0x0  }
0x19: {  	s7 =	sld [smem:$0x3F98]  }
0x1a: {  	s8 =	sadd.s32 $0xFFFFE003, lr  }
0x1b: {  	s9 =	sadd.s32 $0xFFFFFEF7, lr;
	s5 =	simm.s32 $0xFFFFFFFF;
	p2 =	slt.u32 s8, $0xFFFFF086  }
0x1c: {  	p1 =	slt.u32 s9, $0xF7A;
	s5 =	simm.s32 @!p2 $0x0  }
0x1d: {  	s5 =	simm.s32 @p1 $0x1;
	p0 =	seq.s32 s7, s2  }
0x1e: {  	s7 =	smul.u32 @!p0 $0xF7A, s2;
	p2 =	seq.s32 @!p0 s5, $0x0  }
0x1f: {  	s9 =	smul.u32 $0xF7A, s1;
	s8 =	simm.s32 @!p0 $0x1BF5;
	p2 =	por !p2, p0  }
0x20: {  	[sflag:s8] =	ssyncset.s32 @!p0 $0xFFFFF086;
	s6 =	sadd.s32 @!p0 s3, s7;
	s7 =	simm.s32 @!p0 $0x108  }
0x21: {  	s3 =	sadd.s32 s3, s9;
	s6 =	sadd.s32 @!p0 $0x88, s6;
	s7 =	simm.s32 @p2 $0x1082  }
0x22: {  	[simem:s7], [sflag:s8] =	dma.local @!p0 [hbm:s6], $0xF7A  }
0x23: {  	s9 =	sor.u32 $0xD0000000, s2;
	s6 =	simm.s32 $0x108;
	_ =	swait.ge @!p0 [sflag:s8], $0x0  }
0x24: {  	s3 =	sadd.s32 $0x88, s3;
	s6 =	simm.s32 @!p1 $0x1082;
	[sflag:s4] =	ssyncset.s32 $0xFFFFF086  }
0x25: {  	[simem:s6], [sflag:s4] =	dma.local [hbm:s3], $0xF7A  }
0x26: {  	[smem:$0x3F98] =	sst s1;
	(tag) =	ssettag s2;
	_ =	strace s9  }
0x27: {  	s1 =	sld [smem:$0x3FA8]  }
0x28: {  	s2 =	sld [smem:$0x3FA9]  }
0x29: {  	s4 =	sld [smem:$0x3FAB]  }
0x2a: {  	p0 =	seq.s32 s5, $0x0;
	s5 =	sld [smem:$0x3FAC]  }
0x2b: {  	s6 =	sld [smem:$0x3FAD]  }
0x2c: {  	s7 =	sld [smem:$0x3FAE]  }
0x2d: {  	s3 =	simm.s32 $0x108;
	s8 =	sld [smem:$0x3FAF]  }
0x2e: {  	s3 =	simm.s32 @!p0 $0x1082;
	s9 =	sld [smem:$0x3FB0]  }
0x2f: {  	lr =	sadd.s32 s0, s3;
	s0 =	sld [smem:$0x3FA7]  }
0x30: {  	s3 =	sld [smem:$0x3FAA]  }
0x31: {  	[smem:$0x3FB3] =	sst s10  }
0x32: {  	s10 =	sld [smem:$0x3FB1];
	_ =	sdelay $0x3  }
0x33: {  	p0 =	seq.s32 s10, $0x1;
	s10 =	sld [smem:$0x3FB3];
	_ =	sdelay $0x3  }
0x34: {  	[smem:$0x3FB3] =	sst s10  }
0x35: {  	s10 =	sld [smem:$0x3FB2];
	_ =	sdelay $0x3  }
0x36: {  	p1 =	seq.s32 s10, $0x1;
	s10 =	sld [smem:$0x3FB3];
	_ =	sdelay $0x3  }
0x37: {  	[smem:$0x3FB3] =	sst s10  }
0x38: {  	s10 =	sld [smem:$0x3FB4]  }
0x39: {  	_ = 	snop;
	(pc) =	sbr.ind lr, $3  }
0x3a: {  	_ = 	snop  }
0x3b: {  	_ = 	snop  }
0x3c: {  	p2 =	seq.s32 s10, $0x1;
	s10 =	sld [smem:$0x3FB3]  }
0x3d: {  	_ =	shalt  }
0x3e: {  	_ =	shalt  }
0x3f: {  	_ =	shalt  }
0x40: {  	_ =	shalt  }
0x41: {  	_ =	shalt  }
0x42: {  	_ =	shalt  }
0x43: {  	_ =	shalt  }
0x44: {  	_ =	shalt  }
0x45: {  	_ =	shalt  }
0x46: {  	_ =	shalt  }
0x47: {  	_ =	shalt  }
0x48: {  	_ =	shalt  }
0x49: {  	_ =	shalt  }
0x4a: {  	_ =	shalt  }
0x4b: {  	_ =	shalt  }
0x4c: {  	_ =	shalt  }
0x4d: {  	_ =	shalt  }
0x4e: {  	_ =	shalt  }
0x4f: {  	_ =	shalt  }
0x50: {  	_ =	shalt  }
0x51: {  	_ =	shalt  }
0x52: {  	_ =	shalt  }
0x53: {  	_ =	shalt  }
0x54: {  	_ =	shalt  }
0x55: {  	_ =	shalt  }
0x56: {  	_ =	shalt  }
0x57: {  	_ =	shalt  }
0x58: {  	_ =	shalt  }
0x59: {  	_ =	shalt  }
0x5a: {  	_ =	shalt  }
0x5b: {  	_ =	shalt  }
0x5c: {  	_ =	shalt  }
0x5d: {  	_ =	shalt  }
0x5e: {  	_ =	shalt  }
0x5f: {  	_ =	shalt  }
0x60: {  	_ =	shalt  }
0x61: {  	_ =	shalt  }
0x62: {  	_ =	shalt  }
0x63: {  	_ =	shalt  }
0x64: {  	_ =	shalt  }
0x65: {  	_ =	shalt  }
0x66: {  	_ =	shalt  }
0x67: {  	_ =	shalt  }
0x68: {  	_ =	shalt  }
0x69: {  	_ =	shalt  }
0x6a: {  	_ =	shalt  }
0x6b: {  	_ =	shalt  }
0x6c: {  	_ =	shalt  }
0x6d: {  	_ =	shalt  }
0x6e: {  	_ =	shalt  }
0x6f: {  	_ =	shalt  }
0x70: {  	_ =	shalt  }
0x71: {  	_ =	shalt  }
0x72: {  	_ =	shalt  }
0x73: {  	_ =	shalt  }
0x74: {  	_ =	shalt  }
0x75: {  	_ =	shalt  }
0x76: {  	_ =	shalt  }
0x77: {  	_ =	shalt  }
0x78: {  	_ =	shalt  }
0x79: {  	_ =	shalt  }
0x7a: {  	_ =	shalt  }
0x7b: {  	_ =	shalt  }
0x7c: {  	_ =	shalt  }
0x7d: {  	_ =	shalt  }
0x7e: {  	_ =	shalt  }
0x7f: {  	_ =	shalt  }
0x80: {  	_ =	shalt  }
0x81: {  	_ =	shalt  }
0x82: {  	_ =	shalt  }
0x83: {  	_ =	shalt  }
0x84: {  	_ =	shalt  }
0x85: {  	_ =	shalt  }
0x86: {  	_ =	shalt  }
0x87: {  	_ =	shalt  }
.Lfunc_end0:
.L_simem_size_0:
called_computation.1_lowered:
.L_overlay_start_0:
0x88: {  	s2 =	sld [smem:$0x3FD9]  }
0x89: {  	s3 =	sld [smem:$0x3FFE];
	_ =	sdelay $0x1  }
0x8a: {  	s1 =	srdreg.scid  }
0x8b: {  	s0 =	sand.u32 $0x1, s1  }
0x8c: {  	s17 =	sshll.u32 s0, $0xA;
	s2 =	sadd.s32 s3, s2  }
0x8d: {  	s2 =	sadd.s32 s2, s17  }
0x8e: {  	[smem:$0x3FBF] =	sst s2  }
0x8f: {  	_ = 	snop  }
0x90: {  	s18 =	sld [smem:$0x3FD0];
	(tm) =	ssettm $0x1  }
0x91: {  	s19 =	sld [smem:$0x3FFB];
	_ =	sdelay $0x3  }
0x92: {  	_ =	strace s19  }
0x93: {  	s2 =	sld [smem:$0x3FFC];
	_ =	sdelay $0x3  }
0x94: {  	_ =	strace s2  }
0x95: {  	s2 =	sld [smem:$0x3FFD];
	_ =	sdelay $0x3  }
0x96: {  	_ =	strace s2  }
0x97: {  	_ =	strace $0x8FFFFFFF  }
0x98: {  	s20 =	sld [smem:$0x3FDB];
	_ =	sdelay $0x1  }
0x99: {  	s4 =	simm.s32 $_scs_section_size  }
0x9a: {  	s5 =	simm.s32 $_size__tile_overlayer_lowered;
	s6 =	simm.s32 $_tile_overlayer_lowered  }
0x9b: {  	s7 =	simm.s32 $0x1BFF;
	s21 =	sshll.u32 s6, $0x1;
	s4 =	sadd.s32 s4, s20  }
0x9c: {  	s22 =	simm.s32 $0x0;
	s5 =	sshll.u32 s5, $0x1;
	s6 =	sadd.s32 s21, s4  }
0x9d: {  	[timem:s22], [sflag:s7] =	dma.local [hbm:s6], s5  }
0x9e: {  	_ =	swait.ge [sflag:s7], s5  }
0x9f: {  	s5 =	ssub.s32 $0x0, s5;
	[sflag:s7] =	ssyncset.done $0x0  }
0xa0: {  	[sflag:s7] =	ssyncadd.s32 s5;
	_ =	sdelay $0x1  }
0xa1: {  	s23 =	simm.s32 $0x1B8B  }
0xa2: {  	_ =	swait.ge [sflag:s23], $0x1  }
0xa3: {  	[sflag:s23] =	ssyncset.done $0x0  }
0xa4: {  	[sflag:s23] =	ssyncadd.s32 $0xFFFFFFFF  }
0xa5: {  	s5 =	sld [smem:$0x0]  }
0xa6: {  	s6 =	sand.u32 $0xFFFFFFFE, s1  }
0xa7: {  	p0 =	sne.s32 s1, s6  }
0xa8: {  	s6 =	sshll.u32 @p0 s6, $0xE  }
0xa9: {  	s6 =	sadd.s32 @p0 $0x11B8D, s6;
	s7 =	sshll.u32 @p0 s5, $0x11  }
0xaa: {  	s6 =	sor.u32 @p0 s7, s6  }
0xab: {  	[sflag:s6] =	ssyncadd.remote.s32 @p0 $0x1;
	_ =	sdelay $0x1  }
0xac: {  	s6 =	simm.s32 @p0 $0x1B8D  }
0xad: {  	_ =	swait.eq @p0 [sflag:s6], $0x1  }
0xae: {  	[sflag:s6] =	ssyncadd.s32 @p0 $0xFFFFFFFF  }
0xaf: {  	s7 =	sshll.u32 @!p0 s1, $0xE  }
0xb0: {  	s7 =	sor.u32 @!p0 $0x4000, s7;
	s6 =	simm.s32 @!p0 $0x1B8D  }
0xb1: {  	s5 =	sshll.u32 @!p0 s5, $0x11;
	s7 =	sadd.s32 @!p0 $0x11B8D, s7;
	_ =	swait.eq @!p0 [sflag:s6], $0x1  }
0xb2: {  	s5 =	sor.u32 @!p0 s5, s7;
	[sflag:s6] =	ssyncadd.s32 @!p0 $0xFFFFFFFF  }
0xb3: {  	s25 =	simm.s32 $0x1B8E;
	s24 =	sld [smem:$0x3FFE];
	[sflag:s5] =	ssyncadd.remote.s32 @!p0 $0x1  }
0xb4: {  	s26 =	simm.s32 $execute0_lowered;
	[smem:$0x3FD2] =	sst s25  }
0xb5: {  	s6 =	sshll.u32 s26, $0x1;
	_ =	strace $0x8000004F;
	[dreg:$0x1] =	wrdreg $0xFFFFFFFF  }
0xb6: {  	s28 =	simm.s32 $_size_execute0_lowered;
	s4 =	sadd.s32 s4, s6;
	[dreg:$0x0] =	wrdreg $0x0  }
0xb7: {  	s6 =	sshll.u32 s28, $0x1;
	[dreg:$0x2] =	wrdreg s4  }
0xb8: {  	[dreg:$0x3] =	wrdreg s6  }
0xb9: {  	[dreg:$0x4] =	wrdreg $0xC0  }
0xba: {  	_ =	task [dreg:s22], $0x5FFFF  }
0xbb: {  	[dreg:$0x1] =	wrdreg $0xFFFFFFFF  }
0xbc: {  	[dreg:$0x0] =	wrdreg $0x60  }
0xbd: {  	[dreg:$0x2] =	wrdreg s24  }
0xbe: {  	[dreg:$0x3] =	wrdreg s18  }
0xbf: {  	[dreg:$0x4] =	wrdreg $0x9  }
0xc0: {  	_ =	task.clear_ibuf [dreg:s22], $0x5FFFF;
	_ =	strace $0x9000004F  }
0xc1: {  	s29 =	simm.s32 $0x9;
	_ =	strace $0x80000051  }
0xc2: {  	_ =	swait.ge [sflag:s29], $0x1  }
0xc3: {  	[sflag:s29] =	ssyncadd.s32 $0xFFFFFFFF  }
0xc4: {  	_ =	strace $0x90000051  }
0xc5: {  	_ =	sfence  }
0xc6: {  	s30 =	sld [smem:$0x0];
	_ =	sdelay $0x2  }
0xc7: {  	s31 =	sshll.u32 s1, $0xD;
	s1 =	sshrl.u32 s1, $0x2  }
0xc8: {  	s4 =	sand.u32 $0x4000, s31;
	s1 =	sadd.s32 s1, s30  }
0xc9: {  	s0 =	sor.u32 s4, s0;
	s1 =	sshll.u32 s1, $0x11  }
0xca: {  	s0 =	sor.u32 s1, s0  }
0xcb: {  	s0 =	sadd.s32 $0x8F2B, s0  }
0xcc: {  	[sflag:s0] =	ssyncadd.remote.s32 $0x1  }
0xcd: {  	_ =	sfence.sel $0xFFFF  }
0xce: {  	[dreg:$0x0] =	wrdreg $0xFFFFFFFF;
	(pc) =	sbr.abs _section_cstart, $3  }
0xcf: {  	[dreg:$0x1] =	wrdreg $0xFFFFFFFF  }
0xd0: {  	_ =	task.clear_ibuf [dreg:s22], $0x2FFFF;
	_ =	strace $0x9FFFFFFF  }
0xd1: {  	(tm) =	ssettm $0x7FFFFFFF  }
tec
execute0_lowered:
.L_overlay_start_1:
0x0: {  	(tag) =	ssettag $0x1  }
0x1: {  	s7 =	rddreg [dreg:$0x0]  }
0x2: {  	s2 =	rddreg [dreg:$0x1]  }
0x3: {  	s0 =	rddreg [dreg:$0x2]  }
0x4: {  	s1 =	srdreg.scid;
	_ =	strace $0x80000050;
	s4 =	simm.s32 $0x1  }
0x5: {  	s9 =	simm.s32 $0x3;
	s12 =	simm.s32 $0x0;
	s5 =	sshll.u32 s1, $0x4  }
.Ltmp0:
0x6: {  	s1 =	stileid.u32;
	s5 =	sand.u32 $0x10, s5;
	(pc) =	sbr.rel .LBB2_1-.Ltmp0, $4  }
0x7: {  	s10 =	simm.s32 $0x0;
	s3 =	sadd.s32 $0x60E00, s7;
	s6 =	sor.u32 s1, s5  }
0x8: {  	[sflag:s4] =	ssyncpa.u1 $0x0;
	s5 =	simm.s32 $0x2;
	s6 =	sshll.u32 s6, $0x8  }
0x9: {  	s7 =	sadd.s32 $0x9000, s7;
	[sflag:s5] =	ssyncpa.u1 $0x0;
	s8 =	sadd.s32 $0x100, s6  }
0xa: {  	vm0 =	vmmov $0xff;
	vm1 =	vcmask $0x3F20;
	[sflag:s9] =	ssyncpa.u1 $0x0;
	s9 =	simm.s32 $0x100;
	s11 =	smov.u32 s6  }
.LBB2_9:
0xb: {  	p0 =	seq.s32 s10, $0x2  }
.Ltmp1:
0xc: {  	_ = 	snop;
	(pc) =	sbr.rel @p0 .LBB2_11-.Ltmp1, $1  }
0xd: {  	_ =	sdelay $0x3  }
.LBB2_10:
0xe: {  	s12 =	sadd.s32 $0x100, s11  }
0xf: {  	s13 =	smov.u32 s6;
	p0 =	slt.s32 s12, s8  }
0x10: {  	s13 =	smov.u32 @p0 s12  }
0x11: {  	s10 =	sadd.s32 $0x1, s10;
	s12 =	smov.u32 s11;
	s11 =	smov.u32 s13  }
.LBB2_1:
0x12: {  	p0 =	sne.s32 s10, $0x0  }
.Ltmp2:
0x13: {  	_ = 	snop;
	(pc) =	sbr.rel @!p0 .LBB2_2-.Ltmp2, $1  }
0x14: {  	_ =	sdelay $0x3  }
0x15: {  	s13 =	sand.u32 $0x1, s10  }
0x16: {  	p0 =	seq.s32 s13, $0x0  }
.Ltmp3:
0x17: {  	_ = 	snop;
	(pc) =	sbr.rel @p0 .LBB2_9-.Ltmp3, $1  }
0x18: {  	_ =	sdelay $0x3  }
0x19: {  	_ =	swait.ge [sflag:s5], $0x100  }
0x1a: {  	[sflag:s5] =	ssyncset.done $0x0  }
0x1b: {  	s13 =	simm.s32 $0x0;
	[sflag:s5] =	ssyncadd.s32 $0xFFFFFF00  }
0x1c: {  	v0 =	vld.msk [tilespmem:s13+$0x100 ss:$0x1], $0xffff;
	_ =	sdelay $0x4  }
0x1d: {  	v1 =	vshll.u32 v0, $0x4  }
0x1e: {  	vm2 =	veq.s32 v0, $0x80000000;
	v0 =	vshll.u32 v0, $0x12;
	v1 =	vand.u32 $0x3FF80, v1  }
0x1f: {  	v0 =	vand.u32 $0x1C0000, v0;
	v1 =	vsel vm2, $0xFFFFFF80, v1  }
0x20: {  	v0 =	vsel vm2, $0xFFFC0000, v0;
	v2 =	vand.u32 $0xFFFFFC00, v1  }
0x21: {  	v1 =	vand.u32 $0x380, v1;
	v0 =	vadd.s32 v0, v2  }
0x22: {  	v0 =	vor.u32 v1, v0  }
0x23: {  	v0 =	vshrl.u32 v0, $0x3;
	_ =	sdelay $0x3  }
0x24: {  	s13 =	simm.s32 $0x8200  }
0x25: {  	[tilespmem:s13], [sflag:$0x1] =	stream.indirect_vreg.gather [hbm:s3], $0x80, v0, vm0, $0x38;
	[tilespmem:$0x10200] =	vst v63  }
0x26: {  	s14 =	simm.s32 $0x8600;
	s31 =	simm.s32 $0x10  }
0x27: {  	[tilespmem:s14], [sflag:$0x1] =	stream.indirect_vreg.gather [hbm:s3], $0x80, v0, vm1, $0x38;
	[tilespmem:$0x10200] =	vst v63  }
0x28: {  	s14 =	simm.s32 $0x80;
	v0 =	vld.msk [tilespmem:s31+$0x100 ss:$0x1], $0xffff  }
.LBB2_5:
0x29: {  	p0 =	sne.s32 s14, $0x3C0;
	_ =	sdelay $0x4  }
0x2a: {  	v1 =	vshll.u32 v0, $0x4  }
0x2b: {  	vm2 =	veq.s32 v0, $0x80000000;
	v0 =	vshll.u32 v0, $0x12;
	v1 =	vand.u32 $0x3FF80, v1  }
0x2c: {  	v0 =	vand.u32 $0x1C0000, v0;
	v1 =	vsel vm2, $0xFFFFFF80, v1  }
0x2d: {  	v0 =	vsel vm2, $0xFFFC0000, v0;
	v2 =	vand.u32 $0xFFFFFC00, v1  }
0x2e: {  	v1 =	vand.u32 $0x380, v1;
	v0 =	vadd.s32 v0, v2  }
0x2f: {  	v0 =	vor.u32 v1, v0  }
0x30: {  	v0 =	vshrl.u32 v0, $0x3;
	_ =	sdelay $0x3  }
.Ltmp4:
0x31: {  	s13 =	sadd.s32 $0x800, s13;
	(pc) =	sbr.rel @p0 .LBB2_5-.Ltmp4, $4  }
0x32: {  	[tilespmem:s13], [sflag:$0x1] =	stream.indirect_vreg.gather [hbm:s3], $0x80, v0, vm0, $0x38;
	[tilespmem:$0x10200] =	vst v63  }
0x33: {  	s15 =	sshra.s32 s14, $0x2;
	s16 =	sadd.s32 $0x400, s13  }
0x34: {  	[tilespmem:s16], [sflag:$0x1] =	stream.indirect_vreg.gather [hbm:s3], $0x80, v0, vm1, $0x38;
	[tilespmem:$0x10200] =	vst v63  }
0x35: {  	s14 =	sadd.s32 $0x40, s14;
	v0 =	vld.msk [tilespmem:s15+$0x100 ss:$0x1], $0xffff  }
0x36: {  	_ =	sdelay $0x3  }
0x37: {  	v1 =	vshll.u32 v0, $0x4  }
0x38: {  	vm2 =	veq.s32 v0, $0x80000000;
	v63 =	vshll.u32 v0, $0x12;
	v1 =	vand.u32 $0x3FF80, v1  }
0x39: {  	v0 =	vand.u32 $0x1C0000, v63;
	v1 =	vsel vm2, $0xFFFFFF80, v1  }
0x3a: {  	v0 =	vsel vm2, $0xFFFC0000, v0;
	v2 =	vand.u32 $0xFFFFFC00, v1  }
0x3b: {  	v1 =	vand.u32 $0x380, v1;
	v0 =	vadd.s32 v0, v2  }
0x3c: {  	v0 =	vor.u32 v1, v0  }
0x3d: {  	v0 =	vshrl.u32 v0, $0x3;
	_ =	sdelay $0x3  }
0x3e: {  	s13 =	sadd.s32 $0x800, s13  }
0x3f: {  	[tilespmem:s13], [sflag:$0x1] =	stream.indirect_vreg.gather [hbm:s3], $0x80, v0, vm0, $0x38;
	[tilespmem:$0x10200] =	vst v63  }
0x40: {  	s13 =	sadd.s32 $0x400, s13  }
0x41: {  	[tilespmem:s13], [sflag:$0x1] =	stream.indirect_vreg.gather [hbm:s3], $0x80, v0, vm1, $0x38;
	[tilespmem:$0x10200] =	vst v63  }
0x42: {  	s12 =	sshll.u32 s12, $0x4;
	s14 =	simm.s32 $0x80;
	_ =	swait.ge [sflag:s4], $0x8000  }
0x43: {  	s15 =	simm.s32 $0x8600;
	s12 =	sadd.s32 s12, s7;
	[sflag:s4] =	ssyncset.done $0x0  }
0x44: {  	s16 =	sadd.s32 $0x0, s12;
	s13 =	simm.s32 $0x8200;
	[sflag:s4] =	ssyncadd.s32 $0xFFFF8000  }
.LBB2_7:
0x45: {  	[hbm:s16] =	stream.linear.scatter [tilespmem:s13], [sflag:$0x3], $0x400, $0x38;
	[tilespmem:$0x10200] =	vst v63  }
0x46: {  	s16 =	smov.u32 s14;
	s13 =	smov.u32 s15;
	p0 =	sne.s32 s14, $0xF80  }
.Ltmp5:
0x47: {  	s14 =	sadd.s32 $0x80, s14;
	(pc) =	sbr.rel @p0 .LBB2_7-.Ltmp5, $2  }
0x48: {  	_ =	sdelay $0x2  }
0x49: {  	s15 =	sadd.s32 $0x400, s15;
	s16 =	sadd.s32 s16, s12  }
.Ltmp6:
0x4a: {  	(pc) =	sbr.rel .LBB2_9-.Ltmp6, $2  }
0x4b: {  	_ =	sdelay $0x2  }
0x4c: {  	[hbm:s16] =	stream.linear.scatter [tilespmem:s13], [sflag:$0x3], $0x400, $0x38;
	[tilespmem:$0x10200] =	vst v63  }
.LBB2_2:
.Ltmp7:
0x4d: {  	(pc) =	sbr.rel .LBB2_10-.Ltmp7, $4  }
0x4e: {  	_ = 	snop  }
0x4f: {  	s12 =	sshrl.u32 s11, $0x3  }
0x50: {  	s13 =	sand.u32 $0x7, s11;
	s12 =	sadd.s32 s2, s12  }
0x51: {  	[tilespmem:s9], [sflag:$0x2] =	stream.linear.gather [hbm4b:s12+s13], $0x100, $0x38;
	[tilespmem:$0x10200] =	vst v63  }
.LBB2_11:
0x52: {  	s2 =	simm.s32 $0x3  }
0x53: {  	_ =	swait.ge [sflag:s2], $0x8000  }
0x54: {  	[sflag:s2] =	ssyncset.done $0x0  }
0x55: {  	[sflag:s2] =	ssyncadd.s32 $0xFFFF8000  }
0x56: {  	_ =	sfence.sel $0x180000  }
0x57: {  	s3 =	simm.s32 $0x2;
	[bflag:$0x0] =	sbarrier.arrive $0xFFFF  }
0x58: {  	[sflag:s3] =	ssyncpa.u1 $0x1  }
0x59: {  	s31 =	simm.s32 $0x1;
	[sflag:s2] =	ssyncpa.u1 $0x1  }
0x5a: {  	[sflag:s31] =	ssyncpa.u1 $0x1  }
0x5b: {  	p0 =	sne.s32 s1, $0x0;
	_ =	strace $0x90000050  }
0x5c: {  	s0 =	sadd.s32 @!p0 $0x100000, s0;
	[bflag:$0x2] =	sbarrier.arrive $0xFFFF  }
0x5d: {  	[sflag:s0] =	ssyncadd.tile.s32 @!p0 $0x1;
	_ =	shalt  }
.Lfunc_end2:
_tile_overlayer_lowered:
.L_overlay_start_2:
0x5e: {  	(tag) =	ssettag $0x2  }
0x5f: {  	s0 =	rddreg [dreg:$0x0];
	s2 =	stileid.u32  }
0x60: {  	s1 =	rddreg [dreg:$0x1];
	p0 =	sne.s32 s2, $0x0  }
0x61: {  	s3 =	rddreg [dreg:$0x2];
	[bflag:$0x3] =	sbarrier.arrive $0xFFFF;
	s2 =	simm.s32 @!p0 $0x1C01  }
0x62: {  	[timem:s3], [sflag:s2] =	dma.local @!p0 [hbm:s0], s1  }
0x63: {  	s0 =	simm.s32 @!p0 $0x1  }
0x64: {  	_ =	swait.ge @!p0 [sflag:s0], s1  }
0x65: {  	s1 =	ssub.s32 @!p0 $0x0, s1;
	[sflag:s0] =	ssyncset.done @!p0 $0x0  }
0x66: {  	[sflag:s0] =	ssyncadd.s32 @!p0 s1  }
0x67: {  	[bflag:$0x3] =	sbarrier.arrive $0xFFFF  }
0x68: {  	_ =	shalt  }

// kernel: gather_offload_async_start.2
scs
__scs_entry_jumppad:
0x0: {  	(pc) =	sbr.rel $0x88, $3  }
0x1: {  	(tag) =	ssettag $0x0;
	lr =	simm.s32 $0x1  }
0x2: {  	[smem:$0x3F98] =	sst lr;
	_ =	strace $0xD0000000  }
0x3: {  	_ = 	snop  }
0x4: {  	_ = 	snop  }
0x5: {  	_ = 	snop  }
0x6: {  	_ = 	snop  }
0x7: {  	_ = 	snop  }
__scs_overlays_trampoline_lowered:
0x8: {  	[smem:$0x3FA7] =	sst s0  }
0x9: {  	[smem:$0x3FA8] =	sst s1  }
0xa: {  	[smem:$0x3FA9] =	sst s2  }
0xb: {  	[smem:$0x3FAA] =	sst s3  }
0xc: {  	[smem:$0x3FAB] =	sst s4  }
0xd: {  	[smem:$0x3FAC] =	sst s5  }
0xe: {  	[smem:$0x3FAD] =	sst s6  }
0xf: {  	[smem:$0x3FAE] =	sst s7  }
0x10: {  	[smem:$0x3FAF] =	sst s8  }
0x11: {  	[smem:$0x3FB0] =	sst s9;
	s0 =	simm.s32 @!p0 $0x0  }
0x12: {  	s1 =	sld [smem:$0x3F96];
	s0 =	simm.s32 @p0 $0x1  }
0x13: {  	[smem:$0x3FB1] =	sst s0;
	s0 =	simm.s32 @!p1 $0x0  }
0x14: {  	s2 =	sld [smem:$0x3F95];
	s0 =	simm.s32 @p1 $0x1  }
0x15: {  	[smem:$0x3FB2] =	sst s0;
	s0 =	simm.s32 @!p2 $0x0  }
0x16: {  	s3 =	sld [smem:$0x3FDB];
	s0 =	simm.s32 @p2 $0x1  }
0x17: {  	s4 =	simm.s32 $0x1BF5;
	[smem:$0x3FB4] =	sst s0  }
0x18: {  	s0 =	sld [smem:$0x3F97];
	_ =	swait.ge [sflag:s4], $0x0  }
0x19: {  	s7 =	sld [smem:$0x3F98]  }
0x1a: {  	s8 =	sadd.s32 $0xFFFFE003, lr  }
0x1b: {  	s9 =	sadd.s32 $0xFFFFFEF7, lr;
	s5 =	simm.s32 $0xFFFFFFFF;
	p2 =	slt.u32 s8, $0xFFFFF086  }
0x1c: {  	p1 =	slt.u32 s9, $0xF7A;
	s5 =	simm.s32 @!p2 $0x0  }
0x1d: {  	s5 =	simm.s32 @p1 $0x1;
	p0 =	seq.s32 s7, s2  }
0x1e: {  	s7 =	smul.u32 @!p0 $0xF7A, s2;
	p2 =	seq.s32 @!p0 s5, $0x0  }
0x1f: {  	s9 =	smul.u32 $0xF7A, s1;
	s8 =	simm.s32 @!p0 $0x1BF5;
	p2 =	por !p2, p0  }
0x20: {  	[sflag:s8] =	ssyncset.s32 @!p0 $0xFFFFF086;
	s6 =	sadd.s32 @!p0 s3, s7;
	s7 =	simm.s32 @!p0 $0x108  }
0x21: {  	s3 =	sadd.s32 s3, s9;
	s6 =	sadd.s32 @!p0 $0x88, s6;
	s7 =	simm.s32 @p2 $0x1082  }
0x22: {  	[simem:s7], [sflag:s8] =	dma.local @!p0 [hbm:s6], $0xF7A  }
0x23: {  	s9 =	sor.u32 $0xD0000000, s2;
	s6 =	simm.s32 $0x108;
	_ =	swait.ge @!p0 [sflag:s8], $0x0  }
0x24: {  	s3 =	sadd.s32 $0x88, s3;
	s6 =	simm.s32 @!p1 $0x1082;
	[sflag:s4] =	ssyncset.s32 $0xFFFFF086  }
0x25: {  	[simem:s6], [sflag:s4] =	dma.local [hbm:s3], $0xF7A  }
0x26: {  	[smem:$0x3F98] =	sst s1;
	(tag) =	ssettag s2;
	_ =	strace s9  }
0x27: {  	s1 =	sld [smem:$0x3FA8]  }
0x28: {  	s2 =	sld [smem:$0x3FA9]  }
0x29: {  	s4 =	sld [smem:$0x3FAB]  }
0x2a: {  	p0 =	seq.s32 s5, $0x0;
	s5 =	sld [smem:$0x3FAC]  }
0x2b: {  	s6 =	sld [smem:$0x3FAD]  }
0x2c: {  	s7 =	sld [smem:$0x3FAE]  }
0x2d: {  	s3 =	simm.s32 $0x108;
	s8 =	sld [smem:$0x3FAF]  }
0x2e: {  	s3 =	simm.s32 @!p0 $0x1082;
	s9 =	sld [smem:$0x3FB0]  }
0x2f: {  	lr =	sadd.s32 s0, s3;
	s0 =	sld [smem:$0x3FA7]  }
0x30: {  	s3 =	sld [smem:$0x3FAA]  }
0x31: {  	[smem:$0x3FB3] =	sst s10  }
0x32: {  	s10 =	sld [smem:$0x3FB1];
	_ =	sdelay $0x3  }
0x33: {  	p0 =	seq.s32 s10, $0x1;
	s10 =	sld [smem:$0x3FB3];
	_ =	sdelay $0x3  }
0x34: {  	[smem:$0x3FB3] =	sst s10  }
0x35: {  	s10 =	sld [smem:$0x3FB2];
	_ =	sdelay $0x3  }
0x36: {  	p1 =	seq.s32 s10, $0x1;
	s10 =	sld [smem:$0x3FB3];
	_ =	sdelay $0x3  }
0x37: {  	[smem:$0x3FB3] =	sst s10  }
0x38: {  	s10 =	sld [smem:$0x3FB4]  }
0x39: {  	_ = 	snop;
	(pc) =	sbr.ind lr, $3  }
0x3a: {  	_ = 	snop  }
0x3b: {  	_ = 	snop  }
0x3c: {  	p2 =	seq.s32 s10, $0x1;
	s10 =	sld [smem:$0x3FB3]  }
0x3d: {  	_ =	shalt  }
0x3e: {  	_ =	shalt  }
0x3f: {  	_ =	shalt  }
0x40: {  	_ =	shalt  }
0x41: {  	_ =	shalt  }
0x42: {  	_ =	shalt  }
0x43: {  	_ =	shalt  }
0x44: {  	_ =	shalt  }
0x45: {  	_ =	shalt  }
0x46: {  	_ =	shalt  }
0x47: {  	_ =	shalt  }
0x48: {  	_ =	shalt  }
0x49: {  	_ =	shalt  }
0x4a: {  	_ =	shalt  }
0x4b: {  	_ =	shalt  }
0x4c: {  	_ =	shalt  }
0x4d: {  	_ =	shalt  }
0x4e: {  	_ =	shalt  }
0x4f: {  	_ =	shalt  }
0x50: {  	_ =	shalt  }
0x51: {  	_ =	shalt  }
0x52: {  	_ =	shalt  }
0x53: {  	_ =	shalt  }
0x54: {  	_ =	shalt  }
0x55: {  	_ =	shalt  }
0x56: {  	_ =	shalt  }
0x57: {  	_ =	shalt  }
0x58: {  	_ =	shalt  }
0x59: {  	_ =	shalt  }
0x5a: {  	_ =	shalt  }
0x5b: {  	_ =	shalt  }
0x5c: {  	_ =	shalt  }
0x5d: {  	_ =	shalt  }
0x5e: {  	_ =	shalt  }
0x5f: {  	_ =	shalt  }
0x60: {  	_ =	shalt  }
0x61: {  	_ =	shalt  }
0x62: {  	_ =	shalt  }
0x63: {  	_ =	shalt  }
0x64: {  	_ =	shalt  }
0x65: {  	_ =	shalt  }
0x66: {  	_ =	shalt  }
0x67: {  	_ =	shalt  }
0x68: {  	_ =	shalt  }
0x69: {  	_ =	shalt  }
0x6a: {  	_ =	shalt  }
0x6b: {  	_ =	shalt  }
0x6c: {  	_ =	shalt  }
0x6d: {  	_ =	shalt  }
0x6e: {  	_ =	shalt  }
0x6f: {  	_ =	shalt  }
0x70: {  	_ =	shalt  }
0x71: {  	_ =	shalt  }
0x72: {  	_ =	shalt  }
0x73: {  	_ =	shalt  }
0x74: {  	_ =	shalt  }
0x75: {  	_ =	shalt  }
0x76: {  	_ =	shalt  }
0x77: {  	_ =	shalt  }
0x78: {  	_ =	shalt  }
0x79: {  	_ =	shalt  }
0x7a: {  	_ =	shalt  }
0x7b: {  	_ =	shalt  }
0x7c: {  	_ =	shalt  }
0x7d: {  	_ =	shalt  }
0x7e: {  	_ =	shalt  }
0x7f: {  	_ =	shalt  }
0x80: {  	_ =	shalt  }
0x81: {  	_ =	shalt  }
0x82: {  	_ =	shalt  }
0x83: {  	_ =	shalt  }
0x84: {  	_ =	shalt  }
0x85: {  	_ =	shalt  }
0x86: {  	_ =	shalt  }
0x87: {  	_ =	shalt  }
.Lfunc_end0:
.L_simem_size_0:
called_computation.2_lowered:
.L_overlay_start_0:
0x88: {  	s2 =	sld [smem:$0x3FD9]  }
0x89: {  	s3 =	sld [smem:$0x3FFE];
	_ =	sdelay $0x1  }
0x8a: {  	s1 =	srdreg.scid  }
0x8b: {  	s0 =	sand.u32 $0x1, s1  }
0x8c: {  	s16 =	sshll.u32 s0, $0xA;
	s2 =	sadd.s32 s3, s2  }
0x8d: {  	s2 =	sadd.s32 s2, s16  }
0x8e: {  	[smem:$0x3FBF] =	sst s2  }
0x8f: {  	_ = 	snop  }
0x90: {  	(tm) =	ssettm $0x1  }
0x91: {  	s17 =	sld [smem:$0x3FFB];
	_ =	sdelay $0x3  }
0x92: {  	_ =	strace s17  }
0x93: {  	s2 =	sld [smem:$0x3FFC];
	_ =	sdelay $0x3  }
0x94: {  	_ =	strace s2  }
0x95: {  	s2 =	sld [smem:$0x3FFD];
	_ =	sdelay $0x3  }
0x96: {  	_ =	strace s2  }
0x97: {  	_ =	strace $0x8FFFFFFF  }
0x98: {  	s18 =	sld [smem:$0x3FDB];
	_ =	sdelay $0x1  }
0x99: {  	s19 =	simm.s32 $_scs_section_size  }
0x9a: {  	s4 =	simm.s32 $_size__tile_overlayer_lowered;
	s5 =	simm.s32 $_tile_overlayer_lowered  }
0x9b: {  	s22 =	simm.s32 $0x1BFF;
	s21 =	sshll.u32 s5, $0x1;
	s2 =	sadd.s32 s19, s18  }
0x9c: {  	s6 =	simm.s32 $0x0;
	s20 =	sshll.u32 s4, $0x1;
	s4 =	sadd.s32 s21, s2  }
0x9d: {  	[timem:s6], [sflag:s22] =	dma.local [hbm:s4], s20  }
0x9e: {  	_ =	swait.ge [sflag:s22], s20  }
0x9f: {  	s3 =	ssub.s32 $0x0, s20;
	[sflag:s22] =	ssyncset.done $0x0  }
0xa0: {  	[sflag:s22] =	ssyncadd.s32 s3;
	_ =	sdelay $0x1  }
0xa1: {  	s23 =	simm.s32 $0x1B8B  }
0xa2: {  	_ =	swait.ge [sflag:s23], $0x1  }
0xa3: {  	[sflag:s23] =	ssyncset.done $0x0  }
0xa4: {  	s25 =	simm.s32 $0x1B8E;
	s24 =	sld [smem:$0x3FFE];
	[sflag:s23] =	ssyncadd.s32 $0xFFFFFFFF  }
0xa5: {  	s26 =	simm.s32 $execute0_lowered;
	[smem:$0x3FD2] =	sst s25  }
0xa6: {  	s4 =	sshll.u32 s26, $0x1;
	_ =	strace $0x80000049;
	[dreg:$0x1] =	wrdreg $0xFFFFFFFF  }
0xa7: {  	s28 =	simm.s32 $_size_execute0_lowered;
	s2 =	sadd.s32 s2, s4;
	[dreg:$0x0] =	wrdreg $0x0  }
0xa8: {  	s4 =	sshll.u32 s28, $0x1;
	[dreg:$0x2] =	wrdreg s2  }
0xa9: {  	[dreg:$0x3] =	wrdreg s4  }
0xaa: {  	[dreg:$0x4] =	wrdreg $0xC0  }
0xab: {  	_ =	task [dreg:s6], $0x5FFFF  }
0xac: {  	[dreg:$0x1] =	wrdreg $0xFFFFFFFF  }
0xad: {  	[dreg:$0x0] =	wrdreg $0x60  }
0xae: {  	[dreg:$0x2] =	wrdreg s24  }
0xaf: {  	[dreg:$0x3] =	wrdreg $0x9  }
0xb0: {  	_ =	task.clear_ibuf [dreg:s6], $0x4FFFF;
	_ =	strace $0x90000049  }
0xb1: {  	s29 =	simm.s32 $0x9;
	_ =	strace $0x8000004B  }
0xb2: {  	_ =	swait.ge [sflag:s29], $0x1  }
0xb3: {  	[sflag:s29] =	ssyncadd.s32 $0xFFFFFFFF  }
0xb4: {  	_ =	strace $0x9000004B  }
0xb5: {  	_ =	sfence  }
0xb6: {  	s30 =	sld [smem:$0x0];
	_ =	sdelay $0x2  }
0xb7: {  	s31 =	sshll.u32 s1, $0xD;
	s1 =	sshrl.u32 s1, $0x2  }
0xb8: {  	s3 =	sand.u32 $0x4000, s31;
	s1 =	sadd.s32 s1, s30  }
0xb9: {  	s0 =	sor.u32 s3, s0;
	s1 =	sshll.u32 s1, $0x11  }
0xba: {  	s0 =	sor.u32 s1, s0  }
0xbb: {  	s0 =	sadd.s32 $0x8F2B, s0  }
0xbc: {  	[sflag:s0] =	ssyncadd.remote.s32 $0x1  }
0xbd: {  	_ =	sfence.sel $0xFFFF  }
0xbe: {  	[dreg:$0x0] =	wrdreg $0xFFFFFFFF;
	(pc) =	sbr.abs _section_cstart, $3  }
0xbf: {  	[dreg:$0x1] =	wrdreg $0xFFFFFFFF  }
0xc0: {  	_ =	task.clear_ibuf [dreg:s6], $0x2FFFF;
	_ =	strace $0x9FFFFFFF  }
0xc1: {  	(tm) =	ssettm $0x7FFFFFFF  }
tec
execute0_lowered:
.L_overlay_start_1:
0x0: {  	(tag) =	ssettag $0x1  }
0x1: {  	s7 =	rddreg [dreg:$0x0]  }
0x2: {  	s0 =	rddreg [dreg:$0x1];
	_ =	strace $0x8000004A  }
0x3: {  	s1 =	srdreg.scid;
	s4 =	simm.s32 $0x1;
	s9 =	simm.s32 $0x3  }
0x4: {  	s12 =	simm.s32 $0x0;
	s10 =	simm.s32 $0x0;
	s5 =	sshll.u32 s1, $0x4  }
.Ltmp0:
0x5: {  	s1 =	stileid.u32;
	s5 =	sand.u32 $0x10, s5;
	(pc) =	sbr.rel .LBB2_1-.Ltmp0, $4  }
0x6: {  	s2 =	sadd.s32 $0x40E00, s7;
	s3 =	sadd.s32 $0xA0E00, s7;
	s6 =	sor.u32 s1, s5  }
0x7: {  	[sflag:s4] =	ssyncpa.u1 $0x0;
	s5 =	simm.s32 $0x2;
	s6 =	sshll.u32 s6, $0x7  }
0x8: {  	s7 =	sadd.s32 $0xA1000, s7;
	[sflag:s5] =	ssyncpa.u1 $0x0;
	s8 =	sadd.s32 $0x80, s6  }
0x9: {  	vm0 =	vmmov $0xff;
	vm1 =	vcmask $0x3F20;
	[sflag:s9] =	ssyncpa.u1 $0x0;
	s9 =	simm.s32 $0x80;
	s11 =	smov.u32 s6  }
.LBB2_9:
0xa: {  	p0 =	seq.s32 s10, $0x2  }
.Ltmp1:
0xb: {  	_ = 	snop;
	(pc) =	sbr.rel @p0 .LBB2_11-.Ltmp1, $1  }
0xc: {  	_ =	sdelay $0x3  }
.LBB2_10:
0xd: {  	s12 =	sadd.s32 $0x80, s11  }
0xe: {  	s13 =	smov.u32 s6;
	p0 =	slt.s32 s12, s8  }
0xf: {  	s13 =	smov.u32 @p0 s12  }
0x10: {  	s10 =	sadd.s32 $0x1, s10;
	s12 =	smov.u32 s11;
	s11 =	smov.u32 s13  }
.LBB2_1:
0x11: {  	p0 =	sne.s32 s10, $0x0  }
.Ltmp2:
0x12: {  	_ = 	snop;
	(pc) =	sbr.rel @!p0 .LBB2_2-.Ltmp2, $1  }
0x13: {  	_ =	sdelay $0x3  }
0x14: {  	s13 =	sand.u32 $0x1, s10  }
0x15: {  	p0 =	seq.s32 s13, $0x0  }
.Ltmp3:
0x16: {  	_ = 	snop;
	(pc) =	sbr.rel @p0 .LBB2_9-.Ltmp3, $1  }
0x17: {  	_ =	sdelay $0x3  }
0x18: {  	_ =	swait.ge [sflag:s5], $0x80  }
0x19: {  	[sflag:s5] =	ssyncset.done $0x0  }
0x1a: {  	s13 =	simm.s32 $0x0;
	[sflag:s5] =	ssyncadd.s32 $0xFFFFFF80  }
0x1b: {  	v0 =	vld.msk [tilespmem:s13+$0x80 ss:$0x1], $0xffff;
	_ =	sdelay $0x4  }
0x1c: {  	v1 =	vshll.u32 v0, $0x4  }
0x1d: {  	vm2 =	veq.s32 v0, $0x80000000;
	v0 =	vshll.u32 v0, $0x11;
	v1 =	vand.u32 $0x1FF80, v1  }
0x1e: {  	v0 =	vand.u32 $0xE0000, v0;
	v1 =	vsel vm2, $0xFFFFFF80, v1  }
0x1f: {  	v0 =	vsel vm2, $0xFFFE0000, v0;
	v2 =	vand.u32 $0xFFFFFC00, v1  }
0x20: {  	v1 =	vand.u32 $0x380, v1;
	v0 =	vadd.s32 v0, v2  }
0x21: {  	v0 =	vor.u32 v1, v0  }
0x22: {  	v0 =	vshrl.u32 v0, $0x3;
	_ =	sdelay $0x3  }
0x23: {  	s13 =	simm.s32 $0x4100  }
0x24: {  	[tilespmem:s13], [sflag:$0x1] =	stream.indirect_vreg.gather [hbm:s2], $0x80, v0, vm0, $0x38;
	[tilespmem:$0x8100] =	vst v63  }
0x25: {  	s14 =	simm.s32 $0x4500;
	s31 =	simm.s32 $0x10  }
0x26: {  	[tilespmem:s14], [sflag:$0x1] =	stream.indirect_vreg.gather [hbm:s2], $0x80, v0, vm1, $0x38;
	[tilespmem:$0x8100] =	vst v63  }
0x27: {  	s14 =	simm.s32 $0x80;
	v0 =	vld.msk [tilespmem:s31+$0x80 ss:$0x1], $0xffff  }
.LBB2_5:
0x28: {  	p0 =	sne.s32 s14, $0x1C0;
	_ =	sdelay $0x4  }
0x29: {  	v1 =	vshll.u32 v0, $0x4  }
0x2a: {  	vm2 =	veq.s32 v0, $0x80000000;
	v0 =	vshll.u32 v0, $0x11;
	v1 =	vand.u32 $0x1FF80, v1  }
0x2b: {  	v0 =	vand.u32 $0xE0000, v0;
	v1 =	vsel vm2, $0xFFFFFF80, v1  }
0x2c: {  	v0 =	vsel vm2, $0xFFFE0000, v0;
	v2 =	vand.u32 $0xFFFFFC00, v1  }
0x2d: {  	v1 =	vand.u32 $0x380, v1;
	v0 =	vadd.s32 v0, v2  }
0x2e: {  	v0 =	vor.u32 v1, v0  }
0x2f: {  	v0 =	vshrl.u32 v0, $0x3;
	_ =	sdelay $0x3  }
.Ltmp4:
0x30: {  	s13 =	sadd.s32 $0x800, s13;
	(pc) =	sbr.rel @p0 .LBB2_5-.Ltmp4, $4  }
0x31: {  	[tilespmem:s13], [sflag:$0x1] =	stream.indirect_vreg.gather [hbm:s2], $0x80, v0, vm0, $0x38;
	[tilespmem:$0x8100] =	vst v63  }
0x32: {  	s15 =	sshra.s32 s14, $0x2;
	s16 =	sadd.s32 $0x400, s13  }
0x33: {  	[tilespmem:s16], [sflag:$0x1] =	stream.indirect_vreg.gather [hbm:s2], $0x80, v0, vm1, $0x38;
	[tilespmem:$0x8100] =	vst v63  }
0x34: {  	s14 =	sadd.s32 $0x40, s14;
	v0 =	vld.msk [tilespmem:s15+$0x80 ss:$0x1], $0xffff  }
0x35: {  	_ =	sdelay $0x3  }
0x36: {  	v1 =	vshll.u32 v0, $0x4  }
0x37: {  	vm2 =	veq.s32 v0, $0x80000000;
	v63 =	vshll.u32 v0, $0x11;
	v1 =	vand.u32 $0x1FF80, v1  }
0x38: {  	v0 =	vand.u32 $0xE0000, v63;
	v1 =	vsel vm2, $0xFFFFFF80, v1  }
0x39: {  	v0 =	vsel vm2, $0xFFFE0000, v0;
	v2 =	vand.u32 $0xFFFFFC00, v1  }
0x3a: {  	v1 =	vand.u32 $0x380, v1;
	v0 =	vadd.s32 v0, v2  }
0x3b: {  	v0 =	vor.u32 v1, v0  }
0x3c: {  	v0 =	vshrl.u32 v0, $0x3;
	_ =	sdelay $0x3  }
0x3d: {  	s13 =	sadd.s32 $0x800, s13  }
0x3e: {  	[tilespmem:s13], [sflag:$0x1] =	stream.indirect_vreg.gather [hbm:s2], $0x80, v0, vm0, $0x38;
	[tilespmem:$0x8100] =	vst v63  }
0x3f: {  	s13 =	sadd.s32 $0x400, s13  }
0x40: {  	[tilespmem:s13], [sflag:$0x1] =	stream.indirect_vreg.gather [hbm:s2], $0x80, v0, vm1, $0x38;
	[tilespmem:$0x8100] =	vst v63  }
0x41: {  	s12 =	sshll.u32 s12, $0x4;
	s14 =	simm.s32 $0x80;
	_ =	swait.ge [sflag:s4], $0x4000  }
0x42: {  	s15 =	simm.s32 $0x4500;
	s12 =	sadd.s32 s12, s7;
	[sflag:s4] =	ssyncset.done $0x0  }
0x43: {  	s16 =	sadd.s32 $0x0, s12;
	s13 =	simm.s32 $0x4100;
	[sflag:s4] =	ssyncadd.s32 $0xFFFFC000  }
.LBB2_7:
0x44: {  	[hbm:s16] =	stream.linear.scatter [tilespmem:s13], [sflag:$0x3], $0x400, $0x38;
	[tilespmem:$0x8100] =	vst v63  }
0x45: {  	s16 =	smov.u32 s14;
	s13 =	smov.u32 s15;
	p0 =	sne.s32 s14, $0x780  }
.Ltmp5:
0x46: {  	s14 =	sadd.s32 $0x80, s14;
	(pc) =	sbr.rel @p0 .LBB2_7-.Ltmp5, $2  }
0x47: {  	_ =	sdelay $0x2  }
0x48: {  	s15 =	sadd.s32 $0x400, s15;
	s16 =	sadd.s32 s16, s12  }
.Ltmp6:
0x49: {  	(pc) =	sbr.rel .LBB2_9-.Ltmp6, $2  }
0x4a: {  	_ =	sdelay $0x2  }
0x4b: {  	[hbm:s16] =	stream.linear.scatter [tilespmem:s13], [sflag:$0x3], $0x400, $0x38;
	[tilespmem:$0x8100] =	vst v63  }
.LBB2_2:
.Ltmp7:
0x4c: {  	(pc) =	sbr.rel .LBB2_10-.Ltmp7, $4  }
0x4d: {  	_ = 	snop  }
0x4e: {  	s12 =	sshrl.u32 s11, $0x3  }
0x4f: {  	s13 =	sand.u32 $0x7, s11;
	s12 =	sadd.s32 s3, s12  }
0x50: {  	[tilespmem:s9], [sflag:$0x2] =	stream.linear.gather [hbm4b:s12+s13], $0x80, $0x38;
	[tilespmem:$0x8100] =	vst v63  }
.LBB2_11:
0x51: {  	s2 =	simm.s32 $0x3  }
0x52: {  	_ =	swait.ge [sflag:s2], $0x4000  }
0x53: {  	[sflag:s2] =	ssyncset.done $0x0  }
0x54: {  	[sflag:s2] =	ssyncadd.s32 $0xFFFFC000  }
0x55: {  	_ =	sfence.sel $0x180000  }
0x56: {  	s3 =	simm.s32 $0x2;
	[bflag:$0x0] =	sbarrier.arrive $0xFFFF  }
0x57: {  	[sflag:s3] =	ssyncpa.u1 $0x1  }
0x58: {  	s31 =	simm.s32 $0x1;
	[sflag:s2] =	ssyncpa.u1 $0x1  }
0x59: {  	[sflag:s31] =	ssyncpa.u1 $0x1  }
0x5a: {  	p0 =	sne.s32 s1, $0x0;
	_ =	strace $0x9000004A  }
0x5b: {  	s0 =	sadd.s32 @!p0 $0x100000, s0;
	[bflag:$0x2] =	sbarrier.arrive $0xFFFF  }
0x5c: {  	[sflag:s0] =	ssyncadd.tile.s32 @!p0 $0x1;
	_ =	shalt  }
.Lfunc_end2:
_tile_overlayer_lowered:
.L_overlay_start_2:
0x5d: {  	(tag) =	ssettag $0x2  }
0x5e: {  	s0 =	rddreg [dreg:$0x0];
	s2 =	stileid.u32  }
0x5f: {  	s1 =	rddreg [dreg:$0x1];
	p0 =	sne.s32 s2, $0x0  }
0x60: {  	s3 =	rddreg [dreg:$0x2];
	[bflag:$0x3] =	sbarrier.arrive $0xFFFF;
	s2 =	simm.s32 @!p0 $0x1C01  }
0x61: {  	[timem:s3], [sflag:s2] =	dma.local @!p0 [hbm:s0], s1  }
0x62: {  	s0 =	simm.s32 @!p0 $0x1  }
0x63: {  	_ =	swait.ge @!p0 [sflag:s0], s1  }
0x64: {  	s1 =	ssub.s32 @!p0 $0x0, s1;
	[sflag:s0] =	ssyncset.done @!p0 $0x0  }
0x65: {  	[sflag:s0] =	ssyncadd.s32 @!p0 s1  }
0x66: {  	[bflag:$0x3] =	sbarrier.arrive $0xFFFF  }
0x67: {  	_ =	shalt  }

// kernel: gather_offload_async_start.3
scs
__scs_entry_jumppad:
0x0: {  	(pc) =	sbr.rel $0x88, $3  }
0x1: {  	(tag) =	ssettag $0x0;
	lr =	simm.s32 $0x1  }
0x2: {  	[smem:$0x3F98] =	sst lr;
	_ =	strace $0xD0000000  }
0x3: {  	_ = 	snop  }
0x4: {  	_ = 	snop  }
0x5: {  	_ = 	snop  }
0x6: {  	_ = 	snop  }
0x7: {  	_ = 	snop  }
__scs_overlays_trampoline_lowered:
0x8: {  	[smem:$0x3FA7] =	sst s0  }
0x9: {  	[smem:$0x3FA8] =	sst s1  }
0xa: {  	[smem:$0x3FA9] =	sst s2  }
0xb: {  	[smem:$0x3FAA] =	sst s3  }
0xc: {  	[smem:$0x3FAB] =	sst s4  }
0xd: {  	[smem:$0x3FAC] =	sst s5  }
0xe: {  	[smem:$0x3FAD] =	sst s6  }
0xf: {  	[smem:$0x3FAE] =	sst s7  }
0x10: {  	[smem:$0x3FAF] =	sst s8  }
0x11: {  	[smem:$0x3FB0] =	sst s9;
	s0 =	simm.s32 @!p0 $0x0  }
0x12: {  	s1 =	sld [smem:$0x3F96];
	s0 =	simm.s32 @p0 $0x1  }
0x13: {  	[smem:$0x3FB1] =	sst s0;
	s0 =	simm.s32 @!p1 $0x0  }
0x14: {  	s2 =	sld [smem:$0x3F95];
	s0 =	simm.s32 @p1 $0x1  }
0x15: {  	[smem:$0x3FB2] =	sst s0;
	s0 =	simm.s32 @!p2 $0x0  }
0x16: {  	s3 =	sld [smem:$0x3FDB];
	s0 =	simm.s32 @p2 $0x1  }
0x17: {  	s4 =	simm.s32 $0x1BF5;
	[smem:$0x3FB4] =	sst s0  }
0x18: {  	s0 =	sld [smem:$0x3F97];
	_ =	swait.ge [sflag:s4], $0x0  }
0x19: {  	s7 =	sld [smem:$0x3F98]  }
0x1a: {  	s8 =	sadd.s32 $0xFFFFE003, lr  }
0x1b: {  	s9 =	sadd.s32 $0xFFFFFEF7, lr;
	s5 =	simm.s32 $0xFFFFFFFF;
	p2 =	slt.u32 s8, $0xFFFFF086  }
0x1c: {  	p1 =	slt.u32 s9, $0xF7A;
	s5 =	simm.s32 @!p2 $0x0  }
0x1d: {  	s5 =	simm.s32 @p1 $0x1;
	p0 =	seq.s32 s7, s2  }
0x1e: {  	s7 =	smul.u32 @!p0 $0xF7A, s2;
	p2 =	seq.s32 @!p0 s5, $0x0  }
0x1f: {  	s9 =	smul.u32 $0xF7A, s1;
	s8 =	simm.s32 @!p0 $0x1BF5;
	p2 =	por !p2, p0  }
0x20: {  	[sflag:s8] =	ssyncset.s32 @!p0 $0xFFFFF086;
	s6 =	sadd.s32 @!p0 s3, s7;
	s7 =	simm.s32 @!p0 $0x108  }
0x21: {  	s3 =	sadd.s32 s3, s9;
	s6 =	sadd.s32 @!p0 $0x88, s6;
	s7 =	simm.s32 @p2 $0x1082  }
0x22: {  	[simem:s7], [sflag:s8] =	dma.local @!p0 [hbm:s6], $0xF7A  }
0x23: {  	s9 =	sor.u32 $0xD0000000, s2;
	s6 =	simm.s32 $0x108;
	_ =	swait.ge @!p0 [sflag:s8], $0x0  }
0x24: {  	s3 =	sadd.s32 $0x88, s3;
	s6 =	simm.s32 @!p1 $0x1082;
	[sflag:s4] =	ssyncset.s32 $0xFFFFF086  }
0x25: {  	[simem:s6], [sflag:s4] =	dma.local [hbm:s3], $0xF7A  }
0x26: {  	[smem:$0x3F98] =	sst s1;
	(tag) =	ssettag s2;
	_ =	strace s9  }
0x27: {  	s1 =	sld [smem:$0x3FA8]  }
0x28: {  	s2 =	sld [smem:$0x3FA9]  }
0x29: {  	s4 =	sld [smem:$0x3FAB]  }
0x2a: {  	p0 =	seq.s32 s5, $0x0;
	s5 =	sld [smem:$0x3FAC]  }
0x2b: {  	s6 =	sld [smem:$0x3FAD]  }
0x2c: {  	s7 =	sld [smem:$0x3FAE]  }
0x2d: {  	s3 =	simm.s32 $0x108;
	s8 =	sld [smem:$0x3FAF]  }
0x2e: {  	s3 =	simm.s32 @!p0 $0x1082;
	s9 =	sld [smem:$0x3FB0]  }
0x2f: {  	lr =	sadd.s32 s0, s3;
	s0 =	sld [smem:$0x3FA7]  }
0x30: {  	s3 =	sld [smem:$0x3FAA]  }
0x31: {  	[smem:$0x3FB3] =	sst s10  }
0x32: {  	s10 =	sld [smem:$0x3FB1];
	_ =	sdelay $0x3  }
0x33: {  	p0 =	seq.s32 s10, $0x1;
	s10 =	sld [smem:$0x3FB3];
	_ =	sdelay $0x3  }
0x34: {  	[smem:$0x3FB3] =	sst s10  }
0x35: {  	s10 =	sld [smem:$0x3FB2];
	_ =	sdelay $0x3  }
0x36: {  	p1 =	seq.s32 s10, $0x1;
	s10 =	sld [smem:$0x3FB3];
	_ =	sdelay $0x3  }
0x37: {  	[smem:$0x3FB3] =	sst s10  }
0x38: {  	s10 =	sld [smem:$0x3FB4]  }
0x39: {  	_ = 	snop;
	(pc) =	sbr.ind lr, $3  }
0x3a: {  	_ = 	snop  }
0x3b: {  	_ = 	snop  }
0x3c: {  	p2 =	seq.s32 s10, $0x1;
	s10 =	sld [smem:$0x3FB3]  }
0x3d: {  	_ =	shalt  }
0x3e: {  	_ =	shalt  }
0x3f: {  	_ =	shalt  }
0x40: {  	_ =	shalt  }
0x41: {  	_ =	shalt  }
0x42: {  	_ =	shalt  }
0x43: {  	_ =	shalt  }
0x44: {  	_ =	shalt  }
0x45: {  	_ =	shalt  }
0x46: {  	_ =	shalt  }
0x47: {  	_ =	shalt  }
0x48: {  	_ =	shalt  }
0x49: {  	_ =	shalt  }
0x4a: {  	_ =	shalt  }
0x4b: {  	_ =	shalt  }
0x4c: {  	_ =	shalt  }
0x4d: {  	_ =	shalt  }
0x4e: {  	_ =	shalt  }
0x4f: {  	_ =	shalt  }
0x50: {  	_ =	shalt  }
0x51: {  	_ =	shalt  }
0x52: {  	_ =	shalt  }
0x53: {  	_ =	shalt  }
0x54: {  	_ =	shalt  }
0x55: {  	_ =	shalt  }
0x56: {  	_ =	shalt  }
0x57: {  	_ =	shalt  }
0x58: {  	_ =	shalt  }
0x59: {  	_ =	shalt  }
0x5a: {  	_ =	shalt  }
0x5b: {  	_ =	shalt  }
0x5c: {  	_ =	shalt  }
0x5d: {  	_ =	shalt  }
0x5e: {  	_ =	shalt  }
0x5f: {  	_ =	shalt  }
0x60: {  	_ =	shalt  }
0x61: {  	_ =	shalt  }
0x62: {  	_ =	shalt  }
0x63: {  	_ =	shalt  }
0x64: {  	_ =	shalt  }
0x65: {  	_ =	shalt  }
0x66: {  	_ =	shalt  }
0x67: {  	_ =	shalt  }
0x68: {  	_ =	shalt  }
0x69: {  	_ =	shalt  }
0x6a: {  	_ =	shalt  }
0x6b: {  	_ =	shalt  }
0x6c: {  	_ =	shalt  }
0x6d: {  	_ =	shalt  }
0x6e: {  	_ =	shalt  }
0x6f: {  	_ =	shalt  }
0x70: {  	_ =	shalt  }
0x71: {  	_ =	shalt  }
0x72: {  	_ =	shalt  }
0x73: {  	_ =	shalt  }
0x74: {  	_ =	shalt  }
0x75: {  	_ =	shalt  }
0x76: {  	_ =	shalt  }
0x77: {  	_ =	shalt  }
0x78: {  	_ =	shalt  }
0x79: {  	_ =	shalt  }
0x7a: {  	_ =	shalt  }
0x7b: {  	_ =	shalt  }
0x7c: {  	_ =	shalt  }
0x7d: {  	_ =	shalt  }
0x7e: {  	_ =	shalt  }
0x7f: {  	_ =	shalt  }
0x80: {  	_ =	shalt  }
0x81: {  	_ =	shalt  }
0x82: {  	_ =	shalt  }
0x83: {  	_ =	shalt  }
0x84: {  	_ =	shalt  }
0x85: {  	_ =	shalt  }
0x86: {  	_ =	shalt  }
0x87: {  	_ =	shalt  }
.Lfunc_end0:
.L_simem_size_0:
called_computation.3_lowered:
.L_overlay_start_0:
0x88: {  	s2 =	sld [smem:$0x3FD9]  }
0x89: {  	s3 =	sld [smem:$0x3FFE];
	_ =	sdelay $0x1  }
0x8a: {  	s1 =	srdreg.scid  }
0x8b: {  	s0 =	sand.u32 $0x1, s1  }
0x8c: {  	s16 =	sshll.u32 s0, $0xA;
	s2 =	sadd.s32 s3, s2  }
0x8d: {  	s2 =	sadd.s32 s2, s16  }
0x8e: {  	[smem:$0x3FBF] =	sst s2  }
0x8f: {  	_ = 	snop  }
0x90: {  	(tm) =	ssettm $0x1  }
0x91: {  	s17 =	sld [smem:$0x3FFB];
	_ =	sdelay $0x3  }
0x92: {  	_ =	strace s17  }
0x93: {  	s2 =	sld [smem:$0x3FFC];
	_ =	sdelay $0x3  }
0x94: {  	_ =	strace s2  }
0x95: {  	s2 =	sld [smem:$0x3FFD];
	_ =	sdelay $0x3  }
0x96: {  	_ =	strace s2  }
0x97: {  	_ =	strace $0x8FFFFFFF  }
0x98: {  	s18 =	sld [smem:$0x3FDB];
	_ =	sdelay $0x1  }
0x99: {  	s19 =	simm.s32 $_scs_section_size  }
0x9a: {  	s4 =	simm.s32 $_size__tile_overlayer_lowered;
	s5 =	simm.s32 $_tile_overlayer_lowered  }
0x9b: {  	s22 =	simm.s32 $0x1BFF;
	s21 =	sshll.u32 s5, $0x1;
	s2 =	sadd.s32 s19, s18  }
0x9c: {  	s6 =	simm.s32 $0x0;
	s20 =	sshll.u32 s4, $0x1;
	s4 =	sadd.s32 s21, s2  }
0x9d: {  	[timem:s6], [sflag:s22] =	dma.local [hbm:s4], s20  }
0x9e: {  	_ =	swait.ge [sflag:s22], s20  }
0x9f: {  	s3 =	ssub.s32 $0x0, s20;
	[sflag:s22] =	ssyncset.done $0x0  }
0xa0: {  	[sflag:s22] =	ssyncadd.s32 s3;
	_ =	sdelay $0x1  }
0xa1: {  	s23 =	simm.s32 $0x1B8B  }
0xa2: {  	_ =	swait.ge [sflag:s23], $0x1  }
0xa3: {  	[sflag:s23] =	ssyncset.done $0x0  }
0xa4: {  	s25 =	simm.s32 $0x1B8E;
	s24 =	sld [smem:$0x3FFE];
	[sflag:s23] =	ssyncadd.s32 $0xFFFFFFFF  }
0xa5: {  	s26 =	simm.s32 $execute0_lowered;
	[smem:$0x3FD2] =	sst s25  }
0xa6: {  	s4 =	sshll.u32 s26, $0x1;
	_ =	strace $0x80000052;
	[dreg:$0x1] =	wrdreg $0xFFFFFFFF  }
0xa7: {  	s28 =	simm.s32 $_size_execute0_lowered;
	s2 =	sadd.s32 s2, s4;
	[dreg:$0x0] =	wrdreg $0x0  }
0xa8: {  	s4 =	sshll.u32 s28, $0x1;
	[dreg:$0x2] =	wrdreg s2  }
0xa9: {  	[dreg:$0x3] =	wrdreg s4  }
0xaa: {  	[dreg:$0x4] =	wrdreg $0xC0  }
0xab: {  	_ =	task [dreg:s6], $0x5FFFF  }
0xac: {  	[dreg:$0x1] =	wrdreg $0xFFFFFFFF  }
0xad: {  	[dreg:$0x0] =	wrdreg $0x60  }
0xae: {  	[dreg:$0x2] =	wrdreg s24  }
0xaf: {  	[dreg:$0x3] =	wrdreg $0x9  }
0xb0: {  	_ =	task.clear_ibuf [dreg:s6], $0x4FFFF;
	_ =	strace $0x90000052  }
0xb1: {  	s29 =	simm.s32 $0x9;
	_ =	strace $0x80000054  }
0xb2: {  	_ =	swait.ge [sflag:s29], $0x1  }
0xb3: {  	[sflag:s29] =	ssyncadd.s32 $0xFFFFFFFF  }
0xb4: {  	_ =	strace $0x90000054  }
0xb5: {  	_ =	sfence  }
0xb6: {  	s30 =	sld [smem:$0x0];
	_ =	sdelay $0x2  }
0xb7: {  	s31 =	sshll.u32 s1, $0xD;
	s1 =	sshrl.u32 s1, $0x2  }
0xb8: {  	s3 =	sand.u32 $0x4000, s31;
	s1 =	sadd.s32 s1, s30  }
0xb9: {  	s0 =	sor.u32 s3, s0;
	s1 =	sshll.u32 s1, $0x11  }
0xba: {  	s0 =	sor.u32 s1, s0  }
0xbb: {  	s0 =	sadd.s32 $0x8F2B, s0  }
0xbc: {  	[sflag:s0] =	ssyncadd.remote.s32 $0x1  }
0xbd: {  	_ =	sfence.sel $0xFFFF  }
0xbe: {  	[dreg:$0x0] =	wrdreg $0xFFFFFFFF;
	(pc) =	sbr.abs _section_cstart, $3  }
0xbf: {  	[dreg:$0x1] =	wrdreg $0xFFFFFFFF  }
0xc0: {  	_ =	task.clear_ibuf [dreg:s6], $0x2FFFF;
	_ =	strace $0x9FFFFFFF  }
0xc1: {  	(tm) =	ssettm $0x7FFFFFFF  }
tec
execute0_lowered:
.L_overlay_start_1:
0x0: {  	(tag) =	ssettag $0x1  }
0x1: {  	s7 =	rddreg [dreg:$0x0]  }
0x2: {  	s0 =	rddreg [dreg:$0x1];
	_ =	strace $0x80000053  }
0x3: {  	s1 =	srdreg.scid;
	s4 =	simm.s32 $0x1;
	s9 =	simm.s32 $0x3  }
0x4: {  	s12 =	simm.s32 $0x0;
	s10 =	simm.s32 $0x0;
	s5 =	sshll.u32 s1, $0x4  }
.Ltmp0:
0x5: {  	s1 =	stileid.u32;
	s5 =	sand.u32 $0x10, s5;
	(pc) =	sbr.rel .LBB2_1-.Ltmp0, $4  }
0x6: {  	s2 =	sadd.s32 $0x9000, s7;
	s3 =	sadd.s32 $0xA0E00, s7;
	s6 =	sor.u32 s1, s5  }
0x7: {  	[sflag:s4] =	ssyncpa.u1 $0x0;
	s5 =	simm.s32 $0x2;
	s6 =	sshll.u32 s6, $0x7  }
0x8: {  	s7 =	sadd.s32 $0x2D200, s7;
	[sflag:s5] =	ssyncpa.u1 $0x0;
	s8 =	sadd.s32 $0x80, s6  }
0x9: {  	vm0 =	vmmov $0xff;
	vm1 =	vcmask $0x3F20;
	[sflag:s9] =	ssyncpa.u1 $0x0;
	s9 =	simm.s32 $0x80;
	s11 =	smov.u32 s6  }
.LBB2_9:
0xa: {  	p0 =	seq.s32 s10, $0x2  }
.Ltmp1:
0xb: {  	_ = 	snop;
	(pc) =	sbr.rel @p0 .LBB2_11-.Ltmp1, $1  }
0xc: {  	_ =	sdelay $0x3  }
.LBB2_10:
0xd: {  	s12 =	sadd.s32 $0x80, s11  }
0xe: {  	s13 =	smov.u32 s6;
	p0 =	slt.s32 s12, s8  }
0xf: {  	s13 =	smov.u32 @p0 s12  }
0x10: {  	s10 =	sadd.s32 $0x1, s10;
	s12 =	smov.u32 s11;
	s11 =	smov.u32 s13  }
.LBB2_1:
0x11: {  	p0 =	sne.s32 s10, $0x0  }
.Ltmp2:
0x12: {  	_ = 	snop;
	(pc) =	sbr.rel @!p0 .LBB2_2-.Ltmp2, $1  }
0x13: {  	_ =	sdelay $0x3  }
0x14: {  	s13 =	sand.u32 $0x1, s10  }
0x15: {  	p0 =	seq.s32 s13, $0x0  }
.Ltmp3:
0x16: {  	_ = 	snop;
	(pc) =	sbr.rel @p0 .LBB2_9-.Ltmp3, $1  }
0x17: {  	_ =	sdelay $0x3  }
0x18: {  	_ =	swait.ge [sflag:s5], $0x80  }
0x19: {  	[sflag:s5] =	ssyncset.done $0x0  }
0x1a: {  	s13 =	simm.s32 $0x0;
	[sflag:s5] =	ssyncadd.s32 $0xFFFFFF80  }
0x1b: {  	v0 =	vld.msk [tilespmem:s13+$0x80 ss:$0x1], $0xffff;
	_ =	sdelay $0x4  }
0x1c: {  	v1 =	vshll.u32 v0, $0x4  }
0x1d: {  	vm2 =	veq.s32 v0, $0x80000000;
	v0 =	vshll.u32 v0, $0x11;
	v1 =	vand.u32 $0x1FF80, v1  }
0x1e: {  	v0 =	vand.u32 $0xE0000, v0;
	v1 =	vsel vm2, $0xFFFFFF80, v1  }
0x1f: {  	v0 =	vsel vm2, $0xFFFE0000, v0;
	v2 =	vand.u32 $0xFFFFFC00, v1  }
0x20: {  	v1 =	vand.u32 $0x380, v1;
	v0 =	vadd.s32 v0, v2  }
0x21: {  	v0 =	vor.u32 v1, v0  }
0x22: {  	v0 =	vshrl.u32 v0, $0x3;
	_ =	sdelay $0x3  }
0x23: {  	s13 =	simm.s32 $0x4100  }
0x24: {  	[tilespmem:s13], [sflag:$0x1] =	stream.indirect_vreg.gather [hbm:s2], $0x80, v0, vm0, $0x38;
	[tilespmem:$0x8100] =	vst v63  }
0x25: {  	s14 =	simm.s32 $0x4500;
	s31 =	simm.s32 $0x10  }
0x26: {  	[tilespmem:s14], [sflag:$0x1] =	stream.indirect_vreg.gather [hbm:s2], $0x80, v0, vm1, $0x38;
	[tilespmem:$0x8100] =	vst v63  }
0x27: {  	s14 =	simm.s32 $0x80;
	v0 =	vld.msk [tilespmem:s31+$0x80 ss:$0x1], $0xffff  }
.LBB2_5:
0x28: {  	p0 =	sne.s32 s14, $0x1C0;
	_ =	sdelay $0x4  }
0x29: {  	v1 =	vshll.u32 v0, $0x4  }
0x2a: {  	vm2 =	veq.s32 v0, $0x80000000;
	v0 =	vshll.u32 v0, $0x11;
	v1 =	vand.u32 $0x1FF80, v1  }
0x2b: {  	v0 =	vand.u32 $0xE0000, v0;
	v1 =	vsel vm2, $0xFFFFFF80, v1  }
0x2c: {  	v0 =	vsel vm2, $0xFFFE0000, v0;
	v2 =	vand.u32 $0xFFFFFC00, v1  }
0x2d: {  	v1 =	vand.u32 $0x380, v1;
	v0 =	vadd.s32 v0, v2  }
0x2e: {  	v0 =	vor.u32 v1, v0  }
0x2f: {  	v0 =	vshrl.u32 v0, $0x3;
	_ =	sdelay $0x3  }
.Ltmp4:
0x30: {  	s13 =	sadd.s32 $0x800, s13;
	(pc) =	sbr.rel @p0 .LBB2_5-.Ltmp4, $4  }
0x31: {  	[tilespmem:s13], [sflag:$0x1] =	stream.indirect_vreg.gather [hbm:s2], $0x80, v0, vm0, $0x38;
	[tilespmem:$0x8100] =	vst v63  }
0x32: {  	s15 =	sshra.s32 s14, $0x2;
	s16 =	sadd.s32 $0x400, s13  }
0x33: {  	[tilespmem:s16], [sflag:$0x1] =	stream.indirect_vreg.gather [hbm:s2], $0x80, v0, vm1, $0x38;
	[tilespmem:$0x8100] =	vst v63  }
0x34: {  	s14 =	sadd.s32 $0x40, s14;
	v0 =	vld.msk [tilespmem:s15+$0x80 ss:$0x1], $0xffff  }
0x35: {  	_ =	sdelay $0x3  }
0x36: {  	v1 =	vshll.u32 v0, $0x4  }
0x37: {  	vm2 =	veq.s32 v0, $0x80000000;
	v63 =	vshll.u32 v0, $0x11;
	v1 =	vand.u32 $0x1FF80, v1  }
0x38: {  	v0 =	vand.u32 $0xE0000, v63;
	v1 =	vsel vm2, $0xFFFFFF80, v1  }
0x39: {  	v0 =	vsel vm2, $0xFFFE0000, v0;
	v2 =	vand.u32 $0xFFFFFC00, v1  }
0x3a: {  	v1 =	vand.u32 $0x380, v1;
	v0 =	vadd.s32 v0, v2  }
0x3b: {  	v0 =	vor.u32 v1, v0  }
0x3c: {  	v0 =	vshrl.u32 v0, $0x3;
	_ =	sdelay $0x3  }
0x3d: {  	s13 =	sadd.s32 $0x800, s13  }
0x3e: {  	[tilespmem:s13], [sflag:$0x1] =	stream.indirect_vreg.gather [hbm:s2], $0x80, v0, vm0, $0x38;
	[tilespmem:$0x8100] =	vst v63  }
0x3f: {  	s13 =	sadd.s32 $0x400, s13  }
0x40: {  	[tilespmem:s13], [sflag:$0x1] =	stream.indirect_vreg.gather [hbm:s2], $0x80, v0, vm1, $0x38;
	[tilespmem:$0x8100] =	vst v63  }
0x41: {  	s12 =	sshll.u32 s12, $0x4;
	s14 =	simm.s32 $0x80;
	_ =	swait.ge [sflag:s4], $0x4000  }
0x42: {  	s15 =	simm.s32 $0x4500;
	s12 =	sadd.s32 s12, s7;
	[sflag:s4] =	ssyncset.done $0x0  }
0x43: {  	s16 =	sadd.s32 $0x0, s12;
	s13 =	simm.s32 $0x4100;
	[sflag:s4] =	ssyncadd.s32 $0xFFFFC000  }
.LBB2_7:
0x44: {  	[hbm:s16] =	stream.linear.scatter [tilespmem:s13], [sflag:$0x3], $0x400, $0x38;
	[tilespmem:$0x8100] =	vst v63  }
0x45: {  	s16 =	smov.u32 s14;
	s13 =	smov.u32 s15;
	p0 =	sne.s32 s14, $0x780  }
.Ltmp5:
0x46: {  	s14 =	sadd.s32 $0x80, s14;
	(pc) =	sbr.rel @p0 .LBB2_7-.Ltmp5, $2  }
0x47: {  	_ =	sdelay $0x2  }
0x48: {  	s15 =	sadd.s32 $0x400, s15;
	s16 =	sadd.s32 s16, s12  }
.Ltmp6:
0x49: {  	(pc) =	sbr.rel .LBB2_9-.Ltmp6, $2  }
0x4a: {  	_ =	sdelay $0x2  }
0x4b: {  	[hbm:s16] =	stream.linear.scatter [tilespmem:s13], [sflag:$0x3], $0x400, $0x38;
	[tilespmem:$0x8100] =	vst v63  }
.LBB2_2:
.Ltmp7:
0x4c: {  	(pc) =	sbr.rel .LBB2_10-.Ltmp7, $4  }
0x4d: {  	_ = 	snop  }
0x4e: {  	s12 =	sshrl.u32 s11, $0x3  }
0x4f: {  	s13 =	sand.u32 $0x7, s11;
	s12 =	sadd.s32 s3, s12  }
0x50: {  	[tilespmem:s9], [sflag:$0x2] =	stream.linear.gather [hbm4b:s12+s13], $0x80, $0x38;
	[tilespmem:$0x8100] =	vst v63  }
.LBB2_11:
0x51: {  	s2 =	simm.s32 $0x3  }
0x52: {  	_ =	swait.ge [sflag:s2], $0x4000  }
0x53: {  	[sflag:s2] =	ssyncset.done $0x0  }
0x54: {  	[sflag:s2] =	ssyncadd.s32 $0xFFFFC000  }
0x55: {  	_ =	sfence.sel $0x180000  }
0x56: {  	s3 =	simm.s32 $0x2;
	[bflag:$0x0] =	sbarrier.arrive $0xFFFF  }
0x57: {  	[sflag:s3] =	ssyncpa.u1 $0x1  }
0x58: {  	s31 =	simm.s32 $0x1;
	[sflag:s2] =	ssyncpa.u1 $0x1  }
0x59: {  	[sflag:s31] =	ssyncpa.u1 $0x1  }
0x5a: {  	p0 =	sne.s32 s1, $0x0;
	_ =	strace $0x90000053  }
0x5b: {  	s0 =	sadd.s32 @!p0 $0x100000, s0;
	[bflag:$0x2] =	sbarrier.arrive $0xFFFF  }
0x5c: {  	[sflag:s0] =	ssyncadd.tile.s32 @!p0 $0x1;
	_ =	shalt  }
.Lfunc_end2:
_tile_overlayer_lowered:
.L_overlay_start_2:
0x5d: {  	(tag) =	ssettag $0x2  }
0x5e: {  	s0 =	rddreg [dreg:$0x0];
	s2 =	stileid.u32  }
0x5f: {  	s1 =	rddreg [dreg:$0x1];
	p0 =	sne.s32 s2, $0x0  }
0x60: {  	s3 =	rddreg [dreg:$0x2];
	[bflag:$0x3] =	sbarrier.arrive $0xFFFF;
	s2 =	simm.s32 @!p0 $0x1C01  }
0x61: {  	[timem:s3], [sflag:s2] =	dma.local @!p0 [hbm:s0], s1  }
0x62: {  	s0 =	simm.s32 @!p0 $0x1  }
0x63: {  	_ =	swait.ge @!p0 [sflag:s0], s1  }
0x64: {  	s1 =	ssub.s32 @!p0 $0x0, s1;
	[sflag:s0] =	ssyncset.done @!p0 $0x0  }
0x65: {  	[sflag:s0] =	ssyncadd.s32 @!p0 s1  }
0x66: {  	[bflag:$0x3] =	sbarrier.arrive $0xFFFF  }
0x67: {  	_ =	shalt  }

// kernel: gather_offload_async_start.4
scs
__scs_entry_jumppad:
0x0: {  	(pc) =	sbr.rel $0x88, $3  }
0x1: {  	(tag) =	ssettag $0x0;
	lr =	simm.s32 $0x1  }
0x2: {  	[smem:$0x3F98] =	sst lr;
	_ =	strace $0xD0000000  }
0x3: {  	_ = 	snop  }
0x4: {  	_ = 	snop  }
0x5: {  	_ = 	snop  }
0x6: {  	_ = 	snop  }
0x7: {  	_ = 	snop  }
__scs_overlays_trampoline_lowered:
0x8: {  	[smem:$0x3FA7] =	sst s0  }
0x9: {  	[smem:$0x3FA8] =	sst s1  }
0xa: {  	[smem:$0x3FA9] =	sst s2  }
0xb: {  	[smem:$0x3FAA] =	sst s3  }
0xc: {  	[smem:$0x3FAB] =	sst s4  }
0xd: {  	[smem:$0x3FAC] =	sst s5  }
0xe: {  	[smem:$0x3FAD] =	sst s6  }
0xf: {  	[smem:$0x3FAE] =	sst s7  }
0x10: {  	[smem:$0x3FAF] =	sst s8  }
0x11: {  	[smem:$0x3FB0] =	sst s9;
	s0 =	simm.s32 @!p0 $0x0  }
0x12: {  	s1 =	sld [smem:$0x3F96];
	s0 =	simm.s32 @p0 $0x1  }
0x13: {  	[smem:$0x3FB1] =	sst s0;
	s0 =	simm.s32 @!p1 $0x0  }
0x14: {  	s2 =	sld [smem:$0x3F95];
	s0 =	simm.s32 @p1 $0x1  }
0x15: {  	[smem:$0x3FB2] =	sst s0;
	s0 =	simm.s32 @!p2 $0x0  }
0x16: {  	s3 =	sld [smem:$0x3FDB];
	s0 =	simm.s32 @p2 $0x1  }
0x17: {  	s4 =	simm.s32 $0x1BF5;
	[smem:$0x3FB4] =	sst s0  }
0x18: {  	s0 =	sld [smem:$0x3F97];
	_ =	swait.ge [sflag:s4], $0x0  }
0x19: {  	s7 =	sld [smem:$0x3F98]  }
0x1a: {  	s8 =	sadd.s32 $0xFFFFE003, lr  }
0x1b: {  	s9 =	sadd.s32 $0xFFFFFEF7, lr;
	s5 =	simm.s32 $0xFFFFFFFF;
	p2 =	slt.u32 s8, $0xFFFFF086  }
0x1c: {  	p1 =	slt.u32 s9, $0xF7A;
	s5 =	simm.s32 @!p2 $0x0  }
0x1d: {  	s5 =	simm.s32 @p1 $0x1;
	p0 =	seq.s32 s7, s2  }
0x1e: {  	s7 =	smul.u32 @!p0 $0xF7A, s2;
	p2 =	seq.s32 @!p0 s5, $0x0  }
0x1f: {  	s9 =	smul.u32 $0xF7A, s1;
	s8 =	simm.s32 @!p0 $0x1BF5;
	p2 =	por !p2, p0  }
0x20: {  	[sflag:s8] =	ssyncset.s32 @!p0 $0xFFFFF086;
	s6 =	sadd.s32 @!p0 s3, s7;
	s7 =	simm.s32 @!p0 $0x108  }
0x21: {  	s3 =	sadd.s32 s3, s9;
	s6 =	sadd.s32 @!p0 $0x88, s6;
	s7 =	simm.s32 @p2 $0x1082  }
0x22: {  	[simem:s7], [sflag:s8] =	dma.local @!p0 [hbm:s6], $0xF7A  }
0x23: {  	s9 =	sor.u32 $0xD0000000, s2;
	s6 =	simm.s32 $0x108;
	_ =	swait.ge @!p0 [sflag:s8], $0x0  }
0x24: {  	s3 =	sadd.s32 $0x88, s3;
	s6 =	simm.s32 @!p1 $0x1082;
	[sflag:s4] =	ssyncset.s32 $0xFFFFF086  }
0x25: {  	[simem:s6], [sflag:s4] =	dma.local [hbm:s3], $0xF7A  }
0x26: {  	[smem:$0x3F98] =	sst s1;
	(tag) =	ssettag s2;
	_ =	strace s9  }
0x27: {  	s1 =	sld [smem:$0x3FA8]  }
0x28: {  	s2 =	sld [smem:$0x3FA9]  }
0x29: {  	s4 =	sld [smem:$0x3FAB]  }
0x2a: {  	p0 =	seq.s32 s5, $0x0;
	s5 =	sld [smem:$0x3FAC]  }
0x2b: {  	s6 =	sld [smem:$0x3FAD]  }
0x2c: {  	s7 =	sld [smem:$0x3FAE]  }
0x2d: {  	s3 =	simm.s32 $0x108;
	s8 =	sld [smem:$0x3FAF]  }
0x2e: {  	s3 =	simm.s32 @!p0 $0x1082;
	s9 =	sld [smem:$0x3FB0]  }
0x2f: {  	lr =	sadd.s32 s0, s3;
	s0 =	sld [smem:$0x3FA7]  }
0x30: {  	s3 =	sld [smem:$0x3FAA]  }
0x31: {  	[smem:$0x3FB3] =	sst s10  }
0x32: {  	s10 =	sld [smem:$0x3FB1];
	_ =	sdelay $0x3  }
0x33: {  	p0 =	seq.s32 s10, $0x1;
	s10 =	sld [smem:$0x3FB3];
	_ =	sdelay $0x3  }
0x34: {  	[smem:$0x3FB3] =	sst s10  }
0x35: {  	s10 =	sld [smem:$0x3FB2];
	_ =	sdelay $0x3  }
0x36: {  	p1 =	seq.s32 s10, $0x1;
	s10 =	sld [smem:$0x3FB3];
	_ =	sdelay $0x3  }
0x37: {  	[smem:$0x3FB3] =	sst s10  }
0x38: {  	s10 =	sld [smem:$0x3FB4]  }
0x39: {  	_ = 	snop;
	(pc) =	sbr.ind lr, $3  }
0x3a: {  	_ = 	snop  }
0x3b: {  	_ = 	snop  }
0x3c: {  	p2 =	seq.s32 s10, $0x1;
	s10 =	sld [smem:$0x3FB3]  }
0x3d: {  	_ =	shalt  }
0x3e: {  	_ =	shalt  }
0x3f: {  	_ =	shalt  }
0x40: {  	_ =	shalt  }
0x41: {  	_ =	shalt  }
0x42: {  	_ =	shalt  }
0x43: {  	_ =	shalt  }
0x44: {  	_ =	shalt  }
0x45: {  	_ =	shalt  }
0x46: {  	_ =	shalt  }
0x47: {  	_ =	shalt  }
0x48: {  	_ =	shalt  }
0x49: {  	_ =	shalt  }
0x4a: {  	_ =	shalt  }
0x4b: {  	_ =	shalt  }
0x4c: {  	_ =	shalt  }
0x4d: {  	_ =	shalt  }
0x4e: {  	_ =	shalt  }
0x4f: {  	_ =	shalt  }
0x50: {  	_ =	shalt  }
0x51: {  	_ =	shalt  }
0x52: {  	_ =	shalt  }
0x53: {  	_ =	shalt  }
0x54: {  	_ =	shalt  }
0x55: {  	_ =	shalt  }
0x56: {  	_ =	shalt  }
0x57: {  	_ =	shalt  }
0x58: {  	_ =	shalt  }
0x59: {  	_ =	shalt  }
0x5a: {  	_ =	shalt  }
0x5b: {  	_ =	shalt  }
0x5c: {  	_ =	shalt  }
0x5d: {  	_ =	shalt  }
0x5e: {  	_ =	shalt  }
0x5f: {  	_ =	shalt  }
0x60: {  	_ =	shalt  }
0x61: {  	_ =	shalt  }
0x62: {  	_ =	shalt  }
0x63: {  	_ =	shalt  }
0x64: {  	_ =	shalt  }
0x65: {  	_ =	shalt  }
0x66: {  	_ =	shalt  }
0x67: {  	_ =	shalt  }
0x68: {  	_ =	shalt  }
0x69: {  	_ =	shalt  }
0x6a: {  	_ =	shalt  }
0x6b: {  	_ =	shalt  }
0x6c: {  	_ =	shalt  }
0x6d: {  	_ =	shalt  }
0x6e: {  	_ =	shalt  }
0x6f: {  	_ =	shalt  }
0x70: {  	_ =	shalt  }
0x71: {  	_ =	shalt  }
0x72: {  	_ =	shalt  }
0x73: {  	_ =	shalt  }
0x74: {  	_ =	shalt  }
0x75: {  	_ =	shalt  }
0x76: {  	_ =	shalt  }
0x77: {  	_ =	shalt  }
0x78: {  	_ =	shalt  }
0x79: {  	_ =	shalt  }
0x7a: {  	_ =	shalt  }
0x7b: {  	_ =	shalt  }
0x7c: {  	_ =	shalt  }
0x7d: {  	_ =	shalt  }
0x7e: {  	_ =	shalt  }
0x7f: {  	_ =	shalt  }
0x80: {  	_ =	shalt  }
0x81: {  	_ =	shalt  }
0x82: {  	_ =	shalt  }
0x83: {  	_ =	shalt  }
0x84: {  	_ =	shalt  }
0x85: {  	_ =	shalt  }
0x86: {  	_ =	shalt  }
0x87: {  	_ =	shalt  }
.Lfunc_end0:
.L_simem_size_0:
called_computation.4_lowered:
.L_overlay_start_0:
0x88: {  	s2 =	sld [smem:$0x3FD9]  }
0x89: {  	s3 =	sld [smem:$0x3FFE];
	_ =	sdelay $0x1  }
0x8a: {  	s1 =	srdreg.scid  }
0x8b: {  	s0 =	sand.u32 $0x1, s1  }
0x8c: {  	s16 =	sshll.u32 s0, $0xA;
	s2 =	sadd.s32 s3, s2  }
0x8d: {  	s2 =	sadd.s32 s2, s16  }
0x8e: {  	[smem:$0x3FBF] =	sst s2  }
0x8f: {  	_ = 	snop  }
0x90: {  	(tm) =	ssettm $0x1  }
0x91: {  	s17 =	sld [smem:$0x3FFB];
	_ =	sdelay $0x3  }
0x92: {  	_ =	strace s17  }
0x93: {  	s2 =	sld [smem:$0x3FFC];
	_ =	sdelay $0x3  }
0x94: {  	_ =	strace s2  }
0x95: {  	s2 =	sld [smem:$0x3FFD];
	_ =	sdelay $0x3  }
0x96: {  	_ =	strace s2  }
0x97: {  	_ =	strace $0x8FFFFFFF  }
0x98: {  	s18 =	sld [smem:$0x3FDB];
	_ =	sdelay $0x1  }
0x99: {  	s19 =	simm.s32 $_scs_section_size  }
0x9a: {  	s4 =	simm.s32 $_size__tile_overlayer_lowered;
	s5 =	simm.s32 $_tile_overlayer_lowered  }
0x9b: {  	s22 =	simm.s32 $0x1BFF;
	s21 =	sshll.u32 s5, $0x1;
	s2 =	sadd.s32 s19, s18  }
0x9c: {  	s6 =	simm.s32 $0x0;
	s20 =	sshll.u32 s4, $0x1;
	s4 =	sadd.s32 s21, s2  }
0x9d: {  	[timem:s6], [sflag:s22] =	dma.local [hbm:s4], s20  }
0x9e: {  	_ =	swait.ge [sflag:s22], s20  }
0x9f: {  	s3 =	ssub.s32 $0x0, s20;
	[sflag:s22] =	ssyncset.done $0x0  }
0xa0: {  	[sflag:s22] =	ssyncadd.s32 s3;
	_ =	sdelay $0x1  }
0xa1: {  	s23 =	simm.s32 $0x1B8B  }
0xa2: {  	_ =	swait.ge [sflag:s23], $0x1  }
0xa3: {  	[sflag:s23] =	ssyncset.done $0x0  }
0xa4: {  	s25 =	simm.s32 $0x1B8E;
	s24 =	sld [smem:$0x3FFE];
	[sflag:s23] =	ssyncadd.s32 $0xFFFFFFFF  }
0xa5: {  	s26 =	simm.s32 $execute0_lowered;
	[smem:$0x3FD2] =	sst s25  }
0xa6: {  	s4 =	sshll.u32 s26, $0x1;
	_ =	strace $0x8000004C;
	[dreg:$0x1] =	wrdreg $0xFFFFFFFF  }
0xa7: {  	s28 =	simm.s32 $_size_execute0_lowered;
	s2 =	sadd.s32 s2, s4;
	[dreg:$0x0] =	wrdreg $0x0  }
0xa8: {  	s4 =	sshll.u32 s28, $0x1;
	[dreg:$0x2] =	wrdreg s2  }
0xa9: {  	[dreg:$0x3] =	wrdreg s4  }
0xaa: {  	[dreg:$0x4] =	wrdreg $0xC0  }
0xab: {  	_ =	task [dreg:s6], $0x5FFFF  }
0xac: {  	[dreg:$0x1] =	wrdreg $0xFFFFFFFF  }
0xad: {  	[dreg:$0x0] =	wrdreg $0x60  }
0xae: {  	[dreg:$0x2] =	wrdreg s24  }
0xaf: {  	[dreg:$0x3] =	wrdreg $0xA  }
0xb0: {  	_ =	task.clear_ibuf [dreg:s6], $0x4FFFF;
	_ =	strace $0x9000004C  }
0xb1: {  	s29 =	simm.s32 $0xA;
	_ =	strace $0x8000004E  }
0xb2: {  	_ =	swait.ge [sflag:s29], $0x1  }
0xb3: {  	[sflag:s29] =	ssyncadd.s32 $0xFFFFFFFF  }
0xb4: {  	_ =	strace $0x9000004E  }
0xb5: {  	_ =	sfence  }
0xb6: {  	s30 =	sld [smem:$0x0];
	_ =	sdelay $0x2  }
0xb7: {  	s31 =	sshll.u32 s1, $0xD;
	s1 =	sshrl.u32 s1, $0x2  }
0xb8: {  	s3 =	sand.u32 $0x4000, s31;
	s1 =	sadd.s32 s1, s30  }
0xb9: {  	s0 =	sor.u32 s3, s0;
	s1 =	sshll.u32 s1, $0x11  }
0xba: {  	s0 =	sor.u32 s1, s0  }
0xbb: {  	s0 =	sadd.s32 $0x8F2B, s0  }
0xbc: {  	[sflag:s0] =	ssyncadd.remote.s32 $0x1  }
0xbd: {  	_ =	sfence.sel $0xFFFF  }
0xbe: {  	[dreg:$0x0] =	wrdreg $0xFFFFFFFF;
	(pc) =	sbr.abs _section_cstart, $3  }
0xbf: {  	[dreg:$0x1] =	wrdreg $0xFFFFFFFF  }
0xc0: {  	_ =	task.clear_ibuf [dreg:s6], $0x2FFFF;
	_ =	strace $0x9FFFFFFF  }
0xc1: {  	(tm) =	ssettm $0x7FFFFFFF  }
tec
execute0_lowered:
.L_overlay_start_1:
0x0: {  	(tag) =	ssettag $0x1  }
0x1: {  	s7 =	rddreg [dreg:$0x0]  }
0x2: {  	s0 =	rddreg [dreg:$0x1];
	_ =	strace $0x8000004D  }
0x3: {  	s1 =	srdreg.scid;
	s4 =	simm.s32 $0x1;
	s9 =	simm.s32 $0x3  }
0x4: {  	s12 =	simm.s32 $0x0;
	s10 =	simm.s32 $0x0;
	s5 =	sshll.u32 s1, $0x4  }
.Ltmp0:
0x5: {  	s1 =	stileid.u32;
	s5 =	sand.u32 $0x10, s5;
	(pc) =	sbr.rel .LBB2_1-.Ltmp0, $4  }
0x6: {  	s2 =	sadd.s32 $0xA1000, s7;
	s3 =	sadd.s32 $0xE00, s7;
	s6 =	sor.u32 s1, s5  }
0x7: {  	[sflag:s4] =	ssyncpa.u1 $0x0;
	s5 =	simm.s32 $0x2;
	s6 =	sshll.u32 s6, $0x6  }
0x8: {  	s7 =	sadd.s32 $0x1000, s7;
	[sflag:s5] =	ssyncpa.u1 $0x0;
	s8 =	sadd.s32 $0x40, s6  }
0x9: {  	vm0 =	vmmov $0xff;
	vm1 =	vcmask $0x3F20;
	[sflag:s9] =	ssyncpa.u1 $0x0;
	s9 =	simm.s32 $0x40;
	s11 =	smov.u32 s6  }
.LBB2_9:
0xa: {  	p0 =	seq.s32 s10, $0x2  }
.Ltmp1:
0xb: {  	_ = 	snop;
	(pc) =	sbr.rel @p0 .LBB2_11-.Ltmp1, $1  }
0xc: {  	_ =	sdelay $0x3  }
.LBB2_10:
0xd: {  	s12 =	sadd.s32 $0x40, s11  }
0xe: {  	s13 =	smov.u32 s6;
	p0 =	slt.s32 s12, s8  }
0xf: {  	s13 =	smov.u32 @p0 s12  }
0x10: {  	s10 =	sadd.s32 $0x1, s10;
	s12 =	smov.u32 s11;
	s11 =	smov.u32 s13  }
.LBB2_1:
0x11: {  	p0 =	sne.s32 s10, $0x0  }
.Ltmp2:
0x12: {  	_ = 	snop;
	(pc) =	sbr.rel @!p0 .LBB2_2-.Ltmp2, $1  }
0x13: {  	_ =	sdelay $0x3  }
0x14: {  	s13 =	sand.u32 $0x1, s10  }
0x15: {  	p0 =	seq.s32 s13, $0x0  }
.Ltmp3:
0x16: {  	_ = 	snop;
	(pc) =	sbr.rel @p0 .LBB2_9-.Ltmp3, $1  }
0x17: {  	_ =	sdelay $0x3  }
0x18: {  	_ =	swait.ge [sflag:s5], $0x40  }
0x19: {  	[sflag:s5] =	ssyncset.done $0x0  }
0x1a: {  	s13 =	simm.s32 $0x0;
	[sflag:s5] =	ssyncadd.s32 $0xFFFFFFC0  }
0x1b: {  	v0 =	vld.msk [tilespmem:s13+$0x40 ss:$0x1], $0xffff;
	_ =	sdelay $0x4  }
0x1c: {  	v1 =	vshll.u32 v0, $0x4  }
0x1d: {  	vm2 =	veq.s32 v0, $0x80000000;
	v0 =	vshll.u32 v0, $0x10;
	v1 =	vand.u32 $0xFF80, v1  }
0x1e: {  	v0 =	vand.u32 $0x70000, v0;
	v1 =	vsel vm2, $0xFFFFFF80, v1  }
0x1f: {  	v0 =	vsel vm2, $0xFFFF0000, v0;
	v2 =	vand.u32 $0xFFFFFC00, v1  }
0x20: {  	v1 =	vand.u32 $0x380, v1;
	v0 =	vadd.s32 v0, v2  }
0x21: {  	v0 =	vor.u32 v1, v0  }
0x22: {  	v0 =	vshrl.u32 v0, $0x3;
	_ =	sdelay $0x3  }
0x23: {  	s13 =	simm.s32 $0x2080  }
0x24: {  	[tilespmem:s13], [sflag:$0x1] =	stream.indirect_vreg.gather [hbm:s2], $0x80, v0, vm0, $0x38;
	[tilespmem:$0x4080] =	vst v63  }
0x25: {  	s14 =	simm.s32 $0x2480;
	s31 =	simm.s32 $0x10  }
0x26: {  	[tilespmem:s14], [sflag:$0x1] =	stream.indirect_vreg.gather [hbm:s2], $0x80, v0, vm1, $0x38;
	[tilespmem:$0x4080] =	vst v63  }
0x27: {  	s14 =	simm.s32 $0x80;
	v0 =	vld.msk [tilespmem:s31+$0x40 ss:$0x1], $0xffff  }
.LBB2_5:
0x28: {  	p0 =	sne.s32 s14, $0xC0;
	_ =	sdelay $0x4  }
0x29: {  	v1 =	vshll.u32 v0, $0x4  }
0x2a: {  	vm2 =	veq.s32 v0, $0x80000000;
	v0 =	vshll.u32 v0, $0x10;
	v1 =	vand.u32 $0xFF80, v1  }
0x2b: {  	v0 =	vand.u32 $0x70000, v0;
	v1 =	vsel vm2, $0xFFFFFF80, v1  }
0x2c: {  	v0 =	vsel vm2, $0xFFFF0000, v0;
	v2 =	vand.u32 $0xFFFFFC00, v1  }
0x2d: {  	v1 =	vand.u32 $0x380, v1;
	v0 =	vadd.s32 v0, v2  }
0x2e: {  	v0 =	vor.u32 v1, v0  }
0x2f: {  	v0 =	vshrl.u32 v0, $0x3;
	_ =	sdelay $0x3  }
.Ltmp4:
0x30: {  	s13 =	sadd.s32 $0x800, s13;
	(pc) =	sbr.rel @p0 .LBB2_5-.Ltmp4, $4  }
0x31: {  	[tilespmem:s13], [sflag:$0x1] =	stream.indirect_vreg.gather [hbm:s2], $0x80, v0, vm0, $0x38;
	[tilespmem:$0x4080] =	vst v63  }
0x32: {  	s15 =	sshra.s32 s14, $0x2;
	s16 =	sadd.s32 $0x400, s13  }
0x33: {  	[tilespmem:s16], [sflag:$0x1] =	stream.indirect_vreg.gather [hbm:s2], $0x80, v0, vm1, $0x38;
	[tilespmem:$0x4080] =	vst v63  }
0x34: {  	s14 =	sadd.s32 $0x40, s14;
	v0 =	vld.msk [tilespmem:s15+$0x40 ss:$0x1], $0xffff  }
0x35: {  	_ =	sdelay $0x3  }
0x36: {  	v1 =	vshll.u32 v0, $0x4  }
0x37: {  	vm2 =	veq.s32 v0, $0x80000000;
	v63 =	vshll.u32 v0, $0x10;
	v1 =	vand.u32 $0xFF80, v1  }
0x38: {  	v0 =	vand.u32 $0x70000, v63;
	v1 =	vsel vm2, $0xFFFFFF80, v1  }
0x39: {  	v0 =	vsel vm2, $0xFFFF0000, v0;
	v2 =	vand.u32 $0xFFFFFC00, v1  }
0x3a: {  	v1 =	vand.u32 $0x380, v1;
	v0 =	vadd.s32 v0, v2  }
0x3b: {  	v0 =	vor.u32 v1, v0  }
0x3c: {  	v0 =	vshrl.u32 v0, $0x3;
	_ =	sdelay $0x3  }
0x3d: {  	s13 =	sadd.s32 $0x800, s13  }
0x3e: {  	[tilespmem:s13], [sflag:$0x1] =	stream.indirect_vreg.gather [hbm:s2], $0x80, v0, vm0, $0x38;
	[tilespmem:$0x4080] =	vst v63  }
0x3f: {  	s13 =	sadd.s32 $0x400, s13  }
0x40: {  	[tilespmem:s13], [sflag:$0x1] =	stream.indirect_vreg.gather [hbm:s2], $0x80, v0, vm1, $0x38;
	[tilespmem:$0x4080] =	vst v63  }
0x41: {  	s12 =	sshll.u32 s12, $0x4;
	s14 =	simm.s32 $0x80;
	_ =	swait.ge [sflag:s4], $0x2000  }
0x42: {  	s15 =	simm.s32 $0x2480;
	s12 =	sadd.s32 s12, s7;
	[sflag:s4] =	ssyncset.done $0x0  }
0x43: {  	s16 =	sadd.s32 $0x0, s12;
	s13 =	simm.s32 $0x2080;
	[sflag:s4] =	ssyncadd.s32 $0xFFFFE000  }
.LBB2_7:
0x44: {  	[hbm:s16] =	stream.linear.scatter [tilespmem:s13], [sflag:$0x3], $0x400, $0x38;
	[tilespmem:$0x4080] =	vst v63  }
0x45: {  	s16 =	smov.u32 s14;
	s13 =	smov.u32 s15;
	p0 =	sne.s32 s14, $0x380  }
.Ltmp5:
0x46: {  	s14 =	sadd.s32 $0x80, s14;
	(pc) =	sbr.rel @p0 .LBB2_7-.Ltmp5, $2  }
0x47: {  	_ =	sdelay $0x2  }
0x48: {  	s15 =	sadd.s32 $0x400, s15;
	s16 =	sadd.s32 s16, s12  }
.Ltmp6:
0x49: {  	(pc) =	sbr.rel .LBB2_9-.Ltmp6, $2  }
0x4a: {  	_ =	sdelay $0x2  }
0x4b: {  	[hbm:s16] =	stream.linear.scatter [tilespmem:s13], [sflag:$0x3], $0x400, $0x38;
	[tilespmem:$0x4080] =	vst v63  }
.LBB2_2:
.Ltmp7:
0x4c: {  	(pc) =	sbr.rel .LBB2_10-.Ltmp7, $4  }
0x4d: {  	_ = 	snop  }
0x4e: {  	s12 =	sshrl.u32 s11, $0x3  }
0x4f: {  	s13 =	sand.u32 $0x7, s11;
	s12 =	sadd.s32 s3, s12  }
0x50: {  	[tilespmem:s9], [sflag:$0x2] =	stream.linear.gather [hbm4b:s12+s13], $0x40, $0x38;
	[tilespmem:$0x4080] =	vst v63  }
.LBB2_11:
0x51: {  	s2 =	simm.s32 $0x3  }
0x52: {  	_ =	swait.ge [sflag:s2], $0x2000  }
0x53: {  	[sflag:s2] =	ssyncset.done $0x0  }
0x54: {  	[sflag:s2] =	ssyncadd.s32 $0xFFFFE000  }
0x55: {  	_ =	sfence.sel $0x180000  }
0x56: {  	s3 =	simm.s32 $0x2;
	[bflag:$0x0] =	sbarrier.arrive $0xFFFF  }
0x57: {  	[sflag:s3] =	ssyncpa.u1 $0x1  }
0x58: {  	s31 =	simm.s32 $0x1;
	[sflag:s2] =	ssyncpa.u1 $0x1  }
0x59: {  	[sflag:s31] =	ssyncpa.u1 $0x1  }
0x5a: {  	p0 =	sne.s32 s1, $0x0;
	_ =	strace $0x9000004D  }
0x5b: {  	s0 =	sadd.s32 @!p0 $0x100000, s0;
	[bflag:$0x2] =	sbarrier.arrive $0xFFFF  }
0x5c: {  	[sflag:s0] =	ssyncadd.tile.s32 @!p0 $0x1;
	_ =	shalt  }
.Lfunc_end2:
_tile_overlayer_lowered:
.L_overlay_start_2:
0x5d: {  	(tag) =	ssettag $0x2  }
0x5e: {  	s0 =	rddreg [dreg:$0x0];
	s2 =	stileid.u32  }
0x5f: {  	s1 =	rddreg [dreg:$0x1];
	p0 =	sne.s32 s2, $0x0  }
0x60: {  	s3 =	rddreg [dreg:$0x2];
	[bflag:$0x3] =	sbarrier.arrive $0xFFFF;
	s2 =	simm.s32 @!p0 $0x1C01  }
0x61: {  	[timem:s3], [sflag:s2] =	dma.local @!p0 [hbm:s0], s1  }
0x62: {  	s0 =	simm.s32 @!p0 $0x1  }
0x63: {  	_ =	swait.ge @!p0 [sflag:s0], s1  }
0x64: {  	s1 =	ssub.s32 @!p0 $0x0, s1;
	[sflag:s0] =	ssyncset.done @!p0 $0x0  }
0x65: {  	[sflag:s0] =	ssyncadd.s32 @!p0 s1  }
0x66: {  	[bflag:$0x3] =	sbarrier.arrive $0xFFFF  }
0x67: {  	_ =	shalt  }

// kernel: gather_offload_async_start.5
scs
__scs_entry_jumppad:
0x0: {  	(pc) =	sbr.rel $0x88, $3  }
0x1: {  	(tag) =	ssettag $0x0;
	lr =	simm.s32 $0x1  }
0x2: {  	[smem:$0x3F98] =	sst lr;
	_ =	strace $0xD0000000  }
0x3: {  	_ = 	snop  }
0x4: {  	_ = 	snop  }
0x5: {  	_ = 	snop  }
0x6: {  	_ = 	snop  }
0x7: {  	_ = 	snop  }
__scs_overlays_trampoline_lowered:
0x8: {  	[smem:$0x3FA7] =	sst s0  }
0x9: {  	[smem:$0x3FA8] =	sst s1  }
0xa: {  	[smem:$0x3FA9] =	sst s2  }
0xb: {  	[smem:$0x3FAA] =	sst s3  }
0xc: {  	[smem:$0x3FAB] =	sst s4  }
0xd: {  	[smem:$0x3FAC] =	sst s5  }
0xe: {  	[smem:$0x3FAD] =	sst s6  }
0xf: {  	[smem:$0x3FAE] =	sst s7  }
0x10: {  	[smem:$0x3FAF] =	sst s8  }
0x11: {  	[smem:$0x3FB0] =	sst s9;
	s0 =	simm.s32 @!p0 $0x0  }
0x12: {  	s1 =	sld [smem:$0x3F96];
	s0 =	simm.s32 @p0 $0x1  }
0x13: {  	[smem:$0x3FB1] =	sst s0;
	s0 =	simm.s32 @!p1 $0x0  }
0x14: {  	s2 =	sld [smem:$0x3F95];
	s0 =	simm.s32 @p1 $0x1  }
0x15: {  	[smem:$0x3FB2] =	sst s0;
	s0 =	simm.s32 @!p2 $0x0  }
0x16: {  	s3 =	sld [smem:$0x3FDB];
	s0 =	simm.s32 @p2 $0x1  }
0x17: {  	s4 =	simm.s32 $0x1BF5;
	[smem:$0x3FB4] =	sst s0  }
0x18: {  	s0 =	sld [smem:$0x3F97];
	_ =	swait.ge [sflag:s4], $0x0  }
0x19: {  	s7 =	sld [smem:$0x3F98]  }
0x1a: {  	s8 =	sadd.s32 $0xFFFFE003, lr  }
0x1b: {  	s9 =	sadd.s32 $0xFFFFFEF7, lr;
	s5 =	simm.s32 $0xFFFFFFFF;
	p2 =	slt.u32 s8, $0xFFFFF086  }
0x1c: {  	p1 =	slt.u32 s9, $0xF7A;
	s5 =	simm.s32 @!p2 $0x0  }
0x1d: {  	s5 =	simm.s32 @p1 $0x1;
	p0 =	seq.s32 s7, s2  }
0x1e: {  	s7 =	smul.u32 @!p0 $0xF7A, s2;
	p2 =	seq.s32 @!p0 s5, $0x0  }
0x1f: {  	s9 =	smul.u32 $0xF7A, s1;
	s8 =	simm.s32 @!p0 $0x1BF5;
	p2 =	por !p2, p0  }
0x20: {  	[sflag:s8] =	ssyncset.s32 @!p0 $0xFFFFF086;
	s6 =	sadd.s32 @!p0 s3, s7;
	s7 =	simm.s32 @!p0 $0x108  }
0x21: {  	s3 =	sadd.s32 s3, s9;
	s6 =	sadd.s32 @!p0 $0x88, s6;
	s7 =	simm.s32 @p2 $0x1082  }
0x22: {  	[simem:s7], [sflag:s8] =	dma.local @!p0 [hbm:s6], $0xF7A  }
0x23: {  	s9 =	sor.u32 $0xD0000000, s2;
	s6 =	simm.s32 $0x108;
	_ =	swait.ge @!p0 [sflag:s8], $0x0  }
0x24: {  	s3 =	sadd.s32 $0x88, s3;
	s6 =	simm.s32 @!p1 $0x1082;
	[sflag:s4] =	ssyncset.s32 $0xFFFFF086  }
0x25: {  	[simem:s6], [sflag:s4] =	dma.local [hbm:s3], $0xF7A  }
0x26: {  	[smem:$0x3F98] =	sst s1;
	(tag) =	ssettag s2;
	_ =	strace s9  }
0x27: {  	s1 =	sld [smem:$0x3FA8]  }
0x28: {  	s2 =	sld [smem:$0x3FA9]  }
0x29: {  	s4 =	sld [smem:$0x3FAB]  }
0x2a: {  	p0 =	seq.s32 s5, $0x0;
	s5 =	sld [smem:$0x3FAC]  }
0x2b: {  	s6 =	sld [smem:$0x3FAD]  }
0x2c: {  	s7 =	sld [smem:$0x3FAE]  }
0x2d: {  	s3 =	simm.s32 $0x108;
	s8 =	sld [smem:$0x3FAF]  }
0x2e: {  	s3 =	simm.s32 @!p0 $0x1082;
	s9 =	sld [smem:$0x3FB0]  }
0x2f: {  	lr =	sadd.s32 s0, s3;
	s0 =	sld [smem:$0x3FA7]  }
0x30: {  	s3 =	sld [smem:$0x3FAA]  }
0x31: {  	[smem:$0x3FB3] =	sst s10  }
0x32: {  	s10 =	sld [smem:$0x3FB1];
	_ =	sdelay $0x3  }
0x33: {  	p0 =	seq.s32 s10, $0x1;
	s10 =	sld [smem:$0x3FB3];
	_ =	sdelay $0x3  }
0x34: {  	[smem:$0x3FB3] =	sst s10  }
0x35: {  	s10 =	sld [smem:$0x3FB2];
	_ =	sdelay $0x3  }
0x36: {  	p1 =	seq.s32 s10, $0x1;
	s10 =	sld [smem:$0x3FB3];
	_ =	sdelay $0x3  }
0x37: {  	[smem:$0x3FB3] =	sst s10  }
0x38: {  	s10 =	sld [smem:$0x3FB4]  }
0x39: {  	_ = 	snop;
	(pc) =	sbr.ind lr, $3  }
0x3a: {  	_ = 	snop  }
0x3b: {  	_ = 	snop  }
0x3c: {  	p2 =	seq.s32 s10, $0x1;
	s10 =	sld [smem:$0x3FB3]  }
0x3d: {  	_ =	shalt  }
0x3e: {  	_ =	shalt  }
0x3f: {  	_ =	shalt  }
0x40: {  	_ =	shalt  }
0x41: {  	_ =	shalt  }
0x42: {  	_ =	shalt  }
0x43: {  	_ =	shalt  }
0x44: {  	_ =	shalt  }
0x45: {  	_ =	shalt  }
0x46: {  	_ =	shalt  }
0x47: {  	_ =	shalt  }
0x48: {  	_ =	shalt  }
0x49: {  	_ =	shalt  }
0x4a: {  	_ =	shalt  }
0x4b: {  	_ =	shalt  }
0x4c: {  	_ =	shalt  }
0x4d: {  	_ =	shalt  }
0x4e: {  	_ =	shalt  }
0x4f: {  	_ =	shalt  }
0x50: {  	_ =	shalt  }
0x51: {  	_ =	shalt  }
0x52: {  	_ =	shalt  }
0x53: {  	_ =	shalt  }
0x54: {  	_ =	shalt  }
0x55: {  	_ =	shalt  }
0x56: {  	_ =	shalt  }
0x57: {  	_ =	shalt  }
0x58: {  	_ =	shalt  }
0x59: {  	_ =	shalt  }
0x5a: {  	_ =	shalt  }
0x5b: {  	_ =	shalt  }
0x5c: {  	_ =	shalt  }
0x5d: {  	_ =	shalt  }
0x5e: {  	_ =	shalt  }
0x5f: {  	_ =	shalt  }
0x60: {  	_ =	shalt  }
0x61: {  	_ =	shalt  }
0x62: {  	_ =	shalt  }
0x63: {  	_ =	shalt  }
0x64: {  	_ =	shalt  }
0x65: {  	_ =	shalt  }
0x66: {  	_ =	shalt  }
0x67: {  	_ =	shalt  }
0x68: {  	_ =	shalt  }
0x69: {  	_ =	shalt  }
0x6a: {  	_ =	shalt  }
0x6b: {  	_ =	shalt  }
0x6c: {  	_ =	shalt  }
0x6d: {  	_ =	shalt  }
0x6e: {  	_ =	shalt  }
0x6f: {  	_ =	shalt  }
0x70: {  	_ =	shalt  }
0x71: {  	_ =	shalt  }
0x72: {  	_ =	shalt  }
0x73: {  	_ =	shalt  }
0x74: {  	_ =	shalt  }
0x75: {  	_ =	shalt  }
0x76: {  	_ =	shalt  }
0x77: {  	_ =	shalt  }
0x78: {  	_ =	shalt  }
0x79: {  	_ =	shalt  }
0x7a: {  	_ =	shalt  }
0x7b: {  	_ =	shalt  }
0x7c: {  	_ =	shalt  }
0x7d: {  	_ =	shalt  }
0x7e: {  	_ =	shalt  }
0x7f: {  	_ =	shalt  }
0x80: {  	_ =	shalt  }
0x81: {  	_ =	shalt  }
0x82: {  	_ =	shalt  }
0x83: {  	_ =	shalt  }
0x84: {  	_ =	shalt  }
0x85: {  	_ =	shalt  }
0x86: {  	_ =	shalt  }
0x87: {  	_ =	shalt  }
.Lfunc_end0:
.L_simem_size_0:
called_computation.5_lowered:
.L_overlay_start_0:
0x88: {  	s2 =	sld [smem:$0x3FD9]  }
0x89: {  	s3 =	sld [smem:$0x3FFE];
	_ =	sdelay $0x1  }
0x8a: {  	s1 =	srdreg.scid  }
0x8b: {  	s0 =	sand.u32 $0x1, s1  }
0x8c: {  	s16 =	sshll.u32 s0, $0xA;
	s2 =	sadd.s32 s3, s2  }
0x8d: {  	s2 =	sadd.s32 s2, s16  }
0x8e: {  	[smem:$0x3FBF] =	sst s2  }
0x8f: {  	_ = 	snop  }
0x90: {  	(tm) =	ssettm $0x1  }
0x91: {  	s17 =	sld [smem:$0x3FFB];
	_ =	sdelay $0x3  }
0x92: {  	_ =	strace s17  }
0x93: {  	s2 =	sld [smem:$0x3FFC];
	_ =	sdelay $0x3  }
0x94: {  	_ =	strace s2  }
0x95: {  	s2 =	sld [smem:$0x3FFD];
	_ =	sdelay $0x3  }
0x96: {  	_ =	strace s2  }
0x97: {  	_ =	strace $0x8FFFFFFF  }
0x98: {  	s18 =	sld [smem:$0x3FDB];
	_ =	sdelay $0x1  }
0x99: {  	s19 =	simm.s32 $_scs_section_size  }
0x9a: {  	s4 =	simm.s32 $_size__tile_overlayer_lowered;
	s5 =	simm.s32 $_tile_overlayer_lowered  }
0x9b: {  	s22 =	simm.s32 $0x1BFF;
	s21 =	sshll.u32 s5, $0x1;
	s2 =	sadd.s32 s19, s18  }
0x9c: {  	s6 =	simm.s32 $0x0;
	s20 =	sshll.u32 s4, $0x1;
	s4 =	sadd.s32 s21, s2  }
0x9d: {  	[timem:s6], [sflag:s22] =	dma.local [hbm:s4], s20  }
0x9e: {  	_ =	swait.ge [sflag:s22], s20  }
0x9f: {  	s3 =	ssub.s32 $0x0, s20;
	[sflag:s22] =	ssyncset.done $0x0  }
0xa0: {  	[sflag:s22] =	ssyncadd.s32 s3;
	_ =	sdelay $0x1  }
0xa1: {  	s23 =	simm.s32 $0x1B8B  }
0xa2: {  	_ =	swait.ge [sflag:s23], $0x1  }
0xa3: {  	[sflag:s23] =	ssyncset.done $0x0  }
0xa4: {  	s25 =	simm.s32 $0x1B8E;
	s24 =	sld [smem:$0x3FFE];
	[sflag:s23] =	ssyncadd.s32 $0xFFFFFFFF  }
0xa5: {  	s26 =	simm.s32 $execute0_lowered;
	[smem:$0x3FD2] =	sst s25  }
0xa6: {  	s4 =	sshll.u32 s26, $0x1;
	_ =	strace $0x80000055;
	[dreg:$0x1] =	wrdreg $0xFFFFFFFF  }
0xa7: {  	s28 =	simm.s32 $_size_execute0_lowered;
	s2 =	sadd.s32 s2, s4;
	[dreg:$0x0] =	wrdreg $0x0  }
0xa8: {  	s4 =	sshll.u32 s28, $0x1;
	[dreg:$0x2] =	wrdreg s2  }
0xa9: {  	[dreg:$0x3] =	wrdreg s4  }
0xaa: {  	[dreg:$0x4] =	wrdreg $0xC0  }
0xab: {  	_ =	task [dreg:s6], $0x5FFFF  }
0xac: {  	[dreg:$0x1] =	wrdreg $0xFFFFFFFF  }
0xad: {  	[dreg:$0x0] =	wrdreg $0x60  }
0xae: {  	[dreg:$0x2] =	wrdreg s24  }
0xaf: {  	[dreg:$0x3] =	wrdreg $0x9  }
0xb0: {  	_ =	task.clear_ibuf [dreg:s6], $0x4FFFF;
	_ =	strace $0x90000055  }
0xb1: {  	s29 =	simm.s32 $0x9;
	_ =	strace $0x80000057  }
0xb2: {  	_ =	swait.ge [sflag:s29], $0x1  }
0xb3: {  	[sflag:s29] =	ssyncadd.s32 $0xFFFFFFFF  }
0xb4: {  	_ =	strace $0x90000057  }
0xb5: {  	_ =	sfence  }
0xb6: {  	s30 =	sld [smem:$0x0];
	_ =	sdelay $0x2  }
0xb7: {  	s31 =	sshll.u32 s1, $0xD;
	s1 =	sshrl.u32 s1, $0x2  }
0xb8: {  	s3 =	sand.u32 $0x4000, s31;
	s1 =	sadd.s32 s1, s30  }
0xb9: {  	s0 =	sor.u32 s3, s0;
	s1 =	sshll.u32 s1, $0x11  }
0xba: {  	s0 =	sor.u32 s1, s0  }
0xbb: {  	s0 =	sadd.s32 $0x8F2B, s0  }
0xbc: {  	[sflag:s0] =	ssyncadd.remote.s32 $0x1  }
0xbd: {  	_ =	sfence.sel $0xFFFF  }
0xbe: {  	[dreg:$0x0] =	wrdreg $0xFFFFFFFF;
	(pc) =	sbr.abs _section_cstart, $3  }
0xbf: {  	[dreg:$0x1] =	wrdreg $0xFFFFFFFF  }
0xc0: {  	_ =	task.clear_ibuf [dreg:s6], $0x2FFFF;
	_ =	strace $0x9FFFFFFF  }
0xc1: {  	(tm) =	ssettm $0x7FFFFFFF  }
tec
execute0_lowered:
.L_overlay_start_1:
0x0: {  	(tag) =	ssettag $0x1  }
0x1: {  	s7 =	rddreg [dreg:$0x0]  }
0x2: {  	s0 =	rddreg [dreg:$0x1];
	_ =	strace $0x80000056  }
0x3: {  	s1 =	srdreg.scid;
	s4 =	simm.s32 $0x1;
	s9 =	simm.s32 $0x3  }
0x4: {  	s12 =	simm.s32 $0x0;
	s10 =	simm.s32 $0x0;
	s5 =	sshll.u32 s1, $0x4  }
.Ltmp0:
0x5: {  	s1 =	stileid.u32;
	s5 =	sand.u32 $0x10, s5;
	(pc) =	sbr.rel .LBB2_1-.Ltmp0, $4  }
0x6: {  	s2 =	sadd.s32 $0x9000, s7;
	s3 =	sadd.s32 $0xE00, s7;
	s6 =	sor.u32 s1, s5  }
0x7: {  	[sflag:s4] =	ssyncpa.u1 $0x0;
	s5 =	simm.s32 $0x2;
	s6 =	sshll.u32 s6, $0x6  }
0x8: {  	s7 =	sadd.s32 $0x2D200, s7;
	[sflag:s5] =	ssyncpa.u1 $0x0;
	s8 =	sadd.s32 $0x40, s6  }
0x9: {  	vm0 =	vmmov $0xff;
	vm1 =	vcmask $0x3F20;
	[sflag:s9] =	ssyncpa.u1 $0x0;
	s9 =	simm.s32 $0x40;
	s11 =	smov.u32 s6  }
.LBB2_10:
0xa: {  	[hbm:s16] =	stream.linear.scatter [tilespmem:s13], [sflag:$0x3], $0x800, $0x38;
	[tilespmem:$0x8080] =	vst v63  }
.LBB2_11:
0xb: {  	p0 =	seq.s32 s10, $0x2  }
.Ltmp1:
0xc: {  	_ = 	snop;
	(pc) =	sbr.rel @p0 .LBB2_13-.Ltmp1, $1  }
0xd: {  	_ =	sdelay $0x3  }
.LBB2_12:
0xe: {  	s12 =	sadd.s32 $0x40, s11  }
0xf: {  	s13 =	smov.u32 s6;
	p0 =	slt.s32 s12, s8  }
0x10: {  	s13 =	smov.u32 @p0 s12  }
0x11: {  	s10 =	sadd.s32 $0x1, s10;
	s12 =	smov.u32 s11;
	s11 =	smov.u32 s13  }
.LBB2_1:
0x12: {  	p0 =	sne.s32 s10, $0x0  }
.Ltmp2:
0x13: {  	_ = 	snop;
	(pc) =	sbr.rel @!p0 .LBB2_2-.Ltmp2, $1  }
0x14: {  	_ =	sdelay $0x3  }
0x15: {  	s13 =	sand.u32 $0x1, s10  }
0x16: {  	p0 =	seq.s32 s13, $0x0  }
.Ltmp3:
0x17: {  	_ = 	snop;
	(pc) =	sbr.rel @p0 .LBB2_11-.Ltmp3, $1  }
0x18: {  	_ =	sdelay $0x3  }
0x19: {  	_ =	swait.ge [sflag:s5], $0x40  }
0x1a: {  	[sflag:s5] =	ssyncset.done $0x0  }
0x1b: {  	s13 =	simm.s32 $0x0;
	[sflag:s5] =	ssyncadd.s32 $0xFFFFFFC0  }
.LBB2_5:
0x1c: {  	s14 =	sshll.u32 s13, $0x4  }
0x1d: {  	s14 =	sand.u32 $0x3FFFFFF0, s14  }
0x1e: {  	v0 =	vld.msk [tilespmem:s14+$0x40 ss:$0x1], $0xffff;
	_ =	sdelay $0x4  }
0x1f: {  	v1 =	vshrl.u32 v0, $0x3  }
0x20: {  	vm2 =	veq.s32 v0, $0x80000000;
	v1 =	vand.u32 $0x1FF, v1  }
0x21: {  	v0 =	vshll.u32 v0, $0x11;
	v1 =	vsel vm2, $0xFFFFFFFF, v1  }
0x22: {  	v0 =	vand.u32 $0xE0000, v0;
	v2 =	vshll.u32 v1, $0x8  }
0x23: {  	v0 =	vsel vm2, $0xFFFE0000, v0;
	v1 =	vshll.u32 v1, $0x7;
	v2 =	vand.u32 $0xFFFFF800, v2  }
0x24: {  	s31 =	sshll.u32 s13, $0xC;
	v1 =	vand.u32 $0x380, v1;
	v0 =	vadd.s32 v0, v2  }
0x25: {  	s14 =	sand.u32 $0x3FFFF000, s31;
	v0 =	vor.u32 v1, v0  }
0x26: {  	p0 =	por $0x1, $0x1;
	s15 =	simm.s32 $0x0;
	s14 =	sadd.s32 $0x4080, s14;
	v0 =	vshrl.u32 v0, $0x3  }
.LBB2_6:
0x27: {  	_ =	sdelay $0x1  }
0x28: {  	s15 =	sshra.s32 s15, $0x2;
	p1 =	por p0, p0  }
.Ltmp4:
0x29: {  	s15 =	sadd.s32 s15, s14;
	(pc) =	sbr.rel @p1 .LBB2_6-.Ltmp4, $4  }
0x2a: {  	[tilespmem:s15], [sflag:$0x1] =	stream.indirect_vreg.gather [hbm:s2], $0x80, v0, vm0, $0x38;
	[tilespmem:$0x8080] =	vst v63  }
0x2b: {  	s15 =	sadd.s32 $0x800, s15  }
0x2c: {  	[tilespmem:s15], [sflag:$0x1] =	stream.indirect_vreg.gather [hbm:s2], $0x80, v0, vm1, $0x38;
	[tilespmem:$0x8080] =	vst v63  }
0x2d: {  	p0 =	por $0x0, $0x0;
	v0 =	vadd.s32 $0x80, v0;
	s15 =	simm.s32 $0x1000  }
0x2e: {  	s13 =	sadd.s32 $0x1, s13  }
0x2f: {  	p0 =	sne.s32 s13, $0x4  }
.Ltmp5:
0x30: {  	_ = 	snop;
	(pc) =	sbr.rel @p0 .LBB2_5-.Ltmp5, $1  }
0x31: {  	_ =	sdelay $0x3  }
0x32: {  	s13 =	sshll.u32 s12, $0x5  }
0x33: {  	_ =	swait.ge [sflag:s4], $0x4000;
	s31 =	sshll.u32 s12, $0x4;
	s13 =	sand.u32 $0xFFFFFF00, s13  }
0x34: {  	s14 =	simm.s32 $0x100;
	s12 =	sand.u32 $0x70, s31;
	s13 =	sadd.s32 s13, s7  }
0x35: {  	s15 =	simm.s32 $0x4880;
	[sflag:s4] =	ssyncset.done $0x0;
	s12 =	sadd.s32 s12, s13  }
0x36: {  	[sflag:s4] =	ssyncadd.s32 $0xFFFFC000;
	s13 =	simm.s32 $0x4080;
	s16 =	sadd.s32 $0x0, s12  }
.LBB2_9:
0x37: {  	[hbm:s16] =	stream.linear.scatter [tilespmem:s13], [sflag:$0x3], $0x800, $0x38;
	[tilespmem:$0x8080] =	vst v63  }
0x38: {  	s16 =	smov.u32 s14;
	s13 =	smov.u32 s15;
	p0 =	sne.s32 s14, $0x700  }
.Ltmp6:
0x39: {  	s14 =	sadd.s32 $0x100, s14;
	(pc) =	sbr.rel @p0 .LBB2_9-.Ltmp6, $2  }
0x3a: {  	_ =	sdelay $0x2  }
0x3b: {  	s15 =	sadd.s32 $0x800, s15;
	s16 =	sadd.s32 s16, s12  }
.Ltmp7:
0x3c: {  	_ = 	snop;
	(pc) =	sbr.rel .LBB2_10-.Ltmp7, $1  }
0x3d: {  	_ =	sdelay $0x3  }
.LBB2_2:
.Ltmp8:
0x3e: {  	(pc) =	sbr.rel .LBB2_12-.Ltmp8, $4  }
0x3f: {  	_ = 	snop  }
0x40: {  	s12 =	sshrl.u32 s11, $0x3  }
0x41: {  	s13 =	sand.u32 $0x7, s11;
	s12 =	sadd.s32 s3, s12  }
0x42: {  	[tilespmem:s9], [sflag:$0x2] =	stream.linear.gather [hbm4b:s12+s13], $0x40, $0x38;
	[tilespmem:$0x8080] =	vst v63  }
.LBB2_13:
0x43: {  	s2 =	simm.s32 $0x3  }
0x44: {  	_ =	swait.ge [sflag:s2], $0x4000  }
0x45: {  	[sflag:s2] =	ssyncset.done $0x0  }
0x46: {  	[sflag:s2] =	ssyncadd.s32 $0xFFFFC000  }
0x47: {  	_ =	sfence.sel $0x180000  }
0x48: {  	s3 =	simm.s32 $0x2;
	[bflag:$0x0] =	sbarrier.arrive $0xFFFF  }
0x49: {  	[sflag:s3] =	ssyncpa.u1 $0x1  }
0x4a: {  	s31 =	simm.s32 $0x1;
	[sflag:s2] =	ssyncpa.u1 $0x1  }
0x4b: {  	[sflag:s31] =	ssyncpa.u1 $0x1  }
0x4c: {  	p0 =	sne.s32 s1, $0x0;
	_ =	strace $0x90000056  }
0x4d: {  	s0 =	sadd.s32 @!p0 $0x100000, s0;
	[bflag:$0x2] =	sbarrier.arrive $0xFFFF  }
0x4e: {  	[sflag:s0] =	ssyncadd.tile.s32 @!p0 $0x1;
	_ =	shalt  }
.Lfunc_end2:
_tile_overlayer_lowered:
.L_overlay_start_2:
0x4f: {  	(tag) =	ssettag $0x2  }
0x50: {  	s0 =	rddreg [dreg:$0x0];
	s2 =	stileid.u32  }
0x51: {  	s1 =	rddreg [dreg:$0x1];
	p0 =	sne.s32 s2, $0x0  }
0x52: {  	s3 =	rddreg [dreg:$0x2];
	[bflag:$0x3] =	sbarrier.arrive $0xFFFF;
	s2 =	simm.s32 @!p0 $0x1C01  }
0x53: {  	[timem:s3], [sflag:s2] =	dma.local @!p0 [hbm:s0], s1  }
0x54: {  	s0 =	simm.s32 @!p0 $0x1  }
0x55: {  	_ =	swait.ge @!p0 [sflag:s0], s1  }
0x56: {  	s1 =	ssub.s32 @!p0 $0x0, s1;
	[sflag:s0] =	ssyncset.done @!p0 $0x0  }
0x57: {  	[sflag:s0] =	ssyncadd.s32 @!p0 s1  }
0x58: {  	[bflag:$0x3] =	sbarrier.arrive $0xFFFF  }
0x59: {  	_ =	shalt  }

// kernel: gather_offload_async_start
scs
__scs_entry_jumppad:
0x0: {  	(pc) =	sbr.rel $0x88, $3  }
0x1: {  	(tag) =	ssettag $0x0;
	lr =	simm.s32 $0x1  }
0x2: {  	[smem:$0x3F98] =	sst lr;
	_ =	strace $0xD0000000  }
0x3: {  	_ = 	snop  }
0x4: {  	_ = 	snop  }
0x5: {  	_ = 	snop  }
0x6: {  	_ = 	snop  }
0x7: {  	_ = 	snop  }
__scs_overlays_trampoline_lowered:
0x8: {  	[smem:$0x3FA7] =	sst s0  }
0x9: {  	[smem:$0x3FA8] =	sst s1  }
0xa: {  	[smem:$0x3FA9] =	sst s2  }
0xb: {  	[smem:$0x3FAA] =	sst s3  }
0xc: {  	[smem:$0x3FAB] =	sst s4  }
0xd: {  	[smem:$0x3FAC] =	sst s5  }
0xe: {  	[smem:$0x3FAD] =	sst s6  }
0xf: {  	[smem:$0x3FAE] =	sst s7  }
0x10: {  	[smem:$0x3FAF] =	sst s8  }
0x11: {  	[smem:$0x3FB0] =	sst s9;
	s0 =	simm.s32 @!p0 $0x0  }
0x12: {  	s1 =	sld [smem:$0x3F96];
	s0 =	simm.s32 @p0 $0x1  }
0x13: {  	[smem:$0x3FB1] =	sst s0;
	s0 =	simm.s32 @!p1 $0x0  }
0x14: {  	s2 =	sld [smem:$0x3F95];
	s0 =	simm.s32 @p1 $0x1  }
0x15: {  	[smem:$0x3FB2] =	sst s0;
	s0 =	simm.s32 @!p2 $0x0  }
0x16: {  	s3 =	sld [smem:$0x3FDB];
	s0 =	simm.s32 @p2 $0x1  }
0x17: {  	s4 =	simm.s32 $0x1BF5;
	[smem:$0x3FB4] =	sst s0  }
0x18: {  	s0 =	sld [smem:$0x3F97];
	_ =	swait.ge [sflag:s4], $0x0  }
0x19: {  	s7 =	sld [smem:$0x3F98]  }
0x1a: {  	s8 =	sadd.s32 $0xFFFFE003, lr  }
0x1b: {  	s9 =	sadd.s32 $0xFFFFFEF7, lr;
	s5 =	simm.s32 $0xFFFFFFFF;
	p2 =	slt.u32 s8, $0xFFFFF086  }
0x1c: {  	p1 =	slt.u32 s9, $0xF7A;
	s5 =	simm.s32 @!p2 $0x0  }
0x1d: {  	s5 =	simm.s32 @p1 $0x1;
	p0 =	seq.s32 s7, s2  }
0x1e: {  	s7 =	smul.u32 @!p0 $0xF7A, s2;
	p2 =	seq.s32 @!p0 s5, $0x0  }
0x1f: {  	s9 =	smul.u32 $0xF7A, s1;
	s8 =	simm.s32 @!p0 $0x1BF5;
	p2 =	por !p2, p0  }
0x20: {  	[sflag:s8] =	ssyncset.s32 @!p0 $0xFFFFF086;
	s6 =	sadd.s32 @!p0 s3, s7;
	s7 =	simm.s32 @!p0 $0x108  }
0x21: {  	s3 =	sadd.s32 s3, s9;
	s6 =	sadd.s32 @!p0 $0x88, s6;
	s7 =	simm.s32 @p2 $0x1082  }
0x22: {  	[simem:s7], [sflag:s8] =	dma.local @!p0 [hbm:s6], $0xF7A  }
0x23: {  	s9 =	sor.u32 $0xD0000000, s2;
	s6 =	simm.s32 $0x108;
	_ =	swait.ge @!p0 [sflag:s8], $0x0  }
0x24: {  	s3 =	sadd.s32 $0x88, s3;
	s6 =	simm.s32 @!p1 $0x1082;
	[sflag:s4] =	ssyncset.s32 $0xFFFFF086  }
0x25: {  	[simem:s6], [sflag:s4] =	dma.local [hbm:s3], $0xF7A  }
0x26: {  	[smem:$0x3F98] =	sst s1;
	(tag) =	ssettag s2;
	_ =	strace s9  }
0x27: {  	s1 =	sld [smem:$0x3FA8]  }
0x28: {  	s2 =	sld [smem:$0x3FA9]  }
0x29: {  	s4 =	sld [smem:$0x3FAB]  }
0x2a: {  	p0 =	seq.s32 s5, $0x0;
	s5 =	sld [smem:$0x3FAC]  }
0x2b: {  	s6 =	sld [smem:$0x3FAD]  }
0x2c: {  	s7 =	sld [smem:$0x3FAE]  }
0x2d: {  	s3 =	simm.s32 $0x108;
	s8 =	sld [smem:$0x3FAF]  }
0x2e: {  	s3 =	simm.s32 @!p0 $0x1082;
	s9 =	sld [smem:$0x3FB0]  }
0x2f: {  	lr =	sadd.s32 s0, s3;
	s0 =	sld [smem:$0x3FA7]  }
0x30: {  	s3 =	sld [smem:$0x3FAA]  }
0x31: {  	[smem:$0x3FB3] =	sst s10  }
0x32: {  	s10 =	sld [smem:$0x3FB1];
	_ =	sdelay $0x3  }
0x33: {  	p0 =	seq.s32 s10, $0x1;
	s10 =	sld [smem:$0x3FB3];
	_ =	sdelay $0x3  }
0x34: {  	[smem:$0x3FB3] =	sst s10  }
0x35: {  	s10 =	sld [smem:$0x3FB2];
	_ =	sdelay $0x3  }
0x36: {  	p1 =	seq.s32 s10, $0x1;
	s10 =	sld [smem:$0x3FB3];
	_ =	sdelay $0x3  }
0x37: {  	[smem:$0x3FB3] =	sst s10  }
0x38: {  	s10 =	sld [smem:$0x3FB4]  }
0x39: {  	_ = 	snop;
	(pc) =	sbr.ind lr, $3  }
0x3a: {  	_ = 	snop  }
0x3b: {  	_ = 	snop  }
0x3c: {  	p2 =	seq.s32 s10, $0x1;
	s10 =	sld [smem:$0x3FB3]  }
0x3d: {  	_ =	shalt  }
0x3e: {  	_ =	shalt  }
0x3f: {  	_ =	shalt  }
0x40: {  	_ =	shalt  }
0x41: {  	_ =	shalt  }
0x42: {  	_ =	shalt  }
0x43: {  	_ =	shalt  }
0x44: {  	_ =	shalt  }
0x45: {  	_ =	shalt  }
0x46: {  	_ =	shalt  }
0x47: {  	_ =	shalt  }
0x48: {  	_ =	shalt  }
0x49: {  	_ =	shalt  }
0x4a: {  	_ =	shalt  }
0x4b: {  	_ =	shalt  }
0x4c: {  	_ =	shalt  }
0x4d: {  	_ =	shalt  }
0x4e: {  	_ =	shalt  }
0x4f: {  	_ =	shalt  }
0x50: {  	_ =	shalt  }
0x51: {  	_ =	shalt  }
0x52: {  	_ =	shalt  }
0x53: {  	_ =	shalt  }
0x54: {  	_ =	shalt  }
0x55: {  	_ =	shalt  }
0x56: {  	_ =	shalt  }
0x57: {  	_ =	shalt  }
0x58: {  	_ =	shalt  }
0x59: {  	_ =	shalt  }
0x5a: {  	_ =	shalt  }
0x5b: {  	_ =	shalt  }
0x5c: {  	_ =	shalt  }
0x5d: {  	_ =	shalt  }
0x5e: {  	_ =	shalt  }
0x5f: {  	_ =	shalt  }
0x60: {  	_ =	shalt  }
0x61: {  	_ =	shalt  }
0x62: {  	_ =	shalt  }
0x63: {  	_ =	shalt  }
0x64: {  	_ =	shalt  }
0x65: {  	_ =	shalt  }
0x66: {  	_ =	shalt  }
0x67: {  	_ =	shalt  }
0x68: {  	_ =	shalt  }
0x69: {  	_ =	shalt  }
0x6a: {  	_ =	shalt  }
0x6b: {  	_ =	shalt  }
0x6c: {  	_ =	shalt  }
0x6d: {  	_ =	shalt  }
0x6e: {  	_ =	shalt  }
0x6f: {  	_ =	shalt  }
0x70: {  	_ =	shalt  }
0x71: {  	_ =	shalt  }
0x72: {  	_ =	shalt  }
0x73: {  	_ =	shalt  }
0x74: {  	_ =	shalt  }
0x75: {  	_ =	shalt  }
0x76: {  	_ =	shalt  }
0x77: {  	_ =	shalt  }
0x78: {  	_ =	shalt  }
0x79: {  	_ =	shalt  }
0x7a: {  	_ =	shalt  }
0x7b: {  	_ =	shalt  }
0x7c: {  	_ =	shalt  }
0x7d: {  	_ =	shalt  }
0x7e: {  	_ =	shalt  }
0x7f: {  	_ =	shalt  }
0x80: {  	_ =	shalt  }
0x81: {  	_ =	shalt  }
0x82: {  	_ =	shalt  }
0x83: {  	_ =	shalt  }
0x84: {  	_ =	shalt  }
0x85: {  	_ =	shalt  }
0x86: {  	_ =	shalt  }
0x87: {  	_ =	shalt  }
.Lfunc_end0:
.L_simem_size_0:
called_computation_lowered:
.L_overlay_start_0:
0x88: {  	s2 =	sld [smem:$0x3FD9]  }
0x89: {  	s3 =	sld [smem:$0x3FFE];
	_ =	sdelay $0x1  }
0x8a: {  	s1 =	srdreg.scid  }
0x8b: {  	s0 =	sand.u32 $0x1, s1  }
0x8c: {  	s17 =	sshll.u32 s0, $0xA;
	s2 =	sadd.s32 s3, s2  }
0x8d: {  	s2 =	sadd.s32 s2, s17  }
0x8e: {  	[smem:$0x3FBF] =	sst s2  }
0x8f: {  	_ = 	snop  }
0x90: {  	s2 =	sld [smem:$0x3FD0];
	(tm) =	ssettm $0x1  }
0x91: {  	s18 =	sld [smem:$0x3FFB];
	_ =	sdelay $0x3  }
0x92: {  	_ =	strace s18  }
0x93: {  	s3 =	sld [smem:$0x3FFC];
	_ =	sdelay $0x3  }
0x94: {  	_ =	strace s3  }
0x95: {  	s3 =	sld [smem:$0x3FFD];
	_ =	sdelay $0x3  }
0x96: {  	_ =	strace s3  }
0x97: {  	_ =	strace $0x8FFFFFFF  }
0x98: {  	s19 =	sld [smem:$0x3FDB];
	_ =	sdelay $0x1  }
0x99: {  	s4 =	simm.s32 $_scs_section_size  }
0x9a: {  	s5 =	simm.s32 $_size__tile_overlayer_lowered;
	s6 =	simm.s32 $_tile_overlayer_lowered  }
0x9b: {  	s22 =	simm.s32 $0x1BFF;
	s21 =	sshll.u32 s6, $0x1;
	s3 =	sadd.s32 s4, s19  }
0x9c: {  	s7 =	simm.s32 $0x0;
	s20 =	sshll.u32 s5, $0x1;
	s5 =	sadd.s32 s21, s3  }
0x9d: {  	[timem:s7], [sflag:s22] =	dma.local [hbm:s5], s20  }
0x9e: {  	_ =	swait.ge [sflag:s22], s20  }
0x9f: {  	s4 =	ssub.s32 $0x0, s20;
	[sflag:s22] =	ssyncset.done $0x0  }
0xa0: {  	[sflag:s22] =	ssyncadd.s32 s4;
	_ =	sdelay $0x1  }
0xa1: {  	s23 =	simm.s32 $0x1B8B  }
0xa2: {  	_ =	swait.ge [sflag:s23], $0x1  }
0xa3: {  	[sflag:s23] =	ssyncset.done $0x0  }
0xa4: {  	s25 =	simm.s32 $0x1B8E;
	s24 =	sld [smem:$0x3FFE];
	[sflag:s23] =	ssyncadd.s32 $0xFFFFFFFF  }
0xa5: {  	s26 =	simm.s32 $execute0_lowered;
	[smem:$0x3FD2] =	sst s25  }
0xa6: {  	s5 =	sshll.u32 s26, $0x1;
	_ =	strace $0x80000046;
	[dreg:$0x1] =	wrdreg $0xFFFFFFFF  }
0xa7: {  	s28 =	simm.s32 $_size_execute0_lowered;
	s3 =	sadd.s32 s3, s5;
	[dreg:$0x0] =	wrdreg $0x0  }
0xa8: {  	s5 =	sshll.u32 s28, $0x1;
	[dreg:$0x2] =	wrdreg s3  }
0xa9: {  	[dreg:$0x3] =	wrdreg s5  }
0xaa: {  	[dreg:$0x4] =	wrdreg $0xC0  }
0xab: {  	_ =	task [dreg:s7], $0x5FFFF  }
0xac: {  	[dreg:$0x1] =	wrdreg $0xFFFFFFFF  }
0xad: {  	[dreg:$0x0] =	wrdreg $0x60  }
0xae: {  	[dreg:$0x2] =	wrdreg s24  }
0xaf: {  	[dreg:$0x3] =	wrdreg s2  }
0xb0: {  	[dreg:$0x4] =	wrdreg $0x9  }
0xb1: {  	_ =	task.clear_ibuf [dreg:s7], $0x5FFFF;
	_ =	strace $0x90000046  }
0xb2: {  	s29 =	simm.s32 $0x9;
	_ =	strace $0x80000048  }
0xb3: {  	_ =	swait.ge [sflag:s29], $0x1  }
0xb4: {  	[sflag:s29] =	ssyncadd.s32 $0xFFFFFFFF  }
0xb5: {  	_ =	strace $0x90000048  }
0xb6: {  	_ =	sfence  }
0xb7: {  	s30 =	sld [smem:$0x0];
	_ =	sdelay $0x2  }
0xb8: {  	s31 =	sshll.u32 s1, $0xD;
	s1 =	sshrl.u32 s1, $0x2  }
0xb9: {  	s3 =	sand.u32 $0x4000, s31;
	s1 =	sadd.s32 s1, s30  }
0xba: {  	s0 =	sor.u32 s3, s0;
	s1 =	sshll.u32 s1, $0x11  }
0xbb: {  	s0 =	sor.u32 s1, s0  }
0xbc: {  	s0 =	sadd.s32 $0x8F2B, s0  }
0xbd: {  	[sflag:s0] =	ssyncadd.remote.s32 $0x1  }
0xbe: {  	_ =	sfence.sel $0xFFFF  }
0xbf: {  	[dreg:$0x0] =	wrdreg $0xFFFFFFFF;
	(pc) =	sbr.abs _section_cstart, $3  }
0xc0: {  	[dreg:$0x1] =	wrdreg $0xFFFFFFFF  }
0xc1: {  	_ =	task.clear_ibuf [dreg:s7], $0x2FFFF;
	_ =	strace $0x9FFFFFFF  }
0xc2: {  	(tm) =	ssettm $0x7FFFFFFF  }
0xc3: {  	_ =	shalt  }
tec
execute0_lowered:
.L_overlay_start_1:
0x0: {  	(tag) =	ssettag $0x1  }
0x1: {  	s7 =	rddreg [dreg:$0x0]  }
0x2: {  	s2 =	rddreg [dreg:$0x1]  }
0x3: {  	s0 =	rddreg [dreg:$0x2]  }
0x4: {  	s1 =	srdreg.scid;
	_ =	strace $0x80000047;
	s4 =	simm.s32 $0x1  }
0x5: {  	s9 =	simm.s32 $0x3;
	s12 =	simm.s32 $0x0;
	s5 =	sshll.u32 s1, $0x4  }
.Ltmp0:
0x6: {  	s1 =	stileid.u32;
	s5 =	sand.u32 $0x10, s5;
	(pc) =	sbr.rel .LBB2_1-.Ltmp0, $4  }
0x7: {  	s10 =	simm.s32 $0x0;
	s3 =	sadd.s32 $0xE00, s7;
	s6 =	sor.u32 s1, s5  }
0x8: {  	[sflag:s4] =	ssyncpa.u1 $0x0;
	s5 =	simm.s32 $0x2;
	s6 =	sshll.u32 s6, $0x8  }
0x9: {  	s7 =	sadd.s32 $0x40E00, s7;
	[sflag:s5] =	ssyncpa.u1 $0x0;
	s8 =	sadd.s32 $0x100, s6  }
0xa: {  	vm0 =	vmmov $0xff;
	vm1 =	vcmask $0x3F20;
	[sflag:s9] =	ssyncpa.u1 $0x0;
	s9 =	simm.s32 $0x100;
	s11 =	smov.u32 s6  }
.LBB2_9:
0xb: {  	p0 =	seq.s32 s10, $0x2  }
.Ltmp1:
0xc: {  	_ = 	snop;
	(pc) =	sbr.rel @p0 .LBB2_11-.Ltmp1, $1  }
0xd: {  	_ =	sdelay $0x3  }
.LBB2_10:
0xe: {  	s12 =	sadd.s32 $0x100, s11  }
0xf: {  	s13 =	smov.u32 s6;
	p0 =	slt.s32 s12, s8  }
0x10: {  	s13 =	smov.u32 @p0 s12  }
0x11: {  	s10 =	sadd.s32 $0x1, s10;
	s12 =	smov.u32 s11;
	s11 =	smov.u32 s13  }
.LBB2_1:
0x12: {  	p0 =	sne.s32 s10, $0x0  }
.Ltmp2:
0x13: {  	_ = 	snop;
	(pc) =	sbr.rel @!p0 .LBB2_2-.Ltmp2, $1  }
0x14: {  	_ =	sdelay $0x3  }
0x15: {  	s13 =	sand.u32 $0x1, s10  }
0x16: {  	p0 =	seq.s32 s13, $0x0  }
.Ltmp3:
0x17: {  	_ = 	snop;
	(pc) =	sbr.rel @p0 .LBB2_9-.Ltmp3, $1  }
0x18: {  	_ =	sdelay $0x3  }
0x19: {  	_ =	swait.ge [sflag:s5], $0x100  }
0x1a: {  	[sflag:s5] =	ssyncset.done $0x0  }
0x1b: {  	s13 =	simm.s32 $0x0;
	[sflag:s5] =	ssyncadd.s32 $0xFFFFFF00  }
0x1c: {  	v0 =	vld.msk [tilespmem:s13+$0x100 ss:$0x1], $0xffff;
	_ =	sdelay $0x4  }
0x1d: {  	v1 =	vshll.u32 v0, $0x4  }
0x1e: {  	vm2 =	veq.s32 v0, $0x80000000;
	v0 =	vshll.u32 v0, $0x12;
	v1 =	vand.u32 $0x3FF80, v1  }
0x1f: {  	v0 =	vand.u32 $0x1C0000, v0;
	v1 =	vsel vm2, $0xFFFFFF80, v1  }
0x20: {  	v0 =	vsel vm2, $0xFFFC0000, v0;
	v2 =	vand.u32 $0xFFFFFC00, v1  }
0x21: {  	v1 =	vand.u32 $0x380, v1;
	v0 =	vadd.s32 v0, v2  }
0x22: {  	v0 =	vor.u32 v1, v0  }
0x23: {  	v0 =	vshrl.u32 v0, $0x3;
	_ =	sdelay $0x3  }
0x24: {  	s13 =	simm.s32 $0x8200  }
0x25: {  	[tilespmem:s13], [sflag:$0x1] =	stream.indirect_vreg.gather [hbm:s3], $0x80, v0, vm0, $0x38;
	[tilespmem:$0x10200] =	vst v63  }
0x26: {  	s14 =	simm.s32 $0x8600;
	s31 =	simm.s32 $0x10  }
0x27: {  	[tilespmem:s14], [sflag:$0x1] =	stream.indirect_vreg.gather [hbm:s3], $0x80, v0, vm1, $0x38;
	[tilespmem:$0x10200] =	vst v63  }
0x28: {  	s14 =	simm.s32 $0x80;
	v0 =	vld.msk [tilespmem:s31+$0x100 ss:$0x1], $0xffff  }
.LBB2_5:
0x29: {  	p0 =	sne.s32 s14, $0x3C0;
	_ =	sdelay $0x4  }
0x2a: {  	v1 =	vshll.u32 v0, $0x4  }
0x2b: {  	vm2 =	veq.s32 v0, $0x80000000;
	v0 =	vshll.u32 v0, $0x12;
	v1 =	vand.u32 $0x3FF80, v1  }
0x2c: {  	v0 =	vand.u32 $0x1C0000, v0;
	v1 =	vsel vm2, $0xFFFFFF80, v1  }
0x2d: {  	v0 =	vsel vm2, $0xFFFC0000, v0;
	v2 =	vand.u32 $0xFFFFFC00, v1  }
0x2e: {  	v1 =	vand.u32 $0x380, v1;
	v0 =	vadd.s32 v0, v2  }
0x2f: {  	v0 =	vor.u32 v1, v0  }
0x30: {  	v0 =	vshrl.u32 v0, $0x3;
	_ =	sdelay $0x3  }
.Ltmp4:
0x31: {  	s13 =	sadd.s32 $0x800, s13;
	(pc) =	sbr.rel @p0 .LBB2_5-.Ltmp4, $4  }
0x32: {  	[tilespmem:s13], [sflag:$0x1] =	stream.indirect_vreg.gather [hbm:s3], $0x80, v0, vm0, $0x38;
	[tilespmem:$0x10200] =	vst v63  }
0x33: {  	s15 =	sshra.s32 s14, $0x2;
	s16 =	sadd.s32 $0x400, s13  }
0x34: {  	[tilespmem:s16], [sflag:$0x1] =	stream.indirect_vreg.gather [hbm:s3], $0x80, v0, vm1, $0x38;
	[tilespmem:$0x10200] =	vst v63  }
0x35: {  	s14 =	sadd.s32 $0x40, s14;
	v0 =	vld.msk [tilespmem:s15+$0x100 ss:$0x1], $0xffff  }
0x36: {  	_ =	sdelay $0x3  }
0x37: {  	v1 =	vshll.u32 v0, $0x4  }
0x38: {  	vm2 =	veq.s32 v0, $0x80000000;
	v63 =	vshll.u32 v0, $0x12;
	v1 =	vand.u32 $0x3FF80, v1  }
0x39: {  	v0 =	vand.u32 $0x1C0000, v63;
	v1 =	vsel vm2, $0xFFFFFF80, v1  }
0x3a: {  	v0 =	vsel vm2, $0xFFFC0000, v0;
	v2 =	vand.u32 $0xFFFFFC00, v1  }
0x3b: {  	v1 =	vand.u32 $0x380, v1;
	v0 =	vadd.s32 v0, v2  }
0x3c: {  	v0 =	vor.u32 v1, v0  }
0x3d: {  	v0 =	vshrl.u32 v0, $0x3;
	_ =	sdelay $0x3  }
0x3e: {  	s13 =	sadd.s32 $0x800, s13  }
0x3f: {  	[tilespmem:s13], [sflag:$0x1] =	stream.indirect_vreg.gather [hbm:s3], $0x80, v0, vm0, $0x38;
	[tilespmem:$0x10200] =	vst v63  }
0x40: {  	s13 =	sadd.s32 $0x400, s13  }
0x41: {  	[tilespmem:s13], [sflag:$0x1] =	stream.indirect_vreg.gather [hbm:s3], $0x80, v0, vm1, $0x38;
	[tilespmem:$0x10200] =	vst v63  }
0x42: {  	s12 =	sshll.u32 s12, $0x4;
	s14 =	simm.s32 $0x80;
	_ =	swait.ge [sflag:s4], $0x8000  }
0x43: {  	s15 =	simm.s32 $0x8600;
	s12 =	sadd.s32 s12, s7;
	[sflag:s4] =	ssyncset.done $0x0  }
0x44: {  	s16 =	sadd.s32 $0x0, s12;
	s13 =	simm.s32 $0x8200;
	[sflag:s4] =	ssyncadd.s32 $0xFFFF8000  }
.LBB2_7:
0x45: {  	[hbm:s16] =	stream.linear.scatter [tilespmem:s13], [sflag:$0x3], $0x400, $0x38;
	[tilespmem:$0x10200] =	vst v63  }
0x46: {  	s16 =	smov.u32 s14;
	s13 =	smov.u32 s15;
	p0 =	sne.s32 s14, $0xF80  }
.Ltmp5:
0x47: {  	s14 =	sadd.s32 $0x80, s14;
	(pc) =	sbr.rel @p0 .LBB2_7-.Ltmp5, $2  }
0x48: {  	_ =	sdelay $0x2  }
0x49: {  	s15 =	sadd.s32 $0x400, s15;
	s16 =	sadd.s32 s16, s12  }
.Ltmp6:
0x4a: {  	(pc) =	sbr.rel .LBB2_9-.Ltmp6, $2  }
0x4b: {  	_ =	sdelay $0x2  }
0x4c: {  	[hbm:s16] =	stream.linear.scatter [tilespmem:s13], [sflag:$0x3], $0x400, $0x38;
	[tilespmem:$0x10200] =	vst v63  }
.LBB2_2:
.Ltmp7:
0x4d: {  	(pc) =	sbr.rel .LBB2_10-.Ltmp7, $4  }
0x4e: {  	_ = 	snop  }
0x4f: {  	s12 =	sshrl.u32 s11, $0x3  }
0x50: {  	s13 =	sand.u32 $0x7, s11;
	s12 =	sadd.s32 s2, s12  }
0x51: {  	[tilespmem:s9], [sflag:$0x2] =	stream.linear.gather [hbm4b:s12+s13], $0x100, $0x38;
	[tilespmem:$0x10200] =	vst v63  }
.LBB2_11:
0x52: {  	s2 =	simm.s32 $0x3  }
0x53: {  	_ =	swait.ge [sflag:s2], $0x8000  }
0x54: {  	[sflag:s2] =	ssyncset.done $0x0  }
0x55: {  	[sflag:s2] =	ssyncadd.s32 $0xFFFF8000  }
0x56: {  	_ =	sfence.sel $0x180000  }
0x57: {  	s3 =	simm.s32 $0x2;
	[bflag:$0x0] =	sbarrier.arrive $0xFFFF  }
0x58: {  	[sflag:s3] =	ssyncpa.u1 $0x1  }
0x59: {  	s31 =	simm.s32 $0x1;
	[sflag:s2] =	ssyncpa.u1 $0x1  }
0x5a: {  	[sflag:s31] =	ssyncpa.u1 $0x1  }
0x5b: {  	p0 =	sne.s32 s1, $0x0;
	_ =	strace $0x90000047  }
0x5c: {  	s0 =	sadd.s32 @!p0 $0x100000, s0;
	[bflag:$0x2] =	sbarrier.arrive $0xFFFF  }
0x5d: {  	[sflag:s0] =	ssyncadd.tile.s32 @!p0 $0x1;
	_ =	shalt  }
.Lfunc_end2:
_tile_overlayer_lowered:
.L_overlay_start_2:
0x5e: {  	(tag) =	ssettag $0x2  }
0x5f: {  	s0 =	rddreg [dreg:$0x0];
	s2 =	stileid.u32  }
0x60: {  	s1 =	rddreg [dreg:$0x1];
	p0 =	sne.s32 s2, $0x0  }
0x61: {  	s3 =	rddreg [dreg:$0x2];
	[bflag:$0x3] =	sbarrier.arrive $0xFFFF;
	s2 =	simm.s32 @!p0 $0x1C01  }
0x62: {  	[timem:s3], [sflag:s2] =	dma.local @!p0 [hbm:s0], s1  }
0x63: {  	s0 =	simm.s32 @!p0 $0x1  }
0x64: {  	_ =	swait.ge @!p0 [sflag:s0], s1  }
0x65: {  	s1 =	ssub.s32 @!p0 $0x0, s1;
	[sflag:s0] =	ssyncset.done @!p0 $0x0  }
0x66: {  	[sflag:s0] =	ssyncadd.s32 @!p0 s1  }
0x67: {  	[bflag:$0x3] =	sbarrier.arrive $0xFFFF  }
0x68: {  	_ =	shalt  }

</sc_bundles>
